<compile_context>
chip_gen: v7x
topology: tpu7x:2x2x1
jax: 0.10.2.dev20260603
libtpu: 0.0.44.dev20260713+nightly
codegen_flags: <defaults>
</compile_context>

<pallas_src>
import functools
import math

import jax
import jax.numpy as jnp
from jax import lax
from jax.experimental import pallas as pl
from jax.experimental.pallas import tpu as pltpu
from jax.experimental.pallas import tpu_sc as plsc

N = 50000
E = 800000
HID = 64
VHID = 16
NB = 8
RC = 2.0
AVG_NEIGH = 3.0

NC = 2
NS = 16
NW = NC * NS

_SC_PARAMS = pltpu.CompilerParams(use_tc_tiling_on_sc=False)

_EPK = E * 16 // 128


_P1_CHUNK = 1000
_P1_PER_W = E // NW


def _repack_rows(rows_v, pk_v, n_rows):
    @pl.loop(0, n_rows // 8)
    def _row(r):
        for k in range(8):
            pk_v[r, pl.ds(k * 16, 16)] = rows_v[r * 8 + k, :]


def _unpack_rows(pk_v, rows_v, n_rows):
    @pl.loop(0, n_rows // 8)
    def _row(r):
        for k in range(8):
            rows_v[r * 8 + k, :] = pk_v[r, pl.ds(k * 16, 16)]


def _sc_gather_body(table_hbm, senders_hbm, receivers_hbm, ps_hbm, pr_hbm,
                    idx_v, rows_v, pk_v, sem):
    c = lax.axis_index("c")
    s = lax.axis_index("s")
    w = s * NC + c
    base = w * _P1_PER_W
    for src_hbm, dst_hbm in ((senders_hbm, ps_hbm), (receivers_hbm, pr_hbm)):
        @pl.loop(0, _P1_PER_W // _P1_CHUNK)
        def _chunk(j):
            off = base + j * _P1_CHUNK
            pltpu.sync_copy(src_hbm.at[pl.ds(off, _P1_CHUNK)], idx_v)
            pltpu.async_copy(table_hbm.at[idx_v], rows_v, sem).wait()
            _repack_rows(rows_v, pk_v, _P1_CHUNK)
            pltpu.sync_copy(
                pk_v, dst_hbm.at[pl.ds(off // 8, _P1_CHUNK // 8)])


def _sc_gather(table, senders, receivers):
    mesh = plsc.VectorSubcoreMesh(core_axis_name="c", subcore_axis_name="s")
    kfn = pl.kernel(
        _sc_gather_body,
        mesh=mesh,
        out_type=[
            jax.ShapeDtypeStruct((_EPK, 128), jnp.float32),
            jax.ShapeDtypeStruct((_EPK, 128), jnp.float32),
        ],
        scratch_types=[
            pltpu.VMEM((_P1_CHUNK,), jnp.int32),
            pltpu.VMEM((_P1_CHUNK, 16), jnp.float32),
            pltpu.VMEM((_P1_CHUNK // 8, 128), jnp.float32),
            pltpu.SemaphoreType.DMA,
        ],
        compiler_params=_SC_PARAMS,
    )
    return kfn(table, senders, receivers)



_BE = 6400


def _unpack16(pk):
    t = pk.T
    parts = [t[16 * j:16 * j + 16, :] for j in range(8)]
    return jnp.concatenate(parts, axis=1)


def _pack16(x):
    r = x.shape[1] // 8
    parts = [x[:, j * r:(j + 1) * r] for j in range(8)]
    return jnp.concatenate(parts, axis=0).T


def _pack_out(x):
    r = x.shape[1] // 8
    parts = [x[:, j * r:(j + 1) * r] for j in range(8)]
    return jnp.concatenate(parts, axis=0).T


def _edge_geom(psT, prT):
    B = psT.shape[1]
    vec = prT[0:3] - psT[0:3]
    r2 = jnp.sum(vec * vec, axis=0, keepdims=True) + 1e-12
    r = jnp.sqrt(r2)
    rinv = 1.0 / r
    vhat = vec * rinv
    d = r * (1.0 / RC)
    p = 6.0
    env = (1.0
           - ((p + 1.0) * (p + 2.0) / 2.0) * d ** 6
           + p * (p + 2.0) * d ** 7
           - (p * (p + 1.0) / 2.0) * d ** 8)
    env = jnp.where(d < 1.0, env, 0.0)
    x = jnp.minimum(jnp.pi * d, jnp.pi)
    u = x * x
    _sc = [1.0 / math.factorial(k) for k in range(18)]
    s1 = x * (1.0 + u * (-_sc[3] + u * (_sc[5] + u * (-_sc[7] + u * (
        _sc[9] + u * (-_sc[11] + u * (_sc[13] - u * _sc[15])))))))
    two_c = 2.0 * (1.0 + u * (-_sc[2] + u * (_sc[4] + u * (-_sc[6] + u * (
        _sc[8] + u * (-_sc[10] + u * (_sc[12] + u * (-_sc[14] + u * _sc[16]))))))))
    sins = [s1, two_c * s1]
    for _ in range(NB - 2):
        sins.append(two_c * sins[-1] - sins[-2])
    bessel = jnp.concatenate(sins, axis=0) * (math.sqrt(2.0 / RC) * rinv)
    emb16 = jnp.concatenate(
        [bessel, psT[3:5], prT[3:5], jnp.zeros((4, B), jnp.float32)], axis=0)
    return vhat, env, emb16



def _p2_body(ps_ref, pr_ref, w0t_ref, b0_ref, wvt_ref,
             v0a_ref, v0b_ref, v1a_ref, v1b_ref):
    psT = _unpack16(ps_ref[...])
    prT = _unpack16(pr_ref[...])
    vhat, env, emb16 = _edge_geom(psT, prT)
    z = jnp.dot(w0t_ref[...], emb16, precision=lax.Precision.HIGHEST) + b0_ref[...]
    h = z * jax.nn.sigmoid(z)
    scale = env * (1.0 / math.sqrt(AVG_NEIGH))
    hwv = jnp.dot(wvt_ref[...], h, precision=lax.Precision.HIGHEST) * scale
    lo = hwv[0:8]
    hi = hwv[8:16]
    zpad = jnp.zeros((8, hwv.shape[1]), jnp.float32)
    v0a_ref[...] = _pack16(
        jnp.concatenate([lo * vhat[0:1], lo * vhat[1:2]], axis=0))
    v0b_ref[...] = _pack16(jnp.concatenate([lo * vhat[2:3], zpad], axis=0))
    v1a_ref[...] = _pack16(
        jnp.concatenate([hi * vhat[0:1], hi * vhat[1:2]], axis=0))
    v1b_ref[...] = _pack16(jnp.concatenate([hi * vhat[2:3], zpad], axis=0))


def _p2(ps, pr, w0t, b0c, wvt):
    grid = (E // _BE,)
    vspec = pl.BlockSpec((_BE // 8, 128), lambda i: (i, 0))
    vshape = jax.ShapeDtypeStruct((_EPK, 128), jnp.float32)
    return pl.pallas_call(
        _p2_body,
        grid=grid,
        in_specs=[
            vspec,
            vspec,
            pl.BlockSpec((HID, 16), lambda i: (0, 0)),
            pl.BlockSpec((HID, 1), lambda i: (0, 0)),
            pl.BlockSpec((VHID, HID), lambda i: (0, 0)),
        ],
        out_specs=[vspec, vspec, vspec, vspec],
        out_shape=[vshape, vshape, vshape, vshape],
    )(ps, pr, w0t, b0c, wvt)



_P3_CHUNK = 1000
_P3_PER_T = E // NS
_P3_NCH = _P3_PER_T // _P3_CHUNK


def _p3_body(senders_hbm, v0a_hbm, v0b_hbm, v1a_hbm, v1b_hbm, az_hbm,
             a0a_hbm, a0b_hbm, a1a_hbm, a1b_hbm,
             ag0a_hbm, ag0b_hbm, ag1a_hbm, ag1b_hbm,
             idx0, idx1, rows_a, rows_b, pk_a, pk_b,
             semi0, semi1, sema, semb, a_sh):
    c = lax.axis_index("c")
    s = lax.axis_index("s")
    base = s * _P3_PER_T
    idxs = (idx0, idx1)
    semis = (semi0, semi1)
    pks = (pk_a, pk_b)
    rows = (rows_a, rows_b)
    sems = (sema, semb)

    def start_idx(ch, slot):
        @pl.when(ch < _P3_NCH)
        def _():
            pltpu.async_copy(
                senders_hbm.at[pl.ds(base + ch * _P3_CHUNK, _P3_CHUNK)],
                idxs[slot], semis[slot])

    def wait_idx(slot):
        pltpu.make_async_copy(
            senders_hbm.at[pl.ds(0, _P3_CHUNK)], idxs[slot],
            semis[slot]).wait()

    for vc0, vc1, ac0, ac1 in ((v0a_hbm, v1a_hbm, a0a_hbm, a1a_hbm),
                               (v0b_hbm, v1b_hbm, a0b_hbm, a1b_hbm)):
        @pl.when(s == 0)
        def _zero():
            pltpu.sync_copy(az_hbm, a_sh)

        plsc.subcore_barrier()

        def start_pk(ch, slot, vc0=vc0, vc1=vc1):
            @pl.when(ch < _P3_NCH)
            def _():
                pslice = pl.ds((base + ch * _P3_CHUNK) // 8, _P3_CHUNK // 8)

                @pl.when(c == 0)
                def _l0():
                    pltpu.async_copy(vc0.at[pslice], pks[slot], sems[slot])

                @pl.when(c == 1)
                def _l1():
                    pltpu.async_copy(vc1.at[pslice], pks[slot], sems[slot])

        def wait_pk(slot, vc0=vc0):
            pltpu.make_async_copy(
                vc0.at[pl.ds(0, _P3_CHUNK // 8)], pks[slot],
                sems[slot]).wait()

        start_idx(0, 0)
        start_pk(0, 0)
        start_idx(1, 1)
        start_pk(1, 1)

        @pl.loop(0, _P3_NCH // 2)
        def _pair(g):
            for slot in (0, 1):
                ch = 2 * g + slot
                wait_idx(slot)
                wait_pk(slot)
                _unpack_rows(pks[slot], rows[slot], _P3_CHUNK)
                pltpu.sync_copy(rows[slot], a_sh.at[idxs[slot]], add=True)
                start_idx(ch + 2, slot)
                start_pk(ch + 2, slot)

        plsc.subcore_barrier()

        @pl.when(s == 0)
        def _writeback():
            @pl.when(c == 0)
            def _w0():
                pltpu.sync_copy(a_sh, ac0)

            @pl.when(c == 1)
            def _w1():
                pltpu.sync_copy(a_sh, ac1)

        plsc.subcore_barrier()

    start_idx(0, 0)
    start_idx(1, 1)

    @pl.loop(0, _P3_NCH // 2)
    def _gpair(g):
        for slot in (0, 1):
            ch = 2 * g + slot
            poff = (base + ch * _P3_CHUNK) // 8
            wait_idx(slot)

            @pl.when(c == 0)
            def _ga0():
                pltpu.async_copy(a0a_hbm.at[idxs[slot]], rows_a, sema)
                pltpu.async_copy(a0b_hbm.at[idxs[slot]], rows_b, semb)

            @pl.when(c == 1)
            def _ga1():
                pltpu.async_copy(a1a_hbm.at[idxs[slot]], rows_a, sema)
                pltpu.async_copy(a1b_hbm.at[idxs[slot]], rows_b, semb)

            pltpu.make_async_copy(
                a0a_hbm.at[pl.ds(0, _P3_CHUNK)], rows_a, sema).wait()
            _repack_rows(rows_a, pk_a, _P3_CHUNK)

            @pl.when(c == 0)
            def _sa0():
                pltpu.sync_copy(pk_a, ag0a_hbm.at[pl.ds(poff, _P3_CHUNK // 8)])

            @pl.when(c == 1)
            def _sa1():
                pltpu.sync_copy(pk_a, ag1a_hbm.at[pl.ds(poff, _P3_CHUNK // 8)])

            pltpu.make_async_copy(
                a0b_hbm.at[pl.ds(0, _P3_CHUNK)], rows_b, semb).wait()
            start_idx(ch + 2, slot)
            _repack_rows(rows_b, pk_b, _P3_CHUNK)

            @pl.when(c == 0)
            def _sb0():
                pltpu.sync_copy(pk_b, ag0b_hbm.at[pl.ds(poff, _P3_CHUNK // 8)])

            @pl.when(c == 1)
            def _sb1():
                pltpu.sync_copy(pk_b, ag1b_hbm.at[pl.ds(poff, _P3_CHUNK // 8)])


def _p3(senders, v0a, v0b, v1a, v1b, az):
    mesh = plsc.VectorSubcoreMesh(core_axis_name="c", subcore_axis_name="s")
    a_t = jax.ShapeDtypeStruct((N, 16), jnp.float32)
    ag_t = jax.ShapeDtypeStruct((_EPK, 128), jnp.float32)
    kfn = pl.kernel(
        _p3_body,
        mesh=mesh,
        out_type=[a_t, a_t, a_t, a_t, ag_t, ag_t, ag_t, ag_t],
        scratch_types=[
            pltpu.VMEM((_P3_CHUNK,), jnp.int32),
            pltpu.VMEM((_P3_CHUNK,), jnp.int32),
            pltpu.VMEM((_P3_CHUNK, 16), jnp.float32),
            pltpu.VMEM((_P3_CHUNK, 16), jnp.float32),
            pltpu.VMEM((_P3_CHUNK // 8, 128), jnp.float32),
            pltpu.VMEM((_P3_CHUNK // 8, 128), jnp.float32),
            pltpu.SemaphoreType.DMA,
            pltpu.SemaphoreType.DMA,
            pltpu.SemaphoreType.DMA,
            pltpu.SemaphoreType.DMA,
            pltpu.VMEM_SHARED((N, 16), jnp.float32),
        ],
        compiler_params=_SC_PARAMS,
    )
    return kfn(senders, v0a, v0b, v1a, v1b, az)



def _p4_body(ps_ref, pr_ref, ag0a_ref, ag0b_ref, ag1a_ref, ag1b_ref,
             w0t_ref, b0_ref, w1t_ref, b1_ref, woutt_ref, out_ref):
    psT = _unpack16(ps_ref[...])
    prT = _unpack16(pr_ref[...])
    vhat, env, emb16 = _edge_geom(psT, prT)
    z = jnp.dot(w0t_ref[...], emb16, precision=lax.Precision.HIGHEST) + b0_ref[...]
    h = (z * jax.nn.sigmoid(z)) * env
    ag0a = _unpack16(ag0a_ref[...])
    ag0b = _unpack16(ag0b_ref[...])
    ag1a = _unpack16(ag1a_ref[...])
    ag1b = _unpack16(ag1b_ref[...])
    s_lo = (ag0a[0:8] * vhat[0:1] + ag0a[8:16] * vhat[1:2]
            + ag0b[0:8] * vhat[2:3])
    s_hi = (ag1a[0:8] * vhat[0:1] + ag1a[8:16] * vhat[1:2]
            + ag1b[0:8] * vhat[2:3])
    cat = jnp.concatenate([h, s_lo, s_hi], axis=0)
    z2 = jnp.dot(w1t_ref[...], cat, precision=lax.Precision.HIGHEST) + b1_ref[...]
    h2 = (z2 * jax.nn.sigmoid(z2)) * env
    out = jnp.dot(woutt_ref[...], h2, precision=lax.Precision.HIGHEST)
    out_ref[...] = _pack_out(out)


def _p4(ps, pr, ag0a, ag0b, ag1a, ag1b, w0t, b0c, w1t, b1c, woutt):
    grid = (E // _BE,)
    vspec = pl.BlockSpec((_BE // 8, 128), lambda i: (i, 0))
    return pl.pallas_call(
        _p4_body,
        grid=grid,
        in_specs=[
            vspec, vspec, vspec, vspec, vspec, vspec,
            pl.BlockSpec((HID, 16), lambda i: (0, 0)),
            pl.BlockSpec((HID, 1), lambda i: (0, 0)),
            pl.BlockSpec((HID, HID + VHID), lambda i: (0, 0)),
            pl.BlockSpec((HID, 1), lambda i: (0, 0)),
            pl.BlockSpec((1, HID), lambda i: (0, 0)),
        ],
        out_specs=pl.BlockSpec((_BE // 8, 8), lambda i: (i, 0)),
        out_shape=jax.ShapeDtypeStruct((E // 8, 8), jnp.float32),
    )(ps, pr, ag0a, ag0b, ag1a, ag1b, w0t, b0c, w1t, b1c, woutt)



def kernel(species, positions, senders, receivers, W0, b0, Wv, W1, b1, Wout):
    attrs = jax.nn.one_hot(species, 2, dtype=jnp.float32)
    table = jnp.concatenate(
        [positions, attrs, jnp.zeros((N, 11), jnp.float32)], axis=1)
    senders = senders.astype(jnp.int32)
    receivers = receivers.astype(jnp.int32)
    w0t = jnp.concatenate([W0, jnp.zeros((4, HID), jnp.float32)], axis=0).T
    wvt = Wv.T
    w1t = W1.T
    woutt = Wout.T
    b0c = b0.reshape(HID, 1)
    b1c = b1.reshape(HID, 1)
    az = jnp.zeros((N, 16), jnp.float32)

    ps, pr = _sc_gather(table, senders, receivers)
    v0a, v0b, v1a, v1b = _p2(ps, pr, w0t, b0c, wvt)
    (_a0a, _a0b, _a1a, _a1b,
     ag0a, ag0b, ag1a, ag1b) = _p3(senders, v0a, v0b, v1a, v1b, az)
    out_pk = _p4(ps, pr, ag0a, ag0b, ag1a, ag1b,
                 w0t, b0c, w1t, b1c, woutt)
    return out_pk.reshape(E, 1)

# --- scband reference (transcript-rebuilt; emitter-appended) ---
"""Pipeline reference for scband-flax-model-68942815035401 (READ-ONLY COPY).

The authoritative reference and input builder live on the scoring server;
editing this copy changes nothing except your own understanding.
"""

import jax, jax.numpy as jnp
import numpy as np

N = 50000
E = 800000
HID = 64
VHID = 16
NB = 8
RC = 2.0
AVG_NEIGH = 3.0


def setup_inputs(seed: int = 0) -> dict:
    key = jax.random.key(seed)
    ks = jax.random.split(key, 10)
    species = jax.random.randint(ks[0], (N,), 0, 2)
    positions = jax.random.normal(ks[1], (N, 3), dtype=jnp.float32)
    senders = jax.random.randint(ks[2], (E,), 0, N)
    receivers = jax.random.randint(ks[3], (E,), 0, N)
    W0 = jax.random.normal(ks[4], (NB + 4, HID), dtype=jnp.float32) * 0.1
    b0 = jnp.zeros((HID,), dtype=jnp.float32)
    Wv = jax.random.normal(ks[5], (HID, VHID), dtype=jnp.float32) * 0.1
    W1 = jax.random.normal(ks[6], (HID + VHID, HID), dtype=jnp.float32) * 0.1
    b1 = jnp.zeros((HID,), dtype=jnp.float32)
    Wout = jax.random.normal(ks[7], (HID, 1), dtype=jnp.float32) * 0.1
    return {
        'species': species, 'positions': positions,
        'senders': senders, 'receivers': receivers,
        'W0': W0, 'b0': b0, 'Wv': Wv, 'W1': W1, 'b1': b1, 'Wout': Wout,
    }


def _poly_cutoff(d, p=6.0):
    env = (1.0
           - ((p + 1.0) * (p + 2.0) / 2.0) * d ** p
           + p * (p + 2.0) * d ** (p + 1.0)
           - (p * (p + 1.0) / 2.0) * d ** (p + 2.0))
    return jnp.where(d < 1.0, env, 0.0)


def reference(species, positions, senders, receivers, W0, b0, Wv, W1, b1, Wout):
    # node attrs: one-hot species (2 classes)
    node_attrs = jax.nn.one_hot(species, 2)
    # edge vectors ('1o' irreps): gather positions by receivers/senders
    vec = positions[receivers] - positions[senders]
    r = jnp.sqrt(jnp.sum(vec * vec, axis=-1) + 1e-12)
    d = r / RC
    env = _poly_cutoff(d)
    # Bessel radial basis
    n = jnp.arange(1, NB + 1, dtype=jnp.float32)
    bessel = jnp.sqrt(2.0 / RC) * jnp.sin(n[None, :] * jnp.pi * d[:, None]) / r[:, None]
    # two-body edge embedding: radial basis + sender/receiver species
    emb = jnp.concatenate([bessel, node_attrs[senders], node_attrs[receivers]], axis=-1)
    h = jax.nn.silu(emb @ W0 + b0) * env[:, None]
    # equivariant vector channels along normalized edge direction
    vhat = vec / r[:, None]
    V = (h @ Wv)[:, :, None] * vhat[:, None, :]  # [E, VHID, 3]
    # environment aggregation (normalized by avg_num_neighbors=3)
    A = jax.ops.segment_sum(V, senders, num_segments=N) / jnp.sqrt(AVG_NEIGH)
    # scalar invariants: contract aggregated vectors with edge direction
    s = jnp.sum(A[senders] * vhat[:, None, :], axis=-1)  # [E, VHID]
    h2 = jax.nn.silu(jnp.concatenate([h, s], axis=-1) @ W1 + b1) * env[:, None]
    # per-edge '0e' output (Allegro default output irreps)
    return h2 @ Wout

if __name__ == "__main__":
    import jax
    _d = setup_inputs()
    print(jax.jit(kernel)(*tuple(_d.values())))

</pallas_src>

<mosaic_0001>
#map = affine_map<(d0, d1) -> (0)>
#map1 = affine_map<(d0, d1) -> (0, 0)>
module attributes {stable_mosaic.version = 14 : i64} {
  func.func @_p3_body(%arg0: i32, %arg1: i32, %arg2: memref<800000xi32, #tpu.memory_space<hbm>>, %arg3: memref<100000x128xf32, #tpu.memory_space<hbm>>, %arg4: memref<100000x128xf32, #tpu.memory_space<hbm>>, %arg5: memref<100000x128xf32, #tpu.memory_space<hbm>>, %arg6: memref<100000x128xf32, #tpu.memory_space<hbm>>, %arg7: memref<50000x16xf32, #tpu.memory_space<hbm>>, %arg8: memref<50000x16xf32, #tpu.memory_space<hbm>>, %arg9: memref<50000x16xf32, #tpu.memory_space<hbm>>, %arg10: memref<50000x16xf32, #tpu.memory_space<hbm>>, %arg11: memref<50000x16xf32, #tpu.memory_space<hbm>>, %arg12: memref<100000x128xf32, #tpu.memory_space<hbm>>, %arg13: memref<100000x128xf32, #tpu.memory_space<hbm>>, %arg14: memref<100000x128xf32, #tpu.memory_space<hbm>>, %arg15: memref<100000x128xf32, #tpu.memory_space<hbm>>, %arg16: memref<1000xi32, #tpu.memory_space<vmem>>, %arg17: memref<1000xi32, #tpu.memory_space<vmem>>, %arg18: memref<1000x16xf32, #tpu.memory_space<vmem>>, %arg19: memref<1000x16xf32, #tpu.memory_space<vmem>>, %arg20: memref<125x128xf32, #tpu.memory_space<vmem>>, %arg21: memref<125x128xf32, #tpu.memory_space<vmem>>, %arg22: memref<!tpu.dma_semaphore, #tpu.memory_space<semaphore_mem>>, %arg23: memref<!tpu.dma_semaphore, #tpu.memory_space<semaphore_mem>>, %arg24: memref<!tpu.dma_semaphore, #tpu.memory_space<semaphore_mem>>, %arg25: memref<!tpu.dma_semaphore, #tpu.memory_space<semaphore_mem>>, %arg26: memref<50000x16xf32, #tpu.memory_space<vmem_shared>>) attributes {dimension_semantics = [#tpu.dimension_semantics<core_parallel>, #tpu.dimension_semantics<subcore_parallel>], iteration_bounds = array<i64: 2, 16>, scalar_prefetch = 0 : i64, scratch_operands = 11 : i64, tpu.core_type = #tpu.core_type<sc_vector_subcore>, window_params = [{transform_indices = #map}, {transform_indices = #map1}, {transform_indices = #map1}, {transform_indices = #map1}, {transform_indices = #map1}, {transform_indices = #map1}, {transform_indices = #map1}, {transform_indices = #map1}, {transform_indices = #map1}, {transform_indices = #map1}, {transform_indices = #map1}, {transform_indices = #map1}, {transform_indices = #map1}, {transform_indices = #map1}]} {
    %mul3A = arith.constant 50000 : i32
    %mul3A_0 = arith.muli %arg1, %mul3A : i32
    %eq3A = arith.constant 0 : i32
    %eq3A_1 = arith.cmpi eq, %arg1, %eq3A : i32
    %convert_element_type3A = arith.extui %eq3A_1 : i1 to i32
    %cond3A = arith.constant 0 : i32
    %cond3A_2 = arith.cmpi ne, %convert_element_type3A, %cond3A : i32
    scf.if %cond3A_2 {
      "tpu.region"() ({
        %run_scoped3A = tpu.sem_alloc : memref<!tpu.dma_semaphore, #tpu.memory_space<semaphore_mem>>
        tpu.enqueue_dma source(%arg7 : memref<50000x16xf32, #tpu.memory_space<hbm>>) target(%arg26 : memref<50000x16xf32, #tpu.memory_space<vmem_shared>>) target_semaphore(%run_scoped3A : memref<!tpu.dma_semaphore, #tpu.memory_space<semaphore_mem>>)
        tpu.wait_dma2 semaphore(%run_scoped3A : memref<!tpu.dma_semaphore, #tpu.memory_space<semaphore_mem>>) src(%arg7 : memref<50000x16xf32, #tpu.memory_space<hbm>>) dst(%arg26 : memref<50000x16xf32, #tpu.memory_space<vmem_shared>>)
        tpu.yield
      }) : () -> ()
    } else {
    }
    %barrier3A = arith.constant 0 : index
    tpu.barrier barrier_id(%barrier3A)
    %add3A = arith.constant 0 : i32
    %add3A_3 = arith.addi %mul3A_0, %add3A : i32
    %dma_start3A = tpu.memref_slice %arg2[%add3A_3] : memref<800000xi32, #tpu.memory_space<hbm>> -> memref<1000xi32, #tpu.memory_space<hbm>>
    %dma_start3A_4 = tpu.memref_slice %arg2[%add3A_3] : memref<800000xi32, #tpu.memory_space<hbm>> -> memref<1000xi32, #tpu.memory_space<hbm>>
    tpu.enqueue_dma source(%dma_start3A_4 : memref<1000xi32, #tpu.memory_space<hbm>>) target(%arg16 : memref<1000xi32, #tpu.memory_space<vmem>>) target_semaphore(%arg22 : memref<!tpu.dma_semaphore, #tpu.memory_space<semaphore_mem>>)
    %add3A_5 = arith.constant 0 : i32
    %add3A_6 = arith.addi %mul3A_0, %add3A_5 : i32
    %jit3A = arith.constant 8 : i32
    %div3A = arith.divsi %add3A_6, %jit3A : i32
    %sign3A = arith.constant 0 : i32
    %sign3A_7 = arith.cmpi sgt, %add3A_6, %sign3A : i32
    %sign3A_8 = arith.extui %sign3A_7 : i1 to i32
    %sign3A_9 = arith.constant 0 : i32
    %sign3A_10 = arith.cmpi slt, %add3A_6, %sign3A_9 : i32
    %sign3A_11 = arith.extui %sign3A_10 : i1 to i32
    %sign3A_12 = arith.subi %sign3A_8, %sign3A_11 : i32
    %sign3A_13 = arith.constant 0 : i32
    %sign3A_14 = arith.cmpi sgt, %jit3A, %sign3A_13 : i32
    %sign3A_15 = arith.extui %sign3A_14 : i1 to i32
    %sign3A_16 = arith.constant 0 : i32
    %sign3A_17 = arith.cmpi slt, %jit3A, %sign3A_16 : i32
    %sign3A_18 = arith.extui %sign3A_17 : i1 to i32
    %sign3A_19 = arith.subi %sign3A_15, %sign3A_18 : i32
    %ne3A = arith.cmpi ne, %sign3A_12, %sign3A_19 : i32
    %rem3A = arith.remsi %add3A_6, %jit3A : i32
    %ne3A_20 = arith.constant 0 : i32
    %ne3A_21 = arith.cmpi ne, %rem3A, %ne3A_20 : i32
    %and3A = arith.andi %ne3A, %ne3A_21 : i1
    %sub3A = arith.constant 1 : i32
    %sub3A_22 = arith.subi %div3A, %sub3A : i32
    %select_n3A = arith.select %and3A, %sub3A_22, %div3A : i32
    %eq3A_23 = arith.constant 0 : i32
    %eq3A_24 = arith.cmpi eq, %arg0, %eq3A_23 : i32
    %convert_element_type3A_25 = arith.extui %eq3A_24 : i1 to i32
    %cond3A_26 = arith.constant 0 : i32
    %cond3A_27 = arith.cmpi ne, %convert_element_type3A_25, %cond3A_26 : i32
    scf.if %cond3A_27 {
      %dma_start3A_195 = arith.constant 0 : i32
      %dma_start3A_196 = tpu.memref_slice %arg3[%select_n3A, %dma_start3A_195] : memref<100000x128xf32, #tpu.memory_space<hbm>> -> memref<125x128xf32, #tpu.memory_space<hbm>>
      %dma_start3A_197 = arith.constant 0 : i32
      %dma_start3A_198 = tpu.memref_slice %arg3[%select_n3A, %dma_start3A_197] : memref<100000x128xf32, #tpu.memory_space<hbm>> -> memref<125x128xf32, #tpu.memory_space<hbm>>
      tpu.enqueue_dma source(%dma_start3A_198 : memref<125x128xf32, #tpu.memory_space<hbm>>) target(%arg20 : memref<125x128xf32, #tpu.memory_space<vmem>>) target_semaphore(%arg24 : memref<!tpu.dma_semaphore, #tpu.memory_space<semaphore_mem>>)
    } else {
    }
    %eq3A_28 = arith.constant 1 : i32
    %eq3A_29 = arith.cmpi eq, %arg0, %eq3A_28 : i32
    %convert_element_type3A_30 = arith.extui %eq3A_29 : i1 to i32
    %cond3A_31 = arith.constant 0 : i32
    %cond3A_32 = arith.cmpi ne, %convert_element_type3A_30, %cond3A_31 : i32
    scf.if %cond3A_32 {
      %dma_start3A_195 = arith.constant 0 : i32
      %dma_start3A_196 = tpu.memref_slice %arg5[%select_n3A, %dma_start3A_195] : memref<100000x128xf32, #tpu.memory_space<hbm>> -> memref<125x128xf32, #tpu.memory_space<hbm>>
      %dma_start3A_197 = arith.constant 0 : i32
      %dma_start3A_198 = tpu.memref_slice %arg5[%select_n3A, %dma_start3A_197] : memref<100000x128xf32, #tpu.memory_space<hbm>> -> memref<125x128xf32, #tpu.memory_space<hbm>>
      tpu.enqueue_dma source(%dma_start3A_198 : memref<125x128xf32, #tpu.memory_space<hbm>>) target(%arg20 : memref<125x128xf32, #tpu.memory_space<vmem>>) target_semaphore(%arg24 : memref<!tpu.dma_semaphore, #tpu.memory_space<semaphore_mem>>)
    } else {
    }
    %add3A_33 = arith.constant 1000 : i32
    %add3A_34 = arith.addi %mul3A_0, %add3A_33 : i32
    %dma_start3A_35 = tpu.memref_slice %arg2[%add3A_34] : memref<800000xi32, #tpu.memory_space<hbm>> -> memref<1000xi32, #tpu.memory_space<hbm>>
    %dma_start3A_36 = tpu.memref_slice %arg2[%add3A_34] : memref<800000xi32, #tpu.memory_space<hbm>> -> memref<1000xi32, #tpu.memory_space<hbm>>
    tpu.enqueue_dma source(%dma_start3A_36 : memref<1000xi32, #tpu.memory_space<hbm>>) target(%arg17 : memref<1000xi32, #tpu.memory_space<vmem>>) target_semaphore(%arg23 : memref<!tpu.dma_semaphore, #tpu.memory_space<semaphore_mem>>)
    %add3A_37 = arith.constant 1000 : i32
    %add3A_38 = arith.addi %mul3A_0, %add3A_37 : i32
    %jit3A_39 = arith.constant 8 : i32
    %div3A_40 = arith.divsi %add3A_38, %jit3A_39 : i32
    %sign3A_41 = arith.constant 0 : i32
    %sign3A_42 = arith.cmpi sgt, %add3A_38, %sign3A_41 : i32
    %sign3A_43 = arith.extui %sign3A_42 : i1 to i32
    %sign3A_44 = arith.constant 0 : i32
    %sign3A_45 = arith.cmpi slt, %add3A_38, %sign3A_44 : i32
    %sign3A_46 = arith.extui %sign3A_45 : i1 to i32
    %sign3A_47 = arith.subi %sign3A_43, %sign3A_46 : i32
    %sign3A_48 = arith.constant 0 : i32
    %sign3A_49 = arith.cmpi sgt, %jit3A_39, %sign3A_48 : i32
    %sign3A_50 = arith.extui %sign3A_49 : i1 to i32
    %sign3A_51 = arith.constant 0 : i32
    %sign3A_52 = arith.cmpi slt, %jit3A_39, %sign3A_51 : i32
    %sign3A_53 = arith.extui %sign3A_52 : i1 to i32
    %sign3A_54 = arith.subi %sign3A_50, %sign3A_53 : i32
    %ne3A_55 = arith.cmpi ne, %sign3A_47, %sign3A_54 : i32
    %rem3A_56 = arith.remsi %add3A_38, %jit3A_39 : i32
    %ne3A_57 = arith.constant 0 : i32
    %ne3A_58 = arith.cmpi ne, %rem3A_56, %ne3A_57 : i32
    %and3A_59 = arith.andi %ne3A_55, %ne3A_58 : i1
    %sub3A_60 = arith.constant 1 : i32
    %sub3A_61 = arith.subi %div3A_40, %sub3A_60 : i32
    %select_n3A_62 = arith.select %and3A_59, %sub3A_61, %div3A_40 : i32
    %eq3A_63 = arith.constant 0 : i32
    %eq3A_64 = arith.cmpi eq, %arg0, %eq3A_63 : i32
    %convert_element_type3A_65 = arith.extui %eq3A_64 : i1 to i32
    %cond3A_66 = arith.constant 0 : i32
    %cond3A_67 = arith.cmpi ne, %convert_element_type3A_65, %cond3A_66 : i32
    scf.if %cond3A_67 {
      %dma_start3A_195 = arith.constant 0 : i32
      %dma_start3A_196 = tpu.memref_slice %arg3[%select_n3A_62, %dma_start3A_195] : memref<100000x128xf32, #tpu.memory_space<hbm>> -> memref<125x128xf32, #tpu.memory_space<hbm>>
      %dma_start3A_197 = arith.constant 0 : i32
      %dma_start3A_198 = tpu.memref_slice %arg3[%select_n3A_62, %dma_start3A_197] : memref<100000x128xf32, #tpu.memory_space<hbm>> -> memref<125x128xf32, #tpu.memory_space<hbm>>
      tpu.enqueue_dma source(%dma_start3A_198 : memref<125x128xf32, #tpu.memory_space<hbm>>) target(%arg21 : memref<125x128xf32, #tpu.memory_space<vmem>>) target_semaphore(%arg25 : memref<!tpu.dma_semaphore, #tpu.memory_space<semaphore_mem>>)
    } else {
    }
    %eq3A_68 = arith.constant 1 : i32
    %eq3A_69 = arith.cmpi eq, %arg0, %eq3A_68 : i32
    %convert_element_type3A_70 = arith.extui %eq3A_69 : i1 to i32
    %cond3A_71 = arith.constant 0 : i32
    %cond3A_72 = arith.cmpi ne, %convert_element_type3A_70, %cond3A_71 : i32
    scf.if %cond3A_72 {
      %dma_start3A_195 = arith.constant 0 : i32
      %dma_start3A_196 = tpu.memref_slice %arg5[%select_n3A_62, %dma_start3A_195] : memref<100000x128xf32, #tpu.memory_space<hbm>> -> memref<125x128xf32, #tpu.memory_space<hbm>>
      %dma_start3A_197 = arith.constant 0 : i32
      %dma_start3A_198 = tpu.memref_slice %arg5[%select_n3A_62, %dma_start3A_197] : memref<100000x128xf32, #tpu.memory_space<hbm>> -> memref<125x128xf32, #tpu.memory_space<hbm>>
      tpu.enqueue_dma source(%dma_start3A_198 : memref<125x128xf32, #tpu.memory_space<hbm>>) target(%arg21 : memref<125x128xf32, #tpu.memory_space<vmem>>) target_semaphore(%arg25 : memref<!tpu.dma_semaphore, #tpu.memory_space<semaphore_mem>>)
    } else {
    }
    %scan3A = arith.constant 0 : i32
    %scan3A_73 = arith.constant 25 : i32
    %scan3A_74 = arith.addi %scan3A, %scan3A_73 : i32
    %scan3A_75 = arith.constant 1 : i32
    scf.for %scan3A_195 = %scan3A to %scan3A_74 step %scan3A_75  : i32 {
      %mul3A_196 = arith.constant 1 : i32
      %mul3A_197 = arith.muli %scan3A_195, %mul3A_196 : i32
      %add3A_198 = arith.constant 0 : i32
      %add3A_199 = arith.addi %add3A_198, %mul3A_197 : i32
      %mul3A_200 = arith.constant 2 : i32
      %mul3A_201 = arith.muli %mul3A_200, %add3A_199 : i32
      %add3A_202 = arith.constant 0 : i32
      %add3A_203 = arith.addi %mul3A_201, %add3A_202 : i32
      %dma_wait3A = arith.constant 0 : i32
      %dma_wait3A_204 = tpu.memref_slice %arg2[%dma_wait3A] : memref<800000xi32, #tpu.memory_space<hbm>> -> memref<1000xi32, #tpu.memory_space<hbm>>
      %dma_wait3A_205 = arith.constant 0 : i32
      %dma_wait3A_206 = tpu.memref_slice %arg2[%dma_wait3A_205] : memref<800000xi32, #tpu.memory_space<hbm>> -> memref<1000xi32, #tpu.memory_space<hbm>>
      tpu.wait_dma2 semaphore(%arg22 : memref<!tpu.dma_semaphore, #tpu.memory_space<semaphore_mem>>) src(%dma_wait3A_206 : memref<1000xi32, #tpu.memory_space<hbm>>) dst(%arg16 : memref<1000xi32, #tpu.memory_space<vmem>>)
      %dma_wait3A_207 = arith.constant 0 : i32
      %dma_wait3A_208 = arith.constant 0 : i32
      %dma_wait3A_209 = tpu.memref_slice %arg3[%dma_wait3A_207, %dma_wait3A_208] : memref<100000x128xf32, #tpu.memory_space<hbm>> -> memref<125x128xf32, #tpu.memory_space<hbm>>
      %dma_wait3A_210 = arith.constant 0 : i32
      %dma_wait3A_211 = arith.constant 0 : i32
      %dma_wait3A_212 = tpu.memref_slice %arg3[%dma_wait3A_210, %dma_wait3A_211] : memref<100000x128xf32, #tpu.memory_space<hbm>> -> memref<125x128xf32, #tpu.memory_space<hbm>>
      tpu.wait_dma2 semaphore(%arg24 : memref<!tpu.dma_semaphore, #tpu.memory_space<semaphore_mem>>) src(%dma_wait3A_212 : memref<125x128xf32, #tpu.memory_space<hbm>>) dst(%arg20 : memref<125x128xf32, #tpu.memory_space<vmem>>)
      %scan3A_213 = arith.constant 0 : i32
      %scan3A_214 = arith.constant 125 : i32
      %scan3A_215 = arith.addi %scan3A_213, %scan3A_214 : i32
      %scan3A_216 = arith.constant 1 : i32
      scf.for %scan3A_264 = %scan3A_213 to %scan3A_215 step %scan3A_216  : i32 {
        %mul3A_265 = arith.constant 1 : i32
        %mul3A_266 = arith.muli %scan3A_264, %mul3A_265 : i32
        %add3A_267 = arith.constant 0 : i32
        %add3A_268 = arith.addi %add3A_267, %mul3A_266 : i32
        %get3A = arith.index_cast %add3A_268 : i32 to index
        %get3A_269 = arith.constant 0 : index
        %get3A_270 = tpu.vector_load %arg20[%get3A, %get3A_269] {strides = array<i32>} : memref<125x128xf32, #tpu.memory_space<vmem>>, vector<1x16xf32>,
        %get3A_271 = vector.shape_cast %get3A_270 : vector<1x16xf32> to vector<16xf32>
        %mul3A_272 = arith.constant 8 : i32
        %mul3A_273 = arith.muli %add3A_268, %mul3A_272 : i32
        %add3A_274 = arith.constant 0 : i32
        %add3A_275 = arith.addi %mul3A_273, %add3A_274 : i32
        %swap3A = arith.index_cast %add3A_275 : i32 to index
        %swap3A_276 = arith.constant 0 : index
        %swap3A_277 = tpu.vector_load %arg18[%swap3A, %swap3A_276] {strides = array<i32>} : memref<1000x16xf32, #tpu.memory_space<vmem>>, vector<1x16xf32>,
        %swap3A_278 = vector.shape_cast %swap3A_277 : vector<1x16xf32> to vector<16xf32>
        %swap3A_279 = vector.shape_cast %get3A_271 : vector<16xf32> to vector<1x16xf32>
        tpu.vector_store %arg18[%swap3A, %swap3A_276], %swap3A_279 {strides = array<i32>} : memref<1000x16xf32, #tpu.memory_space<vmem>>, vector<1x16xf32>,
        %get3A_280 = arith.index_cast %add3A_268 : i32 to index
        %get3A_281 = arith.constant 16 : index
        %get3A_282 = tpu.vector_load %arg20[%get3A_280, %get3A_281] {strides = array<i32>} : memref<125x128xf32, #tpu.memory_space<vmem>>, vector<1x16xf32>,
        %get3A_283 = vector.shape_cast %get3A_282 : vector<1x16xf32> to vector<16xf32>
        %mul3A_284 = arith.constant 8 : i32
        %mul3A_285 = arith.muli %add3A_268, %mul3A_284 : i32
        %add3A_286 = arith.constant 1 : i32
        %add3A_287 = arith.addi %mul3A_285, %add3A_286 : i32
        %swap3A_288 = arith.index_cast %add3A_287 : i32 to index
        %swap3A_289 = arith.constant 0 : index
        %swap3A_290 = tpu.vector_load %arg18[%swap3A_288, %swap3A_289] {strides = array<i32>} : memref<1000x16xf32, #tpu.memory_space<vmem>>, vector<1x16xf32>,
        %swap3A_291 = vector.shape_cast %swap3A_290 : vector<1x16xf32> to vector<16xf32>
        %swap3A_292 = vector.shape_cast %get3A_283 : vector<16xf32> to vector<1x16xf32>
        tpu.vector_store %arg18[%swap3A_288, %swap3A_289], %swap3A_292 {strides = array<i32>} : memref<1000x16xf32, #tpu.memory_space<vmem>>, vector<1x16xf32>,
        %get3A_293 = arith.index_cast %add3A_268 : i32 to index
        %get3A_294 = arith.constant 32 : index
        %get3A_295 = tpu.vector_load %arg20[%get3A_293, %get3A_294] {strides = array<i32>} : memref<125x128xf32, #tpu.memory_space<vmem>>, vector<1x16xf32>,
        %get3A_296 = vector.shape_cast %get3A_295 : vector<1x16xf32> to vector<16xf32>
        %mul3A_297 = arith.constant 8 : i32
        %mul3A_298 = arith.muli %add3A_268, %mul3A_297 : i32
        %add3A_299 = arith.constant 2 : i32
        %add3A_300 = arith.addi %mul3A_298, %add3A_299 : i32
        %swap3A_301 = arith.index_cast %add3A_300 : i32 to index
        %swap3A_302 = arith.constant 0 : index
        %swap3A_303 = tpu.vector_load %arg18[%swap3A_301, %swap3A_302] {strides = array<i32>} : memref<1000x16xf32, #tpu.memory_space<vmem>>, vector<1x16xf32>,
        %swap3A_304 = vector.shape_cast %swap3A_303 : vector<1x16xf32> to vector<16xf32>
        %swap3A_305 = vector.shape_cast %get3A_296 : vector<16xf32> to vector<1x16xf32>
        tpu.vector_store %arg18[%swap3A_301, %swap3A_302], %swap3A_305 {strides = array<i32>} : memref<1000x16xf32, #tpu.memory_space<vmem>>, vector<1x16xf32>,
        %get3A_306 = arith.index_cast %add3A_268 : i32 to index
        %get3A_307 = arith.constant 48 : index
        %get3A_308 = tpu.vector_load %arg20[%get3A_306, %get3A_307] {strides = array<i32>} : memref<125x128xf32, #tpu.memory_space<vmem>>, vector<1x16xf32>,
        %get3A_309 = vector.shape_cast %get3A_308 : vector<1x16xf32> to vector<16xf32>
        %mul3A_310 = arith.constant 8 : i32
        %mul3A_311 = arith.muli %add3A_268, %mul3A_310 : i32
        %add3A_312 = arith.constant 3 : i32
        %add3A_313 = arith.addi %mul3A_311, %add3A_312 : i32
        %swap3A_314 = arith.index_cast %add3A_313 : i32 to index
        %swap3A_315 = arith.constant 0 : index
        %swap3A_316 = tpu.vector_load %arg18[%swap3A_314, %swap3A_315] {strides = array<i32>} : memref<1000x16xf32, #tpu.memory_space<vmem>>, vector<1x16xf32>,
        %swap3A_317 = vector.shape_cast %swap3A_316 : vector<1x16xf32> to vector<16xf32>
        %swap3A_318 = vector.shape_cast %get3A_309 : vector<16xf32> to vector<1x16xf32>
        tpu.vector_store %arg18[%swap3A_314, %swap3A_315], %swap3A_318 {strides = array<i32>} : memref<1000x16xf32, #tpu.memory_space<vmem>>, vector<1x16xf32>,
        %get3A_319 = arith.index_cast %add3A_268 : i32 to index
        %get3A_320 = arith.constant 64 : index
        %get3A_321 = tpu.vector_load %arg20[%get3A_319, %get3A_320] {strides = array<i32>} : memref<125x128xf32, #tpu.memory_space<vmem>>, vector<1x16xf32>,
        %get3A_322 = vector.shape_cast %get3A_321 : vector<1x16xf32> to vector<16xf32>
        %mul3A_323 = arith.constant 8 : i32
        %mul3A_324 = arith.muli %add3A_268, %mul3A_323 : i32
        %add3A_325 = arith.constant 4 : i32
        %add3A_326 = arith.addi %mul3A_324, %add3A_325 : i32
        %swap3A_327 = arith.index_cast %add3A_326 : i32 to index
        %swap3A_328 = arith.constant 0 : index
        %swap3A_329 = tpu.vector_load %arg18[%swap3A_327, %swap3A_328] {strides = array<i32>} : memref<1000x16xf32, #tpu.memory_space<vmem>>, vector<1x16xf32>,
        %swap3A_330 = vector.shape_cast %swap3A_329 : vector<1x16xf32> to vector<16xf32>
        %swap3A_331 = vector.shape_cast %get3A_322 : vector<16xf32> to vector<1x16xf32>
        tpu.vector_store %arg18[%swap3A_327, %swap3A_328], %swap3A_331 {strides = array<i32>} : memref<1000x16xf32, #tpu.memory_space<vmem>>, vector<1x16xf32>,
        %get3A_332 = arith.index_cast %add3A_268 : i32 to index
        %get3A_333 = arith.constant 80 : index
        %get3A_334 = tpu.vector_load %arg20[%get3A_332, %get3A_333] {strides = array<i32>} : memref<125x128xf32, #tpu.memory_space<vmem>>, vector<1x16xf32>,
        %get3A_335 = vector.shape_cast %get3A_334 : vector<1x16xf32> to vector<16xf32>
        %mul3A_336 = arith.constant 8 : i32
        %mul3A_337 = arith.muli %add3A_268, %mul3A_336 : i32
        %add3A_338 = arith.constant 5 : i32
        %add3A_339 = arith.addi %mul3A_337, %add3A_338 : i32
        %swap3A_340 = arith.index_cast %add3A_339 : i32 to index
        %swap3A_341 = arith.constant 0 : index
        %swap3A_342 = tpu.vector_load %arg18[%swap3A_340, %swap3A_341] {strides = array<i32>} : memref<1000x16xf32, #tpu.memory_space<vmem>>, vector<1x16xf32>,
        %swap3A_343 = vector.shape_cast %swap3A_342 : vector<1x16xf32> to vector<16xf32>
        %swap3A_344 = vector.shape_cast %get3A_335 : vector<16xf32> to vector<1x16xf32>
        tpu.vector_store %arg18[%swap3A_340, %swap3A_341], %swap3A_344 {strides = array<i32>} : memref<1000x16xf32, #tpu.memory_space<vmem>>, vector<1x16xf32>,
        %get3A_345 = arith.index_cast %add3A_268 : i32 to index
        %get3A_346 = arith.constant 96 : index
        %get3A_347 = tpu.vector_load %arg20[%get3A_345, %get3A_346] {strides = array<i32>} : memref<125x128xf32, #tpu.memory_space<vmem>>, vector<1x16xf32>,
        %get3A_348 = vector.shape_cast %get3A_347 : vector<1x16xf32> to vector<16xf32>
        %mul3A_349 = arith.constant 8 : i32
        %mul3A_350 = arith.muli %add3A_268, %mul3A_349 : i32
        %add3A_351 = arith.constant 6 : i32
        %add3A_352 = arith.addi %mul3A_350, %add3A_351 : i32
        %swap3A_353 = arith.index_cast %add3A_352 : i32 to index
        %swap3A_354 = arith.constant 0 : index
        %swap3A_355 = tpu.vector_load %arg18[%swap3A_353, %swap3A_354] {strides = array<i32>} : memref<1000x16xf32, #tpu.memory_space<vmem>>, vector<1x16xf32>,
        %swap3A_356 = vector.shape_cast %swap3A_355 : vector<1x16xf32> to vector<16xf32>
        %swap3A_357 = vector.shape_cast %get3A_348 : vector<16xf32> to vector<1x16xf32>
        tpu.vector_store %arg18[%swap3A_353, %swap3A_354], %swap3A_357 {strides = array<i32>} : memref<1000x16xf32, #tpu.memory_space<vmem>>, vector<1x16xf32>,
        %get3A_358 = arith.index_cast %add3A_268 : i32 to index
        %get3A_359 = arith.constant 112 : index
        %get3A_360 = tpu.vector_load %arg20[%get3A_358, %get3A_359] {strides = array<i32>} : memref<125x128xf32, #tpu.memory_space<vmem>>, vector<1x16xf32>,
        %get3A_361 = vector.shape_cast %get3A_360 : vector<1x16xf32> to vector<16xf32>
        %mul3A_362 = arith.constant 8 : i32
        %mul3A_363 = arith.muli %add3A_268, %mul3A_362 : i32
        %add3A_364 = arith.constant 7 : i32
        %add3A_365 = arith.addi %mul3A_363, %add3A_364 : i32
        %swap3A_366 = arith.index_cast %add3A_365 : i32 to index
        %swap3A_367 = arith.constant 0 : index
        %swap3A_368 = tpu.vector_load %arg18[%swap3A_366, %swap3A_367] {strides = array<i32>} : memref<1000x16xf32, #tpu.memory_space<vmem>>, vector<1x16xf32>,
        %swap3A_369 = vector.shape_cast %swap3A_368 : vector<1x16xf32> to vector<16xf32>
        %swap3A_370 = vector.shape_cast %get3A_361 : vector<16xf32> to vector<1x16xf32>
        tpu.vector_store %arg18[%swap3A_366, %swap3A_367], %swap3A_370 {strides = array<i32>} : memref<1000x16xf32, #tpu.memory_space<vmem>>, vector<1x16xf32>,
      }
      %scan3A_217 = arith.constant 125 : i32
      "tpu.region"() ({
        %run_scoped3A = tpu.sem_alloc : memref<!tpu.dma_semaphore, #tpu.memory_space<semaphore_mem>>
        %dma_start3A_264 = arith.constant 0 : i32
        %dma_start3A_265 = arith.constant 0 : i32
        %dma_start3A_266 = tpu.memref_slice %arg26[%dma_start3A_264, %dma_start3A_265] : memref<50000x16xf32, #tpu.memory_space<vmem_shared>> -> memref<50000x16xf32, #tpu.memory_space<vmem_shared>>
        tpu.enqueue_indirect_dma source(%arg18 : memref<1000x16xf32, #tpu.memory_space<vmem>>) target(%dma_start3A_266 : memref<50000x16xf32, #tpu.memory_space<vmem_shared>>) offsets(%arg16 : memref<1000xi32, #tpu.memory_space<vmem>>) semaphore(%run_scoped3A : memref<!tpu.dma_semaphore, #tpu.memory_space<semaphore_mem>>) {add = true}
        %dma_wait3A_267 = arith.constant 0 : i32
        %dma_wait3A_268 = arith.constant 0 : i32
        %dma_wait3A_269 = tpu.memref_slice %arg26[%dma_wait3A_267, %dma_wait3A_268] : memref<50000x16xf32, #tpu.memory_space<vmem_shared>> -> memref<50000x16xf32, #tpu.memory_space<vmem_shared>>
        tpu.wait_indirect_dma semaphore(%run_scoped3A : memref<!tpu.dma_semaphore, #tpu.memory_space<semaphore_mem>>) src(%arg18 : memref<1000x16xf32, #tpu.memory_space<vmem>>) dst(%dma_wait3A_269 : memref<50000x16xf32, #tpu.memory_space<vmem_shared>>)
        tpu.yield
      }) : () -> ()
      %add3A_218 = arith.constant 2 : i32
      %add3A_219 = arith.addi %add3A_203, %add3A_218 : i32
      %lt3A = arith.constant 50 : i32
      %lt3A_220 = arith.cmpi slt, %add3A_219, %lt3A : i32
      %convert_element_type3A_221 = arith.extui %lt3A_220 : i1 to i32
      %cond3A_222 = arith.constant 0 : i32
      %cond3A_223 = arith.cmpi ne, %convert_element_type3A_221, %cond3A_222 : i32
      scf.if %cond3A_223 {
        %mul3A_264 = arith.constant 1000 : i32
        %mul3A_265 = arith.muli %add3A_219, %mul3A_264 : i32
        %add3A_266 = arith.addi %mul3A_0, %mul3A_265 : i32
        %dma_start3A_267 = tpu.memref_slice %arg2[%add3A_266] : memref<800000xi32, #tpu.memory_space<hbm>> -> memref<1000xi32, #tpu.memory_space<hbm>>
        %dma_start3A_268 = tpu.memref_slice %arg2[%add3A_266] : memref<800000xi32, #tpu.memory_space<hbm>> -> memref<1000xi32, #tpu.memory_space<hbm>>
        tpu.enqueue_dma source(%dma_start3A_268 : memref<1000xi32, #tpu.memory_space<hbm>>) target(%arg16 : memref<1000xi32, #tpu.memory_space<vmem>>) target_semaphore(%arg22 : memref<!tpu.dma_semaphore, #tpu.memory_space<semaphore_mem>>)
      } else {
      }
      %add3A_224 = arith.constant 2 : i32
      %add3A_225 = arith.addi %add3A_203, %add3A_224 : i32
      %lt3A_226 = arith.constant 50 : i32
      %lt3A_227 = arith.cmpi slt, %add3A_225, %lt3A_226 : i32
      %convert_element_type3A_228 = arith.extui %lt3A_227 : i1 to i32
      %cond3A_229 = arith.constant 0 : i32
      %cond3A_230 = arith.cmpi ne, %convert_element_type3A_228, %cond3A_229 : i32
      scf.if %cond3A_230 {
        %mul3A_264 = arith.constant 1000 : i32
        %mul3A_265 = arith.muli %add3A_225, %mul3A_264 : i32
        %add3A_266 = arith.addi %mul3A_0, %mul3A_265 : i32
        %jit3A_267 = arith.constant 8 : i32
        %div3A_268 = arith.divsi %add3A_266, %jit3A_267 : i32
        %sign3A_269 = arith.constant 0 : i32
        %sign3A_270 = arith.cmpi sgt, %add3A_266, %sign3A_269 : i32
        %sign3A_271 = arith.extui %sign3A_270 : i1 to i32
        %sign3A_272 = arith.constant 0 : i32
        %sign3A_273 = arith.cmpi slt, %add3A_266, %sign3A_272 : i32
        %sign3A_274 = arith.extui %sign3A_273 : i1 to i32
        %sign3A_275 = arith.subi %sign3A_271, %sign3A_274 : i32
        %sign3A_276 = arith.constant 0 : i32
        %sign3A_277 = arith.cmpi sgt, %jit3A_267, %sign3A_276 : i32
        %sign3A_278 = arith.extui %sign3A_277 : i1 to i32
        %sign3A_279 = arith.constant 0 : i32
        %sign3A_280 = arith.cmpi slt, %jit3A_267, %sign3A_279 : i32
        %sign3A_281 = arith.extui %sign3A_280 : i1 to i32
        %sign3A_282 = arith.subi %sign3A_278, %sign3A_281 : i32
        %ne3A_283 = arith.cmpi ne, %sign3A_275, %sign3A_282 : i32
        %rem3A_284 = arith.remsi %add3A_266, %jit3A_267 : i32
        %ne3A_285 = arith.constant 0 : i32
        %ne3A_286 = arith.cmpi ne, %rem3A_284, %ne3A_285 : i32
        %and3A_287 = arith.andi %ne3A_283, %ne3A_286 : i1
        %sub3A_288 = arith.constant 1 : i32
        %sub3A_289 = arith.subi %div3A_268, %sub3A_288 : i32
        %select_n3A_290 = arith.select %and3A_287, %sub3A_289, %div3A_268 : i32
        %eq3A_291 = arith.constant 0 : i32
        %eq3A_292 = arith.cmpi eq, %arg0, %eq3A_291 : i32
        %convert_element_type3A_293 = arith.extui %eq3A_292 : i1 to i32
        %cond3A_294 = arith.constant 0 : i32
        %cond3A_295 = arith.cmpi ne, %convert_element_type3A_293, %cond3A_294 : i32
        scf.if %cond3A_295 {
          %dma_start3A_301 = arith.constant 0 : i32
          %dma_start3A_302 = tpu.memref_slice %arg3[%select_n3A_290, %dma_start3A_301] : memref<100000x128xf32, #tpu.memory_space<hbm>> -> memref<125x128xf32, #tpu.memory_space<hbm>>
          %dma_start3A_303 = arith.constant 0 : i32
          %dma_start3A_304 = tpu.memref_slice %arg3[%select_n3A_290, %dma_start3A_303] : memref<100000x128xf32, #tpu.memory_space<hbm>> -> memref<125x128xf32, #tpu.memory_space<hbm>>
          tpu.enqueue_dma source(%dma_start3A_304 : memref<125x128xf32, #tpu.memory_space<hbm>>) target(%arg20 : memref<125x128xf32, #tpu.memory_space<vmem>>) target_semaphore(%arg24 : memref<!tpu.dma_semaphore, #tpu.memory_space<semaphore_mem>>)
        } else {
        }
        %eq3A_296 = arith.constant 1 : i32
        %eq3A_297 = arith.cmpi eq, %arg0, %eq3A_296 : i32
        %convert_element_type3A_298 = arith.extui %eq3A_297 : i1 to i32
        %cond3A_299 = arith.constant 0 : i32
        %cond3A_300 = arith.cmpi ne, %convert_element_type3A_298, %cond3A_299 : i32
        scf.if %cond3A_300 {
          %dma_start3A_301 = arith.constant 0 : i32
          %dma_start3A_302 = tpu.memref_slice %arg5[%select_n3A_290, %dma_start3A_301] : memref<100000x128xf32, #tpu.memory_space<hbm>> -> memref<125x128xf32, #tpu.memory_space<hbm>>
          %dma_start3A_303 = arith.constant 0 : i32
          %dma_start3A_304 = tpu.memref_slice %arg5[%select_n3A_290, %dma_start3A_303] : memref<100000x128xf32, #tpu.memory_space<hbm>> -> memref<125x128xf32, #tpu.memory_space<hbm>>
          tpu.enqueue_dma source(%dma_start3A_304 : memref<125x128xf32, #tpu.memory_space<hbm>>) target(%arg20 : memref<125x128xf32, #tpu.memory_space<vmem>>) target_semaphore(%arg24 : memref<!tpu.dma_semaphore, #tpu.memory_space<semaphore_mem>>)
        } else {
        }
      } else {
      }
      %mul3A_231 = arith.constant 2 : i32
      %mul3A_232 = arith.muli %mul3A_231, %add3A_199 : i32
      %add3A_233 = arith.constant 1 : i32
      %add3A_234 = arith.addi %mul3A_232, %add3A_233 : i32
      %dma_wait3A_235 = arith.constant 0 : i32
      %dma_wait3A_236 = tpu.memref_slice %arg2[%dma_wait3A_235] : memref<800000xi32, #tpu.memory_space<hbm>> -> memref<1000xi32, #tpu.memory_space<hbm>>
      %dma_wait3A_237 = arith.constant 0 : i32
      %dma_wait3A_238 = tpu.memref_slice %arg2[%dma_wait3A_237] : memref<800000xi32, #tpu.memory_space<hbm>> -> memref<1000xi32, #tpu.memory_space<hbm>>
      tpu.wait_dma2 semaphore(%arg23 : memref<!tpu.dma_semaphore, #tpu.memory_space<semaphore_mem>>) src(%dma_wait3A_238 : memref<1000xi32, #tpu.memory_space<hbm>>) dst(%arg17 : memref<1000xi32, #tpu.memory_space<vmem>>)
      %dma_wait3A_239 = arith.constant 0 : i32
      %dma_wait3A_240 = arith.constant 0 : i32
      %dma_wait3A_241 = tpu.memref_slice %arg3[%dma_wait3A_239, %dma_wait3A_240] : memref<100000x128xf32, #tpu.memory_space<hbm>> -> memref<125x128xf32, #tpu.memory_space<hbm>>
      %dma_wait3A_242 = arith.constant 0 : i32
      %dma_wait3A_243 = arith.constant 0 : i32
      %dma_wait3A_244 = tpu.memref_slice %arg3[%dma_wait3A_242, %dma_wait3A_243] : memref<100000x128xf32, #tpu.memory_space<hbm>> -> memref<125x128xf32, #tpu.memory_space<hbm>>
      tpu.wait_dma2 semaphore(%arg25 : memref<!tpu.dma_semaphore, #tpu.memory_space<semaphore_mem>>) src(%dma_wait3A_244 : memref<125x128xf32, #tpu.memory_space<hbm>>) dst(%arg21 : memref<125x128xf32, #tpu.memory_space<vmem>>)
      %scan3A_245 = arith.constant 0 : i32
      %scan3A_246 = arith.constant 125 : i32
      %scan3A_247 = arith.addi %scan3A_245, %scan3A_246 : i32
      %scan3A_248 = arith.constant 1 : i32
      scf.for %scan3A_264 = %scan3A_245 to %scan3A_247 step %scan3A_248  : i32 {
        %mul3A_265 = arith.constant 1 : i32
        %mul3A_266 = arith.muli %scan3A_264, %mul3A_265 : i32
        %add3A_267 = arith.constant 0 : i32
        %add3A_268 = arith.addi %add3A_267, %mul3A_266 : i32
        %get3A = arith.index_cast %add3A_268 : i32 to index
        %get3A_269 = arith.constant 0 : index
        %get3A_270 = tpu.vector_load %arg21[%get3A, %get3A_269] {strides = array<i32>} : memref<125x128xf32, #tpu.memory_space<vmem>>, vector<1x16xf32>,
        %get3A_271 = vector.shape_cast %get3A_270 : vector<1x16xf32> to vector<16xf32>
        %mul3A_272 = arith.constant 8 : i32
        %mul3A_273 = arith.muli %add3A_268, %mul3A_272 : i32
        %add3A_274 = arith.constant 0 : i32
        %add3A_275 = arith.addi %mul3A_273, %add3A_274 : i32
        %swap3A = arith.index_cast %add3A_275 : i32 to index
        %swap3A_276 = arith.constant 0 : index
        %swap3A_277 = tpu.vector_load %arg19[%swap3A, %swap3A_276] {strides = array<i32>} : memref<1000x16xf32, #tpu.memory_space<vmem>>, vector<1x16xf32>,
        %swap3A_278 = vector.shape_cast %swap3A_277 : vector<1x16xf32> to vector<16xf32>
        %swap3A_279 = vector.shape_cast %get3A_271 : vector<16xf32> to vector<1x16xf32>
        tpu.vector_store %arg19[%swap3A, %swap3A_276], %swap3A_279 {strides = array<i32>} : memref<1000x16xf32, #tpu.memory_space<vmem>>, vector<1x16xf32>,
        %get3A_280 = arith.index_cast %add3A_268 : i32 to index
        %get3A_281 = arith.constant 16 : index
        %get3A_282 = tpu.vector_load %arg21[%get3A_280, %get3A_281] {strides = array<i32>} : memref<125x128xf32, #tpu.memory_space<vmem>>, vector<1x16xf32>,
        %get3A_283 = vector.shape_cast %get3A_282 : vector<1x16xf32> to vector<16xf32>
        %mul3A_284 = arith.constant 8 : i32
        %mul3A_285 = arith.muli %add3A_268, %mul3A_284 : i32
        %add3A_286 = arith.constant 1 : i32
        %add3A_287 = arith.addi %mul3A_285, %add3A_286 : i32
        %swap3A_288 = arith.index_cast %add3A_287 : i32 to index
        %swap3A_289 = arith.constant 0 : index
        %swap3A_290 = tpu.vector_load %arg19[%swap3A_288, %swap3A_289] {strides = array<i32>} : memref<1000x16xf32, #tpu.memory_space<vmem>>, vector<1x16xf32>,
        %swap3A_291 = vector.shape_cast %swap3A_290 : vector<1x16xf32> to vector<16xf32>
        %swap3A_292 = vector.shape_cast %get3A_283 : vector<16xf32> to vector<1x16xf32>
        tpu.vector_store %arg19[%swap3A_288, %swap3A_289], %swap3A_292 {strides = array<i32>} : memref<1000x16xf32, #tpu.memory_space<vmem>>, vector<1x16xf32>,
        %get3A_293 = arith.index_cast %add3A_268 : i32 to index
        %get3A_294 = arith.constant 32 : index
        %get3A_295 = tpu.vector_load %arg21[%get3A_293, %get3A_294] {strides = array<i32>} : memref<125x128xf32, #tpu.memory_space<vmem>>, vector<1x16xf32>,
        %get3A_296 = vector.shape_cast %get3A_295 : vector<1x16xf32> to vector<16xf32>
        %mul3A_297 = arith.constant 8 : i32
        %mul3A_298 = arith.muli %add3A_268, %mul3A_297 : i32
        %add3A_299 = arith.constant 2 : i32
        %add3A_300 = arith.addi %mul3A_298, %add3A_299 : i32
        %swap3A_301 = arith.index_cast %add3A_300 : i32 to index
        %swap3A_302 = arith.constant 0 : index
        %swap3A_303 = tpu.vector_load %arg19[%swap3A_301, %swap3A_302] {strides = array<i32>} : memref<1000x16xf32, #tpu.memory_space<vmem>>, vector<1x16xf32>,
        %swap3A_304 = vector.shape_cast %swap3A_303 : vector<1x16xf32> to vector<16xf32>
        %swap3A_305 = vector.shape_cast %get3A_296 : vector<16xf32> to vector<1x16xf32>
        tpu.vector_store %arg19[%swap3A_301, %swap3A_302], %swap3A_305 {strides = array<i32>} : memref<1000x16xf32, #tpu.memory_space<vmem>>, vector<1x16xf32>,
        %get3A_306 = arith.index_cast %add3A_268 : i32 to index
        %get3A_307 = arith.constant 48 : index
        %get3A_308 = tpu.vector_load %arg21[%get3A_306, %get3A_307] {strides = array<i32>} : memref<125x128xf32, #tpu.memory_space<vmem>>, vector<1x16xf32>,
        %get3A_309 = vector.shape_cast %get3A_308 : vector<1x16xf32> to vector<16xf32>
        %mul3A_310 = arith.constant 8 : i32
        %mul3A_311 = arith.muli %add3A_268, %mul3A_310 : i32
        %add3A_312 = arith.constant 3 : i32
        %add3A_313 = arith.addi %mul3A_311, %add3A_312 : i32
        %swap3A_314 = arith.index_cast %add3A_313 : i32 to index
        %swap3A_315 = arith.constant 0 : index
        %swap3A_316 = tpu.vector_load %arg19[%swap3A_314, %swap3A_315] {strides = array<i32>} : memref<1000x16xf32, #tpu.memory_space<vmem>>, vector<1x16xf32>,
        %swap3A_317 = vector.shape_cast %swap3A_316 : vector<1x16xf32> to vector<16xf32>
        %swap3A_318 = vector.shape_cast %get3A_309 : vector<16xf32> to vector<1x16xf32>
        tpu.vector_store %arg19[%swap3A_314, %swap3A_315], %swap3A_318 {strides = array<i32>} : memref<1000x16xf32, #tpu.memory_space<vmem>>, vector<1x16xf32>,
        %get3A_319 = arith.index_cast %add3A_268 : i32 to index
        %get3A_320 = arith.constant 64 : index
        %get3A_321 = tpu.vector_load %arg21[%get3A_319, %get3A_320] {strides = array<i32>} : memref<125x128xf32, #tpu.memory_space<vmem>>, vector<1x16xf32>,
        %get3A_322 = vector.shape_cast %get3A_321 : vector<1x16xf32> to vector<16xf32>
        %mul3A_323 = arith.constant 8 : i32
        %mul3A_324 = arith.muli %add3A_268, %mul3A_323 : i32
        %add3A_325 = arith.constant 4 : i32
        %add3A_326 = arith.addi %mul3A_324, %add3A_325 : i32
        %swap3A_327 = arith.index_cast %add3A_326 : i32 to index
        %swap3A_328 = arith.constant 0 : index
        %swap3A_329 = tpu.vector_load %arg19[%swap3A_327, %swap3A_328] {strides = array<i32>} : memref<1000x16xf32, #tpu.memory_space<vmem>>, vector<1x16xf32>,
        %swap3A_330 = vector.shape_cast %swap3A_329 : vector<1x16xf32> to vector<16xf32>
        %swap3A_331 = vector.shape_cast %get3A_322 : vector<16xf32> to vector<1x16xf32>
        tpu.vector_store %arg19[%swap3A_327, %swap3A_328], %swap3A_331 {strides = array<i32>} : memref<1000x16xf32, #tpu.memory_space<vmem>>, vector<1x16xf32>,
        %get3A_332 = arith.index_cast %add3A_268 : i32 to index
        %get3A_333 = arith.constant 80 : index
        %get3A_334 = tpu.vector_load %arg21[%get3A_332, %get3A_333] {strides = array<i32>} : memref<125x128xf32, #tpu.memory_space<vmem>>, vector<1x16xf32>,
        %get3A_335 = vector.shape_cast %get3A_334 : vector<1x16xf32> to vector<16xf32>
        %mul3A_336 = arith.constant 8 : i32
        %mul3A_337 = arith.muli %add3A_268, %mul3A_336 : i32
        %add3A_338 = arith.constant 5 : i32
        %add3A_339 = arith.addi %mul3A_337, %add3A_338 : i32
        %swap3A_340 = arith.index_cast %add3A_339 : i32 to index
        %swap3A_341 = arith.constant 0 : index
        %swap3A_342 = tpu.vector_load %arg19[%swap3A_340, %swap3A_341] {strides = array<i32>} : memref<1000x16xf32, #tpu.memory_space<vmem>>, vector<1x16xf32>,
        %swap3A_343 = vector.shape_cast %swap3A_342 : vector<1x16xf32> to vector<16xf32>
        %swap3A_344 = vector.shape_cast %get3A_335 : vector<16xf32> to vector<1x16xf32>
        tpu.vector_store %arg19[%swap3A_340, %swap3A_341], %swap3A_344 {strides = array<i32>} : memref<1000x16xf32, #tpu.memory_space<vmem>>, vector<1x16xf32>,
        %get3A_345 = arith.index_cast %add3A_268 : i32 to index
        %get3A_346 = arith.constant 96 : index
        %get3A_347 = tpu.vector_load %arg21[%get3A_345, %get3A_346] {strides = array<i32>} : memref<125x128xf32, #tpu.memory_space<vmem>>, vector<1x16xf32>,
        %get3A_348 = vector.shape_cast %get3A_347 : vector<1x16xf32> to vector<16xf32>
        %mul3A_349 = arith.constant 8 : i32
        %mul3A_350 = arith.muli %add3A_268, %mul3A_349 : i32
        %add3A_351 = arith.constant 6 : i32
        %add3A_352 = arith.addi %mul3A_350, %add3A_351 : i32
        %swap3A_353 = arith.index_cast %add3A_352 : i32 to index
        %swap3A_354 = arith.constant 0 : index
        %swap3A_355 = tpu.vector_load %arg19[%swap3A_353, %swap3A_354] {strides = array<i32>} : memref<1000x16xf32, #tpu.memory_space<vmem>>, vector<1x16xf32>,
        %swap3A_356 = vector.shape_cast %swap3A_355 : vector<1x16xf32> to vector<16xf32>
        %swap3A_357 = vector.shape_cast %get3A_348 : vector<16xf32> to vector<1x16xf32>
        tpu.vector_store %arg19[%swap3A_353, %swap3A_354], %swap3A_357 {strides = array<i32>} : memref<1000x16xf32, #tpu.memory_space<vmem>>, vector<1x16xf32>,
        %get3A_358 = arith.index_cast %add3A_268 : i32 to index
        %get3A_359 = arith.constant 112 : index
        %get3A_360 = tpu.vector_load %arg21[%get3A_358, %get3A_359] {strides = array<i32>} : memref<125x128xf32, #tpu.memory_space<vmem>>, vector<1x16xf32>,
        %get3A_361 = vector.shape_cast %get3A_360 : vector<1x16xf32> to vector<16xf32>
        %mul3A_362 = arith.constant 8 : i32
        %mul3A_363 = arith.muli %add3A_268, %mul3A_362 : i32
        %add3A_364 = arith.constant 7 : i32
        %add3A_365 = arith.addi %mul3A_363, %add3A_364 : i32
        %swap3A_366 = arith.index_cast %add3A_365 : i32 to index
        %swap3A_367 = arith.constant 0 : index
        %swap3A_368 = tpu.vector_load %arg19[%swap3A_366, %swap3A_367] {strides = array<i32>} : memref<1000x16xf32, #tpu.memory_space<vmem>>, vector<1x16xf32>,
        %swap3A_369 = vector.shape_cast %swap3A_368 : vector<1x16xf32> to vector<16xf32>
        %swap3A_370 = vector.shape_cast %get3A_361 : vector<16xf32> to vector<1x16xf32>
        tpu.vector_store %arg19[%swap3A_366, %swap3A_367], %swap3A_370 {strides = array<i32>} : memref<1000x16xf32, #tpu.memory_space<vmem>>, vector<1x16xf32>,
      }
      %scan3A_249 = arith.constant 125 : i32
      "tpu.region"() ({
        %run_scoped3A = tpu.sem_alloc : memref<!tpu.dma_semaphore, #tpu.memory_space<semaphore_mem>>
        %dma_start3A_264 = arith.constant 0 : i32
        %dma_start3A_265 = arith.constant 0 : i32
        %dma_start3A_266 = tpu.memref_slice %arg26[%dma_start3A_264, %dma_start3A_265] : memref<50000x16xf32, #tpu.memory_space<vmem_shared>> -> memref<50000x16xf32, #tpu.memory_space<vmem_shared>>
        tpu.enqueue_indirect_dma source(%arg19 : memref<1000x16xf32, #tpu.memory_space<vmem>>) target(%dma_start3A_266 : memref<50000x16xf32, #tpu.memory_space<vmem_shared>>) offsets(%arg17 : memref<1000xi32, #tpu.memory_space<vmem>>) semaphore(%run_scoped3A : memref<!tpu.dma_semaphore, #tpu.memory_space<semaphore_mem>>) {add = true}
        %dma_wait3A_267 = arith.constant 0 : i32
        %dma_wait3A_268 = arith.constant 0 : i32
        %dma_wait3A_269 = tpu.memref_slice %arg26[%dma_wait3A_267, %dma_wait3A_268] : memref<50000x16xf32, #tpu.memory_space<vmem_shared>> -> memref<50000x16xf32, #tpu.memory_space<vmem_shared>>
        tpu.wait_indirect_dma semaphore(%run_scoped3A : memref<!tpu.dma_semaphore, #tpu.memory_space<semaphore_mem>>) src(%arg19 : memref<1000x16xf32, #tpu.memory_space<vmem>>) dst(%dma_wait3A_269 : memref<50000x16xf32, #tpu.memory_space<vmem_shared>>)
        tpu.yield
      }) : () -> ()
      %add3A_250 = arith.constant 2 : i32
      %add3A_251 = arith.addi %add3A_234, %add3A_250 : i32
      %lt3A_252 = arith.constant 50 : i32
      %lt3A_253 = arith.cmpi slt, %add3A_251, %lt3A_252 : i32
      %convert_element_type3A_254 = arith.extui %lt3A_253 : i1 to i32
      %cond3A_255 = arith.constant 0 : i32
      %cond3A_256 = arith.cmpi ne, %convert_element_type3A_254, %cond3A_255 : i32
      scf.if %cond3A_256 {
        %mul3A_264 = arith.constant 1000 : i32
        %mul3A_265 = arith.muli %add3A_251, %mul3A_264 : i32
        %add3A_266 = arith.addi %mul3A_0, %mul3A_265 : i32
        %dma_start3A_267 = tpu.memref_slice %arg2[%add3A_266] : memref<800000xi32, #tpu.memory_space<hbm>> -> memref<1000xi32, #tpu.memory_space<hbm>>
        %dma_start3A_268 = tpu.memref_slice %arg2[%add3A_266] : memref<800000xi32, #tpu.memory_space<hbm>> -> memref<1000xi32, #tpu.memory_space<hbm>>
        tpu.enqueue_dma source(%dma_start3A_268 : memref<1000xi32, #tpu.memory_space<hbm>>) target(%arg17 : memref<1000xi32, #tpu.memory_space<vmem>>) target_semaphore(%arg23 : memref<!tpu.dma_semaphore, #tpu.memory_space<semaphore_mem>>)
      } else {
      }
      %add3A_257 = arith.constant 2 : i32
      %add3A_258 = arith.addi %add3A_234, %add3A_257 : i32
      %lt3A_259 = arith.constant 50 : i32
      %lt3A_260 = arith.cmpi slt, %add3A_258, %lt3A_259 : i32
      %convert_element_type3A_261 = arith.extui %lt3A_260 : i1 to i32
      %cond3A_262 = arith.constant 0 : i32
      %cond3A_263 = arith.cmpi ne, %convert_element_type3A_261, %cond3A_262 : i32
      scf.if %cond3A_263 {
        %mul3A_264 = arith.constant 1000 : i32
        %mul3A_265 = arith.muli %add3A_258, %mul3A_264 : i32
        %add3A_266 = arith.addi %mul3A_0, %mul3A_265 : i32
        %jit3A_267 = arith.constant 8 : i32
        %div3A_268 = arith.divsi %add3A_266, %jit3A_267 : i32
        %sign3A_269 = arith.constant 0 : i32
        %sign3A_270 = arith.cmpi sgt, %add3A_266, %sign3A_269 : i32
        %sign3A_271 = arith.extui %sign3A_270 : i1 to i32
        %sign3A_272 = arith.constant 0 : i32
        %sign3A_273 = arith.cmpi slt, %add3A_266, %sign3A_272 : i32
        %sign3A_274 = arith.extui %sign3A_273 : i1 to i32
        %sign3A_275 = arith.subi %sign3A_271, %sign3A_274 : i32
        %sign3A_276 = arith.constant 0 : i32
        %sign3A_277 = arith.cmpi sgt, %jit3A_267, %sign3A_276 : i32
        %sign3A_278 = arith.extui %sign3A_277 : i1 to i32
        %sign3A_279 = arith.constant 0 : i32
        %sign3A_280 = arith.cmpi slt, %jit3A_267, %sign3A_279 : i32
        %sign3A_281 = arith.extui %sign3A_280 : i1 to i32
        %sign3A_282 = arith.subi %sign3A_278, %sign3A_281 : i32
        %ne3A_283 = arith.cmpi ne, %sign3A_275, %sign3A_282 : i32
        %rem3A_284 = arith.remsi %add3A_266, %jit3A_267 : i32
        %ne3A_285 = arith.constant 0 : i32
        %ne3A_286 = arith.cmpi ne, %rem3A_284, %ne3A_285 : i32
        %and3A_287 = arith.andi %ne3A_283, %ne3A_286 : i1
        %sub3A_288 = arith.constant 1 : i32
        %sub3A_289 = arith.subi %div3A_268, %sub3A_288 : i32
        %select_n3A_290 = arith.select %and3A_287, %sub3A_289, %div3A_268 : i32
        %eq3A_291 = arith.constant 0 : i32
        %eq3A_292 = arith.cmpi eq, %arg0, %eq3A_291 : i32
        %convert_element_type3A_293 = arith.extui %eq3A_292 : i1 to i32
        %cond3A_294 = arith.constant 0 : i32
        %cond3A_295 = arith.cmpi ne, %convert_element_type3A_293, %cond3A_294 : i32
        scf.if %cond3A_295 {
          %dma_start3A_301 = arith.constant 0 : i32
          %dma_start3A_302 = tpu.memref_slice %arg3[%select_n3A_290, %dma_start3A_301] : memref<100000x128xf32, #tpu.memory_space<hbm>> -> memref<125x128xf32, #tpu.memory_space<hbm>>
          %dma_start3A_303 = arith.constant 0 : i32
          %dma_start3A_304 = tpu.memref_slice %arg3[%select_n3A_290, %dma_start3A_303] : memref<100000x128xf32, #tpu.memory_space<hbm>> -> memref<125x128xf32, #tpu.memory_space<hbm>>
          tpu.enqueue_dma source(%dma_start3A_304 : memref<125x128xf32, #tpu.memory_space<hbm>>) target(%arg21 : memref<125x128xf32, #tpu.memory_space<vmem>>) target_semaphore(%arg25 : memref<!tpu.dma_semaphore, #tpu.memory_space<semaphore_mem>>)
        } else {
        }
        %eq3A_296 = arith.constant 1 : i32
        %eq3A_297 = arith.cmpi eq, %arg0, %eq3A_296 : i32
        %convert_element_type3A_298 = arith.extui %eq3A_297 : i1 to i32
        %cond3A_299 = arith.constant 0 : i32
        %cond3A_300 = arith.cmpi ne, %convert_element_type3A_298, %cond3A_299 : i32
        scf.if %cond3A_300 {
          %dma_start3A_301 = arith.constant 0 : i32
          %dma_start3A_302 = tpu.memref_slice %arg5[%select_n3A_290, %dma_start3A_301] : memref<100000x128xf32, #tpu.memory_space<hbm>> -> memref<125x128xf32, #tpu.memory_space<hbm>>
          %dma_start3A_303 = arith.constant 0 : i32
          %dma_start3A_304 = tpu.memref_slice %arg5[%select_n3A_290, %dma_start3A_303] : memref<100000x128xf32, #tpu.memory_space<hbm>> -> memref<125x128xf32, #tpu.memory_space<hbm>>
          tpu.enqueue_dma source(%dma_start3A_304 : memref<125x128xf32, #tpu.memory_space<hbm>>) target(%arg21 : memref<125x128xf32, #tpu.memory_space<vmem>>) target_semaphore(%arg25 : memref<!tpu.dma_semaphore, #tpu.memory_space<semaphore_mem>>)
        } else {
        }
      } else {
      }
    }
    %scan3A_76 = arith.constant 25 : i32
    %barrier3A_77 = arith.constant 0 : index
    tpu.barrier barrier_id(%barrier3A_77)
    %eq3A_78 = arith.constant 0 : i32
    %eq3A_79 = arith.cmpi eq, %arg1, %eq3A_78 : i32
    %convert_element_type3A_80 = arith.extui %eq3A_79 : i1 to i32
    %cond3A_81 = arith.constant 0 : i32
    %cond3A_82 = arith.cmpi ne, %convert_element_type3A_80, %cond3A_81 : i32
    scf.if %cond3A_82 {
      %eq3A_195 = arith.constant 0 : i32
      %eq3A_196 = arith.cmpi eq, %arg0, %eq3A_195 : i32
      %convert_element_type3A_197 = arith.extui %eq3A_196 : i1 to i32
      %cond3A_198 = arith.constant 0 : i32
      %cond3A_199 = arith.cmpi ne, %convert_element_type3A_197, %cond3A_198 : i32
      scf.if %cond3A_199 {
        "tpu.region"() ({
          %run_scoped3A = tpu.sem_alloc : memref<!tpu.dma_semaphore, #tpu.memory_space<semaphore_mem>>
          tpu.enqueue_dma source(%arg26 : memref<50000x16xf32, #tpu.memory_space<vmem_shared>>) target(%arg8 : memref<50000x16xf32, #tpu.memory_space<hbm>>) target_semaphore(%run_scoped3A : memref<!tpu.dma_semaphore, #tpu.memory_space<semaphore_mem>>)
          tpu.wait_dma2 semaphore(%run_scoped3A : memref<!tpu.dma_semaphore, #tpu.memory_space<semaphore_mem>>) src(%arg26 : memref<50000x16xf32, #tpu.memory_space<vmem_shared>>) dst(%arg8 : memref<50000x16xf32, #tpu.memory_space<hbm>>)
          tpu.yield
        }) : () -> ()
      } else {
      }
      %eq3A_200 = arith.constant 1 : i32
      %eq3A_201 = arith.cmpi eq, %arg0, %eq3A_200 : i32
      %convert_element_type3A_202 = arith.extui %eq3A_201 : i1 to i32
      %cond3A_203 = arith.constant 0 : i32
      %cond3A_204 = arith.cmpi ne, %convert_element_type3A_202, %cond3A_203 : i32
      scf.if %cond3A_204 {
        "tpu.region"() ({
          %run_scoped3A = tpu.sem_alloc : memref<!tpu.dma_semaphore, #tpu.memory_space<semaphore_mem>>
          tpu.enqueue_dma source(%arg26 : memref<50000x16xf32, #tpu.memory_space<vmem_shared>>) target(%arg10 : memref<50000x16xf32, #tpu.memory_space<hbm>>) target_semaphore(%run_scoped3A : memref<!tpu.dma_semaphore, #tpu.memory_space<semaphore_mem>>)
          tpu.wait_dma2 semaphore(%run_scoped3A : memref<!tpu.dma_semaphore, #tpu.memory_space<semaphore_mem>>) src(%arg26 : memref<50000x16xf32, #tpu.memory_space<vmem_shared>>) dst(%arg10 : memref<50000x16xf32, #tpu.memory_space<hbm>>)
          tpu.yield
        }) : () -> ()
      } else {
      }
    } else {
    }
    %barrier3A_83 = arith.constant 0 : index
    tpu.barrier barrier_id(%barrier3A_83)
    %eq3A_84 = arith.constant 0 : i32
    %eq3A_85 = arith.cmpi eq, %arg1, %eq3A_84 : i32
    %convert_element_type3A_86 = arith.extui %eq3A_85 : i1 to i32
    %cond3A_87 = arith.constant 0 : i32
    %cond3A_88 = arith.cmpi ne, %convert_element_type3A_86, %cond3A_87 : i32
    scf.if %cond3A_88 {
      "tpu.region"() ({
        %run_scoped3A = tpu.sem_alloc : memref<!tpu.dma_semaphore, #tpu.memory_space<semaphore_mem>>
        tpu.enqueue_dma source(%arg7 : memref<50000x16xf32, #tpu.memory_space<hbm>>) target(%arg26 : memref<50000x16xf32, #tpu.memory_space<vmem_shared>>) target_semaphore(%run_scoped3A : memref<!tpu.dma_semaphore, #tpu.memory_space<semaphore_mem>>)
        tpu.wait_dma2 semaphore(%run_scoped3A : memref<!tpu.dma_semaphore, #tpu.memory_space<semaphore_mem>>) src(%arg7 : memref<50000x16xf32, #tpu.memory_space<hbm>>) dst(%arg26 : memref<50000x16xf32, #tpu.memory_space<vmem_shared>>)
        tpu.yield
      }) : () -> ()
    } else {
    }
    %barrier3A_89 = arith.constant 0 : index
    tpu.barrier barrier_id(%barrier3A_89)
    %add3A_90 = arith.constant 0 : i32
    %add3A_91 = arith.addi %mul3A_0, %add3A_90 : i32
    %dma_start3A_92 = tpu.memref_slice %arg2[%add3A_91] : memref<800000xi32, #tpu.memory_space<hbm>> -> memref<1000xi32, #tpu.memory_space<hbm>>
    %dma_start3A_93 = tpu.memref_slice %arg2[%add3A_91] : memref<800000xi32, #tpu.memory_space<hbm>> -> memref<1000xi32, #tpu.memory_space<hbm>>
    tpu.enqueue_dma source(%dma_start3A_93 : memref<1000xi32, #tpu.memory_space<hbm>>) target(%arg16 : memref<1000xi32, #tpu.memory_space<vmem>>) target_semaphore(%arg22 : memref<!tpu.dma_semaphore, #tpu.memory_space<semaphore_mem>>)
    %add3A_94 = arith.constant 0 : i32
    %add3A_95 = arith.addi %mul3A_0, %add3A_94 : i32
    %jit3A_96 = arith.constant 8 : i32
    %div3A_97 = arith.divsi %add3A_95, %jit3A_96 : i32
    %sign3A_98 = arith.constant 0 : i32
    %sign3A_99 = arith.cmpi sgt, %add3A_95, %sign3A_98 : i32
    %sign3A_100 = arith.extui %sign3A_99 : i1 to i32
    %sign3A_101 = arith.constant 0 : i32
    %sign3A_102 = arith.cmpi slt, %add3A_95, %sign3A_101 : i32
    %sign3A_103 = arith.extui %sign3A_102 : i1 to i32
    %sign3A_104 = arith.subi %sign3A_100, %sign3A_103 : i32
    %sign3A_105 = arith.constant 0 : i32
    %sign3A_106 = arith.cmpi sgt, %jit3A_96, %sign3A_105 : i32
    %sign3A_107 = arith.extui %sign3A_106 : i1 to i32
    %sign3A_108 = arith.constant 0 : i32
    %sign3A_109 = arith.cmpi slt, %jit3A_96, %sign3A_108 : i32
    %sign3A_110 = arith.extui %sign3A_109 : i1 to i32
    %sign3A_111 = arith.subi %sign3A_107, %sign3A_110 : i32
    %ne3A_112 = arith.cmpi ne, %sign3A_104, %sign3A_111 : i32
    %rem3A_113 = arith.remsi %add3A_95, %jit3A_96 : i32
    %ne3A_114 = arith.constant 0 : i32
    %ne3A_115 = arith.cmpi ne, %rem3A_113, %ne3A_114 : i32
    %and3A_116 = arith.andi %ne3A_112, %ne3A_115 : i1
    %sub3A_117 = arith.constant 1 : i32
    %sub3A_118 = arith.subi %div3A_97, %sub3A_117 : i32
    %select_n3A_119 = arith.select %and3A_116, %sub3A_118, %div3A_97 : i32
    %eq3A_120 = arith.constant 0 : i32
    %eq3A_121 = arith.cmpi eq, %arg0, %eq3A_120 : i32
    %convert_element_type3A_122 = arith.extui %eq3A_121 : i1 to i32
    %cond3A_123 = arith.constant 0 : i32
    %cond3A_124 = arith.cmpi ne, %convert_element_type3A_122, %cond3A_123 : i32
    scf.if %cond3A_124 {
      %dma_start3A_195 = arith.constant 0 : i32
      %dma_start3A_196 = tpu.memref_slice %arg4[%select_n3A_119, %dma_start3A_195] : memref<100000x128xf32, #tpu.memory_space<hbm>> -> memref<125x128xf32, #tpu.memory_space<hbm>>
      %dma_start3A_197 = arith.constant 0 : i32
      %dma_start3A_198 = tpu.memref_slice %arg4[%select_n3A_119, %dma_start3A_197] : memref<100000x128xf32, #tpu.memory_space<hbm>> -> memref<125x128xf32, #tpu.memory_space<hbm>>
      tpu.enqueue_dma source(%dma_start3A_198 : memref<125x128xf32, #tpu.memory_space<hbm>>) target(%arg20 : memref<125x128xf32, #tpu.memory_space<vmem>>) target_semaphore(%arg24 : memref<!tpu.dma_semaphore, #tpu.memory_space<semaphore_mem>>)
    } else {
    }
    %eq3A_125 = arith.constant 1 : i32
    %eq3A_126 = arith.cmpi eq, %arg0, %eq3A_125 : i32
    %convert_element_type3A_127 = arith.extui %eq3A_126 : i1 to i32
    %cond3A_128 = arith.constant 0 : i32
    %cond3A_129 = arith.cmpi ne, %convert_element_type3A_127, %cond3A_128 : i32
    scf.if %cond3A_129 {
      %dma_start3A_195 = arith.constant 0 : i32
      %dma_start3A_196 = tpu.memref_slice %arg6[%select_n3A_119, %dma_start3A_195] : memref<100000x128xf32, #tpu.memory_space<hbm>> -> memref<125x128xf32, #tpu.memory_space<hbm>>
      %dma_start3A_197 = arith.constant 0 : i32
      %dma_start3A_198 = tpu.memref_slice %arg6[%select_n3A_119, %dma_start3A_197] : memref<100000x128xf32, #tpu.memory_space<hbm>> -> memref<125x128xf32, #tpu.memory_space<hbm>>
      tpu.enqueue_dma source(%dma_start3A_198 : memref<125x128xf32, #tpu.memory_space<hbm>>) target(%arg20 : memref<125x128xf32, #tpu.memory_space<vmem>>) target_semaphore(%arg24 : memref<!tpu.dma_semaphore, #tpu.memory_space<semaphore_mem>>)
    } else {
    }
    %add3A_130 = arith.constant 1000 : i32
    %add3A_131 = arith.addi %mul3A_0, %add3A_130 : i32
    %dma_start3A_132 = tpu.memref_slice %arg2[%add3A_131] : memref<800000xi32, #tpu.memory_space<hbm>> -> memref<1000xi32, #tpu.memory_space<hbm>>
    %dma_start3A_133 = tpu.memref_slice %arg2[%add3A_131] : memref<800000xi32, #tpu.memory_space<hbm>> -> memref<1000xi32, #tpu.memory_space<hbm>>
    tpu.enqueue_dma source(%dma_start3A_133 : memref<1000xi32, #tpu.memory_space<hbm>>) target(%arg17 : memref<1000xi32, #tpu.memory_space<vmem>>) target_semaphore(%arg23 : memref<!tpu.dma_semaphore, #tpu.memory_space<semaphore_mem>>)
    %add3A_134 = arith.constant 1000 : i32
    %add3A_135 = arith.addi %mul3A_0, %add3A_134 : i32
    %jit3A_136 = arith.constant 8 : i32
    %div3A_137 = arith.divsi %add3A_135, %jit3A_136 : i32
    %sign3A_138 = arith.constant 0 : i32
    %sign3A_139 = arith.cmpi sgt, %add3A_135, %sign3A_138 : i32
    %sign3A_140 = arith.extui %sign3A_139 : i1 to i32
    %sign3A_141 = arith.constant 0 : i32
    %sign3A_142 = arith.cmpi slt, %add3A_135, %sign3A_141 : i32
    %sign3A_143 = arith.extui %sign3A_142 : i1 to i32
    %sign3A_144 = arith.subi %sign3A_140, %sign3A_143 : i32
    %sign3A_145 = arith.constant 0 : i32
    %sign3A_146 = arith.cmpi sgt, %jit3A_136, %sign3A_145 : i32
    %sign3A_147 = arith.extui %sign3A_146 : i1 to i32
    %sign3A_148 = arith.constant 0 : i32
    %sign3A_149 = arith.cmpi slt, %jit3A_136, %sign3A_148 : i32
    %sign3A_150 = arith.extui %sign3A_149 : i1 to i32
    %sign3A_151 = arith.subi %sign3A_147, %sign3A_150 : i32
    %ne3A_152 = arith.cmpi ne, %sign3A_144, %sign3A_151 : i32
    %rem3A_153 = arith.remsi %add3A_135, %jit3A_136 : i32
    %ne3A_154 = arith.constant 0 : i32
    %ne3A_155 = arith.cmpi ne, %rem3A_153, %ne3A_154 : i32
    %and3A_156 = arith.andi %ne3A_152, %ne3A_155 : i1
    %sub3A_157 = arith.constant 1 : i32
    %sub3A_158 = arith.subi %div3A_137, %sub3A_157 : i32
    %select_n3A_159 = arith.select %and3A_156, %sub3A_158, %div3A_137 : i32
    %eq3A_160 = arith.constant 0 : i32
    %eq3A_161 = arith.cmpi eq, %arg0, %eq3A_160 : i32
    %convert_element_type3A_162 = arith.extui %eq3A_161 : i1 to i32
    %cond3A_163 = arith.constant 0 : i32
    %cond3A_164 = arith.cmpi ne, %convert_element_type3A_162, %cond3A_163 : i32
    scf.if %cond3A_164 {
      %dma_start3A_195 = arith.constant 0 : i32
      %dma_start3A_196 = tpu.memref_slice %arg4[%select_n3A_159, %dma_start3A_195] : memref<100000x128xf32, #tpu.memory_space<hbm>> -> memref<125x128xf32, #tpu.memory_space<hbm>>
      %dma_start3A_197 = arith.constant 0 : i32
      %dma_start3A_198 = tpu.memref_slice %arg4[%select_n3A_159, %dma_start3A_197] : memref<100000x128xf32, #tpu.memory_space<hbm>> -> memref<125x128xf32, #tpu.memory_space<hbm>>
      tpu.enqueue_dma source(%dma_start3A_198 : memref<125x128xf32, #tpu.memory_space<hbm>>) target(%arg21 : memref<125x128xf32, #tpu.memory_space<vmem>>) target_semaphore(%arg25 : memref<!tpu.dma_semaphore, #tpu.memory_space<semaphore_mem>>)
    } else {
    }
    %eq3A_165 = arith.constant 1 : i32
    %eq3A_166 = arith.cmpi eq, %arg0, %eq3A_165 : i32
    %convert_element_type3A_167 = arith.extui %eq3A_166 : i1 to i32
    %cond3A_168 = arith.constant 0 : i32
    %cond3A_169 = arith.cmpi ne, %convert_element_type3A_167, %cond3A_168 : i32
    scf.if %cond3A_169 {
      %dma_start3A_195 = arith.constant 0 : i32
      %dma_start3A_196 = tpu.memref_slice %arg6[%select_n3A_159, %dma_start3A_195] : memref<100000x128xf32, #tpu.memory_space<hbm>> -> memref<125x128xf32, #tpu.memory_space<hbm>>
      %dma_start3A_197 = arith.constant 0 : i32
      %dma_start3A_198 = tpu.memref_slice %arg6[%select_n3A_159, %dma_start3A_197] : memref<100000x128xf32, #tpu.memory_space<hbm>> -> memref<125x128xf32, #tpu.memory_space<hbm>>
      tpu.enqueue_dma source(%dma_start3A_198 : memref<125x128xf32, #tpu.memory_space<hbm>>) target(%arg21 : memref<125x128xf32, #tpu.memory_space<vmem>>) target_semaphore(%arg25 : memref<!tpu.dma_semaphore, #tpu.memory_space<semaphore_mem>>)
    } else {
    }
    %scan3A_170 = arith.constant 0 : i32
    %scan3A_171 = arith.constant 25 : i32
    %scan3A_172 = arith.addi %scan3A_170, %scan3A_171 : i32
    %scan3A_173 = arith.constant 1 : i32
    scf.for %scan3A_195 = %scan3A_170 to %scan3A_172 step %scan3A_173  : i32 {
      %mul3A_196 = arith.constant 1 : i32
      %mul3A_197 = arith.muli %scan3A_195, %mul3A_196 : i32
      %add3A_198 = arith.constant 0 : i32
      %add3A_199 = arith.addi %add3A_198, %mul3A_197 : i32
      %mul3A_200 = arith.constant 2 : i32
      %mul3A_201 = arith.muli %mul3A_200, %add3A_199 : i32
      %add3A_202 = arith.constant 0 : i32
      %add3A_203 = arith.addi %mul3A_201, %add3A_202 : i32
      %dma_wait3A = arith.constant 0 : i32
      %dma_wait3A_204 = tpu.memref_slice %arg2[%dma_wait3A] : memref<800000xi32, #tpu.memory_space<hbm>> -> memref<1000xi32, #tpu.memory_space<hbm>>
      %dma_wait3A_205 = arith.constant 0 : i32
      %dma_wait3A_206 = tpu.memref_slice %arg2[%dma_wait3A_205] : memref<800000xi32, #tpu.memory_space<hbm>> -> memref<1000xi32, #tpu.memory_space<hbm>>
      tpu.wait_dma2 semaphore(%arg22 : memref<!tpu.dma_semaphore, #tpu.memory_space<semaphore_mem>>) src(%dma_wait3A_206 : memref<1000xi32, #tpu.memory_space<hbm>>) dst(%arg16 : memref<1000xi32, #tpu.memory_space<vmem>>)
      %dma_wait3A_207 = arith.constant 0 : i32
      %dma_wait3A_208 = arith.constant 0 : i32
      %dma_wait3A_209 = tpu.memref_slice %arg4[%dma_wait3A_207, %dma_wait3A_208] : memref<100000x128xf32, #tpu.memory_space<hbm>> -> memref<125x128xf32, #tpu.memory_space<hbm>>
      %dma_wait3A_210 = arith.constant 0 : i32
      %dma_wait3A_211 = arith.constant 0 : i32
      %dma_wait3A_212 = tpu.memref_slice %arg4[%dma_wait3A_210, %dma_wait3A_211] : memref<100000x128xf32, #tpu.memory_space<hbm>> -> memref<125x128xf32, #tpu.memory_space<hbm>>
      tpu.wait_dma2 semaphore(%arg24 : memref<!tpu.dma_semaphore, #tpu.memory_space<semaphore_mem>>) src(%dma_wait3A_212 : memref<125x128xf32, #tpu.memory_space<hbm>>) dst(%arg20 : memref<125x128xf32, #tpu.memory_space<vmem>>)
      %scan3A_213 = arith.constant 0 : i32
      %scan3A_214 = arith.constant 125 : i32
      %scan3A_215 = arith.addi %scan3A_213, %scan3A_214 : i32
      %scan3A_216 = arith.constant 1 : i32
      scf.for %scan3A_264 = %scan3A_213 to %scan3A_215 step %scan3A_216  : i32 {
        %mul3A_265 = arith.constant 1 : i32
        %mul3A_266 = arith.muli %scan3A_264, %mul3A_265 : i32
        %add3A_267 = arith.constant 0 : i32
        %add3A_268 = arith.addi %add3A_267, %mul3A_266 : i32
        %get3A = arith.index_cast %add3A_268 : i32 to index
        %get3A_269 = arith.constant 0 : index
        %get3A_270 = tpu.vector_load %arg20[%get3A, %get3A_269] {strides = array<i32>} : memref<125x128xf32, #tpu.memory_space<vmem>>, vector<1x16xf32>,
        %get3A_271 = vector.shape_cast %get3A_270 : vector<1x16xf32> to vector<16xf32>
        %mul3A_272 = arith.constant 8 : i32
        %mul3A_273 = arith.muli %add3A_268, %mul3A_272 : i32
        %add3A_274 = arith.constant 0 : i32
        %add3A_275 = arith.addi %mul3A_273, %add3A_274 : i32
        %swap3A = arith.index_cast %add3A_275 : i32 to index
        %swap3A_276 = arith.constant 0 : index
        %swap3A_277 = tpu.vector_load %arg18[%swap3A, %swap3A_276] {strides = array<i32>} : memref<1000x16xf32, #tpu.memory_space<vmem>>, vector<1x16xf32>,
        %swap3A_278 = vector.shape_cast %swap3A_277 : vector<1x16xf32> to vector<16xf32>
        %swap3A_279 = vector.shape_cast %get3A_271 : vector<16xf32> to vector<1x16xf32>
        tpu.vector_store %arg18[%swap3A, %swap3A_276], %swap3A_279 {strides = array<i32>} : memref<1000x16xf32, #tpu.memory_space<vmem>>, vector<1x16xf32>,
        %get3A_280 = arith.index_cast %add3A_268 : i32 to index
        %get3A_281 = arith.constant 16 : index
        %get3A_282 = tpu.vector_load %arg20[%get3A_280, %get3A_281] {strides = array<i32>} : memref<125x128xf32, #tpu.memory_space<vmem>>, vector<1x16xf32>,
        %get3A_283 = vector.shape_cast %get3A_282 : vector<1x16xf32> to vector<16xf32>
        %mul3A_284 = arith.constant 8 : i32
        %mul3A_285 = arith.muli %add3A_268, %mul3A_284 : i32
        %add3A_286 = arith.constant 1 : i32
        %add3A_287 = arith.addi %mul3A_285, %add3A_286 : i32
        %swap3A_288 = arith.index_cast %add3A_287 : i32 to index
        %swap3A_289 = arith.constant 0 : index
        %swap3A_290 = tpu.vector_load %arg18[%swap3A_288, %swap3A_289] {strides = array<i32>} : memref<1000x16xf32, #tpu.memory_space<vmem>>, vector<1x16xf32>,
        %swap3A_291 = vector.shape_cast %swap3A_290 : vector<1x16xf32> to vector<16xf32>
        %swap3A_292 = vector.shape_cast %get3A_283 : vector<16xf32> to vector<1x16xf32>
        tpu.vector_store %arg18[%swap3A_288, %swap3A_289], %swap3A_292 {strides = array<i32>} : memref<1000x16xf32, #tpu.memory_space<vmem>>, vector<1x16xf32>,
        %get3A_293 = arith.index_cast %add3A_268 : i32 to index
        %get3A_294 = arith.constant 32 : index
        %get3A_295 = tpu.vector_load %arg20[%get3A_293, %get3A_294] {strides = array<i32>} : memref<125x128xf32, #tpu.memory_space<vmem>>, vector<1x16xf32>,
        %get3A_296 = vector.shape_cast %get3A_295 : vector<1x16xf32> to vector<16xf32>
        %mul3A_297 = arith.constant 8 : i32
        %mul3A_298 = arith.muli %add3A_268, %mul3A_297 : i32
        %add3A_299 = arith.constant 2 : i32
        %add3A_300 = arith.addi %mul3A_298, %add3A_299 : i32
        %swap3A_301 = arith.index_cast %add3A_300 : i32 to index
        %swap3A_302 = arith.constant 0 : index
        %swap3A_303 = tpu.vector_load %arg18[%swap3A_301, %swap3A_302] {strides = array<i32>} : memref<1000x16xf32, #tpu.memory_space<vmem>>, vector<1x16xf32>,
        %swap3A_304 = vector.shape_cast %swap3A_303 : vector<1x16xf32> to vector<16xf32>
        %swap3A_305 = vector.shape_cast %get3A_296 : vector<16xf32> to vector<1x16xf32>
        tpu.vector_store %arg18[%swap3A_301, %swap3A_302], %swap3A_305 {strides = array<i32>} : memref<1000x16xf32, #tpu.memory_space<vmem>>, vector<1x16xf32>,
        %get3A_306 = arith.index_cast %add3A_268 : i32 to index
        %get3A_307 = arith.constant 48 : index
        %get3A_308 = tpu.vector_load %arg20[%get3A_306, %get3A_307] {strides = array<i32>} : memref<125x128xf32, #tpu.memory_space<vmem>>, vector<1x16xf32>,
        %get3A_309 = vector.shape_cast %get3A_308 : vector<1x16xf32> to vector<16xf32>
        %mul3A_310 = arith.constant 8 : i32
        %mul3A_311 = arith.muli %add3A_268, %mul3A_310 : i32
        %add3A_312 = arith.constant 3 : i32
        %add3A_313 = arith.addi %mul3A_311, %add3A_312 : i32
        %swap3A_314 = arith.index_cast %add3A_313 : i32 to index
        %swap3A_315 = arith.constant 0 : index
        %swap3A_316 = tpu.vector_load %arg18[%swap3A_314, %swap3A_315] {strides = array<i32>} : memref<1000x16xf32, #tpu.memory_space<vmem>>, vector<1x16xf32>,
        %swap3A_317 = vector.shape_cast %swap3A_316 : vector<1x16xf32> to vector<16xf32>
        %swap3A_318 = vector.shape_cast %get3A_309 : vector<16xf32> to vector<1x16xf32>
        tpu.vector_store %arg18[%swap3A_314, %swap3A_315], %swap3A_318 {strides = array<i32>} : memref<1000x16xf32, #tpu.memory_space<vmem>>, vector<1x16xf32>,
        %get3A_319 = arith.index_cast %add3A_268 : i32 to index
        %get3A_320 = arith.constant 64 : index
        %get3A_321 = tpu.vector_load %arg20[%get3A_319, %get3A_320] {strides = array<i32>} : memref<125x128xf32, #tpu.memory_space<vmem>>, vector<1x16xf32>,
        %get3A_322 = vector.shape_cast %get3A_321 : vector<1x16xf32> to vector<16xf32>
        %mul3A_323 = arith.constant 8 : i32
        %mul3A_324 = arith.muli %add3A_268, %mul3A_323 : i32
        %add3A_325 = arith.constant 4 : i32
        %add3A_326 = arith.addi %mul3A_324, %add3A_325 : i32
        %swap3A_327 = arith.index_cast %add3A_326 : i32 to index
        %swap3A_328 = arith.constant 0 : index
        %swap3A_329 = tpu.vector_load %arg18[%swap3A_327, %swap3A_328] {strides = array<i32>} : memref<1000x16xf32, #tpu.memory_space<vmem>>, vector<1x16xf32>,
        %swap3A_330 = vector.shape_cast %swap3A_329 : vector<1x16xf32> to vector<16xf32>
        %swap3A_331 = vector.shape_cast %get3A_322 : vector<16xf32> to vector<1x16xf32>
        tpu.vector_store %arg18[%swap3A_327, %swap3A_328], %swap3A_331 {strides = array<i32>} : memref<1000x16xf32, #tpu.memory_space<vmem>>, vector<1x16xf32>,
        %get3A_332 = arith.index_cast %add3A_268 : i32 to index
        %get3A_333 = arith.constant 80 : index
        %get3A_334 = tpu.vector_load %arg20[%get3A_332, %get3A_333] {strides = array<i32>} : memref<125x128xf32, #tpu.memory_space<vmem>>, vector<1x16xf32>,
        %get3A_335 = vector.shape_cast %get3A_334 : vector<1x16xf32> to vector<16xf32>
        %mul3A_336 = arith.constant 8 : i32
        %mul3A_337 = arith.muli %add3A_268, %mul3A_336 : i32
        %add3A_338 = arith.constant 5 : i32
        %add3A_339 = arith.addi %mul3A_337, %add3A_338 : i32
        %swap3A_340 = arith.index_cast %add3A_339 : i32 to index
        %swap3A_341 = arith.constant 0 : index
        %swap3A_342 = tpu.vector_load %arg18[%swap3A_340, %swap3A_341] {strides = array<i32>} : memref<1000x16xf32, #tpu.memory_space<vmem>>, vector<1x16xf32>,
        %swap3A_343 = vector.shape_cast %swap3A_342 : vector<1x16xf32> to vector<16xf32>
        %swap3A_344 = vector.shape_cast %get3A_335 : vector<16xf32> to vector<1x16xf32>
        tpu.vector_store %arg18[%swap3A_340, %swap3A_341], %swap3A_344 {strides = array<i32>} : memref<1000x16xf32, #tpu.memory_space<vmem>>, vector<1x16xf32>,
        %get3A_345 = arith.index_cast %add3A_268 : i32 to index
        %get3A_346 = arith.constant 96 : index
        %get3A_347 = tpu.vector_load %arg20[%get3A_345, %get3A_346] {strides = array<i32>} : memref<125x128xf32, #tpu.memory_space<vmem>>, vector<1x16xf32>,
        %get3A_348 = vector.shape_cast %get3A_347 : vector<1x16xf32> to vector<16xf32>
        %mul3A_349 = arith.constant 8 : i32
        %mul3A_350 = arith.muli %add3A_268, %mul3A_349 : i32
        %add3A_351 = arith.constant 6 : i32
        %add3A_352 = arith.addi %mul3A_350, %add3A_351 : i32
        %swap3A_353 = arith.index_cast %add3A_352 : i32 to index
        %swap3A_354 = arith.constant 0 : index
        %swap3A_355 = tpu.vector_load %arg18[%swap3A_353, %swap3A_354] {strides = array<i32>} : memref<1000x16xf32, #tpu.memory_space<vmem>>, vector<1x16xf32>,
        %swap3A_356 = vector.shape_cast %swap3A_355 : vector<1x16xf32> to vector<16xf32>
        %swap3A_357 = vector.shape_cast %get3A_348 : vector<16xf32> to vector<1x16xf32>
        tpu.vector_store %arg18[%swap3A_353, %swap3A_354], %swap3A_357 {strides = array<i32>} : memref<1000x16xf32, #tpu.memory_space<vmem>>, vector<1x16xf32>,
        %get3A_358 = arith.index_cast %add3A_268 : i32 to index
        %get3A_359 = arith.constant 112 : index
        %get3A_360 = tpu.vector_load %arg20[%get3A_358, %get3A_359] {strides = array<i32>} : memref<125x128xf32, #tpu.memory_space<vmem>>, vector<1x16xf32>,
        %get3A_361 = vector.shape_cast %get3A_360 : vector<1x16xf32> to vector<16xf32>
        %mul3A_362 = arith.constant 8 : i32
        %mul3A_363 = arith.muli %add3A_268, %mul3A_362 : i32
        %add3A_364 = arith.constant 7 : i32
        %add3A_365 = arith.addi %mul3A_363, %add3A_364 : i32
        %swap3A_366 = arith.index_cast %add3A_365 : i32 to index
        %swap3A_367 = arith.constant 0 : index
        %swap3A_368 = tpu.vector_load %arg18[%swap3A_366, %swap3A_367] {strides = array<i32>} : memref<1000x16xf32, #tpu.memory_space<vmem>>, vector<1x16xf32>,
        %swap3A_369 = vector.shape_cast %swap3A_368 : vector<1x16xf32> to vector<16xf32>
        %swap3A_370 = vector.shape_cast %get3A_361 : vector<16xf32> to vector<1x16xf32>
        tpu.vector_store %arg18[%swap3A_366, %swap3A_367], %swap3A_370 {strides = array<i32>} : memref<1000x16xf32, #tpu.memory_space<vmem>>, vector<1x16xf32>,
      }
      %scan3A_217 = arith.constant 125 : i32
      "tpu.region"() ({
        %run_scoped3A = tpu.sem_alloc : memref<!tpu.dma_semaphore, #tpu.memory_space<semaphore_mem>>
        %dma_start3A_264 = arith.constant 0 : i32
        %dma_start3A_265 = arith.constant 0 : i32
        %dma_start3A_266 = tpu.memref_slice %arg26[%dma_start3A_264, %dma_start3A_265] : memref<50000x16xf32, #tpu.memory_space<vmem_shared>> -> memref<50000x16xf32, #tpu.memory_space<vmem_shared>>
        tpu.enqueue_indirect_dma source(%arg18 : memref<1000x16xf32, #tpu.memory_space<vmem>>) target(%dma_start3A_266 : memref<50000x16xf32, #tpu.memory_space<vmem_shared>>) offsets(%arg16 : memref<1000xi32, #tpu.memory_space<vmem>>) semaphore(%run_scoped3A : memref<!tpu.dma_semaphore, #tpu.memory_space<semaphore_mem>>) {add = true}
        %dma_wait3A_267 = arith.constant 0 : i32
        %dma_wait3A_268 = arith.constant 0 : i32
        %dma_wait3A_269 = tpu.memref_slice %arg26[%dma_wait3A_267, %dma_wait3A_268] : memref<50000x16xf32, #tpu.memory_space<vmem_shared>> -> memref<50000x16xf32, #tpu.memory_space<vmem_shared>>
        tpu.wait_indirect_dma semaphore(%run_scoped3A : memref<!tpu.dma_semaphore, #tpu.memory_space<semaphore_mem>>) src(%arg18 : memref<1000x16xf32, #tpu.memory_space<vmem>>) dst(%dma_wait3A_269 : memref<50000x16xf32, #tpu.memory_space<vmem_shared>>)
        tpu.yield
      }) : () -> ()
      %add3A_218 = arith.constant 2 : i32
      %add3A_219 = arith.addi %add3A_203, %add3A_218 : i32
      %lt3A = arith.constant 50 : i32
      %lt3A_220 = arith.cmpi slt, %add3A_219, %lt3A : i32
      %convert_element_type3A_221 = arith.extui %lt3A_220 : i1 to i32
      %cond3A_222 = arith.constant 0 : i32
      %cond3A_223 = arith.cmpi ne, %convert_element_type3A_221, %cond3A_222 : i32
      scf.if %cond3A_223 {
        %mul3A_264 = arith.constant 1000 : i32
        %mul3A_265 = arith.muli %add3A_219, %mul3A_264 : i32
        %add3A_266 = arith.addi %mul3A_0, %mul3A_265 : i32
        %dma_start3A_267 = tpu.memref_slice %arg2[%add3A_266] : memref<800000xi32, #tpu.memory_space<hbm>> -> memref<1000xi32, #tpu.memory_space<hbm>>
        %dma_start3A_268 = tpu.memref_slice %arg2[%add3A_266] : memref<800000xi32, #tpu.memory_space<hbm>> -> memref<1000xi32, #tpu.memory_space<hbm>>
        tpu.enqueue_dma source(%dma_start3A_268 : memref<1000xi32, #tpu.memory_space<hbm>>) target(%arg16 : memref<1000xi32, #tpu.memory_space<vmem>>) target_semaphore(%arg22 : memref<!tpu.dma_semaphore, #tpu.memory_space<semaphore_mem>>)
      } else {
      }
      %add3A_224 = arith.constant 2 : i32
      %add3A_225 = arith.addi %add3A_203, %add3A_224 : i32
      %lt3A_226 = arith.constant 50 : i32
      %lt3A_227 = arith.cmpi slt, %add3A_225, %lt3A_226 : i32
      %convert_element_type3A_228 = arith.extui %lt3A_227 : i1 to i32
      %cond3A_229 = arith.constant 0 : i32
      %cond3A_230 = arith.cmpi ne, %convert_element_type3A_228, %cond3A_229 : i32
      scf.if %cond3A_230 {
        %mul3A_264 = arith.constant 1000 : i32
        %mul3A_265 = arith.muli %add3A_225, %mul3A_264 : i32
        %add3A_266 = arith.addi %mul3A_0, %mul3A_265 : i32
        %jit3A_267 = arith.constant 8 : i32
        %div3A_268 = arith.divsi %add3A_266, %jit3A_267 : i32
        %sign3A_269 = arith.constant 0 : i32
        %sign3A_270 = arith.cmpi sgt, %add3A_266, %sign3A_269 : i32
        %sign3A_271 = arith.extui %sign3A_270 : i1 to i32
        %sign3A_272 = arith.constant 0 : i32
        %sign3A_273 = arith.cmpi slt, %add3A_266, %sign3A_272 : i32
        %sign3A_274 = arith.extui %sign3A_273 : i1 to i32
        %sign3A_275 = arith.subi %sign3A_271, %sign3A_274 : i32
        %sign3A_276 = arith.constant 0 : i32
        %sign3A_277 = arith.cmpi sgt, %jit3A_267, %sign3A_276 : i32
        %sign3A_278 = arith.extui %sign3A_277 : i1 to i32
        %sign3A_279 = arith.constant 0 : i32
        %sign3A_280 = arith.cmpi slt, %jit3A_267, %sign3A_279 : i32
        %sign3A_281 = arith.extui %sign3A_280 : i1 to i32
        %sign3A_282 = arith.subi %sign3A_278, %sign3A_281 : i32
        %ne3A_283 = arith.cmpi ne, %sign3A_275, %sign3A_282 : i32
        %rem3A_284 = arith.remsi %add3A_266, %jit3A_267 : i32
        %ne3A_285 = arith.constant 0 : i32
        %ne3A_286 = arith.cmpi ne, %rem3A_284, %ne3A_285 : i32
        %and3A_287 = arith.andi %ne3A_283, %ne3A_286 : i1
        %sub3A_288 = arith.constant 1 : i32
        %sub3A_289 = arith.subi %div3A_268, %sub3A_288 : i32
        %select_n3A_290 = arith.select %and3A_287, %sub3A_289, %div3A_268 : i32
        %eq3A_291 = arith.constant 0 : i32
        %eq3A_292 = arith.cmpi eq, %arg0, %eq3A_291 : i32
        %convert_element_type3A_293 = arith.extui %eq3A_292 : i1 to i32
        %cond3A_294 = arith.constant 0 : i32
        %cond3A_295 = arith.cmpi ne, %convert_element_type3A_293, %cond3A_294 : i32
        scf.if %cond3A_295 {
          %dma_start3A_301 = arith.constant 0 : i32
          %dma_start3A_302 = tpu.memref_slice %arg4[%select_n3A_290, %dma_start3A_301] : memref<100000x128xf32, #tpu.memory_space<hbm>> -> memref<125x128xf32, #tpu.memory_space<hbm>>
          %dma_start3A_303 = arith.constant 0 : i32
          %dma_start3A_304 = tpu.memref_slice %arg4[%select_n3A_290, %dma_start3A_303] : memref<100000x128xf32, #tpu.memory_space<hbm>> -> memref<125x128xf32, #tpu.memory_space<hbm>>
          tpu.enqueue_dma source(%dma_start3A_304 : memref<125x128xf32, #tpu.memory_space<hbm>>) target(%arg20 : memref<125x128xf32, #tpu.memory_space<vmem>>) target_semaphore(%arg24 : memref<!tpu.dma_semaphore, #tpu.memory_space<semaphore_mem>>)
        } else {
        }
        %eq3A_296 = arith.constant 1 : i32
        %eq3A_297 = arith.cmpi eq, %arg0, %eq3A_296 : i32
        %convert_element_type3A_298 = arith.extui %eq3A_297 : i1 to i32
        %cond3A_299 = arith.constant 0 : i32
        %cond3A_300 = arith.cmpi ne, %convert_element_type3A_298, %cond3A_299 : i32
        scf.if %cond3A_300 {
          %dma_start3A_301 = arith.constant 0 : i32
          %dma_start3A_302 = tpu.memref_slice %arg6[%select_n3A_290, %dma_start3A_301] : memref<100000x128xf32, #tpu.memory_space<hbm>> -> memref<125x128xf32, #tpu.memory_space<hbm>>
          %dma_start3A_303 = arith.constant 0 : i32
          %dma_start3A_304 = tpu.memref_slice %arg6[%select_n3A_290, %dma_start3A_303] : memref<100000x128xf32, #tpu.memory_space<hbm>> -> memref<125x128xf32, #tpu.memory_space<hbm>>
          tpu.enqueue_dma source(%dma_start3A_304 : memref<125x128xf32, #tpu.memory_space<hbm>>) target(%arg20 : memref<125x128xf32, #tpu.memory_space<vmem>>) target_semaphore(%arg24 : memref<!tpu.dma_semaphore, #tpu.memory_space<semaphore_mem>>)
        } else {
        }
      } else {
      }
      %mul3A_231 = arith.constant 2 : i32
      %mul3A_232 = arith.muli %mul3A_231, %add3A_199 : i32
      %add3A_233 = arith.constant 1 : i32
      %add3A_234 = arith.addi %mul3A_232, %add3A_233 : i32
      %dma_wait3A_235 = arith.constant 0 : i32
      %dma_wait3A_236 = tpu.memref_slice %arg2[%dma_wait3A_235] : memref<800000xi32, #tpu.memory_space<hbm>> -> memref<1000xi32, #tpu.memory_space<hbm>>
      %dma_wait3A_237 = arith.constant 0 : i32
      %dma_wait3A_238 = tpu.memref_slice %arg2[%dma_wait3A_237] : memref<800000xi32, #tpu.memory_space<hbm>> -> memref<1000xi32, #tpu.memory_space<hbm>>
      tpu.wait_dma2 semaphore(%arg23 : memref<!tpu.dma_semaphore, #tpu.memory_space<semaphore_mem>>) src(%dma_wait3A_238 : memref<1000xi32, #tpu.memory_space<hbm>>) dst(%arg17 : memref<1000xi32, #tpu.memory_space<vmem>>)
      %dma_wait3A_239 = arith.constant 0 : i32
      %dma_wait3A_240 = arith.constant 0 : i32
      %dma_wait3A_241 = tpu.memref_slice %arg4[%dma_wait3A_239, %dma_wait3A_240] : memref<100000x128xf32, #tpu.memory_space<hbm>> -> memref<125x128xf32, #tpu.memory_space<hbm>>
      %dma_wait3A_242 = arith.constant 0 : i32
      %dma_wait3A_243 = arith.constant 0 : i32
      %dma_wait3A_244 = tpu.memref_slice %arg4[%dma_wait3A_242, %dma_wait3A_243] : memref<100000x128xf32, #tpu.memory_space<hbm>> -> memref<125x128xf32, #tpu.memory_space<hbm>>
      tpu.wait_dma2 semaphore(%arg25 : memref<!tpu.dma_semaphore, #tpu.memory_space<semaphore_mem>>) src(%dma_wait3A_244 : memref<125x128xf32, #tpu.memory_space<hbm>>) dst(%arg21 : memref<125x128xf32, #tpu.memory_space<vmem>>)
      %scan3A_245 = arith.constant 0 : i32
      %scan3A_246 = arith.constant 125 : i32
      %scan3A_247 = arith.addi %scan3A_245, %scan3A_246 : i32
      %scan3A_248 = arith.constant 1 : i32
      scf.for %scan3A_264 = %scan3A_245 to %scan3A_247 step %scan3A_248  : i32 {
        %mul3A_265 = arith.constant 1 : i32
        %mul3A_266 = arith.muli %scan3A_264, %mul3A_265 : i32
        %add3A_267 = arith.constant 0 : i32
        %add3A_268 = arith.addi %add3A_267, %mul3A_266 : i32
        %get3A = arith.index_cast %add3A_268 : i32 to index
        %get3A_269 = arith.constant 0 : index
        %get3A_270 = tpu.vector_load %arg21[%get3A, %get3A_269] {strides = array<i32>} : memref<125x128xf32, #tpu.memory_space<vmem>>, vector<1x16xf32>,
        %get3A_271 = vector.shape_cast %get3A_270 : vector<1x16xf32> to vector<16xf32>
        %mul3A_272 = arith.constant 8 : i32
        %mul3A_273 = arith.muli %add3A_268, %mul3A_272 : i32
        %add3A_274 = arith.constant 0 : i32
        %add3A_275 = arith.addi %mul3A_273, %add3A_274 : i32
        %swap3A = arith.index_cast %add3A_275 : i32 to index
        %swap3A_276 = arith.constant 0 : index
        %swap3A_277 = tpu.vector_load %arg19[%swap3A, %swap3A_276] {strides = array<i32>} : memref<1000x16xf32, #tpu.memory_space<vmem>>, vector<1x16xf32>,
        %swap3A_278 = vector.shape_cast %swap3A_277 : vector<1x16xf32> to vector<16xf32>
        %swap3A_279 = vector.shape_cast %get3A_271 : vector<16xf32> to vector<1x16xf32>
        tpu.vector_store %arg19[%swap3A, %swap3A_276], %swap3A_279 {strides = array<i32>} : memref<1000x16xf32, #tpu.memory_space<vmem>>, vector<1x16xf32>,
        %get3A_280 = arith.index_cast %add3A_268 : i32 to index
        %get3A_281 = arith.constant 16 : index
        %get3A_282 = tpu.vector_load %arg21[%get3A_280, %get3A_281] {strides = array<i32>} : memref<125x128xf32, #tpu.memory_space<vmem>>, vector<1x16xf32>,
        %get3A_283 = vector.shape_cast %get3A_282 : vector<1x16xf32> to vector<16xf32>
        %mul3A_284 = arith.constant 8 : i32
        %mul3A_285 = arith.muli %add3A_268, %mul3A_284 : i32
        %add3A_286 = arith.constant 1 : i32
        %add3A_287 = arith.addi %mul3A_285, %add3A_286 : i32
        %swap3A_288 = arith.index_cast %add3A_287 : i32 to index
        %swap3A_289 = arith.constant 0 : index
        %swap3A_290 = tpu.vector_load %arg19[%swap3A_288, %swap3A_289] {strides = array<i32>} : memref<1000x16xf32, #tpu.memory_space<vmem>>, vector<1x16xf32>,
        %swap3A_291 = vector.shape_cast %swap3A_290 : vector<1x16xf32> to vector<16xf32>
        %swap3A_292 = vector.shape_cast %get3A_283 : vector<16xf32> to vector<1x16xf32>
        tpu.vector_store %arg19[%swap3A_288, %swap3A_289], %swap3A_292 {strides = array<i32>} : memref<1000x16xf32, #tpu.memory_space<vmem>>, vector<1x16xf32>,
        %get3A_293 = arith.index_cast %add3A_268 : i32 to index
        %get3A_294 = arith.constant 32 : index
        %get3A_295 = tpu.vector_load %arg21[%get3A_293, %get3A_294] {strides = array<i32>} : memref<125x128xf32, #tpu.memory_space<vmem>>, vector<1x16xf32>,
        %get3A_296 = vector.shape_cast %get3A_295 : vector<1x16xf32> to vector<16xf32>
        %mul3A_297 = arith.constant 8 : i32
        %mul3A_298 = arith.muli %add3A_268, %mul3A_297 : i32
        %add3A_299 = arith.constant 2 : i32
        %add3A_300 = arith.addi %mul3A_298, %add3A_299 : i32
        %swap3A_301 = arith.index_cast %add3A_300 : i32 to index
        %swap3A_302 = arith.constant 0 : index
        %swap3A_303 = tpu.vector_load %arg19[%swap3A_301, %swap3A_302] {strides = array<i32>} : memref<1000x16xf32, #tpu.memory_space<vmem>>, vector<1x16xf32>,
        %swap3A_304 = vector.shape_cast %swap3A_303 : vector<1x16xf32> to vector<16xf32>
        %swap3A_305 = vector.shape_cast %get3A_296 : vector<16xf32> to vector<1x16xf32>
        tpu.vector_store %arg19[%swap3A_301, %swap3A_302], %swap3A_305 {strides = array<i32>} : memref<1000x16xf32, #tpu.memory_space<vmem>>, vector<1x16xf32>,
        %get3A_306 = arith.index_cast %add3A_268 : i32 to index
        %get3A_307 = arith.constant 48 : index
        %get3A_308 = tpu.vector_load %arg21[%get3A_306, %get3A_307] {strides = array<i32>} : memref<125x128xf32, #tpu.memory_space<vmem>>, vector<1x16xf32>,
        %get3A_309 = vector.shape_cast %get3A_308 : vector<1x16xf32> to vector<16xf32>
        %mul3A_310 = arith.constant 8 : i32
        %mul3A_311 = arith.muli %add3A_268, %mul3A_310 : i32
        %add3A_312 = arith.constant 3 : i32
        %add3A_313 = arith.addi %mul3A_311, %add3A_312 : i32
        %swap3A_314 = arith.index_cast %add3A_313 : i32 to index
        %swap3A_315 = arith.constant 0 : index
        %swap3A_316 = tpu.vector_load %arg19[%swap3A_314, %swap3A_315] {strides = array<i32>} : memref<1000x16xf32, #tpu.memory_space<vmem>>, vector<1x16xf32>,
        %swap3A_317 = vector.shape_cast %swap3A_316 : vector<1x16xf32> to vector<16xf32>
        %swap3A_318 = vector.shape_cast %get3A_309 : vector<16xf32> to vector<1x16xf32>
        tpu.vector_store %arg19[%swap3A_314, %swap3A_315], %swap3A_318 {strides = array<i32>} : memref<1000x16xf32, #tpu.memory_space<vmem>>, vector<1x16xf32>,
        %get3A_319 = arith.index_cast %add3A_268 : i32 to index
        %get3A_320 = arith.constant 64 : index
        %get3A_321 = tpu.vector_load %arg21[%get3A_319, %get3A_320] {strides = array<i32>} : memref<125x128xf32, #tpu.memory_space<vmem>>, vector<1x16xf32>,
        %get3A_322 = vector.shape_cast %get3A_321 : vector<1x16xf32> to vector<16xf32>
        %mul3A_323 = arith.constant 8 : i32
        %mul3A_324 = arith.muli %add3A_268, %mul3A_323 : i32
        %add3A_325 = arith.constant 4 : i32
        %add3A_326 = arith.addi %mul3A_324, %add3A_325 : i32
        %swap3A_327 = arith.index_cast %add3A_326 : i32 to index
        %swap3A_328 = arith.constant 0 : index
        %swap3A_329 = tpu.vector_load %arg19[%swap3A_327, %swap3A_328] {strides = array<i32>} : memref<1000x16xf32, #tpu.memory_space<vmem>>, vector<1x16xf32>,
        %swap3A_330 = vector.shape_cast %swap3A_329 : vector<1x16xf32> to vector<16xf32>
        %swap3A_331 = vector.shape_cast %get3A_322 : vector<16xf32> to vector<1x16xf32>
        tpu.vector_store %arg19[%swap3A_327, %swap3A_328], %swap3A_331 {strides = array<i32>} : memref<1000x16xf32, #tpu.memory_space<vmem>>, vector<1x16xf32>,
        %get3A_332 = arith.index_cast %add3A_268 : i32 to index
        %get3A_333 = arith.constant 80 : index
        %get3A_334 = tpu.vector_load %arg21[%get3A_332, %get3A_333] {strides = array<i32>} : memref<125x128xf32, #tpu.memory_space<vmem>>, vector<1x16xf32>,
        %get3A_335 = vector.shape_cast %get3A_334 : vector<1x16xf32> to vector<16xf32>
        %mul3A_336 = arith.constant 8 : i32
        %mul3A_337 = arith.muli %add3A_268, %mul3A_336 : i32
        %add3A_338 = arith.constant 5 : i32
        %add3A_339 = arith.addi %mul3A_337, %add3A_338 : i32
        %swap3A_340 = arith.index_cast %add3A_339 : i32 to index
        %swap3A_341 = arith.constant 0 : index
        %swap3A_342 = tpu.vector_load %arg19[%swap3A_340, %swap3A_341] {strides = array<i32>} : memref<1000x16xf32, #tpu.memory_space<vmem>>, vector<1x16xf32>,
        %swap3A_343 = vector.shape_cast %swap3A_342 : vector<1x16xf32> to vector<16xf32>
        %swap3A_344 = vector.shape_cast %get3A_335 : vector<16xf32> to vector<1x16xf32>
        tpu.vector_store %arg19[%swap3A_340, %swap3A_341], %swap3A_344 {strides = array<i32>} : memref<1000x16xf32, #tpu.memory_space<vmem>>, vector<1x16xf32>,
        %get3A_345 = arith.index_cast %add3A_268 : i32 to index
        %get3A_346 = arith.constant 96 : index
        %get3A_347 = tpu.vector_load %arg21[%get3A_345, %get3A_346] {strides = array<i32>} : memref<125x128xf32, #tpu.memory_space<vmem>>, vector<1x16xf32>,
        %get3A_348 = vector.shape_cast %get3A_347 : vector<1x16xf32> to vector<16xf32>
        %mul3A_349 = arith.constant 8 : i32
        %mul3A_350 = arith.muli %add3A_268, %mul3A_349 : i32
        %add3A_351 = arith.constant 6 : i32
        %add3A_352 = arith.addi %mul3A_350, %add3A_351 : i32
        %swap3A_353 = arith.index_cast %add3A_352 : i32 to index
        %swap3A_354 = arith.constant 0 : index
        %swap3A_355 = tpu.vector_load %arg19[%swap3A_353, %swap3A_354] {strides = array<i32>} : memref<1000x16xf32, #tpu.memory_space<vmem>>, vector<1x16xf32>,
        %swap3A_356 = vector.shape_cast %swap3A_355 : vector<1x16xf32> to vector<16xf32>
        %swap3A_357 = vector.shape_cast %get3A_348 : vector<16xf32> to vector<1x16xf32>
        tpu.vector_store %arg19[%swap3A_353, %swap3A_354], %swap3A_357 {strides = array<i32>} : memref<1000x16xf32, #tpu.memory_space<vmem>>, vector<1x16xf32>,
        %get3A_358 = arith.index_cast %add3A_268 : i32 to index
        %get3A_359 = arith.constant 112 : index
        %get3A_360 = tpu.vector_load %arg21[%get3A_358, %get3A_359] {strides = array<i32>} : memref<125x128xf32, #tpu.memory_space<vmem>>, vector<1x16xf32>,
        %get3A_361 = vector.shape_cast %get3A_360 : vector<1x16xf32> to vector<16xf32>
        %mul3A_362 = arith.constant 8 : i32
        %mul3A_363 = arith.muli %add3A_268, %mul3A_362 : i32
        %add3A_364 = arith.constant 7 : i32
        %add3A_365 = arith.addi %mul3A_363, %add3A_364 : i32
        %swap3A_366 = arith.index_cast %add3A_365 : i32 to index
        %swap3A_367 = arith.constant 0 : index
        %swap3A_368 = tpu.vector_load %arg19[%swap3A_366, %swap3A_367] {strides = array<i32>} : memref<1000x16xf32, #tpu.memory_space<vmem>>, vector<1x16xf32>,
        %swap3A_369 = vector.shape_cast %swap3A_368 : vector<1x16xf32> to vector<16xf32>
        %swap3A_370 = vector.shape_cast %get3A_361 : vector<16xf32> to vector<1x16xf32>
        tpu.vector_store %arg19[%swap3A_366, %swap3A_367], %swap3A_370 {strides = array<i32>} : memref<1000x16xf32, #tpu.memory_space<vmem>>, vector<1x16xf32>,
      }
      %scan3A_249 = arith.constant 125 : i32
      "tpu.region"() ({
        %run_scoped3A = tpu.sem_alloc : memref<!tpu.dma_semaphore, #tpu.memory_space<semaphore_mem>>
        %dma_start3A_264 = arith.constant 0 : i32
        %dma_start3A_265 = arith.constant 0 : i32
        %dma_start3A_266 = tpu.memref_slice %arg26[%dma_start3A_264, %dma_start3A_265] : memref<50000x16xf32, #tpu.memory_space<vmem_shared>> -> memref<50000x16xf32, #tpu.memory_space<vmem_shared>>
        tpu.enqueue_indirect_dma source(%arg19 : memref<1000x16xf32, #tpu.memory_space<vmem>>) target(%dma_start3A_266 : memref<50000x16xf32, #tpu.memory_space<vmem_shared>>) offsets(%arg17 : memref<1000xi32, #tpu.memory_space<vmem>>) semaphore(%run_scoped3A : memref<!tpu.dma_semaphore, #tpu.memory_space<semaphore_mem>>) {add = true}
        %dma_wait3A_267 = arith.constant 0 : i32
        %dma_wait3A_268 = arith.constant 0 : i32
        %dma_wait3A_269 = tpu.memref_slice %arg26[%dma_wait3A_267, %dma_wait3A_268] : memref<50000x16xf32, #tpu.memory_space<vmem_shared>> -> memref<50000x16xf32, #tpu.memory_space<vmem_shared>>
        tpu.wait_indirect_dma semaphore(%run_scoped3A : memref<!tpu.dma_semaphore, #tpu.memory_space<semaphore_mem>>) src(%arg19 : memref<1000x16xf32, #tpu.memory_space<vmem>>) dst(%dma_wait3A_269 : memref<50000x16xf32, #tpu.memory_space<vmem_shared>>)
        tpu.yield
      }) : () -> ()
      %add3A_250 = arith.constant 2 : i32
      %add3A_251 = arith.addi %add3A_234, %add3A_250 : i32
      %lt3A_252 = arith.constant 50 : i32
      %lt3A_253 = arith.cmpi slt, %add3A_251, %lt3A_252 : i32
      %convert_element_type3A_254 = arith.extui %lt3A_253 : i1 to i32
      %cond3A_255 = arith.constant 0 : i32
      %cond3A_256 = arith.cmpi ne, %convert_element_type3A_254, %cond3A_255 : i32
      scf.if %cond3A_256 {
        %mul3A_264 = arith.constant 1000 : i32
        %mul3A_265 = arith.muli %add3A_251, %mul3A_264 : i32
        %add3A_266 = arith.addi %mul3A_0, %mul3A_265 : i32
        %dma_start3A_267 = tpu.memref_slice %arg2[%add3A_266] : memref<800000xi32, #tpu.memory_space<hbm>> -> memref<1000xi32, #tpu.memory_space<hbm>>
        %dma_start3A_268 = tpu.memref_slice %arg2[%add3A_266] : memref<800000xi32, #tpu.memory_space<hbm>> -> memref<1000xi32, #tpu.memory_space<hbm>>
        tpu.enqueue_dma source(%dma_start3A_268 : memref<1000xi32, #tpu.memory_space<hbm>>) target(%arg17 : memref<1000xi32, #tpu.memory_space<vmem>>) target_semaphore(%arg23 : memref<!tpu.dma_semaphore, #tpu.memory_space<semaphore_mem>>)
      } else {
      }
      %add3A_257 = arith.constant 2 : i32
      %add3A_258 = arith.addi %add3A_234, %add3A_257 : i32
      %lt3A_259 = arith.constant 50 : i32
      %lt3A_260 = arith.cmpi slt, %add3A_258, %lt3A_259 : i32
      %convert_element_type3A_261 = arith.extui %lt3A_260 : i1 to i32
      %cond3A_262 = arith.constant 0 : i32
      %cond3A_263 = arith.cmpi ne, %convert_element_type3A_261, %cond3A_262 : i32
      scf.if %cond3A_263 {
        %mul3A_264 = arith.constant 1000 : i32
        %mul3A_265 = arith.muli %add3A_258, %mul3A_264 : i32
        %add3A_266 = arith.addi %mul3A_0, %mul3A_265 : i32
        %jit3A_267 = arith.constant 8 : i32
        %div3A_268 = arith.divsi %add3A_266, %jit3A_267 : i32
        %sign3A_269 = arith.constant 0 : i32
        %sign3A_270 = arith.cmpi sgt, %add3A_266, %sign3A_269 : i32
        %sign3A_271 = arith.extui %sign3A_270 : i1 to i32
        %sign3A_272 = arith.constant 0 : i32
        %sign3A_273 = arith.cmpi slt, %add3A_266, %sign3A_272 : i32
        %sign3A_274 = arith.extui %sign3A_273 : i1 to i32
        %sign3A_275 = arith.subi %sign3A_271, %sign3A_274 : i32
        %sign3A_276 = arith.constant 0 : i32
        %sign3A_277 = arith.cmpi sgt, %jit3A_267, %sign3A_276 : i32
        %sign3A_278 = arith.extui %sign3A_277 : i1 to i32
        %sign3A_279 = arith.constant 0 : i32
        %sign3A_280 = arith.cmpi slt, %jit3A_267, %sign3A_279 : i32
        %sign3A_281 = arith.extui %sign3A_280 : i1 to i32
        %sign3A_282 = arith.subi %sign3A_278, %sign3A_281 : i32
        %ne3A_283 = arith.cmpi ne, %sign3A_275, %sign3A_282 : i32
        %rem3A_284 = arith.remsi %add3A_266, %jit3A_267 : i32
        %ne3A_285 = arith.constant 0 : i32
        %ne3A_286 = arith.cmpi ne, %rem3A_284, %ne3A_285 : i32
        %and3A_287 = arith.andi %ne3A_283, %ne3A_286 : i1
        %sub3A_288 = arith.constant 1 : i32
        %sub3A_289 = arith.subi %div3A_268, %sub3A_288 : i32
        %select_n3A_290 = arith.select %and3A_287, %sub3A_289, %div3A_268 : i32
        %eq3A_291 = arith.constant 0 : i32
        %eq3A_292 = arith.cmpi eq, %arg0, %eq3A_291 : i32
        %convert_element_type3A_293 = arith.extui %eq3A_292 : i1 to i32
        %cond3A_294 = arith.constant 0 : i32
        %cond3A_295 = arith.cmpi ne, %convert_element_type3A_293, %cond3A_294 : i32
        scf.if %cond3A_295 {
          %dma_start3A_301 = arith.constant 0 : i32
          %dma_start3A_302 = tpu.memref_slice %arg4[%select_n3A_290, %dma_start3A_301] : memref<100000x128xf32, #tpu.memory_space<hbm>> -> memref<125x128xf32, #tpu.memory_space<hbm>>
          %dma_start3A_303 = arith.constant 0 : i32
          %dma_start3A_304 = tpu.memref_slice %arg4[%select_n3A_290, %dma_start3A_303] : memref<100000x128xf32, #tpu.memory_space<hbm>> -> memref<125x128xf32, #tpu.memory_space<hbm>>
          tpu.enqueue_dma source(%dma_start3A_304 : memref<125x128xf32, #tpu.memory_space<hbm>>) target(%arg21 : memref<125x128xf32, #tpu.memory_space<vmem>>) target_semaphore(%arg25 : memref<!tpu.dma_semaphore, #tpu.memory_space<semaphore_mem>>)
        } else {
        }
        %eq3A_296 = arith.constant 1 : i32
        %eq3A_297 = arith.cmpi eq, %arg0, %eq3A_296 : i32
        %convert_element_type3A_298 = arith.extui %eq3A_297 : i1 to i32
        %cond3A_299 = arith.constant 0 : i32
        %cond3A_300 = arith.cmpi ne, %convert_element_type3A_298, %cond3A_299 : i32
        scf.if %cond3A_300 {
          %dma_start3A_301 = arith.constant 0 : i32
          %dma_start3A_302 = tpu.memref_slice %arg6[%select_n3A_290, %dma_start3A_301] : memref<100000x128xf32, #tpu.memory_space<hbm>> -> memref<125x128xf32, #tpu.memory_space<hbm>>
          %dma_start3A_303 = arith.constant 0 : i32
          %dma_start3A_304 = tpu.memref_slice %arg6[%select_n3A_290, %dma_start3A_303] : memref<100000x128xf32, #tpu.memory_space<hbm>> -> memref<125x128xf32, #tpu.memory_space<hbm>>
          tpu.enqueue_dma source(%dma_start3A_304 : memref<125x128xf32, #tpu.memory_space<hbm>>) target(%arg21 : memref<125x128xf32, #tpu.memory_space<vmem>>) target_semaphore(%arg25 : memref<!tpu.dma_semaphore, #tpu.memory_space<semaphore_mem>>)
        } else {
        }
      } else {
      }
    }
    %scan3A_174 = arith.constant 25 : i32
    %barrier3A_175 = arith.constant 0 : index
    tpu.barrier barrier_id(%barrier3A_175)
    %eq3A_176 = arith.constant 0 : i32
    %eq3A_177 = arith.cmpi eq, %arg1, %eq3A_176 : i32
    %convert_element_type3A_178 = arith.extui %eq3A_177 : i1 to i32
    %cond3A_179 = arith.constant 0 : i32
    %cond3A_180 = arith.cmpi ne, %convert_element_type3A_178, %cond3A_179 : i32
    scf.if %cond3A_180 {
      %eq3A_195 = arith.constant 0 : i32
      %eq3A_196 = arith.cmpi eq, %arg0, %eq3A_195 : i32
      %convert_element_type3A_197 = arith.extui %eq3A_196 : i1 to i32
      %cond3A_198 = arith.constant 0 : i32
      %cond3A_199 = arith.cmpi ne, %convert_element_type3A_197, %cond3A_198 : i32
      scf.if %cond3A_199 {
        "tpu.region"() ({
          %run_scoped3A = tpu.sem_alloc : memref<!tpu.dma_semaphore, #tpu.memory_space<semaphore_mem>>
          tpu.enqueue_dma source(%arg26 : memref<50000x16xf32, #tpu.memory_space<vmem_shared>>) target(%arg9 : memref<50000x16xf32, #tpu.memory_space<hbm>>) target_semaphore(%run_scoped3A : memref<!tpu.dma_semaphore, #tpu.memory_space<semaphore_mem>>)
          tpu.wait_dma2 semaphore(%run_scoped3A : memref<!tpu.dma_semaphore, #tpu.memory_space<semaphore_mem>>) src(%arg26 : memref<50000x16xf32, #tpu.memory_space<vmem_shared>>) dst(%arg9 : memref<50000x16xf32, #tpu.memory_space<hbm>>)
          tpu.yield
        }) : () -> ()
      } else {
      }
      %eq3A_200 = arith.constant 1 : i32
      %eq3A_201 = arith.cmpi eq, %arg0, %eq3A_200 : i32
      %convert_element_type3A_202 = arith.extui %eq3A_201 : i1 to i32
      %cond3A_203 = arith.constant 0 : i32
      %cond3A_204 = arith.cmpi ne, %convert_element_type3A_202, %cond3A_203 : i32
      scf.if %cond3A_204 {
        "tpu.region"() ({
          %run_scoped3A = tpu.sem_alloc : memref<!tpu.dma_semaphore, #tpu.memory_space<semaphore_mem>>
          tpu.enqueue_dma source(%arg26 : memref<50000x16xf32, #tpu.memory_space<vmem_shared>>) target(%arg11 : memref<50000x16xf32, #tpu.memory_space<hbm>>) target_semaphore(%run_scoped3A : memref<!tpu.dma_semaphore, #tpu.memory_space<semaphore_mem>>)
          tpu.wait_dma2 semaphore(%run_scoped3A : memref<!tpu.dma_semaphore, #tpu.memory_space<semaphore_mem>>) src(%arg26 : memref<50000x16xf32, #tpu.memory_space<vmem_shared>>) dst(%arg11 : memref<50000x16xf32, #tpu.memory_space<hbm>>)
          tpu.yield
        }) : () -> ()
      } else {
      }
    } else {
    }
    %barrier3A_181 = arith.constant 0 : index
    tpu.barrier barrier_id(%barrier3A_181)
    %add3A_182 = arith.constant 0 : i32
    %add3A_183 = arith.addi %mul3A_0, %add3A_182 : i32
    %dma_start3A_184 = tpu.memref_slice %arg2[%add3A_183] : memref<800000xi32, #tpu.memory_space<hbm>> -> memref<1000xi32, #tpu.memory_space<hbm>>
    %dma_start3A_185 = tpu.memref_slice %arg2[%add3A_183] : memref<800000xi32, #tpu.memory_space<hbm>> -> memref<1000xi32, #tpu.memory_space<hbm>>
    tpu.enqueue_dma source(%dma_start3A_185 : memref<1000xi32, #tpu.memory_space<hbm>>) target(%arg16 : memref<1000xi32, #tpu.memory_space<vmem>>) target_semaphore(%arg22 : memref<!tpu.dma_semaphore, #tpu.memory_space<semaphore_mem>>)
    %add3A_186 = arith.constant 1000 : i32
    %add3A_187 = arith.addi %mul3A_0, %add3A_186 : i32
    %dma_start3A_188 = tpu.memref_slice %arg2[%add3A_187] : memref<800000xi32, #tpu.memory_space<hbm>> -> memref<1000xi32, #tpu.memory_space<hbm>>
    %dma_start3A_189 = tpu.memref_slice %arg2[%add3A_187] : memref<800000xi32, #tpu.memory_space<hbm>> -> memref<1000xi32, #tpu.memory_space<hbm>>
    tpu.enqueue_dma source(%dma_start3A_189 : memref<1000xi32, #tpu.memory_space<hbm>>) target(%arg17 : memref<1000xi32, #tpu.memory_space<vmem>>) target_semaphore(%arg23 : memref<!tpu.dma_semaphore, #tpu.memory_space<semaphore_mem>>)
    %scan3A_190 = arith.constant 0 : i32
    %scan3A_191 = arith.constant 25 : i32
    %scan3A_192 = arith.addi %scan3A_190, %scan3A_191 : i32
    %scan3A_193 = arith.constant 1 : i32
    scf.for %scan3A_195 = %scan3A_190 to %scan3A_192 step %scan3A_193  : i32 {
      %mul3A_196 = arith.constant 1 : i32
      %mul3A_197 = arith.muli %scan3A_195, %mul3A_196 : i32
      %add3A_198 = arith.constant 0 : i32
      %add3A_199 = arith.addi %add3A_198, %mul3A_197 : i32
      %mul3A_200 = arith.constant 2 : i32
      %mul3A_201 = arith.muli %mul3A_200, %add3A_199 : i32
      %add3A_202 = arith.constant 0 : i32
      %add3A_203 = arith.addi %mul3A_201, %add3A_202 : i32
      %mul3A_204 = arith.constant 1000 : i32
      %mul3A_205 = arith.muli %add3A_203, %mul3A_204 : i32
      %add3A_206 = arith.addi %mul3A_0, %mul3A_205 : i32
      %jit3A_207 = arith.constant 8 : i32
      %div3A_208 = arith.divsi %add3A_206, %jit3A_207 : i32
      %sign3A_209 = arith.constant 0 : i32
      %sign3A_210 = arith.cmpi sgt, %add3A_206, %sign3A_209 : i32
      %sign3A_211 = arith.extui %sign3A_210 : i1 to i32
      %sign3A_212 = arith.constant 0 : i32
      %sign3A_213 = arith.cmpi slt, %add3A_206, %sign3A_212 : i32
      %sign3A_214 = arith.extui %sign3A_213 : i1 to i32
      %sign3A_215 = arith.subi %sign3A_211, %sign3A_214 : i32
      %sign3A_216 = arith.constant 0 : i32
      %sign3A_217 = arith.cmpi sgt, %jit3A_207, %sign3A_216 : i32
      %sign3A_218 = arith.extui %sign3A_217 : i1 to i32
      %sign3A_219 = arith.constant 0 : i32
      %sign3A_220 = arith.cmpi slt, %jit3A_207, %sign3A_219 : i32
      %sign3A_221 = arith.extui %sign3A_220 : i1 to i32
      %sign3A_222 = arith.subi %sign3A_218, %sign3A_221 : i32
      %ne3A_223 = arith.cmpi ne, %sign3A_215, %sign3A_222 : i32
      %rem3A_224 = arith.remsi %add3A_206, %jit3A_207 : i32
      %ne3A_225 = arith.constant 0 : i32
      %ne3A_226 = arith.cmpi ne, %rem3A_224, %ne3A_225 : i32
      %and3A_227 = arith.andi %ne3A_223, %ne3A_226 : i1
      %sub3A_228 = arith.constant 1 : i32
      %sub3A_229 = arith.subi %div3A_208, %sub3A_228 : i32
      %select_n3A_230 = arith.select %and3A_227, %sub3A_229, %div3A_208 : i32
      %dma_wait3A = arith.constant 0 : i32
      %dma_wait3A_231 = tpu.memref_slice %arg2[%dma_wait3A] : memref<800000xi32, #tpu.memory_space<hbm>> -> memref<1000xi32, #tpu.memory_space<hbm>>
      %dma_wait3A_232 = arith.constant 0 : i32
      %dma_wait3A_233 = tpu.memref_slice %arg2[%dma_wait3A_232] : memref<800000xi32, #tpu.memory_space<hbm>> -> memref<1000xi32, #tpu.memory_space<hbm>>
      tpu.wait_dma2 semaphore(%arg22 : memref<!tpu.dma_semaphore, #tpu.memory_space<semaphore_mem>>) src(%dma_wait3A_233 : memref<1000xi32, #tpu.memory_space<hbm>>) dst(%arg16 : memref<1000xi32, #tpu.memory_space<vmem>>)
      %eq3A_234 = arith.constant 0 : i32
      %eq3A_235 = arith.cmpi eq, %arg0, %eq3A_234 : i32
      %convert_element_type3A_236 = arith.extui %eq3A_235 : i1 to i32
      %cond3A_237 = arith.constant 0 : i32
      %cond3A_238 = arith.cmpi ne, %convert_element_type3A_236, %cond3A_237 : i32
      scf.if %cond3A_238 {
        %dma_start3A_386 = arith.constant 0 : i32
        %dma_start3A_387 = arith.constant 0 : i32
        %dma_start3A_388 = tpu.memref_slice %arg8[%dma_start3A_386, %dma_start3A_387] : memref<50000x16xf32, #tpu.memory_space<hbm>> -> memref<50000x16xf32, #tpu.memory_space<hbm>>
        tpu.enqueue_indirect_dma source(%dma_start3A_388 : memref<50000x16xf32, #tpu.memory_space<hbm>>) target(%arg18 : memref<1000x16xf32, #tpu.memory_space<vmem>>) offsets(%arg16 : memref<1000xi32, #tpu.memory_space<vmem>>) semaphore(%arg24 : memref<!tpu.dma_semaphore, #tpu.memory_space<semaphore_mem>>)
        %dma_start3A_389 = arith.constant 0 : i32
        %dma_start3A_390 = arith.constant 0 : i32
        %dma_start3A_391 = tpu.memref_slice %arg9[%dma_start3A_389, %dma_start3A_390] : memref<50000x16xf32, #tpu.memory_space<hbm>> -> memref<50000x16xf32, #tpu.memory_space<hbm>>
        tpu.enqueue_indirect_dma source(%dma_start3A_391 : memref<50000x16xf32, #tpu.memory_space<hbm>>) target(%arg19 : memref<1000x16xf32, #tpu.memory_space<vmem>>) offsets(%arg16 : memref<1000xi32, #tpu.memory_space<vmem>>) semaphore(%arg25 : memref<!tpu.dma_semaphore, #tpu.memory_space<semaphore_mem>>)
      } else {
      }
      %eq3A_239 = arith.constant 1 : i32
      %eq3A_240 = arith.cmpi eq, %arg0, %eq3A_239 : i32
      %convert_element_type3A_241 = arith.extui %eq3A_240 : i1 to i32
      %cond3A_242 = arith.constant 0 : i32
      %cond3A_243 = arith.cmpi ne, %convert_element_type3A_241, %cond3A_242 : i32
      scf.if %cond3A_243 {
        %dma_start3A_386 = arith.constant 0 : i32
        %dma_start3A_387 = arith.constant 0 : i32
        %dma_start3A_388 = tpu.memref_slice %arg10[%dma_start3A_386, %dma_start3A_387] : memref<50000x16xf32, #tpu.memory_space<hbm>> -> memref<50000x16xf32, #tpu.memory_space<hbm>>
        tpu.enqueue_indirect_dma source(%dma_start3A_388 : memref<50000x16xf32, #tpu.memory_space<hbm>>) target(%arg18 : memref<1000x16xf32, #tpu.memory_space<vmem>>) offsets(%arg16 : memref<1000xi32, #tpu.memory_space<vmem>>) semaphore(%arg24 : memref<!tpu.dma_semaphore, #tpu.memory_space<semaphore_mem>>)
        %dma_start3A_389 = arith.constant 0 : i32
        %dma_start3A_390 = arith.constant 0 : i32
        %dma_start3A_391 = tpu.memref_slice %arg11[%dma_start3A_389, %dma_start3A_390] : memref<50000x16xf32, #tpu.memory_space<hbm>> -> memref<50000x16xf32, #tpu.memory_space<hbm>>
        tpu.enqueue_indirect_dma source(%dma_start3A_391 : memref<50000x16xf32, #tpu.memory_space<hbm>>) target(%arg19 : memref<1000x16xf32, #tpu.memory_space<vmem>>) offsets(%arg16 : memref<1000xi32, #tpu.memory_space<vmem>>) semaphore(%arg25 : memref<!tpu.dma_semaphore, #tpu.memory_space<semaphore_mem>>)
      } else {
      }
      %dma_wait3A_244 = arith.constant 0 : i32
      %dma_wait3A_245 = arith.constant 0 : i32
      %dma_wait3A_246 = tpu.memref_slice %arg8[%dma_wait3A_244, %dma_wait3A_245] : memref<50000x16xf32, #tpu.memory_space<hbm>> -> memref<1000x16xf32, #tpu.memory_space<hbm>>
      %dma_wait3A_247 = arith.constant 0 : i32
      %dma_wait3A_248 = arith.constant 0 : i32
      %dma_wait3A_249 = tpu.memref_slice %arg8[%dma_wait3A_247, %dma_wait3A_248] : memref<50000x16xf32, #tpu.memory_space<hbm>> -> memref<1000x16xf32, #tpu.memory_space<hbm>>
      tpu.wait_dma2 semaphore(%arg24 : memref<!tpu.dma_semaphore, #tpu.memory_space<semaphore_mem>>) src(%dma_wait3A_249 : memref<1000x16xf32, #tpu.memory_space<hbm>>) dst(%arg18 : memref<1000x16xf32, #tpu.memory_space<vmem>>)
      %scan3A_250 = arith.constant 0 : i32
      %scan3A_251 = arith.constant 125 : i32
      %scan3A_252 = arith.addi %scan3A_250, %scan3A_251 : i32
      %scan3A_253 = arith.constant 1 : i32
      scf.for %scan3A_386 = %scan3A_250 to %scan3A_252 step %scan3A_253  : i32 {
        %mul3A_387 = arith.constant 1 : i32
        %mul3A_388 = arith.muli %scan3A_386, %mul3A_387 : i32
        %add3A_389 = arith.constant 0 : i32
        %add3A_390 = arith.addi %add3A_389, %mul3A_388 : i32
        %mul3A_391 = arith.constant 8 : i32
        %mul3A_392 = arith.muli %add3A_390, %mul3A_391 : i32
        %add3A_393 = arith.constant 0 : i32
        %add3A_394 = arith.addi %mul3A_392, %add3A_393 : i32
        %get3A = arith.index_cast %add3A_394 : i32 to index
        %get3A_395 = arith.constant 0 : index
        %get3A_396 = tpu.vector_load %arg18[%get3A, %get3A_395] {strides = array<i32>} : memref<1000x16xf32, #tpu.memory_space<vmem>>, vector<1x16xf32>,
        %get3A_397 = vector.shape_cast %get3A_396 : vector<1x16xf32> to vector<16xf32>
        %swap3A = arith.index_cast %add3A_390 : i32 to index
        %swap3A_398 = arith.constant 0 : index
        %swap3A_399 = tpu.vector_load %arg20[%swap3A, %swap3A_398] {strides = array<i32>} : memref<125x128xf32, #tpu.memory_space<vmem>>, vector<1x16xf32>,
        %swap3A_400 = vector.shape_cast %swap3A_399 : vector<1x16xf32> to vector<16xf32>
        %swap3A_401 = vector.shape_cast %get3A_397 : vector<16xf32> to vector<1x16xf32>
        tpu.vector_store %arg20[%swap3A, %swap3A_398], %swap3A_401 {strides = array<i32>} : memref<125x128xf32, #tpu.memory_space<vmem>>, vector<1x16xf32>,
        %mul3A_402 = arith.constant 8 : i32
        %mul3A_403 = arith.muli %add3A_390, %mul3A_402 : i32
        %add3A_404 = arith.constant 1 : i32
        %add3A_405 = arith.addi %mul3A_403, %add3A_404 : i32
        %get3A_406 = arith.index_cast %add3A_405 : i32 to index
        %get3A_407 = arith.constant 0 : index
        %get3A_408 = tpu.vector_load %arg18[%get3A_406, %get3A_407] {strides = array<i32>} : memref<1000x16xf32, #tpu.memory_space<vmem>>, vector<1x16xf32>,
        %get3A_409 = vector.shape_cast %get3A_408 : vector<1x16xf32> to vector<16xf32>
        %swap3A_410 = arith.index_cast %add3A_390 : i32 to index
        %swap3A_411 = arith.constant 16 : index
        %swap3A_412 = tpu.vector_load %arg20[%swap3A_410, %swap3A_411] {strides = array<i32>} : memref<125x128xf32, #tpu.memory_space<vmem>>, vector<1x16xf32>,
        %swap3A_413 = vector.shape_cast %swap3A_412 : vector<1x16xf32> to vector<16xf32>
        %swap3A_414 = vector.shape_cast %get3A_409 : vector<16xf32> to vector<1x16xf32>
        tpu.vector_store %arg20[%swap3A_410, %swap3A_411], %swap3A_414 {strides = array<i32>} : memref<125x128xf32, #tpu.memory_space<vmem>>, vector<1x16xf32>,
        %mul3A_415 = arith.constant 8 : i32
        %mul3A_416 = arith.muli %add3A_390, %mul3A_415 : i32
        %add3A_417 = arith.constant 2 : i32
        %add3A_418 = arith.addi %mul3A_416, %add3A_417 : i32
        %get3A_419 = arith.index_cast %add3A_418 : i32 to index
        %get3A_420 = arith.constant 0 : index
        %get3A_421 = tpu.vector_load %arg18[%get3A_419, %get3A_420] {strides = array<i32>} : memref<1000x16xf32, #tpu.memory_space<vmem>>, vector<1x16xf32>,
        %get3A_422 = vector.shape_cast %get3A_421 : vector<1x16xf32> to vector<16xf32>
        %swap3A_423 = arith.index_cast %add3A_390 : i32 to index
        %swap3A_424 = arith.constant 32 : index
        %swap3A_425 = tpu.vector_load %arg20[%swap3A_423, %swap3A_424] {strides = array<i32>} : memref<125x128xf32, #tpu.memory_space<vmem>>, vector<1x16xf32>,
        %swap3A_426 = vector.shape_cast %swap3A_425 : vector<1x16xf32> to vector<16xf32>
        %swap3A_427 = vector.shape_cast %get3A_422 : vector<16xf32> to vector<1x16xf32>
        tpu.vector_store %arg20[%swap3A_423, %swap3A_424], %swap3A_427 {strides = array<i32>} : memref<125x128xf32, #tpu.memory_space<vmem>>, vector<1x16xf32>,
        %mul3A_428 = arith.constant 8 : i32
        %mul3A_429 = arith.muli %add3A_390, %mul3A_428 : i32
        %add3A_430 = arith.constant 3 : i32
        %add3A_431 = arith.addi %mul3A_429, %add3A_430 : i32
        %get3A_432 = arith.index_cast %add3A_431 : i32 to index
        %get3A_433 = arith.constant 0 : index
        %get3A_434 = tpu.vector_load %arg18[%get3A_432, %get3A_433] {strides = array<i32>} : memref<1000x16xf32, #tpu.memory_space<vmem>>, vector<1x16xf32>,
        %get3A_435 = vector.shape_cast %get3A_434 : vector<1x16xf32> to vector<16xf32>
        %swap3A_436 = arith.index_cast %add3A_390 : i32 to index
        %swap3A_437 = arith.constant 48 : index
        %swap3A_438 = tpu.vector_load %arg20[%swap3A_436, %swap3A_437] {strides = array<i32>} : memref<125x128xf32, #tpu.memory_space<vmem>>, vector<1x16xf32>,
        %swap3A_439 = vector.shape_cast %swap3A_438 : vector<1x16xf32> to vector<16xf32>
        %swap3A_440 = vector.shape_cast %get3A_435 : vector<16xf32> to vector<1x16xf32>
        tpu.vector_store %arg20[%swap3A_436, %swap3A_437], %swap3A_440 {strides = array<i32>} : memref<125x128xf32, #tpu.memory_space<vmem>>, vector<1x16xf32>,
        %mul3A_441 = arith.constant 8 : i32
        %mul3A_442 = arith.muli %add3A_390, %mul3A_441 : i32
        %add3A_443 = arith.constant 4 : i32
        %add3A_444 = arith.addi %mul3A_442, %add3A_443 : i32
        %get3A_445 = arith.index_cast %add3A_444 : i32 to index
        %get3A_446 = arith.constant 0 : index
        %get3A_447 = tpu.vector_load %arg18[%get3A_445, %get3A_446] {strides = array<i32>} : memref<1000x16xf32, #tpu.memory_space<vmem>>, vector<1x16xf32>,
        %get3A_448 = vector.shape_cast %get3A_447 : vector<1x16xf32> to vector<16xf32>
        %swap3A_449 = arith.index_cast %add3A_390 : i32 to index
        %swap3A_450 = arith.constant 64 : index
        %swap3A_451 = tpu.vector_load %arg20[%swap3A_449, %swap3A_450] {strides = array<i32>} : memref<125x128xf32, #tpu.memory_space<vmem>>, vector<1x16xf32>,
        %swap3A_452 = vector.shape_cast %swap3A_451 : vector<1x16xf32> to vector<16xf32>
        %swap3A_453 = vector.shape_cast %get3A_448 : vector<16xf32> to vector<1x16xf32>
        tpu.vector_store %arg20[%swap3A_449, %swap3A_450], %swap3A_453 {strides = array<i32>} : memref<125x128xf32, #tpu.memory_space<vmem>>, vector<1x16xf32>,
        %mul3A_454 = arith.constant 8 : i32
        %mul3A_455 = arith.muli %add3A_390, %mul3A_454 : i32
        %add3A_456 = arith.constant 5 : i32
        %add3A_457 = arith.addi %mul3A_455, %add3A_456 : i32
        %get3A_458 = arith.index_cast %add3A_457 : i32 to index
        %get3A_459 = arith.constant 0 : index
        %get3A_460 = tpu.vector_load %arg18[%get3A_458, %get3A_459] {strides = array<i32>} : memref<1000x16xf32, #tpu.memory_space<vmem>>, vector<1x16xf32>,
        %get3A_461 = vector.shape_cast %get3A_460 : vector<1x16xf32> to vector<16xf32>
        %swap3A_462 = arith.index_cast %add3A_390 : i32 to index
        %swap3A_463 = arith.constant 80 : index
        %swap3A_464 = tpu.vector_load %arg20[%swap3A_462, %swap3A_463] {strides = array<i32>} : memref<125x128xf32, #tpu.memory_space<vmem>>, vector<1x16xf32>,
        %swap3A_465 = vector.shape_cast %swap3A_464 : vector<1x16xf32> to vector<16xf32>
        %swap3A_466 = vector.shape_cast %get3A_461 : vector<16xf32> to vector<1x16xf32>
        tpu.vector_store %arg20[%swap3A_462, %swap3A_463], %swap3A_466 {strides = array<i32>} : memref<125x128xf32, #tpu.memory_space<vmem>>, vector<1x16xf32>,
        %mul3A_467 = arith.constant 8 : i32
        %mul3A_468 = arith.muli %add3A_390, %mul3A_467 : i32
        %add3A_469 = arith.constant 6 : i32
        %add3A_470 = arith.addi %mul3A_468, %add3A_469 : i32
        %get3A_471 = arith.index_cast %add3A_470 : i32 to index
        %get3A_472 = arith.constant 0 : index
        %get3A_473 = tpu.vector_load %arg18[%get3A_471, %get3A_472] {strides = array<i32>} : memref<1000x16xf32, #tpu.memory_space<vmem>>, vector<1x16xf32>,
        %get3A_474 = vector.shape_cast %get3A_473 : vector<1x16xf32> to vector<16xf32>
        %swap3A_475 = arith.index_cast %add3A_390 : i32 to index
        %swap3A_476 = arith.constant 96 : index
        %swap3A_477 = tpu.vector_load %arg20[%swap3A_475, %swap3A_476] {strides = array<i32>} : memref<125x128xf32, #tpu.memory_space<vmem>>, vector<1x16xf32>,
        %swap3A_478 = vector.shape_cast %swap3A_477 : vector<1x16xf32> to vector<16xf32>
        %swap3A_479 = vector.shape_cast %get3A_474 : vector<16xf32> to vector<1x16xf32>
        tpu.vector_store %arg20[%swap3A_475, %swap3A_476], %swap3A_479 {strides = array<i32>} : memref<125x128xf32, #tpu.memory_space<vmem>>, vector<1x16xf32>,
        %mul3A_480 = arith.constant 8 : i32
        %mul3A_481 = arith.muli %add3A_390, %mul3A_480 : i32
        %add3A_482 = arith.constant 7 : i32
        %add3A_483 = arith.addi %mul3A_481, %add3A_482 : i32
        %get3A_484 = arith.index_cast %add3A_483 : i32 to index
        %get3A_485 = arith.constant 0 : index
        %get3A_486 = tpu.vector_load %arg18[%get3A_484, %get3A_485] {strides = array<i32>} : memref<1000x16xf32, #tpu.memory_space<vmem>>, vector<1x16xf32>,
        %get3A_487 = vector.shape_cast %get3A_486 : vector<1x16xf32> to vector<16xf32>
        %swap3A_488 = arith.index_cast %add3A_390 : i32 to index
        %swap3A_489 = arith.constant 112 : index
        %swap3A_490 = tpu.vector_load %arg20[%swap3A_488, %swap3A_489] {strides = array<i32>} : memref<125x128xf32, #tpu.memory_space<vmem>>, vector<1x16xf32>,
        %swap3A_491 = vector.shape_cast %swap3A_490 : vector<1x16xf32> to vector<16xf32>
        %swap3A_492 = vector.shape_cast %get3A_487 : vector<16xf32> to vector<1x16xf32>
        tpu.vector_store %arg20[%swap3A_488, %swap3A_489], %swap3A_492 {strides = array<i32>} : memref<125x128xf32, #tpu.memory_space<vmem>>, vector<1x16xf32>,
      }
      %scan3A_254 = arith.constant 125 : i32
      %eq3A_255 = arith.constant 0 : i32
      %eq3A_256 = arith.cmpi eq, %arg0, %eq3A_255 : i32
      %convert_element_type3A_257 = arith.extui %eq3A_256 : i1 to i32
      %cond3A_258 = arith.constant 0 : i32
      %cond3A_259 = arith.cmpi ne, %convert_element_type3A_257, %cond3A_258 : i32
      scf.if %cond3A_259 {
        "tpu.region"() ({
          %run_scoped3A = tpu.sem_alloc : memref<!tpu.dma_semaphore, #tpu.memory_space<semaphore_mem>>
          %dma_start3A_386 = arith.constant 0 : i32
          %dma_start3A_387 = tpu.memref_slice %arg12[%select_n3A_230, %dma_start3A_386] : memref<100000x128xf32, #tpu.memory_space<hbm>> -> memref<125x128xf32, #tpu.memory_space<hbm>>
          %dma_start3A_388 = arith.constant 0 : i32
          %dma_start3A_389 = tpu.memref_slice %arg12[%select_n3A_230, %dma_start3A_388] : memref<100000x128xf32, #tpu.memory_space<hbm>> -> memref<125x128xf32, #tpu.memory_space<hbm>>
          tpu.enqueue_dma source(%arg20 : memref<125x128xf32, #tpu.memory_space<vmem>>) target(%dma_start3A_389 : memref<125x128xf32, #tpu.memory_space<hbm>>) target_semaphore(%run_scoped3A : memref<!tpu.dma_semaphore, #tpu.memory_space<semaphore_mem>>)
          %dma_wait3A_390 = arith.constant 0 : i32
          %dma_wait3A_391 = tpu.memref_slice %arg12[%select_n3A_230, %dma_wait3A_390] : memref<100000x128xf32, #tpu.memory_space<hbm>> -> memref<125x128xf32, #tpu.memory_space<hbm>>
          %dma_wait3A_392 = arith.constant 0 : i32
          %dma_wait3A_393 = tpu.memref_slice %arg12[%select_n3A_230, %dma_wait3A_392] : memref<100000x128xf32, #tpu.memory_space<hbm>> -> memref<125x128xf32, #tpu.memory_space<hbm>>
          tpu.wait_dma2 semaphore(%run_scoped3A : memref<!tpu.dma_semaphore, #tpu.memory_space<semaphore_mem>>) src(%arg20 : memref<125x128xf32, #tpu.memory_space<vmem>>) dst(%dma_wait3A_393 : memref<125x128xf32, #tpu.memory_space<hbm>>)
          tpu.yield
        }) : () -> ()
      } else {
      }
      %eq3A_260 = arith.constant 1 : i32
      %eq3A_261 = arith.cmpi eq, %arg0, %eq3A_260 : i32
      %convert_element_type3A_262 = arith.extui %eq3A_261 : i1 to i32
      %cond3A_263 = arith.constant 0 : i32
      %cond3A_264 = arith.cmpi ne, %convert_element_type3A_262, %cond3A_263 : i32
      scf.if %cond3A_264 {
        "tpu.region"() ({
          %run_scoped3A = tpu.sem_alloc : memref<!tpu.dma_semaphore, #tpu.memory_space<semaphore_mem>>
          %dma_start3A_386 = arith.constant 0 : i32
          %dma_start3A_387 = tpu.memref_slice %arg14[%select_n3A_230, %dma_start3A_386] : memref<100000x128xf32, #tpu.memory_space<hbm>> -> memref<125x128xf32, #tpu.memory_space<hbm>>
          %dma_start3A_388 = arith.constant 0 : i32
          %dma_start3A_389 = tpu.memref_slice %arg14[%select_n3A_230, %dma_start3A_388] : memref<100000x128xf32, #tpu.memory_space<hbm>> -> memref<125x128xf32, #tpu.memory_space<hbm>>
          tpu.enqueue_dma source(%arg20 : memref<125x128xf32, #tpu.memory_space<vmem>>) target(%dma_start3A_389 : memref<125x128xf32, #tpu.memory_space<hbm>>) target_semaphore(%run_scoped3A : memref<!tpu.dma_semaphore, #tpu.memory_space<semaphore_mem>>)
          %dma_wait3A_390 = arith.constant 0 : i32
          %dma_wait3A_391 = tpu.memref_slice %arg14[%select_n3A_230, %dma_wait3A_390] : memref<100000x128xf32, #tpu.memory_space<hbm>> -> memref<125x128xf32, #tpu.memory_space<hbm>>
          %dma_wait3A_392 = arith.constant 0 : i32
          %dma_wait3A_393 = tpu.memref_slice %arg14[%select_n3A_230, %dma_wait3A_392] : memref<100000x128xf32, #tpu.memory_space<hbm>> -> memref<125x128xf32, #tpu.memory_space<hbm>>
          tpu.wait_dma2 semaphore(%run_scoped3A : memref<!tpu.dma_semaphore, #tpu.memory_space<semaphore_mem>>) src(%arg20 : memref<125x128xf32, #tpu.memory_space<vmem>>) dst(%dma_wait3A_393 : memref<125x128xf32, #tpu.memory_space<hbm>>)
          tpu.yield
        }) : () -> ()
      } else {
      }
      %dma_wait3A_265 = arith.constant 0 : i32
      %dma_wait3A_266 = arith.constant 0 : i32
      %dma_wait3A_267 = tpu.memref_slice %arg9[%dma_wait3A_265, %dma_wait3A_266] : memref<50000x16xf32, #tpu.memory_space<hbm>> -> memref<1000x16xf32, #tpu.memory_space<hbm>>
      %dma_wait3A_268 = arith.constant 0 : i32
      %dma_wait3A_269 = arith.constant 0 : i32
      %dma_wait3A_270 = tpu.memref_slice %arg9[%dma_wait3A_268, %dma_wait3A_269] : memref<50000x16xf32, #tpu.memory_space<hbm>> -> memref<1000x16xf32, #tpu.memory_space<hbm>>
      tpu.wait_dma2 semaphore(%arg25 : memref<!tpu.dma_semaphore, #tpu.memory_space<semaphore_mem>>) src(%dma_wait3A_270 : memref<1000x16xf32, #tpu.memory_space<hbm>>) dst(%arg19 : memref<1000x16xf32, #tpu.memory_space<vmem>>)
      %add3A_271 = arith.constant 2 : i32
      %add3A_272 = arith.addi %add3A_203, %add3A_271 : i32
      %lt3A = arith.constant 50 : i32
      %lt3A_273 = arith.cmpi slt, %add3A_272, %lt3A : i32
      %convert_element_type3A_274 = arith.extui %lt3A_273 : i1 to i32
      %cond3A_275 = arith.constant 0 : i32
      %cond3A_276 = arith.cmpi ne, %convert_element_type3A_274, %cond3A_275 : i32
      scf.if %cond3A_276 {
        %mul3A_386 = arith.constant 1000 : i32
        %mul3A_387 = arith.muli %add3A_272, %mul3A_386 : i32
        %add3A_388 = arith.addi %mul3A_0, %mul3A_387 : i32
        %dma_start3A_389 = tpu.memref_slice %arg2[%add3A_388] : memref<800000xi32, #tpu.memory_space<hbm>> -> memref<1000xi32, #tpu.memory_space<hbm>>
        %dma_start3A_390 = tpu.memref_slice %arg2[%add3A_388] : memref<800000xi32, #tpu.memory_space<hbm>> -> memref<1000xi32, #tpu.memory_space<hbm>>
        tpu.enqueue_dma source(%dma_start3A_390 : memref<1000xi32, #tpu.memory_space<hbm>>) target(%arg16 : memref<1000xi32, #tpu.memory_space<vmem>>) target_semaphore(%arg22 : memref<!tpu.dma_semaphore, #tpu.memory_space<semaphore_mem>>)
      } else {
      }
      %scan3A_277 = arith.constant 0 : i32
      %scan3A_278 = arith.constant 125 : i32
      %scan3A_279 = arith.addi %scan3A_277, %scan3A_278 : i32
      %scan3A_280 = arith.constant 1 : i32
      scf.for %scan3A_386 = %scan3A_277 to %scan3A_279 step %scan3A_280  : i32 {
        %mul3A_387 = arith.constant 1 : i32
        %mul3A_388 = arith.muli %scan3A_386, %mul3A_387 : i32
        %add3A_389 = arith.constant 0 : i32
        %add3A_390 = arith.addi %add3A_389, %mul3A_388 : i32
        %mul3A_391 = arith.constant 8 : i32
        %mul3A_392 = arith.muli %add3A_390, %mul3A_391 : i32
        %add3A_393 = arith.constant 0 : i32
        %add3A_394 = arith.addi %mul3A_392, %add3A_393 : i32
        %get3A = arith.index_cast %add3A_394 : i32 to index
        %get3A_395 = arith.constant 0 : index
        %get3A_396 = tpu.vector_load %arg19[%get3A, %get3A_395] {strides = array<i32>} : memref<1000x16xf32, #tpu.memory_space<vmem>>, vector<1x16xf32>,
        %get3A_397 = vector.shape_cast %get3A_396 : vector<1x16xf32> to vector<16xf32>
        %swap3A = arith.index_cast %add3A_390 : i32 to index
        %swap3A_398 = arith.constant 0 : index
        %swap3A_399 = tpu.vector_load %arg21[%swap3A, %swap3A_398] {strides = array<i32>} : memref<125x128xf32, #tpu.memory_space<vmem>>, vector<1x16xf32>,
        %swap3A_400 = vector.shape_cast %swap3A_399 : vector<1x16xf32> to vector<16xf32>
        %swap3A_401 = vector.shape_cast %get3A_397 : vector<16xf32> to vector<1x16xf32>
        tpu.vector_store %arg21[%swap3A, %swap3A_398], %swap3A_401 {strides = array<i32>} : memref<125x128xf32, #tpu.memory_space<vmem>>, vector<1x16xf32>,
        %mul3A_402 = arith.constant 8 : i32
        %mul3A_403 = arith.muli %add3A_390, %mul3A_402 : i32
        %add3A_404 = arith.constant 1 : i32
        %add3A_405 = arith.addi %mul3A_403, %add3A_404 : i32
        %get3A_406 = arith.index_cast %add3A_405 : i32 to index
        %get3A_407 = arith.constant 0 : index
        %get3A_408 = tpu.vector_load %arg19[%get3A_406, %get3A_407] {strides = array<i32>} : memref<1000x16xf32, #tpu.memory_space<vmem>>, vector<1x16xf32>,
        %get3A_409 = vector.shape_cast %get3A_408 : vector<1x16xf32> to vector<16xf32>
        %swap3A_410 = arith.index_cast %add3A_390 : i32 to index
        %swap3A_411 = arith.constant 16 : index
        %swap3A_412 = tpu.vector_load %arg21[%swap3A_410, %swap3A_411] {strides = array<i32>} : memref<125x128xf32, #tpu.memory_space<vmem>>, vector<1x16xf32>,
        %swap3A_413 = vector.shape_cast %swap3A_412 : vector<1x16xf32> to vector<16xf32>
        %swap3A_414 = vector.shape_cast %get3A_409 : vector<16xf32> to vector<1x16xf32>
        tpu.vector_store %arg21[%swap3A_410, %swap3A_411], %swap3A_414 {strides = array<i32>} : memref<125x128xf32, #tpu.memory_space<vmem>>, vector<1x16xf32>,
        %mul3A_415 = arith.constant 8 : i32
        %mul3A_416 = arith.muli %add3A_390, %mul3A_415 : i32
        %add3A_417 = arith.constant 2 : i32
        %add3A_418 = arith.addi %mul3A_416, %add3A_417 : i32
        %get3A_419 = arith.index_cast %add3A_418 : i32 to index
        %get3A_420 = arith.constant 0 : index
        %get3A_421 = tpu.vector_load %arg19[%get3A_419, %get3A_420] {strides = array<i32>} : memref<1000x16xf32, #tpu.memory_space<vmem>>, vector<1x16xf32>,
        %get3A_422 = vector.shape_cast %get3A_421 : vector<1x16xf32> to vector<16xf32>
        %swap3A_423 = arith.index_cast %add3A_390 : i32 to index
        %swap3A_424 = arith.constant 32 : index
        %swap3A_425 = tpu.vector_load %arg21[%swap3A_423, %swap3A_424] {strides = array<i32>} : memref<125x128xf32, #tpu.memory_space<vmem>>, vector<1x16xf32>,
        %swap3A_426 = vector.shape_cast %swap3A_425 : vector<1x16xf32> to vector<16xf32>
        %swap3A_427 = vector.shape_cast %get3A_422 : vector<16xf32> to vector<1x16xf32>
        tpu.vector_store %arg21[%swap3A_423, %swap3A_424], %swap3A_427 {strides = array<i32>} : memref<125x128xf32, #tpu.memory_space<vmem>>, vector<1x16xf32>,
        %mul3A_428 = arith.constant 8 : i32
        %mul3A_429 = arith.muli %add3A_390, %mul3A_428 : i32
        %add3A_430 = arith.constant 3 : i32
        %add3A_431 = arith.addi %mul3A_429, %add3A_430 : i32
        %get3A_432 = arith.index_cast %add3A_431 : i32 to index
        %get3A_433 = arith.constant 0 : index
        %get3A_434 = tpu.vector_load %arg19[%get3A_432, %get3A_433] {strides = array<i32>} : memref<1000x16xf32, #tpu.memory_space<vmem>>, vector<1x16xf32>,
        %get3A_435 = vector.shape_cast %get3A_434 : vector<1x16xf32> to vector<16xf32>
        %swap3A_436 = arith.index_cast %add3A_390 : i32 to index
        %swap3A_437 = arith.constant 48 : index
        %swap3A_438 = tpu.vector_load %arg21[%swap3A_436, %swap3A_437] {strides = array<i32>} : memref<125x128xf32, #tpu.memory_space<vmem>>, vector<1x16xf32>,
        %swap3A_439 = vector.shape_cast %swap3A_438 : vector<1x16xf32> to vector<16xf32>
        %swap3A_440 = vector.shape_cast %get3A_435 : vector<16xf32> to vector<1x16xf32>
        tpu.vector_store %arg21[%swap3A_436, %swap3A_437], %swap3A_440 {strides = array<i32>} : memref<125x128xf32, #tpu.memory_space<vmem>>, vector<1x16xf32>,
        %mul3A_441 = arith.constant 8 : i32
        %mul3A_442 = arith.muli %add3A_390, %mul3A_441 : i32
        %add3A_443 = arith.constant 4 : i32
        %add3A_444 = arith.addi %mul3A_442, %add3A_443 : i32
        %get3A_445 = arith.index_cast %add3A_444 : i32 to index
        %get3A_446 = arith.constant 0 : index
        %get3A_447 = tpu.vector_load %arg19[%get3A_445, %get3A_446] {strides = array<i32>} : memref<1000x16xf32, #tpu.memory_space<vmem>>, vector<1x16xf32>,
        %get3A_448 = vector.shape_cast %get3A_447 : vector<1x16xf32> to vector<16xf32>
        %swap3A_449 = arith.index_cast %add3A_390 : i32 to index
        %swap3A_450 = arith.constant 64 : index
        %swap3A_451 = tpu.vector_load %arg21[%swap3A_449, %swap3A_450] {strides = array<i32>} : memref<125x128xf32, #tpu.memory_space<vmem>>, vector<1x16xf32>,
        %swap3A_452 = vector.shape_cast %swap3A_451 : vector<1x16xf32> to vector<16xf32>
        %swap3A_453 = vector.shape_cast %get3A_448 : vector<16xf32> to vector<1x16xf32>
        tpu.vector_store %arg21[%swap3A_449, %swap3A_450], %swap3A_453 {strides = array<i32>} : memref<125x128xf32, #tpu.memory_space<vmem>>, vector<1x16xf32>,
        %mul3A_454 = arith.constant 8 : i32
        %mul3A_455 = arith.muli %add3A_390, %mul3A_454 : i32
        %add3A_456 = arith.constant 5 : i32
        %add3A_457 = arith.addi %mul3A_455, %add3A_456 : i32
        %get3A_458 = arith.index_cast %add3A_457 : i32 to index
        %get3A_459 = arith.constant 0 : index
        %get3A_460 = tpu.vector_load %arg19[%get3A_458, %get3A_459] {strides = array<i32>} : memref<1000x16xf32, #tpu.memory_space<vmem>>, vector<1x16xf32>,
        %get3A_461 = vector.shape_cast %get3A_460 : vector<1x16xf32> to vector<16xf32>
        %swap3A_462 = arith.index_cast %add3A_390 : i32 to index
        %swap3A_463 = arith.constant 80 : index
        %swap3A_464 = tpu.vector_load %arg21[%swap3A_462, %swap3A_463] {strides = array<i32>} : memref<125x128xf32, #tpu.memory_space<vmem>>, vector<1x16xf32>,
        %swap3A_465 = vector.shape_cast %swap3A_464 : vector<1x16xf32> to vector<16xf32>
        %swap3A_466 = vector.shape_cast %get3A_461 : vector<16xf32> to vector<1x16xf32>
        tpu.vector_store %arg21[%swap3A_462, %swap3A_463], %swap3A_466 {strides = array<i32>} : memref<125x128xf32, #tpu.memory_space<vmem>>, vector<1x16xf32>,
        %mul3A_467 = arith.constant 8 : i32
        %mul3A_468 = arith.muli %add3A_390, %mul3A_467 : i32
        %add3A_469 = arith.constant 6 : i32
        %add3A_470 = arith.addi %mul3A_468, %add3A_469 : i32
        %get3A_471 = arith.index_cast %add3A_470 : i32 to index
        %get3A_472 = arith.constant 0 : index
        %get3A_473 = tpu.vector_load %arg19[%get3A_471, %get3A_472] {strides = array<i32>} : memref<1000x16xf32, #tpu.memory_space<vmem>>, vector<1x16xf32>,
        %get3A_474 = vector.shape_cast %get3A_473 : vector<1x16xf32> to vector<16xf32>
        %swap3A_475 = arith.index_cast %add3A_390 : i32 to index
        %swap3A_476 = arith.constant 96 : index
        %swap3A_477 = tpu.vector_load %arg21[%swap3A_475, %swap3A_476] {strides = array<i32>} : memref<125x128xf32, #tpu.memory_space<vmem>>, vector<1x16xf32>,
        %swap3A_478 = vector.shape_cast %swap3A_477 : vector<1x16xf32> to vector<16xf32>
        %swap3A_479 = vector.shape_cast %get3A_474 : vector<16xf32> to vector<1x16xf32>
        tpu.vector_store %arg21[%swap3A_475, %swap3A_476], %swap3A_479 {strides = array<i32>} : memref<125x128xf32, #tpu.memory_space<vmem>>, vector<1x16xf32>,
        %mul3A_480 = arith.constant 8 : i32
        %mul3A_481 = arith.muli %add3A_390, %mul3A_480 : i32
        %add3A_482 = arith.constant 7 : i32
        %add3A_483 = arith.addi %mul3A_481, %add3A_482 : i32
        %get3A_484 = arith.index_cast %add3A_483 : i32 to index
        %get3A_485 = arith.constant 0 : index
        %get3A_486 = tpu.vector_load %arg19[%get3A_484, %get3A_485] {strides = array<i32>} : memref<1000x16xf32, #tpu.memory_space<vmem>>, vector<1x16xf32>,
        %get3A_487 = vector.shape_cast %get3A_486 : vector<1x16xf32> to vector<16xf32>
        %swap3A_488 = arith.index_cast %add3A_390 : i32 to index
        %swap3A_489 = arith.constant 112 : index
        %swap3A_490 = tpu.vector_load %arg21[%swap3A_488, %swap3A_489] {strides = array<i32>} : memref<125x128xf32, #tpu.memory_space<vmem>>, vector<1x16xf32>,
        %swap3A_491 = vector.shape_cast %swap3A_490 : vector<1x16xf32> to vector<16xf32>
        %swap3A_492 = vector.shape_cast %get3A_487 : vector<16xf32> to vector<1x16xf32>
        tpu.vector_store %arg21[%swap3A_488, %swap3A_489], %swap3A_492 {strides = array<i32>} : memref<125x128xf32, #tpu.memory_space<vmem>>, vector<1x16xf32>,
      }
      %scan3A_281 = arith.constant 125 : i32
      %eq3A_282 = arith.constant 0 : i32
      %eq3A_283 = arith.cmpi eq, %arg0, %eq3A_282 : i32
      %convert_element_type3A_284 = arith.extui %eq3A_283 : i1 to i32
      %cond3A_285 = arith.constant 0 : i32
      %cond3A_286 = arith.cmpi ne, %convert_element_type3A_284, %cond3A_285 : i32
      scf.if %cond3A_286 {
        "tpu.region"() ({
          %run_scoped3A = tpu.sem_alloc : memref<!tpu.dma_semaphore, #tpu.memory_space<semaphore_mem>>
          %dma_start3A_386 = arith.constant 0 : i32
          %dma_start3A_387 = tpu.memref_slice %arg13[%select_n3A_230, %dma_start3A_386] : memref<100000x128xf32, #tpu.memory_space<hbm>> -> memref<125x128xf32, #tpu.memory_space<hbm>>
          %dma_start3A_388 = arith.constant 0 : i32
          %dma_start3A_389 = tpu.memref_slice %arg13[%select_n3A_230, %dma_start3A_388] : memref<100000x128xf32, #tpu.memory_space<hbm>> -> memref<125x128xf32, #tpu.memory_space<hbm>>
          tpu.enqueue_dma source(%arg21 : memref<125x128xf32, #tpu.memory_space<vmem>>) target(%dma_start3A_389 : memref<125x128xf32, #tpu.memory_space<hbm>>) target_semaphore(%run_scoped3A : memref<!tpu.dma_semaphore, #tpu.memory_space<semaphore_mem>>)
          %dma_wait3A_390 = arith.constant 0 : i32
          %dma_wait3A_391 = tpu.memref_slice %arg13[%select_n3A_230, %dma_wait3A_390] : memref<100000x128xf32, #tpu.memory_space<hbm>> -> memref<125x128xf32, #tpu.memory_space<hbm>>
          %dma_wait3A_392 = arith.constant 0 : i32
          %dma_wait3A_393 = tpu.memref_slice %arg13[%select_n3A_230, %dma_wait3A_392] : memref<100000x128xf32, #tpu.memory_space<hbm>> -> memref<125x128xf32, #tpu.memory_space<hbm>>
          tpu.wait_dma2 semaphore(%run_scoped3A : memref<!tpu.dma_semaphore, #tpu.memory_space<semaphore_mem>>) src(%arg21 : memref<125x128xf32, #tpu.memory_space<vmem>>) dst(%dma_wait3A_393 : memref<125x128xf32, #tpu.memory_space<hbm>>)
          tpu.yield
        }) : () -> ()
      } else {
      }
      %eq3A_287 = arith.constant 1 : i32
      %eq3A_288 = arith.cmpi eq, %arg0, %eq3A_287 : i32
      %convert_element_type3A_289 = arith.extui %eq3A_288 : i1 to i32
      %cond3A_290 = arith.constant 0 : i32
      %cond3A_291 = arith.cmpi ne, %convert_element_type3A_289, %cond3A_290 : i32
      scf.if %cond3A_291 {
        "tpu.region"() ({
          %run_scoped3A = tpu.sem_alloc : memref<!tpu.dma_semaphore, #tpu.memory_space<semaphore_mem>>
          %dma_start3A_386 = arith.constant 0 : i32
          %dma_start3A_387 = tpu.memref_slice %arg15[%select_n3A_230, %dma_start3A_386] : memref<100000x128xf32, #tpu.memory_space<hbm>> -> memref<125x128xf32, #tpu.memory_space<hbm>>
          %dma_start3A_388 = arith.constant 0 : i32
          %dma_start3A_389 = tpu.memref_slice %arg15[%select_n3A_230, %dma_start3A_388] : memref<100000x128xf32, #tpu.memory_space<hbm>> -> memref<125x128xf32, #tpu.memory_space<hbm>>
          tpu.enqueue_dma source(%arg21 : memref<125x128xf32, #tpu.memory_space<vmem>>) target(%dma_start3A_389 : memref<125x128xf32, #tpu.memory_space<hbm>>) target_semaphore(%run_scoped3A : memref<!tpu.dma_semaphore, #tpu.memory_space<semaphore_mem>>)
          %dma_wait3A_390 = arith.constant 0 : i32
          %dma_wait3A_391 = tpu.memref_slice %arg15[%select_n3A_230, %dma_wait3A_390] : memref<100000x128xf32, #tpu.memory_space<hbm>> -> memref<125x128xf32, #tpu.memory_space<hbm>>
          %dma_wait3A_392 = arith.constant 0 : i32
          %dma_wait3A_393 = tpu.memref_slice %arg15[%select_n3A_230, %dma_wait3A_392] : memref<100000x128xf32, #tpu.memory_space<hbm>> -> memref<125x128xf32, #tpu.memory_space<hbm>>
          tpu.wait_dma2 semaphore(%run_scoped3A : memref<!tpu.dma_semaphore, #tpu.memory_space<semaphore_mem>>) src(%arg21 : memref<125x128xf32, #tpu.memory_space<vmem>>) dst(%dma_wait3A_393 : memref<125x128xf32, #tpu.memory_space<hbm>>)
          tpu.yield
        }) : () -> ()
      } else {
      }
      %mul3A_292 = arith.constant 2 : i32
      %mul3A_293 = arith.muli %mul3A_292, %add3A_199 : i32
      %add3A_294 = arith.constant 1 : i32
      %add3A_295 = arith.addi %mul3A_293, %add3A_294 : i32
      %mul3A_296 = arith.constant 1000 : i32
      %mul3A_297 = arith.muli %add3A_295, %mul3A_296 : i32
      %add3A_298 = arith.addi %mul3A_0, %mul3A_297 : i32
      %jit3A_299 = arith.constant 8 : i32
      %div3A_300 = arith.divsi %add3A_298, %jit3A_299 : i32
      %sign3A_301 = arith.constant 0 : i32
      %sign3A_302 = arith.cmpi sgt, %add3A_298, %sign3A_301 : i32
      %sign3A_303 = arith.extui %sign3A_302 : i1 to i32
      %sign3A_304 = arith.constant 0 : i32
      %sign3A_305 = arith.cmpi slt, %add3A_298, %sign3A_304 : i32
      %sign3A_306 = arith.extui %sign3A_305 : i1 to i32
      %sign3A_307 = arith.subi %sign3A_303, %sign3A_306 : i32
      %sign3A_308 = arith.constant 0 : i32
      %sign3A_309 = arith.cmpi sgt, %jit3A_299, %sign3A_308 : i32
      %sign3A_310 = arith.extui %sign3A_309 : i1 to i32
      %sign3A_311 = arith.constant 0 : i32
      %sign3A_312 = arith.cmpi slt, %jit3A_299, %sign3A_311 : i32
      %sign3A_313 = arith.extui %sign3A_312 : i1 to i32
      %sign3A_314 = arith.subi %sign3A_310, %sign3A_313 : i32
      %ne3A_315 = arith.cmpi ne, %sign3A_307, %sign3A_314 : i32
      %rem3A_316 = arith.remsi %add3A_298, %jit3A_299 : i32
      %ne3A_317 = arith.constant 0 : i32
      %ne3A_318 = arith.cmpi ne, %rem3A_316, %ne3A_317 : i32
      %and3A_319 = arith.andi %ne3A_315, %ne3A_318 : i1
      %sub3A_320 = arith.constant 1 : i32
      %sub3A_321 = arith.subi %div3A_300, %sub3A_320 : i32
      %select_n3A_322 = arith.select %and3A_319, %sub3A_321, %div3A_300 : i32
      %dma_wait3A_323 = arith.constant 0 : i32
      %dma_wait3A_324 = tpu.memref_slice %arg2[%dma_wait3A_323] : memref<800000xi32, #tpu.memory_space<hbm>> -> memref<1000xi32, #tpu.memory_space<hbm>>
      %dma_wait3A_325 = arith.constant 0 : i32
      %dma_wait3A_326 = tpu.memref_slice %arg2[%dma_wait3A_325] : memref<800000xi32, #tpu.memory_space<hbm>> -> memref<1000xi32, #tpu.memory_space<hbm>>
      tpu.wait_dma2 semaphore(%arg23 : memref<!tpu.dma_semaphore, #tpu.memory_space<semaphore_mem>>) src(%dma_wait3A_326 : memref<1000xi32, #tpu.memory_space<hbm>>) dst(%arg17 : memref<1000xi32, #tpu.memory_space<vmem>>)
      %eq3A_327 = arith.constant 0 : i32
      %eq3A_328 = arith.cmpi eq, %arg0, %eq3A_327 : i32
      %convert_element_type3A_329 = arith.extui %eq3A_328 : i1 to i32
      %cond3A_330 = arith.constant 0 : i32
      %cond3A_331 = arith.cmpi ne, %convert_element_type3A_329, %cond3A_330 : i32
      scf.if %cond3A_331 {
        %dma_start3A_386 = arith.constant 0 : i32
        %dma_start3A_387 = arith.constant 0 : i32
        %dma_start3A_388 = tpu.memref_slice %arg8[%dma_start3A_386, %dma_start3A_387] : memref<50000x16xf32, #tpu.memory_space<hbm>> -> memref<50000x16xf32, #tpu.memory_space<hbm>>
        tpu.enqueue_indirect_dma source(%dma_start3A_388 : memref<50000x16xf32, #tpu.memory_space<hbm>>) target(%arg18 : memref<1000x16xf32, #tpu.memory_space<vmem>>) offsets(%arg17 : memref<1000xi32, #tpu.memory_space<vmem>>) semaphore(%arg24 : memref<!tpu.dma_semaphore, #tpu.memory_space<semaphore_mem>>)
        %dma_start3A_389 = arith.constant 0 : i32
        %dma_start3A_390 = arith.constant 0 : i32
        %dma_start3A_391 = tpu.memref_slice %arg9[%dma_start3A_389, %dma_start3A_390] : memref<50000x16xf32, #tpu.memory_space<hbm>> -> memref<50000x16xf32, #tpu.memory_space<hbm>>
        tpu.enqueue_indirect_dma source(%dma_start3A_391 : memref<50000x16xf32, #tpu.memory_space<hbm>>) target(%arg19 : memref<1000x16xf32, #tpu.memory_space<vmem>>) offsets(%arg17 : memref<1000xi32, #tpu.memory_space<vmem>>) semaphore(%arg25 : memref<!tpu.dma_semaphore, #tpu.memory_space<semaphore_mem>>)
      } else {
      }
      %eq3A_332 = arith.constant 1 : i32
      %eq3A_333 = arith.cmpi eq, %arg0, %eq3A_332 : i32
      %convert_element_type3A_334 = arith.extui %eq3A_333 : i1 to i32
      %cond3A_335 = arith.constant 0 : i32
      %cond3A_336 = arith.cmpi ne, %convert_element_type3A_334, %cond3A_335 : i32
      scf.if %cond3A_336 {
        %dma_start3A_386 = arith.constant 0 : i32
        %dma_start3A_387 = arith.constant 0 : i32
        %dma_start3A_388 = tpu.memref_slice %arg10[%dma_start3A_386, %dma_start3A_387] : memref<50000x16xf32, #tpu.memory_space<hbm>> -> memref<50000x16xf32, #tpu.memory_space<hbm>>
        tpu.enqueue_indirect_dma source(%dma_start3A_388 : memref<50000x16xf32, #tpu.memory_space<hbm>>) target(%arg18 : memref<1000x16xf32, #tpu.memory_space<vmem>>) offsets(%arg17 : memref<1000xi32, #tpu.memory_space<vmem>>) semaphore(%arg24 : memref<!tpu.dma_semaphore, #tpu.memory_space<semaphore_mem>>)
        %dma_start3A_389 = arith.constant 0 : i32
        %dma_start3A_390 = arith.constant 0 : i32
        %dma_start3A_391 = tpu.memref_slice %arg11[%dma_start3A_389, %dma_start3A_390] : memref<50000x16xf32, #tpu.memory_space<hbm>> -> memref<50000x16xf32, #tpu.memory_space<hbm>>
        tpu.enqueue_indirect_dma source(%dma_start3A_391 : memref<50000x16xf32, #tpu.memory_space<hbm>>) target(%arg19 : memref<1000x16xf32, #tpu.memory_space<vmem>>) offsets(%arg17 : memref<1000xi32, #tpu.memory_space<vmem>>) semaphore(%arg25 : memref<!tpu.dma_semaphore, #tpu.memory_space<semaphore_mem>>)
      } else {
      }
      %dma_wait3A_337 = arith.constant 0 : i32
      %dma_wait3A_338 = arith.constant 0 : i32
      %dma_wait3A_339 = tpu.memref_slice %arg8[%dma_wait3A_337, %dma_wait3A_338] : memref<50000x16xf32, #tpu.memory_space<hbm>> -> memref<1000x16xf32, #tpu.memory_space<hbm>>
      %dma_wait3A_340 = arith.constant 0 : i32
      %dma_wait3A_341 = arith.constant 0 : i32
      %dma_wait3A_342 = tpu.memref_slice %arg8[%dma_wait3A_340, %dma_wait3A_341] : memref<50000x16xf32, #tpu.memory_space<hbm>> -> memref<1000x16xf32, #tpu.memory_space<hbm>>
      tpu.wait_dma2 semaphore(%arg24 : memref<!tpu.dma_semaphore, #tpu.memory_space<semaphore_mem>>) src(%dma_wait3A_342 : memref<1000x16xf32, #tpu.memory_space<hbm>>) dst(%arg18 : memref<1000x16xf32, #tpu.memory_space<vmem>>)
      %scan3A_343 = arith.constant 0 : i32
      %scan3A_344 = arith.constant 125 : i32
      %scan3A_345 = arith.addi %scan3A_343, %scan3A_344 : i32
      %scan3A_346 = arith.constant 1 : i32
      scf.for %scan3A_386 = %scan3A_343 to %scan3A_345 step %scan3A_346  : i32 {
        %mul3A_387 = arith.constant 1 : i32
        %mul3A_388 = arith.muli %scan3A_386, %mul3A_387 : i32
        %add3A_389 = arith.constant 0 : i32
        %add3A_390 = arith.addi %add3A_389, %mul3A_388 : i32
        %mul3A_391 = arith.constant 8 : i32
        %mul3A_392 = arith.muli %add3A_390, %mul3A_391 : i32
        %add3A_393 = arith.constant 0 : i32
        %add3A_394 = arith.addi %mul3A_392, %add3A_393 : i32
        %get3A = arith.index_cast %add3A_394 : i32 to index
        %get3A_395 = arith.constant 0 : index
        %get3A_396 = tpu.vector_load %arg18[%get3A, %get3A_395] {strides = array<i32>} : memref<1000x16xf32, #tpu.memory_space<vmem>>, vector<1x16xf32>,
        %get3A_397 = vector.shape_cast %get3A_396 : vector<1x16xf32> to vector<16xf32>
        %swap3A = arith.index_cast %add3A_390 : i32 to index
        %swap3A_398 = arith.constant 0 : index
        %swap3A_399 = tpu.vector_load %arg20[%swap3A, %swap3A_398] {strides = array<i32>} : memref<125x128xf32, #tpu.memory_space<vmem>>, vector<1x16xf32>,
        %swap3A_400 = vector.shape_cast %swap3A_399 : vector<1x16xf32> to vector<16xf32>
        %swap3A_401 = vector.shape_cast %get3A_397 : vector<16xf32> to vector<1x16xf32>
        tpu.vector_store %arg20[%swap3A, %swap3A_398], %swap3A_401 {strides = array<i32>} : memref<125x128xf32, #tpu.memory_space<vmem>>, vector<1x16xf32>,
        %mul3A_402 = arith.constant 8 : i32
        %mul3A_403 = arith.muli %add3A_390, %mul3A_402 : i32
        %add3A_404 = arith.constant 1 : i32
        %add3A_405 = arith.addi %mul3A_403, %add3A_404 : i32
        %get3A_406 = arith.index_cast %add3A_405 : i32 to index
        %get3A_407 = arith.constant 0 : index
        %get3A_408 = tpu.vector_load %arg18[%get3A_406, %get3A_407] {strides = array<i32>} : memref<1000x16xf32, #tpu.memory_space<vmem>>, vector<1x16xf32>,
        %get3A_409 = vector.shape_cast %get3A_408 : vector<1x16xf32> to vector<16xf32>
        %swap3A_410 = arith.index_cast %add3A_390 : i32 to index
        %swap3A_411 = arith.constant 16 : index
        %swap3A_412 = tpu.vector_load %arg20[%swap3A_410, %swap3A_411] {strides = array<i32>} : memref<125x128xf32, #tpu.memory_space<vmem>>, vector<1x16xf32>,
        %swap3A_413 = vector.shape_cast %swap3A_412 : vector<1x16xf32> to vector<16xf32>
        %swap3A_414 = vector.shape_cast %get3A_409 : vector<16xf32> to vector<1x16xf32>
        tpu.vector_store %arg20[%swap3A_410, %swap3A_411], %swap3A_414 {strides = array<i32>} : memref<125x128xf32, #tpu.memory_space<vmem>>, vector<1x16xf32>,
        %mul3A_415 = arith.constant 8 : i32
        %mul3A_416 = arith.muli %add3A_390, %mul3A_415 : i32
        %add3A_417 = arith.constant 2 : i32
        %add3A_418 = arith.addi %mul3A_416, %add3A_417 : i32
        %get3A_419 = arith.index_cast %add3A_418 : i32 to index
        %get3A_420 = arith.constant 0 : index
        %get3A_421 = tpu.vector_load %arg18[%get3A_419, %get3A_420] {strides = array<i32>} : memref<1000x16xf32, #tpu.memory_space<vmem>>, vector<1x16xf32>,
        %get3A_422 = vector.shape_cast %get3A_421 : vector<1x16xf32> to vector<16xf32>
        %swap3A_423 = arith.index_cast %add3A_390 : i32 to index
        %swap3A_424 = arith.constant 32 : index
        %swap3A_425 = tpu.vector_load %arg20[%swap3A_423, %swap3A_424] {strides = array<i32>} : memref<125x128xf32, #tpu.memory_space<vmem>>, vector<1x16xf32>,
        %swap3A_426 = vector.shape_cast %swap3A_425 : vector<1x16xf32> to vector<16xf32>
        %swap3A_427 = vector.shape_cast %get3A_422 : vector<16xf32> to vector<1x16xf32>
        tpu.vector_store %arg20[%swap3A_423, %swap3A_424], %swap3A_427 {strides = array<i32>} : memref<125x128xf32, #tpu.memory_space<vmem>>, vector<1x16xf32>,
        %mul3A_428 = arith.constant 8 : i32
        %mul3A_429 = arith.muli %add3A_390, %mul3A_428 : i32
        %add3A_430 = arith.constant 3 : i32
        %add3A_431 = arith.addi %mul3A_429, %add3A_430 : i32
        %get3A_432 = arith.index_cast %add3A_431 : i32 to index
        %get3A_433 = arith.constant 0 : index
        %get3A_434 = tpu.vector_load %arg18[%get3A_432, %get3A_433] {strides = array<i32>} : memref<1000x16xf32, #tpu.memory_space<vmem>>, vector<1x16xf32>,
        %get3A_435 = vector.shape_cast %get3A_434 : vector<1x16xf32> to vector<16xf32>
        %swap3A_436 = arith.index_cast %add3A_390 : i32 to index
        %swap3A_437 = arith.constant 48 : index
        %swap3A_438 = tpu.vector_load %arg20[%swap3A_436, %swap3A_437] {strides = array<i32>} : memref<125x128xf32, #tpu.memory_space<vmem>>, vector<1x16xf32>,
        %swap3A_439 = vector.shape_cast %swap3A_438 : vector<1x16xf32> to vector<16xf32>
        %swap3A_440 = vector.shape_cast %get3A_435 : vector<16xf32> to vector<1x16xf32>
        tpu.vector_store %arg20[%swap3A_436, %swap3A_437], %swap3A_440 {strides = array<i32>} : memref<125x128xf32, #tpu.memory_space<vmem>>, vector<1x16xf32>,
        %mul3A_441 = arith.constant 8 : i32
        %mul3A_442 = arith.muli %add3A_390, %mul3A_441 : i32
        %add3A_443 = arith.constant 4 : i32
        %add3A_444 = arith.addi %mul3A_442, %add3A_443 : i32
        %get3A_445 = arith.index_cast %add3A_444 : i32 to index
        %get3A_446 = arith.constant 0 : index
        %get3A_447 = tpu.vector_load %arg18[%get3A_445, %get3A_446] {strides = array<i32>} : memref<1000x16xf32, #tpu.memory_space<vmem>>, vector<1x16xf32>,
        %get3A_448 = vector.shape_cast %get3A_447 : vector<1x16xf32> to vector<16xf32>
        %swap3A_449 = arith.index_cast %add3A_390 : i32 to index
        %swap3A_450 = arith.constant 64 : index
        %swap3A_451 = tpu.vector_load %arg20[%swap3A_449, %swap3A_450] {strides = array<i32>} : memref<125x128xf32, #tpu.memory_space<vmem>>, vector<1x16xf32>,
        %swap3A_452 = vector.shape_cast %swap3A_451 : vector<1x16xf32> to vector<16xf32>
        %swap3A_453 = vector.shape_cast %get3A_448 : vector<16xf32> to vector<1x16xf32>
        tpu.vector_store %arg20[%swap3A_449, %swap3A_450], %swap3A_453 {strides = array<i32>} : memref<125x128xf32, #tpu.memory_space<vmem>>, vector<1x16xf32>,
        %mul3A_454 = arith.constant 8 : i32
        %mul3A_455 = arith.muli %add3A_390, %mul3A_454 : i32
        %add3A_456 = arith.constant 5 : i32
        %add3A_457 = arith.addi %mul3A_455, %add3A_456 : i32
        %get3A_458 = arith.index_cast %add3A_457 : i32 to index
        %get3A_459 = arith.constant 0 : index
        %get3A_460 = tpu.vector_load %arg18[%get3A_458, %get3A_459] {strides = array<i32>} : memref<1000x16xf32, #tpu.memory_space<vmem>>, vector<1x16xf32>,
        %get3A_461 = vector.shape_cast %get3A_460 : vector<1x16xf32> to vector<16xf32>
        %swap3A_462 = arith.index_cast %add3A_390 : i32 to index
        %swap3A_463 = arith.constant 80 : index
        %swap3A_464 = tpu.vector_load %arg20[%swap3A_462, %swap3A_463] {strides = array<i32>} : memref<125x128xf32, #tpu.memory_space<vmem>>, vector<1x16xf32>,
        %swap3A_465 = vector.shape_cast %swap3A_464 : vector<1x16xf32> to vector<16xf32>
        %swap3A_466 = vector.shape_cast %get3A_461 : vector<16xf32> to vector<1x16xf32>
        tpu.vector_store %arg20[%swap3A_462, %swap3A_463], %swap3A_466 {strides = array<i32>} : memref<125x128xf32, #tpu.memory_space<vmem>>, vector<1x16xf32>,
        %mul3A_467 = arith.constant 8 : i32
        %mul3A_468 = arith.muli %add3A_390, %mul3A_467 : i32
        %add3A_469 = arith.constant 6 : i32
        %add3A_470 = arith.addi %mul3A_468, %add3A_469 : i32
        %get3A_471 = arith.index_cast %add3A_470 : i32 to index
        %get3A_472 = arith.constant 0 : index
        %get3A_473 = tpu.vector_load %arg18[%get3A_471, %get3A_472] {strides = array<i32>} : memref<1000x16xf32, #tpu.memory_space<vmem>>, vector<1x16xf32>,
        %get3A_474 = vector.shape_cast %get3A_473 : vector<1x16xf32> to vector<16xf32>
        %swap3A_475 = arith.index_cast %add3A_390 : i32 to index
        %swap3A_476 = arith.constant 96 : index
        %swap3A_477 = tpu.vector_load %arg20[%swap3A_475, %swap3A_476] {strides = array<i32>} : memref<125x128xf32, #tpu.memory_space<vmem>>, vector<1x16xf32>,
        %swap3A_478 = vector.shape_cast %swap3A_477 : vector<1x16xf32> to vector<16xf32>
        %swap3A_479 = vector.shape_cast %get3A_474 : vector<16xf32> to vector<1x16xf32>
        tpu.vector_store %arg20[%swap3A_475, %swap3A_476], %swap3A_479 {strides = array<i32>} : memref<125x128xf32, #tpu.memory_space<vmem>>, vector<1x16xf32>,
        %mul3A_480 = arith.constant 8 : i32
        %mul3A_481 = arith.muli %add3A_390, %mul3A_480 : i32
        %add3A_482 = arith.constant 7 : i32
        %add3A_483 = arith.addi %mul3A_481, %add3A_482 : i32
        %get3A_484 = arith.index_cast %add3A_483 : i32 to index
        %get3A_485 = arith.constant 0 : index
        %get3A_486 = tpu.vector_load %arg18[%get3A_484, %get3A_485] {strides = array<i32>} : memref<1000x16xf32, #tpu.memory_space<vmem>>, vector<1x16xf32>,
        %get3A_487 = vector.shape_cast %get3A_486 : vector<1x16xf32> to vector<16xf32>
        %swap3A_488 = arith.index_cast %add3A_390 : i32 to index
        %swap3A_489 = arith.constant 112 : index
        %swap3A_490 = tpu.vector_load %arg20[%swap3A_488, %swap3A_489] {strides = array<i32>} : memref<125x128xf32, #tpu.memory_space<vmem>>, vector<1x16xf32>,
        %swap3A_491 = vector.shape_cast %swap3A_490 : vector<1x16xf32> to vector<16xf32>
        %swap3A_492 = vector.shape_cast %get3A_487 : vector<16xf32> to vector<1x16xf32>
        tpu.vector_store %arg20[%swap3A_488, %swap3A_489], %swap3A_492 {strides = array<i32>} : memref<125x128xf32, #tpu.memory_space<vmem>>, vector<1x16xf32>,
      }
      %scan3A_347 = arith.constant 125 : i32
      %eq3A_348 = arith.constant 0 : i32
      %eq3A_349 = arith.cmpi eq, %arg0, %eq3A_348 : i32
      %convert_element_type3A_350 = arith.extui %eq3A_349 : i1 to i32
      %cond3A_351 = arith.constant 0 : i32
      %cond3A_352 = arith.cmpi ne, %convert_element_type3A_350, %cond3A_351 : i32
      scf.if %cond3A_352 {
        "tpu.region"() ({
          %run_scoped3A = tpu.sem_alloc : memref<!tpu.dma_semaphore, #tpu.memory_space<semaphore_mem>>
          %dma_start3A_386 = arith.constant 0 : i32
          %dma_start3A_387 = tpu.memref_slice %arg12[%select_n3A_322, %dma_start3A_386] : memref<100000x128xf32, #tpu.memory_space<hbm>> -> memref<125x128xf32, #tpu.memory_space<hbm>>
          %dma_start3A_388 = arith.constant 0 : i32
          %dma_start3A_389 = tpu.memref_slice %arg12[%select_n3A_322, %dma_start3A_388] : memref<100000x128xf32, #tpu.memory_space<hbm>> -> memref<125x128xf32, #tpu.memory_space<hbm>>
          tpu.enqueue_dma source(%arg20 : memref<125x128xf32, #tpu.memory_space<vmem>>) target(%dma_start3A_389 : memref<125x128xf32, #tpu.memory_space<hbm>>) target_semaphore(%run_scoped3A : memref<!tpu.dma_semaphore, #tpu.memory_space<semaphore_mem>>)
          %dma_wait3A_390 = arith.constant 0 : i32
          %dma_wait3A_391 = tpu.memref_slice %arg12[%select_n3A_322, %dma_wait3A_390] : memref<100000x128xf32, #tpu.memory_space<hbm>> -> memref<125x128xf32, #tpu.memory_space<hbm>>
          %dma_wait3A_392 = arith.constant 0 : i32
          %dma_wait3A_393 = tpu.memref_slice %arg12[%select_n3A_322, %dma_wait3A_392] : memref<100000x128xf32, #tpu.memory_space<hbm>> -> memref<125x128xf32, #tpu.memory_space<hbm>>
          tpu.wait_dma2 semaphore(%run_scoped3A : memref<!tpu.dma_semaphore, #tpu.memory_space<semaphore_mem>>) src(%arg20 : memref<125x128xf32, #tpu.memory_space<vmem>>) dst(%dma_wait3A_393 : memref<125x128xf32, #tpu.memory_space<hbm>>)
          tpu.yield
        }) : () -> ()
      } else {
      }
      %eq3A_353 = arith.constant 1 : i32
      %eq3A_354 = arith.cmpi eq, %arg0, %eq3A_353 : i32
      %convert_element_type3A_355 = arith.extui %eq3A_354 : i1 to i32
      %cond3A_356 = arith.constant 0 : i32
      %cond3A_357 = arith.cmpi ne, %convert_element_type3A_355, %cond3A_356 : i32
      scf.if %cond3A_357 {
        "tpu.region"() ({
          %run_scoped3A = tpu.sem_alloc : memref<!tpu.dma_semaphore, #tpu.memory_space<semaphore_mem>>
          %dma_start3A_386 = arith.constant 0 : i32
          %dma_start3A_387 = tpu.memref_slice %arg14[%select_n3A_322, %dma_start3A_386] : memref<100000x128xf32, #tpu.memory_space<hbm>> -> memref<125x128xf32, #tpu.memory_space<hbm>>
          %dma_start3A_388 = arith.constant 0 : i32
          %dma_start3A_389 = tpu.memref_slice %arg14[%select_n3A_322, %dma_start3A_388] : memref<100000x128xf32, #tpu.memory_space<hbm>> -> memref<125x128xf32, #tpu.memory_space<hbm>>
          tpu.enqueue_dma source(%arg20 : memref<125x128xf32, #tpu.memory_space<vmem>>) target(%dma_start3A_389 : memref<125x128xf32, #tpu.memory_space<hbm>>) target_semaphore(%run_scoped3A : memref<!tpu.dma_semaphore, #tpu.memory_space<semaphore_mem>>)
          %dma_wait3A_390 = arith.constant 0 : i32
          %dma_wait3A_391 = tpu.memref_slice %arg14[%select_n3A_322, %dma_wait3A_390] : memref<100000x128xf32, #tpu.memory_space<hbm>> -> memref<125x128xf32, #tpu.memory_space<hbm>>
          %dma_wait3A_392 = arith.constant 0 : i32
          %dma_wait3A_393 = tpu.memref_slice %arg14[%select_n3A_322, %dma_wait3A_392] : memref<100000x128xf32, #tpu.memory_space<hbm>> -> memref<125x128xf32, #tpu.memory_space<hbm>>
          tpu.wait_dma2 semaphore(%run_scoped3A : memref<!tpu.dma_semaphore, #tpu.memory_space<semaphore_mem>>) src(%arg20 : memref<125x128xf32, #tpu.memory_space<vmem>>) dst(%dma_wait3A_393 : memref<125x128xf32, #tpu.memory_space<hbm>>)
          tpu.yield
        }) : () -> ()
      } else {
      }
      %dma_wait3A_358 = arith.constant 0 : i32
      %dma_wait3A_359 = arith.constant 0 : i32
      %dma_wait3A_360 = tpu.memref_slice %arg9[%dma_wait3A_358, %dma_wait3A_359] : memref<50000x16xf32, #tpu.memory_space<hbm>> -> memref<1000x16xf32, #tpu.memory_space<hbm>>
      %dma_wait3A_361 = arith.constant 0 : i32
      %dma_wait3A_362 = arith.constant 0 : i32
      %dma_wait3A_363 = tpu.memref_slice %arg9[%dma_wait3A_361, %dma_wait3A_362] : memref<50000x16xf32, #tpu.memory_space<hbm>> -> memref<1000x16xf32, #tpu.memory_space<hbm>>
      tpu.wait_dma2 semaphore(%arg25 : memref<!tpu.dma_semaphore, #tpu.memory_space<semaphore_mem>>) src(%dma_wait3A_363 : memref<1000x16xf32, #tpu.memory_space<hbm>>) dst(%arg19 : memref<1000x16xf32, #tpu.memory_space<vmem>>)
      %add3A_364 = arith.constant 2 : i32
      %add3A_365 = arith.addi %add3A_295, %add3A_364 : i32
      %lt3A_366 = arith.constant 50 : i32
      %lt3A_367 = arith.cmpi slt, %add3A_365, %lt3A_366 : i32
      %convert_element_type3A_368 = arith.extui %lt3A_367 : i1 to i32
      %cond3A_369 = arith.constant 0 : i32
      %cond3A_370 = arith.cmpi ne, %convert_element_type3A_368, %cond3A_369 : i32
      scf.if %cond3A_370 {
        %mul3A_386 = arith.constant 1000 : i32
        %mul3A_387 = arith.muli %add3A_365, %mul3A_386 : i32
        %add3A_388 = arith.addi %mul3A_0, %mul3A_387 : i32
        %dma_start3A_389 = tpu.memref_slice %arg2[%add3A_388] : memref<800000xi32, #tpu.memory_space<hbm>> -> memref<1000xi32, #tpu.memory_space<hbm>>
        %dma_start3A_390 = tpu.memref_slice %arg2[%add3A_388] : memref<800000xi32, #tpu.memory_space<hbm>> -> memref<1000xi32, #tpu.memory_space<hbm>>
        tpu.enqueue_dma source(%dma_start3A_390 : memref<1000xi32, #tpu.memory_space<hbm>>) target(%arg17 : memref<1000xi32, #tpu.memory_space<vmem>>) target_semaphore(%arg23 : memref<!tpu.dma_semaphore, #tpu.memory_space<semaphore_mem>>)
      } else {
      }
      %scan3A_371 = arith.constant 0 : i32
      %scan3A_372 = arith.constant 125 : i32
      %scan3A_373 = arith.addi %scan3A_371, %scan3A_372 : i32
      %scan3A_374 = arith.constant 1 : i32
      scf.for %scan3A_386 = %scan3A_371 to %scan3A_373 step %scan3A_374  : i32 {
        %mul3A_387 = arith.constant 1 : i32
        %mul3A_388 = arith.muli %scan3A_386, %mul3A_387 : i32
        %add3A_389 = arith.constant 0 : i32
        %add3A_390 = arith.addi %add3A_389, %mul3A_388 : i32
        %mul3A_391 = arith.constant 8 : i32
        %mul3A_392 = arith.muli %add3A_390, %mul3A_391 : i32
        %add3A_393 = arith.constant 0 : i32
        %add3A_394 = arith.addi %mul3A_392, %add3A_393 : i32
        %get3A = arith.index_cast %add3A_394 : i32 to index
        %get3A_395 = arith.constant 0 : index
        %get3A_396 = tpu.vector_load %arg19[%get3A, %get3A_395] {strides = array<i32>} : memref<1000x16xf32, #tpu.memory_space<vmem>>, vector<1x16xf32>,
        %get3A_397 = vector.shape_cast %get3A_396 : vector<1x16xf32> to vector<16xf32>
        %swap3A = arith.index_cast %add3A_390 : i32 to index
        %swap3A_398 = arith.constant 0 : index
        %swap3A_399 = tpu.vector_load %arg21[%swap3A, %swap3A_398] {strides = array<i32>} : memref<125x128xf32, #tpu.memory_space<vmem>>, vector<1x16xf32>,
        %swap3A_400 = vector.shape_cast %swap3A_399 : vector<1x16xf32> to vector<16xf32>
        %swap3A_401 = vector.shape_cast %get3A_397 : vector<16xf32> to vector<1x16xf32>
        tpu.vector_store %arg21[%swap3A, %swap3A_398], %swap3A_401 {strides = array<i32>} : memref<125x128xf32, #tpu.memory_space<vmem>>, vector<1x16xf32>,
        %mul3A_402 = arith.constant 8 : i32
        %mul3A_403 = arith.muli %add3A_390, %mul3A_402 : i32
        %add3A_404 = arith.constant 1 : i32
        %add3A_405 = arith.addi %mul3A_403, %add3A_404 : i32
        %get3A_406 = arith.index_cast %add3A_405 : i32 to index
        %get3A_407 = arith.constant 0 : index
        %get3A_408 = tpu.vector_load %arg19[%get3A_406, %get3A_407] {strides = array<i32>} : memref<1000x16xf32, #tpu.memory_space<vmem>>, vector<1x16xf32>,
        %get3A_409 = vector.shape_cast %get3A_408 : vector<1x16xf32> to vector<16xf32>
        %swap3A_410 = arith.index_cast %add3A_390 : i32 to index
        %swap3A_411 = arith.constant 16 : index
        %swap3A_412 = tpu.vector_load %arg21[%swap3A_410, %swap3A_411] {strides = array<i32>} : memref<125x128xf32, #tpu.memory_space<vmem>>, vector<1x16xf32>,
        %swap3A_413 = vector.shape_cast %swap3A_412 : vector<1x16xf32> to vector<16xf32>
        %swap3A_414 = vector.shape_cast %get3A_409 : vector<16xf32> to vector<1x16xf32>
        tpu.vector_store %arg21[%swap3A_410, %swap3A_411], %swap3A_414 {strides = array<i32>} : memref<125x128xf32, #tpu.memory_space<vmem>>, vector<1x16xf32>,
        %mul3A_415 = arith.constant 8 : i32
        %mul3A_416 = arith.muli %add3A_390, %mul3A_415 : i32
        %add3A_417 = arith.constant 2 : i32
        %add3A_418 = arith.addi %mul3A_416, %add3A_417 : i32
        %get3A_419 = arith.index_cast %add3A_418 : i32 to index
        %get3A_420 = arith.constant 0 : index
        %get3A_421 = tpu.vector_load %arg19[%get3A_419, %get3A_420] {strides = array<i32>} : memref<1000x16xf32, #tpu.memory_space<vmem>>, vector<1x16xf32>,
        %get3A_422 = vector.shape_cast %get3A_421 : vector<1x16xf32> to vector<16xf32>
        %swap3A_423 = arith.index_cast %add3A_390 : i32 to index
        %swap3A_424 = arith.constant 32 : index
        %swap3A_425 = tpu.vector_load %arg21[%swap3A_423, %swap3A_424] {strides = array<i32>} : memref<125x128xf32, #tpu.memory_space<vmem>>, vector<1x16xf32>,
        %swap3A_426 = vector.shape_cast %swap3A_425 : vector<1x16xf32> to vector<16xf32>
        %swap3A_427 = vector.shape_cast %get3A_422 : vector<16xf32> to vector<1x16xf32>
        tpu.vector_store %arg21[%swap3A_423, %swap3A_424], %swap3A_427 {strides = array<i32>} : memref<125x128xf32, #tpu.memory_space<vmem>>, vector<1x16xf32>,
        %mul3A_428 = arith.constant 8 : i32
        %mul3A_429 = arith.muli %add3A_390, %mul3A_428 : i32
        %add3A_430 = arith.constant 3 : i32
        %add3A_431 = arith.addi %mul3A_429, %add3A_430 : i32
        %get3A_432 = arith.index_cast %add3A_431 : i32 to index
        %get3A_433 = arith.constant 0 : index
        %get3A_434 = tpu.vector_load %arg19[%get3A_432, %get3A_433] {strides = array<i32>} : memref<1000x16xf32, #tpu.memory_space<vmem>>, vector<1x16xf32>,
        %get3A_435 = vector.shape_cast %get3A_434 : vector<1x16xf32> to vector<16xf32>
        %swap3A_436 = arith.index_cast %add3A_390 : i32 to index
        %swap3A_437 = arith.constant 48 : index
        %swap3A_438 = tpu.vector_load %arg21[%swap3A_436, %swap3A_437] {strides = array<i32>} : memref<125x128xf32, #tpu.memory_space<vmem>>, vector<1x16xf32>,
        %swap3A_439 = vector.shape_cast %swap3A_438 : vector<1x16xf32> to vector<16xf32>
        %swap3A_440 = vector.shape_cast %get3A_435 : vector<16xf32> to vector<1x16xf32>
        tpu.vector_store %arg21[%swap3A_436, %swap3A_437], %swap3A_440 {strides = array<i32>} : memref<125x128xf32, #tpu.memory_space<vmem>>, vector<1x16xf32>,
        %mul3A_441 = arith.constant 8 : i32
        %mul3A_442 = arith.muli %add3A_390, %mul3A_441 : i32
        %add3A_443 = arith.constant 4 : i32
        %add3A_444 = arith.addi %mul3A_442, %add3A_443 : i32
        %get3A_445 = arith.index_cast %add3A_444 : i32 to index
        %get3A_446 = arith.constant 0 : index
        %get3A_447 = tpu.vector_load %arg19[%get3A_445, %get3A_446] {strides = array<i32>} : memref<1000x16xf32, #tpu.memory_space<vmem>>, vector<1x16xf32>,
        %get3A_448 = vector.shape_cast %get3A_447 : vector<1x16xf32> to vector<16xf32>
        %swap3A_449 = arith.index_cast %add3A_390 : i32 to index
        %swap3A_450 = arith.constant 64 : index
        %swap3A_451 = tpu.vector_load %arg21[%swap3A_449, %swap3A_450] {strides = array<i32>} : memref<125x128xf32, #tpu.memory_space<vmem>>, vector<1x16xf32>,
        %swap3A_452 = vector.shape_cast %swap3A_451 : vector<1x16xf32> to vector<16xf32>
        %swap3A_453 = vector.shape_cast %get3A_448 : vector<16xf32> to vector<1x16xf32>
        tpu.vector_store %arg21[%swap3A_449, %swap3A_450], %swap3A_453 {strides = array<i32>} : memref<125x128xf32, #tpu.memory_space<vmem>>, vector<1x16xf32>,
        %mul3A_454 = arith.constant 8 : i32
        %mul3A_455 = arith.muli %add3A_390, %mul3A_454 : i32
        %add3A_456 = arith.constant 5 : i32
        %add3A_457 = arith.addi %mul3A_455, %add3A_456 : i32
        %get3A_458 = arith.index_cast %add3A_457 : i32 to index
        %get3A_459 = arith.constant 0 : index
        %get3A_460 = tpu.vector_load %arg19[%get3A_458, %get3A_459] {strides = array<i32>} : memref<1000x16xf32, #tpu.memory_space<vmem>>, vector<1x16xf32>,
        %get3A_461 = vector.shape_cast %get3A_460 : vector<1x16xf32> to vector<16xf32>
        %swap3A_462 = arith.index_cast %add3A_390 : i32 to index
        %swap3A_463 = arith.constant 80 : index
        %swap3A_464 = tpu.vector_load %arg21[%swap3A_462, %swap3A_463] {strides = array<i32>} : memref<125x128xf32, #tpu.memory_space<vmem>>, vector<1x16xf32>,
        %swap3A_465 = vector.shape_cast %swap3A_464 : vector<1x16xf32> to vector<16xf32>
        %swap3A_466 = vector.shape_cast %get3A_461 : vector<16xf32> to vector<1x16xf32>
        tpu.vector_store %arg21[%swap3A_462, %swap3A_463], %swap3A_466 {strides = array<i32>} : memref<125x128xf32, #tpu.memory_space<vmem>>, vector<1x16xf32>,
        %mul3A_467 = arith.constant 8 : i32
        %mul3A_468 = arith.muli %add3A_390, %mul3A_467 : i32
        %add3A_469 = arith.constant 6 : i32
        %add3A_470 = arith.addi %mul3A_468, %add3A_469 : i32
        %get3A_471 = arith.index_cast %add3A_470 : i32 to index
        %get3A_472 = arith.constant 0 : index
        %get3A_473 = tpu.vector_load %arg19[%get3A_471, %get3A_472] {strides = array<i32>} : memref<1000x16xf32, #tpu.memory_space<vmem>>, vector<1x16xf32>,
        %get3A_474 = vector.shape_cast %get3A_473 : vector<1x16xf32> to vector<16xf32>
        %swap3A_475 = arith.index_cast %add3A_390 : i32 to index
        %swap3A_476 = arith.constant 96 : index
        %swap3A_477 = tpu.vector_load %arg21[%swap3A_475, %swap3A_476] {strides = array<i32>} : memref<125x128xf32, #tpu.memory_space<vmem>>, vector<1x16xf32>,
        %swap3A_478 = vector.shape_cast %swap3A_477 : vector<1x16xf32> to vector<16xf32>
        %swap3A_479 = vector.shape_cast %get3A_474 : vector<16xf32> to vector<1x16xf32>
        tpu.vector_store %arg21[%swap3A_475, %swap3A_476], %swap3A_479 {strides = array<i32>} : memref<125x128xf32, #tpu.memory_space<vmem>>, vector<1x16xf32>,
        %mul3A_480 = arith.constant 8 : i32
        %mul3A_481 = arith.muli %add3A_390, %mul3A_480 : i32
        %add3A_482 = arith.constant 7 : i32
        %add3A_483 = arith.addi %mul3A_481, %add3A_482 : i32
        %get3A_484 = arith.index_cast %add3A_483 : i32 to index
        %get3A_485 = arith.constant 0 : index
        %get3A_486 = tpu.vector_load %arg19[%get3A_484, %get3A_485] {strides = array<i32>} : memref<1000x16xf32, #tpu.memory_space<vmem>>, vector<1x16xf32>,
        %get3A_487 = vector.shape_cast %get3A_486 : vector<1x16xf32> to vector<16xf32>
        %swap3A_488 = arith.index_cast %add3A_390 : i32 to index
        %swap3A_489 = arith.constant 112 : index
        %swap3A_490 = tpu.vector_load %arg21[%swap3A_488, %swap3A_489] {strides = array<i32>} : memref<125x128xf32, #tpu.memory_space<vmem>>, vector<1x16xf32>,
        %swap3A_491 = vector.shape_cast %swap3A_490 : vector<1x16xf32> to vector<16xf32>
        %swap3A_492 = vector.shape_cast %get3A_487 : vector<16xf32> to vector<1x16xf32>
        tpu.vector_store %arg21[%swap3A_488, %swap3A_489], %swap3A_492 {strides = array<i32>} : memref<125x128xf32, #tpu.memory_space<vmem>>, vector<1x16xf32>,
      }
      %scan3A_375 = arith.constant 125 : i32
      %eq3A_376 = arith.constant 0 : i32
      %eq3A_377 = arith.cmpi eq, %arg0, %eq3A_376 : i32
      %convert_element_type3A_378 = arith.extui %eq3A_377 : i1 to i32
      %cond3A_379 = arith.constant 0 : i32
      %cond3A_380 = arith.cmpi ne, %convert_element_type3A_378, %cond3A_379 : i32
      scf.if %cond3A_380 {
        "tpu.region"() ({
          %run_scoped3A = tpu.sem_alloc : memref<!tpu.dma_semaphore, #tpu.memory_space<semaphore_mem>>
          %dma_start3A_386 = arith.constant 0 : i32
          %dma_start3A_387 = tpu.memref_slice %arg13[%select_n3A_322, %dma_start3A_386] : memref<100000x128xf32, #tpu.memory_space<hbm>> -> memref<125x128xf32, #tpu.memory_space<hbm>>
          %dma_start3A_388 = arith.constant 0 : i32
          %dma_start3A_389 = tpu.memref_slice %arg13[%select_n3A_322, %dma_start3A_388] : memref<100000x128xf32, #tpu.memory_space<hbm>> -> memref<125x128xf32, #tpu.memory_space<hbm>>
          tpu.enqueue_dma source(%arg21 : memref<125x128xf32, #tpu.memory_space<vmem>>) target(%dma_start3A_389 : memref<125x128xf32, #tpu.memory_space<hbm>>) target_semaphore(%run_scoped3A : memref<!tpu.dma_semaphore, #tpu.memory_space<semaphore_mem>>)
          %dma_wait3A_390 = arith.constant 0 : i32
          %dma_wait3A_391 = tpu.memref_slice %arg13[%select_n3A_322, %dma_wait3A_390] : memref<100000x128xf32, #tpu.memory_space<hbm>> -> memref<125x128xf32, #tpu.memory_space<hbm>>
          %dma_wait3A_392 = arith.constant 0 : i32
          %dma_wait3A_393 = tpu.memref_slice %arg13[%select_n3A_322, %dma_wait3A_392] : memref<100000x128xf32, #tpu.memory_space<hbm>> -> memref<125x128xf32, #tpu.memory_space<hbm>>
          tpu.wait_dma2 semaphore(%run_scoped3A : memref<!tpu.dma_semaphore, #tpu.memory_space<semaphore_mem>>) src(%arg21 : memref<125x128xf32, #tpu.memory_space<vmem>>) dst(%dma_wait3A_393 : memref<125x128xf32, #tpu.memory_space<hbm>>)
          tpu.yield
        }) : () -> ()
      } else {
      }
      %eq3A_381 = arith.constant 1 : i32
      %eq3A_382 = arith.cmpi eq, %arg0, %eq3A_381 : i32
      %convert_element_type3A_383 = arith.extui %eq3A_382 : i1 to i32
      %cond3A_384 = arith.constant 0 : i32
      %cond3A_385 = arith.cmpi ne, %convert_element_type3A_383, %cond3A_384 : i32
      scf.if %cond3A_385 {
        "tpu.region"() ({
          %run_scoped3A = tpu.sem_alloc : memref<!tpu.dma_semaphore, #tpu.memory_space<semaphore_mem>>
          %dma_start3A_386 = arith.constant 0 : i32
          %dma_start3A_387 = tpu.memref_slice %arg15[%select_n3A_322, %dma_start3A_386] : memref<100000x128xf32, #tpu.memory_space<hbm>> -> memref<125x128xf32, #tpu.memory_space<hbm>>
          %dma_start3A_388 = arith.constant 0 : i32
          %dma_start3A_389 = tpu.memref_slice %arg15[%select_n3A_322, %dma_start3A_388] : memref<100000x128xf32, #tpu.memory_space<hbm>> -> memref<125x128xf32, #tpu.memory_space<hbm>>
          tpu.enqueue_dma source(%arg21 : memref<125x128xf32, #tpu.memory_space<vmem>>) target(%dma_start3A_389 : memref<125x128xf32, #tpu.memory_space<hbm>>) target_semaphore(%run_scoped3A : memref<!tpu.dma_semaphore, #tpu.memory_space<semaphore_mem>>)
          %dma_wait3A_390 = arith.constant 0 : i32
          %dma_wait3A_391 = tpu.memref_slice %arg15[%select_n3A_322, %dma_wait3A_390] : memref<100000x128xf32, #tpu.memory_space<hbm>> -> memref<125x128xf32, #tpu.memory_space<hbm>>
          %dma_wait3A_392 = arith.constant 0 : i32
          %dma_wait3A_393 = tpu.memref_slice %arg15[%select_n3A_322, %dma_wait3A_392] : memref<100000x128xf32, #tpu.memory_space<hbm>> -> memref<125x128xf32, #tpu.memory_space<hbm>>
          tpu.wait_dma2 semaphore(%run_scoped3A : memref<!tpu.dma_semaphore, #tpu.memory_space<semaphore_mem>>) src(%arg21 : memref<125x128xf32, #tpu.memory_space<vmem>>) dst(%dma_wait3A_393 : memref<125x128xf32, #tpu.memory_space<hbm>>)
          tpu.yield
        }) : () -> ()
      } else {
      }
    }
    %scan3A_194 = arith.constant 25 : i32
    return
  }
}

#map = affine_map<(d0, d1) -> (0, 0)>
#map1 = affine_map<(d0, d1) -> (0)>
module attributes {stable_mosaic.version = 14 : i64} {
  func.func @_sc_gather_body(%arg0: i32, %arg1: i32, %arg2: memref<50000x16xf32, #tpu.memory_space<hbm>>, %arg3: memref<800000xi32, #tpu.memory_space<hbm>>, %arg4: memref<800000xi32, #tpu.memory_space<hbm>>, %arg5: memref<100000x128xf32, #tpu.memory_space<hbm>>, %arg6: memref<100000x128xf32, #tpu.memory_space<hbm>>, %arg7: memref<1000xi32, #tpu.memory_space<vmem>>, %arg8: memref<1000x16xf32, #tpu.memory_space<vmem>>, %arg9: memref<125x128xf32, #tpu.memory_space<vmem>>, %arg10: memref<!tpu.dma_semaphore, #tpu.memory_space<semaphore_mem>>) attributes {dimension_semantics = [#tpu.dimension_semantics<core_parallel>, #tpu.dimension_semantics<subcore_parallel>], iteration_bounds = array<i64: 2, 16>, scalar_prefetch = 0 : i64, scratch_operands = 4 : i64, tpu.core_type = #tpu.core_type<sc_vector_subcore>, window_params = [{transform_indices = #map}, {transform_indices = #map1}, {transform_indices = #map1}, {transform_indices = #map}, {transform_indices = #map}]} {
    %mul3A = arith.constant 2 : i32
    %mul3A_0 = arith.muli %arg1, %mul3A : i32
    %add3A = arith.addi %mul3A_0, %arg0 : i32
    %mul3A_1 = arith.constant 25000 : i32
    %mul3A_2 = arith.muli %add3A, %mul3A_1 : i32
    %scan3A = arith.constant 0 : i32
    %scan3A_3 = arith.constant 25 : i32
    %scan3A_4 = arith.addi %scan3A, %scan3A_3 : i32
    %scan3A_5 = arith.constant 1 : i32
    scf.for %scan3A_12 = %scan3A to %scan3A_4 step %scan3A_5  : i32 {
      %mul3A_13 = arith.constant 1 : i32
      %mul3A_14 = arith.muli %scan3A_12, %mul3A_13 : i32
      %add3A_15 = arith.constant 0 : i32
      %add3A_16 = arith.addi %add3A_15, %mul3A_14 : i32
      %mul3A_17 = arith.constant 1000 : i32
      %mul3A_18 = arith.muli %add3A_16, %mul3A_17 : i32
      %add3A_19 = arith.addi %mul3A_2, %mul3A_18 : i32
      "tpu.region"() ({
        %run_scoped3A = tpu.sem_alloc : memref<!tpu.dma_semaphore, #tpu.memory_space<semaphore_mem>>
        %dma_start3A_45 = tpu.memref_slice %arg3[%add3A_19] : memref<800000xi32, #tpu.memory_space<hbm>> -> memref<1000xi32, #tpu.memory_space<hbm>>
        %dma_start3A_46 = tpu.memref_slice %arg3[%add3A_19] : memref<800000xi32, #tpu.memory_space<hbm>> -> memref<1000xi32, #tpu.memory_space<hbm>>
        tpu.enqueue_dma source(%dma_start3A_46 : memref<1000xi32, #tpu.memory_space<hbm>>) target(%arg7 : memref<1000xi32, #tpu.memory_space<vmem>>) target_semaphore(%run_scoped3A : memref<!tpu.dma_semaphore, #tpu.memory_space<semaphore_mem>>)
        %dma_wait3A_47 = tpu.memref_slice %arg3[%add3A_19] : memref<800000xi32, #tpu.memory_space<hbm>> -> memref<1000xi32, #tpu.memory_space<hbm>>
        %dma_wait3A_48 = tpu.memref_slice %arg3[%add3A_19] : memref<800000xi32, #tpu.memory_space<hbm>> -> memref<1000xi32, #tpu.memory_space<hbm>>
        tpu.wait_dma2 semaphore(%run_scoped3A : memref<!tpu.dma_semaphore, #tpu.memory_space<semaphore_mem>>) src(%dma_wait3A_48 : memref<1000xi32, #tpu.memory_space<hbm>>) dst(%arg7 : memref<1000xi32, #tpu.memory_space<vmem>>)
        tpu.yield
      }) : () -> ()
      %dma_start3A = arith.constant 0 : i32
      %dma_start3A_20 = arith.constant 0 : i32
      %dma_start3A_21 = tpu.memref_slice %arg2[%dma_start3A, %dma_start3A_20] : memref<50000x16xf32, #tpu.memory_space<hbm>> -> memref<50000x16xf32, #tpu.memory_space<hbm>>
      tpu.enqueue_indirect_dma source(%dma_start3A_21 : memref<50000x16xf32, #tpu.memory_space<hbm>>) target(%arg8 : memref<1000x16xf32, #tpu.memory_space<vmem>>) offsets(%arg7 : memref<1000xi32, #tpu.memory_space<vmem>>) semaphore(%arg10 : memref<!tpu.dma_semaphore, #tpu.memory_space<semaphore_mem>>)
      %dma_wait3A = arith.constant 0 : i32
      %dma_wait3A_22 = arith.constant 0 : i32
      %dma_wait3A_23 = tpu.memref_slice %arg2[%dma_wait3A, %dma_wait3A_22] : memref<50000x16xf32, #tpu.memory_space<hbm>> -> memref<50000x16xf32, #tpu.memory_space<hbm>>
      tpu.wait_indirect_dma semaphore(%arg10 : memref<!tpu.dma_semaphore, #tpu.memory_space<semaphore_mem>>) src(%dma_wait3A_23 : memref<50000x16xf32, #tpu.memory_space<hbm>>) dst(%arg8 : memref<1000x16xf32, #tpu.memory_space<vmem>>)
      %scan3A_24 = arith.constant 0 : i32
      %scan3A_25 = arith.constant 125 : i32
      %scan3A_26 = arith.addi %scan3A_24, %scan3A_25 : i32
      %scan3A_27 = arith.constant 1 : i32
      scf.for %scan3A_45 = %scan3A_24 to %scan3A_26 step %scan3A_27  : i32 {
        %mul3A_46 = arith.constant 1 : i32
        %mul3A_47 = arith.muli %scan3A_45, %mul3A_46 : i32
        %add3A_48 = arith.constant 0 : i32
        %add3A_49 = arith.addi %add3A_48, %mul3A_47 : i32
        %mul3A_50 = arith.constant 8 : i32
        %mul3A_51 = arith.muli %add3A_49, %mul3A_50 : i32
        %add3A_52 = arith.constant 0 : i32
        %add3A_53 = arith.addi %mul3A_51, %add3A_52 : i32
        %get3A = arith.index_cast %add3A_53 : i32 to index
        %get3A_54 = arith.constant 0 : index
        %get3A_55 = tpu.vector_load %arg8[%get3A, %get3A_54] {strides = array<i32>} : memref<1000x16xf32, #tpu.memory_space<vmem>>, vector<1x16xf32>,
        %get3A_56 = vector.shape_cast %get3A_55 : vector<1x16xf32> to vector<16xf32>
        %swap3A = arith.index_cast %add3A_49 : i32 to index
        %swap3A_57 = arith.constant 0 : index
        %swap3A_58 = tpu.vector_load %arg9[%swap3A, %swap3A_57] {strides = array<i32>} : memref<125x128xf32, #tpu.memory_space<vmem>>, vector<1x16xf32>,
        %swap3A_59 = vector.shape_cast %swap3A_58 : vector<1x16xf32> to vector<16xf32>
        %swap3A_60 = vector.shape_cast %get3A_56 : vector<16xf32> to vector<1x16xf32>
        tpu.vector_store %arg9[%swap3A, %swap3A_57], %swap3A_60 {strides = array<i32>} : memref<125x128xf32, #tpu.memory_space<vmem>>, vector<1x16xf32>,
        %mul3A_61 = arith.constant 8 : i32
        %mul3A_62 = arith.muli %add3A_49, %mul3A_61 : i32
        %add3A_63 = arith.constant 1 : i32
        %add3A_64 = arith.addi %mul3A_62, %add3A_63 : i32
        %get3A_65 = arith.index_cast %add3A_64 : i32 to index
        %get3A_66 = arith.constant 0 : index
        %get3A_67 = tpu.vector_load %arg8[%get3A_65, %get3A_66] {strides = array<i32>} : memref<1000x16xf32, #tpu.memory_space<vmem>>, vector<1x16xf32>,
        %get3A_68 = vector.shape_cast %get3A_67 : vector<1x16xf32> to vector<16xf32>
        %swap3A_69 = arith.index_cast %add3A_49 : i32 to index
        %swap3A_70 = arith.constant 16 : index
        %swap3A_71 = tpu.vector_load %arg9[%swap3A_69, %swap3A_70] {strides = array<i32>} : memref<125x128xf32, #tpu.memory_space<vmem>>, vector<1x16xf32>,
        %swap3A_72 = vector.shape_cast %swap3A_71 : vector<1x16xf32> to vector<16xf32>
        %swap3A_73 = vector.shape_cast %get3A_68 : vector<16xf32> to vector<1x16xf32>
        tpu.vector_store %arg9[%swap3A_69, %swap3A_70], %swap3A_73 {strides = array<i32>} : memref<125x128xf32, #tpu.memory_space<vmem>>, vector<1x16xf32>,
        %mul3A_74 = arith.constant 8 : i32
        %mul3A_75 = arith.muli %add3A_49, %mul3A_74 : i32
        %add3A_76 = arith.constant 2 : i32
        %add3A_77 = arith.addi %mul3A_75, %add3A_76 : i32
        %get3A_78 = arith.index_cast %add3A_77 : i32 to index
        %get3A_79 = arith.constant 0 : index
        %get3A_80 = tpu.vector_load %arg8[%get3A_78, %get3A_79] {strides = array<i32>} : memref<1000x16xf32, #tpu.memory_space<vmem>>, vector<1x16xf32>,
        %get3A_81 = vector.shape_cast %get3A_80 : vector<1x16xf32> to vector<16xf32>
        %swap3A_82 = arith.index_cast %add3A_49 : i32 to index
        %swap3A_83 = arith.constant 32 : index
        %swap3A_84 = tpu.vector_load %arg9[%swap3A_82, %swap3A_83] {strides = array<i32>} : memref<125x128xf32, #tpu.memory_space<vmem>>, vector<1x16xf32>,
        %swap3A_85 = vector.shape_cast %swap3A_84 : vector<1x16xf32> to vector<16xf32>
        %swap3A_86 = vector.shape_cast %get3A_81 : vector<16xf32> to vector<1x16xf32>
        tpu.vector_store %arg9[%swap3A_82, %swap3A_83], %swap3A_86 {strides = array<i32>} : memref<125x128xf32, #tpu.memory_space<vmem>>, vector<1x16xf32>,
        %mul3A_87 = arith.constant 8 : i32
        %mul3A_88 = arith.muli %add3A_49, %mul3A_87 : i32
        %add3A_89 = arith.constant 3 : i32
        %add3A_90 = arith.addi %mul3A_88, %add3A_89 : i32
        %get3A_91 = arith.index_cast %add3A_90 : i32 to index
        %get3A_92 = arith.constant 0 : index
        %get3A_93 = tpu.vector_load %arg8[%get3A_91, %get3A_92] {strides = array<i32>} : memref<1000x16xf32, #tpu.memory_space<vmem>>, vector<1x16xf32>,
        %get3A_94 = vector.shape_cast %get3A_93 : vector<1x16xf32> to vector<16xf32>
        %swap3A_95 = arith.index_cast %add3A_49 : i32 to index
        %swap3A_96 = arith.constant 48 : index
        %swap3A_97 = tpu.vector_load %arg9[%swap3A_95, %swap3A_96] {strides = array<i32>} : memref<125x128xf32, #tpu.memory_space<vmem>>, vector<1x16xf32>,
        %swap3A_98 = vector.shape_cast %swap3A_97 : vector<1x16xf32> to vector<16xf32>
        %swap3A_99 = vector.shape_cast %get3A_94 : vector<16xf32> to vector<1x16xf32>
        tpu.vector_store %arg9[%swap3A_95, %swap3A_96], %swap3A_99 {strides = array<i32>} : memref<125x128xf32, #tpu.memory_space<vmem>>, vector<1x16xf32>,
        %mul3A_100 = arith.constant 8 : i32
        %mul3A_101 = arith.muli %add3A_49, %mul3A_100 : i32
        %add3A_102 = arith.constant 4 : i32
        %add3A_103 = arith.addi %mul3A_101, %add3A_102 : i32
        %get3A_104 = arith.index_cast %add3A_103 : i32 to index
        %get3A_105 = arith.constant 0 : index
        %get3A_106 = tpu.vector_load %arg8[%get3A_104, %get3A_105] {strides = array<i32>} : memref<1000x16xf32, #tpu.memory_space<vmem>>, vector<1x16xf32>,
        %get3A_107 = vector.shape_cast %get3A_106 : vector<1x16xf32> to vector<16xf32>
        %swap3A_108 = arith.index_cast %add3A_49 : i32 to index
        %swap3A_109 = arith.constant 64 : index
        %swap3A_110 = tpu.vector_load %arg9[%swap3A_108, %swap3A_109] {strides = array<i32>} : memref<125x128xf32, #tpu.memory_space<vmem>>, vector<1x16xf32>,
        %swap3A_111 = vector.shape_cast %swap3A_110 : vector<1x16xf32> to vector<16xf32>
        %swap3A_112 = vector.shape_cast %get3A_107 : vector<16xf32> to vector<1x16xf32>
        tpu.vector_store %arg9[%swap3A_108, %swap3A_109], %swap3A_112 {strides = array<i32>} : memref<125x128xf32, #tpu.memory_space<vmem>>, vector<1x16xf32>,
        %mul3A_113 = arith.constant 8 : i32
        %mul3A_114 = arith.muli %add3A_49, %mul3A_113 : i32
        %add3A_115 = arith.constant 5 : i32
        %add3A_116 = arith.addi %mul3A_114, %add3A_115 : i32
        %get3A_117 = arith.index_cast %add3A_116 : i32 to index
        %get3A_118 = arith.constant 0 : index
        %get3A_119 = tpu.vector_load %arg8[%get3A_117, %get3A_118] {strides = array<i32>} : memref<1000x16xf32, #tpu.memory_space<vmem>>, vector<1x16xf32>,
        %get3A_120 = vector.shape_cast %get3A_119 : vector<1x16xf32> to vector<16xf32>
        %swap3A_121 = arith.index_cast %add3A_49 : i32 to index
        %swap3A_122 = arith.constant 80 : index
        %swap3A_123 = tpu.vector_load %arg9[%swap3A_121, %swap3A_122] {strides = array<i32>} : memref<125x128xf32, #tpu.memory_space<vmem>>, vector<1x16xf32>,
        %swap3A_124 = vector.shape_cast %swap3A_123 : vector<1x16xf32> to vector<16xf32>
        %swap3A_125 = vector.shape_cast %get3A_120 : vector<16xf32> to vector<1x16xf32>
        tpu.vector_store %arg9[%swap3A_121, %swap3A_122], %swap3A_125 {strides = array<i32>} : memref<125x128xf32, #tpu.memory_space<vmem>>, vector<1x16xf32>,
        %mul3A_126 = arith.constant 8 : i32
        %mul3A_127 = arith.muli %add3A_49, %mul3A_126 : i32
        %add3A_128 = arith.constant 6 : i32
        %add3A_129 = arith.addi %mul3A_127, %add3A_128 : i32
        %get3A_130 = arith.index_cast %add3A_129 : i32 to index
        %get3A_131 = arith.constant 0 : index
        %get3A_132 = tpu.vector_load %arg8[%get3A_130, %get3A_131] {strides = array<i32>} : memref<1000x16xf32, #tpu.memory_space<vmem>>, vector<1x16xf32>,
        %get3A_133 = vector.shape_cast %get3A_132 : vector<1x16xf32> to vector<16xf32>
        %swap3A_134 = arith.index_cast %add3A_49 : i32 to index
        %swap3A_135 = arith.constant 96 : index
        %swap3A_136 = tpu.vector_load %arg9[%swap3A_134, %swap3A_135] {strides = array<i32>} : memref<125x128xf32, #tpu.memory_space<vmem>>, vector<1x16xf32>,
        %swap3A_137 = vector.shape_cast %swap3A_136 : vector<1x16xf32> to vector<16xf32>
        %swap3A_138 = vector.shape_cast %get3A_133 : vector<16xf32> to vector<1x16xf32>
        tpu.vector_store %arg9[%swap3A_134, %swap3A_135], %swap3A_138 {strides = array<i32>} : memref<125x128xf32, #tpu.memory_space<vmem>>, vector<1x16xf32>,
        %mul3A_139 = arith.constant 8 : i32
        %mul3A_140 = arith.muli %add3A_49, %mul3A_139 : i32
        %add3A_141 = arith.constant 7 : i32
        %add3A_142 = arith.addi %mul3A_140, %add3A_141 : i32
        %get3A_143 = arith.index_cast %add3A_142 : i32 to index
        %get3A_144 = arith.constant 0 : index
        %get3A_145 = tpu.vector_load %arg8[%get3A_143, %get3A_144] {strides = array<i32>} : memref<1000x16xf32, #tpu.memory_space<vmem>>, vector<1x16xf32>,
        %get3A_146 = vector.shape_cast %get3A_145 : vector<1x16xf32> to vector<16xf32>
        %swap3A_147 = arith.index_cast %add3A_49 : i32 to index
        %swap3A_148 = arith.constant 112 : index
        %swap3A_149 = tpu.vector_load %arg9[%swap3A_147, %swap3A_148] {strides = array<i32>} : memref<125x128xf32, #tpu.memory_space<vmem>>, vector<1x16xf32>,
        %swap3A_150 = vector.shape_cast %swap3A_149 : vector<1x16xf32> to vector<16xf32>
        %swap3A_151 = vector.shape_cast %get3A_146 : vector<16xf32> to vector<1x16xf32>
        tpu.vector_store %arg9[%swap3A_147, %swap3A_148], %swap3A_151 {strides = array<i32>} : memref<125x128xf32, #tpu.memory_space<vmem>>, vector<1x16xf32>,
      }
      %scan3A_28 = arith.constant 125 : i32
      %jit3A = arith.constant 8 : i32
      %div3A = arith.divsi %add3A_19, %jit3A : i32
      %sign3A = arith.constant 0 : i32
      %sign3A_29 = arith.cmpi sgt, %add3A_19, %sign3A : i32
      %sign3A_30 = arith.extui %sign3A_29 : i1 to i32
      %sign3A_31 = arith.constant 0 : i32
      %sign3A_32 = arith.cmpi slt, %add3A_19, %sign3A_31 : i32
      %sign3A_33 = arith.extui %sign3A_32 : i1 to i32
      %sign3A_34 = arith.subi %sign3A_30, %sign3A_33 : i32
      %sign3A_35 = arith.constant 0 : i32
      %sign3A_36 = arith.cmpi sgt, %jit3A, %sign3A_35 : i32
      %sign3A_37 = arith.extui %sign3A_36 : i1 to i32
      %sign3A_38 = arith.constant 0 : i32
      %sign3A_39 = arith.cmpi slt, %jit3A, %sign3A_38 : i32
      %sign3A_40 = arith.extui %sign3A_39 : i1 to i32
      %sign3A_41 = arith.subi %sign3A_37, %sign3A_40 : i32
      %ne3A = arith.cmpi ne, %sign3A_34, %sign3A_41 : i32
      %rem3A = arith.remsi %add3A_19, %jit3A : i32
      %ne3A_42 = arith.constant 0 : i32
      %ne3A_43 = arith.cmpi ne, %rem3A, %ne3A_42 : i32
      %and3A = arith.andi %ne3A, %ne3A_43 : i1
      %sub3A = arith.constant 1 : i32
      %sub3A_44 = arith.subi %div3A, %sub3A : i32
      %select_n3A = arith.select %and3A, %sub3A_44, %div3A : i32
      "tpu.region"() ({
        %run_scoped3A = tpu.sem_alloc : memref<!tpu.dma_semaphore, #tpu.memory_space<semaphore_mem>>
        %dma_start3A_45 = arith.constant 0 : i32
        %dma_start3A_46 = tpu.memref_slice %arg5[%select_n3A, %dma_start3A_45] : memref<100000x128xf32, #tpu.memory_space<hbm>> -> memref<125x128xf32, #tpu.memory_space<hbm>>
        %dma_start3A_47 = arith.constant 0 : i32
        %dma_start3A_48 = tpu.memref_slice %arg5[%select_n3A, %dma_start3A_47] : memref<100000x128xf32, #tpu.memory_space<hbm>> -> memref<125x128xf32, #tpu.memory_space<hbm>>
        tpu.enqueue_dma source(%arg9 : memref<125x128xf32, #tpu.memory_space<vmem>>) target(%dma_start3A_48 : memref<125x128xf32, #tpu.memory_space<hbm>>) target_semaphore(%run_scoped3A : memref<!tpu.dma_semaphore, #tpu.memory_space<semaphore_mem>>)
        %dma_wait3A_49 = arith.constant 0 : i32
        %dma_wait3A_50 = tpu.memref_slice %arg5[%select_n3A, %dma_wait3A_49] : memref<100000x128xf32, #tpu.memory_space<hbm>> -> memref<125x128xf32, #tpu.memory_space<hbm>>
        %dma_wait3A_51 = arith.constant 0 : i32
        %dma_wait3A_52 = tpu.memref_slice %arg5[%select_n3A, %dma_wait3A_51] : memref<100000x128xf32, #tpu.memory_space<hbm>> -> memref<125x128xf32, #tpu.memory_space<hbm>>
        tpu.wait_dma2 semaphore(%run_scoped3A : memref<!tpu.dma_semaphore, #tpu.memory_space<semaphore_mem>>) src(%arg9 : memref<125x128xf32, #tpu.memory_space<vmem>>) dst(%dma_wait3A_52 : memref<125x128xf32, #tpu.memory_space<hbm>>)
        tpu.yield
      }) : () -> ()
    }
    %scan3A_6 = arith.constant 25 : i32
    %scan3A_7 = arith.constant 0 : i32
    %scan3A_8 = arith.constant 25 : i32
    %scan3A_9 = arith.addi %scan3A_7, %scan3A_8 : i32
    %scan3A_10 = arith.constant 1 : i32
    scf.for %scan3A_12 = %scan3A_7 to %scan3A_9 step %scan3A_10  : i32 {
      %mul3A_13 = arith.constant 1 : i32
      %mul3A_14 = arith.muli %scan3A_12, %mul3A_13 : i32
      %add3A_15 = arith.constant 0 : i32
      %add3A_16 = arith.addi %add3A_15, %mul3A_14 : i32
      %mul3A_17 = arith.constant 1000 : i32
      %mul3A_18 = arith.muli %add3A_16, %mul3A_17 : i32
      %add3A_19 = arith.addi %mul3A_2, %mul3A_18 : i32
      "tpu.region"() ({
        %run_scoped3A = tpu.sem_alloc : memref<!tpu.dma_semaphore, #tpu.memory_space<semaphore_mem>>
        %dma_start3A_45 = tpu.memref_slice %arg4[%add3A_19] : memref<800000xi32, #tpu.memory_space<hbm>> -> memref<1000xi32, #tpu.memory_space<hbm>>
        %dma_start3A_46 = tpu.memref_slice %arg4[%add3A_19] : memref<800000xi32, #tpu.memory_space<hbm>> -> memref<1000xi32, #tpu.memory_space<hbm>>
        tpu.enqueue_dma source(%dma_start3A_46 : memref<1000xi32, #tpu.memory_space<hbm>>) target(%arg7 : memref<1000xi32, #tpu.memory_space<vmem>>) target_semaphore(%run_scoped3A : memref<!tpu.dma_semaphore, #tpu.memory_space<semaphore_mem>>)
        %dma_wait3A_47 = tpu.memref_slice %arg4[%add3A_19] : memref<800000xi32, #tpu.memory_space<hbm>> -> memref<1000xi32, #tpu.memory_space<hbm>>
        %dma_wait3A_48 = tpu.memref_slice %arg4[%add3A_19] : memref<800000xi32, #tpu.memory_space<hbm>> -> memref<1000xi32, #tpu.memory_space<hbm>>
        tpu.wait_dma2 semaphore(%run_scoped3A : memref<!tpu.dma_semaphore, #tpu.memory_space<semaphore_mem>>) src(%dma_wait3A_48 : memref<1000xi32, #tpu.memory_space<hbm>>) dst(%arg7 : memref<1000xi32, #tpu.memory_space<vmem>>)
        tpu.yield
      }) : () -> ()
      %dma_start3A = arith.constant 0 : i32
      %dma_start3A_20 = arith.constant 0 : i32
      %dma_start3A_21 = tpu.memref_slice %arg2[%dma_start3A, %dma_start3A_20] : memref<50000x16xf32, #tpu.memory_space<hbm>> -> memref<50000x16xf32, #tpu.memory_space<hbm>>
      tpu.enqueue_indirect_dma source(%dma_start3A_21 : memref<50000x16xf32, #tpu.memory_space<hbm>>) target(%arg8 : memref<1000x16xf32, #tpu.memory_space<vmem>>) offsets(%arg7 : memref<1000xi32, #tpu.memory_space<vmem>>) semaphore(%arg10 : memref<!tpu.dma_semaphore, #tpu.memory_space<semaphore_mem>>)
      %dma_wait3A = arith.constant 0 : i32
      %dma_wait3A_22 = arith.constant 0 : i32
      %dma_wait3A_23 = tpu.memref_slice %arg2[%dma_wait3A, %dma_wait3A_22] : memref<50000x16xf32, #tpu.memory_space<hbm>> -> memref<50000x16xf32, #tpu.memory_space<hbm>>
      tpu.wait_indirect_dma semaphore(%arg10 : memref<!tpu.dma_semaphore, #tpu.memory_space<semaphore_mem>>) src(%dma_wait3A_23 : memref<50000x16xf32, #tpu.memory_space<hbm>>) dst(%arg8 : memref<1000x16xf32, #tpu.memory_space<vmem>>)
      %scan3A_24 = arith.constant 0 : i32
      %scan3A_25 = arith.constant 125 : i32
      %scan3A_26 = arith.addi %scan3A_24, %scan3A_25 : i32
      %scan3A_27 = arith.constant 1 : i32
      scf.for %scan3A_45 = %scan3A_24 to %scan3A_26 step %scan3A_27  : i32 {
        %mul3A_46 = arith.constant 1 : i32
        %mul3A_47 = arith.muli %scan3A_45, %mul3A_46 : i32
        %add3A_48 = arith.constant 0 : i32
        %add3A_49 = arith.addi %add3A_48, %mul3A_47 : i32
        %mul3A_50 = arith.constant 8 : i32
        %mul3A_51 = arith.muli %add3A_49, %mul3A_50 : i32
        %add3A_52 = arith.constant 0 : i32
        %add3A_53 = arith.addi %mul3A_51, %add3A_52 : i32
        %get3A = arith.index_cast %add3A_53 : i32 to index
        %get3A_54 = arith.constant 0 : index
        %get3A_55 = tpu.vector_load %arg8[%get3A, %get3A_54] {strides = array<i32>} : memref<1000x16xf32, #tpu.memory_space<vmem>>, vector<1x16xf32>,
        %get3A_56 = vector.shape_cast %get3A_55 : vector<1x16xf32> to vector<16xf32>
        %swap3A = arith.index_cast %add3A_49 : i32 to index
        %swap3A_57 = arith.constant 0 : index
        %swap3A_58 = tpu.vector_load %arg9[%swap3A, %swap3A_57] {strides = array<i32>} : memref<125x128xf32, #tpu.memory_space<vmem>>, vector<1x16xf32>,
        %swap3A_59 = vector.shape_cast %swap3A_58 : vector<1x16xf32> to vector<16xf32>
        %swap3A_60 = vector.shape_cast %get3A_56 : vector<16xf32> to vector<1x16xf32>
        tpu.vector_store %arg9[%swap3A, %swap3A_57], %swap3A_60 {strides = array<i32>} : memref<125x128xf32, #tpu.memory_space<vmem>>, vector<1x16xf32>,
        %mul3A_61 = arith.constant 8 : i32
        %mul3A_62 = arith.muli %add3A_49, %mul3A_61 : i32
        %add3A_63 = arith.constant 1 : i32
        %add3A_64 = arith.addi %mul3A_62, %add3A_63 : i32
        %get3A_65 = arith.index_cast %add3A_64 : i32 to index
        %get3A_66 = arith.constant 0 : index
        %get3A_67 = tpu.vector_load %arg8[%get3A_65, %get3A_66] {strides = array<i32>} : memref<1000x16xf32, #tpu.memory_space<vmem>>, vector<1x16xf32>,
        %get3A_68 = vector.shape_cast %get3A_67 : vector<1x16xf32> to vector<16xf32>
        %swap3A_69 = arith.index_cast %add3A_49 : i32 to index
        %swap3A_70 = arith.constant 16 : index
        %swap3A_71 = tpu.vector_load %arg9[%swap3A_69, %swap3A_70] {strides = array<i32>} : memref<125x128xf32, #tpu.memory_space<vmem>>, vector<1x16xf32>,
        %swap3A_72 = vector.shape_cast %swap3A_71 : vector<1x16xf32> to vector<16xf32>
        %swap3A_73 = vector.shape_cast %get3A_68 : vector<16xf32> to vector<1x16xf32>
        tpu.vector_store %arg9[%swap3A_69, %swap3A_70], %swap3A_73 {strides = array<i32>} : memref<125x128xf32, #tpu.memory_space<vmem>>, vector<1x16xf32>,
        %mul3A_74 = arith.constant 8 : i32
        %mul3A_75 = arith.muli %add3A_49, %mul3A_74 : i32
        %add3A_76 = arith.constant 2 : i32
        %add3A_77 = arith.addi %mul3A_75, %add3A_76 : i32
        %get3A_78 = arith.index_cast %add3A_77 : i32 to index
        %get3A_79 = arith.constant 0 : index
        %get3A_80 = tpu.vector_load %arg8[%get3A_78, %get3A_79] {strides = array<i32>} : memref<1000x16xf32, #tpu.memory_space<vmem>>, vector<1x16xf32>,
        %get3A_81 = vector.shape_cast %get3A_80 : vector<1x16xf32> to vector<16xf32>
        %swap3A_82 = arith.index_cast %add3A_49 : i32 to index
        %swap3A_83 = arith.constant 32 : index
        %swap3A_84 = tpu.vector_load %arg9[%swap3A_82, %swap3A_83] {strides = array<i32>} : memref<125x128xf32, #tpu.memory_space<vmem>>, vector<1x16xf32>,
        %swap3A_85 = vector.shape_cast %swap3A_84 : vector<1x16xf32> to vector<16xf32>
        %swap3A_86 = vector.shape_cast %get3A_81 : vector<16xf32> to vector<1x16xf32>
        tpu.vector_store %arg9[%swap3A_82, %swap3A_83], %swap3A_86 {strides = array<i32>} : memref<125x128xf32, #tpu.memory_space<vmem>>, vector<1x16xf32>,
        %mul3A_87 = arith.constant 8 : i32
        %mul3A_88 = arith.muli %add3A_49, %mul3A_87 : i32
        %add3A_89 = arith.constant 3 : i32
        %add3A_90 = arith.addi %mul3A_88, %add3A_89 : i32
        %get3A_91 = arith.index_cast %add3A_90 : i32 to index
        %get3A_92 = arith.constant 0 : index
        %get3A_93 = tpu.vector_load %arg8[%get3A_91, %get3A_92] {strides = array<i32>} : memref<1000x16xf32, #tpu.memory_space<vmem>>, vector<1x16xf32>,
        %get3A_94 = vector.shape_cast %get3A_93 : vector<1x16xf32> to vector<16xf32>
        %swap3A_95 = arith.index_cast %add3A_49 : i32 to index
        %swap3A_96 = arith.constant 48 : index
        %swap3A_97 = tpu.vector_load %arg9[%swap3A_95, %swap3A_96] {strides = array<i32>} : memref<125x128xf32, #tpu.memory_space<vmem>>, vector<1x16xf32>,
        %swap3A_98 = vector.shape_cast %swap3A_97 : vector<1x16xf32> to vector<16xf32>
        %swap3A_99 = vector.shape_cast %get3A_94 : vector<16xf32> to vector<1x16xf32>
        tpu.vector_store %arg9[%swap3A_95, %swap3A_96], %swap3A_99 {strides = array<i32>} : memref<125x128xf32, #tpu.memory_space<vmem>>, vector<1x16xf32>,
        %mul3A_100 = arith.constant 8 : i32
        %mul3A_101 = arith.muli %add3A_49, %mul3A_100 : i32
        %add3A_102 = arith.constant 4 : i32
        %add3A_103 = arith.addi %mul3A_101, %add3A_102 : i32
        %get3A_104 = arith.index_cast %add3A_103 : i32 to index
        %get3A_105 = arith.constant 0 : index
        %get3A_106 = tpu.vector_load %arg8[%get3A_104, %get3A_105] {strides = array<i32>} : memref<1000x16xf32, #tpu.memory_space<vmem>>, vector<1x16xf32>,
        %get3A_107 = vector.shape_cast %get3A_106 : vector<1x16xf32> to vector<16xf32>
        %swap3A_108 = arith.index_cast %add3A_49 : i32 to index
        %swap3A_109 = arith.constant 64 : index
        %swap3A_110 = tpu.vector_load %arg9[%swap3A_108, %swap3A_109] {strides = array<i32>} : memref<125x128xf32, #tpu.memory_space<vmem>>, vector<1x16xf32>,
        %swap3A_111 = vector.shape_cast %swap3A_110 : vector<1x16xf32> to vector<16xf32>
        %swap3A_112 = vector.shape_cast %get3A_107 : vector<16xf32> to vector<1x16xf32>
        tpu.vector_store %arg9[%swap3A_108, %swap3A_109], %swap3A_112 {strides = array<i32>} : memref<125x128xf32, #tpu.memory_space<vmem>>, vector<1x16xf32>,
        %mul3A_113 = arith.constant 8 : i32
        %mul3A_114 = arith.muli %add3A_49, %mul3A_113 : i32
        %add3A_115 = arith.constant 5 : i32
        %add3A_116 = arith.addi %mul3A_114, %add3A_115 : i32
        %get3A_117 = arith.index_cast %add3A_116 : i32 to index
        %get3A_118 = arith.constant 0 : index
        %get3A_119 = tpu.vector_load %arg8[%get3A_117, %get3A_118] {strides = array<i32>} : memref<1000x16xf32, #tpu.memory_space<vmem>>, vector<1x16xf32>,
        %get3A_120 = vector.shape_cast %get3A_119 : vector<1x16xf32> to vector<16xf32>
        %swap3A_121 = arith.index_cast %add3A_49 : i32 to index
        %swap3A_122 = arith.constant 80 : index
        %swap3A_123 = tpu.vector_load %arg9[%swap3A_121, %swap3A_122] {strides = array<i32>} : memref<125x128xf32, #tpu.memory_space<vmem>>, vector<1x16xf32>,
        %swap3A_124 = vector.shape_cast %swap3A_123 : vector<1x16xf32> to vector<16xf32>
        %swap3A_125 = vector.shape_cast %get3A_120 : vector<16xf32> to vector<1x16xf32>
        tpu.vector_store %arg9[%swap3A_121, %swap3A_122], %swap3A_125 {strides = array<i32>} : memref<125x128xf32, #tpu.memory_space<vmem>>, vector<1x16xf32>,
        %mul3A_126 = arith.constant 8 : i32
        %mul3A_127 = arith.muli %add3A_49, %mul3A_126 : i32
        %add3A_128 = arith.constant 6 : i32
        %add3A_129 = arith.addi %mul3A_127, %add3A_128 : i32
        %get3A_130 = arith.index_cast %add3A_129 : i32 to index
        %get3A_131 = arith.constant 0 : index
        %get3A_132 = tpu.vector_load %arg8[%get3A_130, %get3A_131] {strides = array<i32>} : memref<1000x16xf32, #tpu.memory_space<vmem>>, vector<1x16xf32>,
        %get3A_133 = vector.shape_cast %get3A_132 : vector<1x16xf32> to vector<16xf32>
        %swap3A_134 = arith.index_cast %add3A_49 : i32 to index
        %swap3A_135 = arith.constant 96 : index
        %swap3A_136 = tpu.vector_load %arg9[%swap3A_134, %swap3A_135] {strides = array<i32>} : memref<125x128xf32, #tpu.memory_space<vmem>>, vector<1x16xf32>,
        %swap3A_137 = vector.shape_cast %swap3A_136 : vector<1x16xf32> to vector<16xf32>
        %swap3A_138 = vector.shape_cast %get3A_133 : vector<16xf32> to vector<1x16xf32>
        tpu.vector_store %arg9[%swap3A_134, %swap3A_135], %swap3A_138 {strides = array<i32>} : memref<125x128xf32, #tpu.memory_space<vmem>>, vector<1x16xf32>,
        %mul3A_139 = arith.constant 8 : i32
        %mul3A_140 = arith.muli %add3A_49, %mul3A_139 : i32
        %add3A_141 = arith.constant 7 : i32
        %add3A_142 = arith.addi %mul3A_140, %add3A_141 : i32
        %get3A_143 = arith.index_cast %add3A_142 : i32 to index
        %get3A_144 = arith.constant 0 : index
        %get3A_145 = tpu.vector_load %arg8[%get3A_143, %get3A_144] {strides = array<i32>} : memref<1000x16xf32, #tpu.memory_space<vmem>>, vector<1x16xf32>,
        %get3A_146 = vector.shape_cast %get3A_145 : vector<1x16xf32> to vector<16xf32>
        %swap3A_147 = arith.index_cast %add3A_49 : i32 to index
        %swap3A_148 = arith.constant 112 : index
        %swap3A_149 = tpu.vector_load %arg9[%swap3A_147, %swap3A_148] {strides = array<i32>} : memref<125x128xf32, #tpu.memory_space<vmem>>, vector<1x16xf32>,
        %swap3A_150 = vector.shape_cast %swap3A_149 : vector<1x16xf32> to vector<16xf32>
        %swap3A_151 = vector.shape_cast %get3A_146 : vector<16xf32> to vector<1x16xf32>
        tpu.vector_store %arg9[%swap3A_147, %swap3A_148], %swap3A_151 {strides = array<i32>} : memref<125x128xf32, #tpu.memory_space<vmem>>, vector<1x16xf32>,
      }
      %scan3A_28 = arith.constant 125 : i32
      %jit3A = arith.constant 8 : i32
      %div3A = arith.divsi %add3A_19, %jit3A : i32
      %sign3A = arith.constant 0 : i32
      %sign3A_29 = arith.cmpi sgt, %add3A_19, %sign3A : i32
      %sign3A_30 = arith.extui %sign3A_29 : i1 to i32
      %sign3A_31 = arith.constant 0 : i32
      %sign3A_32 = arith.cmpi slt, %add3A_19, %sign3A_31 : i32
      %sign3A_33 = arith.extui %sign3A_32 : i1 to i32
      %sign3A_34 = arith.subi %sign3A_30, %sign3A_33 : i32
      %sign3A_35 = arith.constant 0 : i32
      %sign3A_36 = arith.cmpi sgt, %jit3A, %sign3A_35 : i32
      %sign3A_37 = arith.extui %sign3A_36 : i1 to i32
      %sign3A_38 = arith.constant 0 : i32
      %sign3A_39 = arith.cmpi slt, %jit3A, %sign3A_38 : i32
      %sign3A_40 = arith.extui %sign3A_39 : i1 to i32
      %sign3A_41 = arith.subi %sign3A_37, %sign3A_40 : i32
      %ne3A = arith.cmpi ne, %sign3A_34, %sign3A_41 : i32
      %rem3A = arith.remsi %add3A_19, %jit3A : i32
      %ne3A_42 = arith.constant 0 : i32
      %ne3A_43 = arith.cmpi ne, %rem3A, %ne3A_42 : i32
      %and3A = arith.andi %ne3A, %ne3A_43 : i1
      %sub3A = arith.constant 1 : i32
      %sub3A_44 = arith.subi %div3A, %sub3A : i32
      %select_n3A = arith.select %and3A, %sub3A_44, %div3A : i32
      "tpu.region"() ({
        %run_scoped3A = tpu.sem_alloc : memref<!tpu.dma_semaphore, #tpu.memory_space<semaphore_mem>>
        %dma_start3A_45 = arith.constant 0 : i32
        %dma_start3A_46 = tpu.memref_slice %arg6[%select_n3A, %dma_start3A_45] : memref<100000x128xf32, #tpu.memory_space<hbm>> -> memref<125x128xf32, #tpu.memory_space<hbm>>
        %dma_start3A_47 = arith.constant 0 : i32
        %dma_start3A_48 = tpu.memref_slice %arg6[%select_n3A, %dma_start3A_47] : memref<100000x128xf32, #tpu.memory_space<hbm>> -> memref<125x128xf32, #tpu.memory_space<hbm>>
        tpu.enqueue_dma source(%arg9 : memref<125x128xf32, #tpu.memory_space<vmem>>) target(%dma_start3A_48 : memref<125x128xf32, #tpu.memory_space<hbm>>) target_semaphore(%run_scoped3A : memref<!tpu.dma_semaphore, #tpu.memory_space<semaphore_mem>>)
        %dma_wait3A_49 = arith.constant 0 : i32
        %dma_wait3A_50 = tpu.memref_slice %arg6[%select_n3A, %dma_wait3A_49] : memref<100000x128xf32, #tpu.memory_space<hbm>> -> memref<125x128xf32, #tpu.memory_space<hbm>>
        %dma_wait3A_51 = arith.constant 0 : i32
        %dma_wait3A_52 = tpu.memref_slice %arg6[%select_n3A, %dma_wait3A_51] : memref<100000x128xf32, #tpu.memory_space<hbm>> -> memref<125x128xf32, #tpu.memory_space<hbm>>
        tpu.wait_dma2 semaphore(%run_scoped3A : memref<!tpu.dma_semaphore, #tpu.memory_space<semaphore_mem>>) src(%arg9 : memref<125x128xf32, #tpu.memory_space<vmem>>) dst(%dma_wait3A_52 : memref<125x128xf32, #tpu.memory_space<hbm>>)
        tpu.yield
      }) : () -> ()
    }
    %scan3A_11 = arith.constant 25 : i32
    return
  }
}

module attributes {stable_mosaic.version = 14 : i64} {
  func.func @_p2_body(%arg0: i32, %arg1: memref<800x128xf32, #tpu.memory_space<vmem>>, %arg2: memref<800x128xf32, #tpu.memory_space<vmem>>, %arg3: memref<64x16xf32, #tpu.memory_space<vmem>>, %arg4: memref<64x1xf32, #tpu.memory_space<vmem>>, %arg5: memref<16x64xf32, #tpu.memory_space<vmem>>, %arg6: memref<800x128xf32, #tpu.memory_space<vmem>>, %arg7: memref<800x128xf32, #tpu.memory_space<vmem>>, %arg8: memref<800x128xf32, #tpu.memory_space<vmem>>, %arg9: memref<800x128xf32, #tpu.memory_space<vmem>>) attributes {dimension_semantics = [#tpu.dimension_semantics<arbitrary>], iteration_bounds = array<i64: 125>, scalar_prefetch = 0 : i64, scratch_operands = 0 : i64, tpu.core_type = #tpu.core_type<tc>, window_params = [{transform_indices = @transform_0, window_bounds = array<i64: 800, 128>}, {transform_indices = @transform_1, window_bounds = array<i64: 800, 128>}, {pipeline_mode = #tpu.pipeline_mode<synchronous>, transform_indices = @transform_2, window_bounds = array<i64: 64, 16>}, {pipeline_mode = #tpu.pipeline_mode<synchronous>, transform_indices = @transform_3, window_bounds = array<i64: 64, 1>}, {pipeline_mode = #tpu.pipeline_mode<synchronous>, transform_indices = @transform_4, window_bounds = array<i64: 16, 64>}, {transform_indices = @transform_5, window_bounds = array<i64: 800, 128>}, {transform_indices = @transform_6, window_bounds = array<i64: 800, 128>}, {transform_indices = @transform_7, window_bounds = array<i64: 800, 128>}, {transform_indices = @transform_8, window_bounds = array<i64: 800, 128>}]} {
    %get3A = arith.constant 0 : index
    %get3A_0 = arith.constant 0 : index
    %get3A_1 = vector.load %arg1[%get3A, %get3A_0] : memref<800x128xf32, #tpu.memory_space<vmem>>, vector<800x128xf32>
    %transpose3A = tpu.transpose %get3A_1, [1, 0] : vector<800x128xf32> -> vector<128x800xf32>
    %slice3A = vector.extract_strided_slice %transpose3A {offsets = [0, 0], sizes = [16, 800], strides = [1, 1]} : vector<128x800xf32> to vector<16x800xf32>
    %slice3A_2 = vector.extract_strided_slice %transpose3A {offsets = [16, 0], sizes = [16, 800], strides = [1, 1]} : vector<128x800xf32> to vector<16x800xf32>
    %slice3A_3 = vector.extract_strided_slice %transpose3A {offsets = [32, 0], sizes = [16, 800], strides = [1, 1]} : vector<128x800xf32> to vector<16x800xf32>
    %slice3A_4 = vector.extract_strided_slice %transpose3A {offsets = [48, 0], sizes = [16, 800], strides = [1, 1]} : vector<128x800xf32> to vector<16x800xf32>
    %slice3A_5 = vector.extract_strided_slice %transpose3A {offsets = [64, 0], sizes = [16, 800], strides = [1, 1]} : vector<128x800xf32> to vector<16x800xf32>
    %slice3A_6 = vector.extract_strided_slice %transpose3A {offsets = [80, 0], sizes = [16, 800], strides = [1, 1]} : vector<128x800xf32> to vector<16x800xf32>
    %slice3A_7 = vector.extract_strided_slice %transpose3A {offsets = [96, 0], sizes = [16, 800], strides = [1, 1]} : vector<128x800xf32> to vector<16x800xf32>
    %slice3A_8 = vector.extract_strided_slice %transpose3A {offsets = [112, 0], sizes = [16, 800], strides = [1, 1]} : vector<128x800xf32> to vector<16x800xf32>
    %concatenate3A = tpu.concatenate %slice3A, %slice3A_2, %slice3A_3, %slice3A_4, %slice3A_5, %slice3A_6, %slice3A_7, %slice3A_8 in 1 : vector<16x800xf32>, vector<16x800xf32>, vector<16x800xf32>, vector<16x800xf32>, vector<16x800xf32>, vector<16x800xf32>, vector<16x800xf32>, vector<16x800xf32> -> vector<16x6400xf32>
    %get3A_9 = arith.constant 0 : index
    %get3A_10 = arith.constant 0 : index
    %get3A_11 = vector.load %arg2[%get3A_9, %get3A_10] : memref<800x128xf32, #tpu.memory_space<vmem>>, vector<800x128xf32>
    %transpose3A_12 = tpu.transpose %get3A_11, [1, 0] : vector<800x128xf32> -> vector<128x800xf32>
    %slice3A_13 = vector.extract_strided_slice %transpose3A_12 {offsets = [0, 0], sizes = [16, 800], strides = [1, 1]} : vector<128x800xf32> to vector<16x800xf32>
    %slice3A_14 = vector.extract_strided_slice %transpose3A_12 {offsets = [16, 0], sizes = [16, 800], strides = [1, 1]} : vector<128x800xf32> to vector<16x800xf32>
    %slice3A_15 = vector.extract_strided_slice %transpose3A_12 {offsets = [32, 0], sizes = [16, 800], strides = [1, 1]} : vector<128x800xf32> to vector<16x800xf32>
    %slice3A_16 = vector.extract_strided_slice %transpose3A_12 {offsets = [48, 0], sizes = [16, 800], strides = [1, 1]} : vector<128x800xf32> to vector<16x800xf32>
    %slice3A_17 = vector.extract_strided_slice %transpose3A_12 {offsets = [64, 0], sizes = [16, 800], strides = [1, 1]} : vector<128x800xf32> to vector<16x800xf32>
    %slice3A_18 = vector.extract_strided_slice %transpose3A_12 {offsets = [80, 0], sizes = [16, 800], strides = [1, 1]} : vector<128x800xf32> to vector<16x800xf32>
    %slice3A_19 = vector.extract_strided_slice %transpose3A_12 {offsets = [96, 0], sizes = [16, 800], strides = [1, 1]} : vector<128x800xf32> to vector<16x800xf32>
    %slice3A_20 = vector.extract_strided_slice %transpose3A_12 {offsets = [112, 0], sizes = [16, 800], strides = [1, 1]} : vector<128x800xf32> to vector<16x800xf32>
    %concatenate3A_21 = tpu.concatenate %slice3A_13, %slice3A_14, %slice3A_15, %slice3A_16, %slice3A_17, %slice3A_18, %slice3A_19, %slice3A_20 in 1 : vector<16x800xf32>, vector<16x800xf32>, vector<16x800xf32>, vector<16x800xf32>, vector<16x800xf32>, vector<16x800xf32>, vector<16x800xf32>, vector<16x800xf32> -> vector<16x6400xf32>
    %slice3A_22 = vector.extract_strided_slice %concatenate3A_21 {offsets = [0, 0], sizes = [3, 6400], strides = [1, 1]} : vector<16x6400xf32> to vector<3x6400xf32>
    %slice3A_23 = vector.extract_strided_slice %concatenate3A {offsets = [0, 0], sizes = [3, 6400], strides = [1, 1]} : vector<16x6400xf32> to vector<3x6400xf32>
    %sub3A = arith.subf %slice3A_22, %slice3A_23 : vector<3x6400xf32>
    %mul3A = arith.mulf %sub3A, %sub3A : vector<3x6400xf32>
    %reduce_sum3A = arith.constant dense<0.000000e+00> : vector<6400xf32>
    %reduce_sum3A_24 = vector.multi_reduction <add>, %mul3A, %reduce_sum3A [0] : vector<3x6400xf32> to vector<6400xf32>
    %broadcast_in_dim3A = vector.shape_cast %reduce_sum3A_24 : vector<6400xf32> to vector<1x6400xf32>
    %add3A = arith.constant 9.99999996E-13 : f32
    %add3A_25 = vector.broadcast %add3A : f32 to vector<1x6400xf32>
    %add3A_26 = arith.addf %broadcast_in_dim3A, %add3A_25 : vector<1x6400xf32>
    %sqrt3A = math.sqrt %add3A_26 : vector<1x6400xf32>
    %div3A = arith.constant 1.000000e+00 : f32
    %div3A_27 = vector.broadcast %div3A : f32 to vector<1x6400xf32>
    %div3A_28 = arith.divf %div3A_27, %sqrt3A : vector<1x6400xf32>
    %mul3A_29 = vector.broadcast %div3A_28 : vector<1x6400xf32> to vector<3x6400xf32>
    %mul3A_30 = arith.mulf %sub3A, %mul3A_29 : vector<3x6400xf32>
    %mul3A_31 = arith.constant 5.000000e-01 : f32
    %mul3A_32 = vector.broadcast %mul3A_31 : f32 to vector<1x6400xf32>
    %mul3A_33 = arith.mulf %sqrt3A, %mul3A_32 : vector<1x6400xf32>
    %integer_pow3A = arith.mulf %mul3A_33, %mul3A_33 : vector<1x6400xf32>
    %integer_pow3A_34 = arith.mulf %integer_pow3A, %integer_pow3A : vector<1x6400xf32>
    %integer_pow3A_35 = arith.mulf %integer_pow3A, %integer_pow3A_34 : vector<1x6400xf32>
    %mul3A_36 = arith.constant 2.800000e+01 : f32
    %mul3A_37 = vector.broadcast %mul3A_36 : f32 to vector<1x6400xf32>
    %mul3A_38 = arith.mulf %mul3A_37, %integer_pow3A_35 : vector<1x6400xf32>
    %sub3A_39 = arith.constant 1.000000e+00 : f32
    %sub3A_40 = vector.broadcast %sub3A_39 : f32 to vector<1x6400xf32>
    %sub3A_41 = arith.subf %sub3A_40, %mul3A_38 : vector<1x6400xf32>
    %integer_pow3A_42 = arith.mulf %mul3A_33, %mul3A_33 : vector<1x6400xf32>
    %integer_pow3A_43 = arith.mulf %mul3A_33, %integer_pow3A_42 : vector<1x6400xf32>
    %integer_pow3A_44 = arith.mulf %integer_pow3A_42, %integer_pow3A_42 : vector<1x6400xf32>
    %integer_pow3A_45 = arith.mulf %integer_pow3A_43, %integer_pow3A_44 : vector<1x6400xf32>
    %mul3A_46 = arith.constant 4.800000e+01 : f32
    %mul3A_47 = vector.broadcast %mul3A_46 : f32 to vector<1x6400xf32>
    %mul3A_48 = arith.mulf %mul3A_47, %integer_pow3A_45 : vector<1x6400xf32>
    %add3A_49 = arith.addf %sub3A_41, %mul3A_48 : vector<1x6400xf32>
    %integer_pow3A_50 = arith.mulf %mul3A_33, %mul3A_33 : vector<1x6400xf32>
    %integer_pow3A_51 = arith.mulf %integer_pow3A_50, %integer_pow3A_50 : vector<1x6400xf32>
    %integer_pow3A_52 = arith.mulf %integer_pow3A_51, %integer_pow3A_51 : vector<1x6400xf32>
    %mul3A_53 = arith.constant 2.100000e+01 : f32
    %mul3A_54 = vector.broadcast %mul3A_53 : f32 to vector<1x6400xf32>
    %mul3A_55 = arith.mulf %mul3A_54, %integer_pow3A_52 : vector<1x6400xf32>
    %sub3A_56 = arith.subf %add3A_49, %mul3A_55 : vector<1x6400xf32>
    %lt3A = arith.constant 1.000000e+00 : f32
    %lt3A_57 = vector.broadcast %lt3A : f32 to vector<1x6400xf32>
    %lt3A_58 = arith.cmpf olt, %mul3A_33, %lt3A_57 : vector<1x6400xf32>
    %jit3A = arith.constant 0.000000e+00 : f32
    %broadcast_in_dim3A_59 = vector.broadcast %jit3A : f32 to vector<1x6400xf32>
    %select_n3A = arith.select %lt3A_58, %sub3A_56, %broadcast_in_dim3A_59 : vector<1x6400xi1>, vector<1x6400xf32>
    %mul3A_60 = arith.constant 3.14159274 : f32
    %mul3A_61 = vector.broadcast %mul3A_60 : f32 to vector<1x6400xf32>
    %mul3A_62 = arith.mulf %mul3A_61, %mul3A_33 : vector<1x6400xf32>
    %min3A = arith.constant 3.14159274 : f32
    %min3A_63 = vector.broadcast %min3A : f32 to vector<1x6400xf32>
    %min3A_64 = arith.minimumf %mul3A_62, %min3A_63 : vector<1x6400xf32>
    %mul3A_65 = arith.mulf %min3A_64, %min3A_64 : vector<1x6400xf32>
    %mul3A_66 = arith.constant 7.6471636E-13 : f32
    %mul3A_67 = vector.broadcast %mul3A_66 : f32 to vector<1x6400xf32>
    %mul3A_68 = arith.mulf %mul3A_65, %mul3A_67 : vector<1x6400xf32>
    %sub3A_69 = arith.constant 1.60590444E-10 : f32
    %sub3A_70 = vector.broadcast %sub3A_69 : f32 to vector<1x6400xf32>
    %sub3A_71 = arith.subf %sub3A_70, %mul3A_68 : vector<1x6400xf32>
    %mul3A_72 = arith.mulf %mul3A_65, %sub3A_71 : vector<1x6400xf32>
    %add3A_73 = arith.constant -2.50521079E-8 : f32
    %add3A_74 = vector.broadcast %add3A_73 : f32 to vector<1x6400xf32>
    %add3A_75 = arith.addf %add3A_74, %mul3A_72 : vector<1x6400xf32>
    %mul3A_76 = arith.mulf %mul3A_65, %add3A_75 : vector<1x6400xf32>
    %add3A_77 = arith.constant 2.75573188E-6 : f32
    %add3A_78 = vector.broadcast %add3A_77 : f32 to vector<1x6400xf32>
    %add3A_79 = arith.addf %add3A_78, %mul3A_76 : vector<1x6400xf32>
    %mul3A_80 = arith.mulf %mul3A_65, %add3A_79 : vector<1x6400xf32>
    %add3A_81 = arith.constant -1.98412701E-4 : f32
    %add3A_82 = vector.broadcast %add3A_81 : f32 to vector<1x6400xf32>
    %add3A_83 = arith.addf %add3A_82, %mul3A_80 : vector<1x6400xf32>
    %mul3A_84 = arith.mulf %mul3A_65, %add3A_83 : vector<1x6400xf32>
    %add3A_85 = arith.constant 0.00833333377 : f32
    %add3A_86 = vector.broadcast %add3A_85 : f32 to vector<1x6400xf32>
    %add3A_87 = arith.addf %add3A_86, %mul3A_84 : vector<1x6400xf32>
    %mul3A_88 = arith.mulf %mul3A_65, %add3A_87 : vector<1x6400xf32>
    %add3A_89 = arith.constant -0.166666672 : f32
    %add3A_90 = vector.broadcast %add3A_89 : f32 to vector<1x6400xf32>
    %add3A_91 = arith.addf %add3A_90, %mul3A_88 : vector<1x6400xf32>
    %mul3A_92 = arith.mulf %mul3A_65, %add3A_91 : vector<1x6400xf32>
    %add3A_93 = arith.constant 1.000000e+00 : f32
    %add3A_94 = vector.broadcast %add3A_93 : f32 to vector<1x6400xf32>
    %add3A_95 = arith.addf %add3A_94, %mul3A_92 : vector<1x6400xf32>
    %mul3A_96 = arith.mulf %min3A_64, %add3A_95 : vector<1x6400xf32>
    %mul3A_97 = arith.constant 4.77947726E-14 : f32
    %mul3A_98 = vector.broadcast %mul3A_97 : f32 to vector<1x6400xf32>
    %mul3A_99 = arith.mulf %mul3A_65, %mul3A_98 : vector<1x6400xf32>
    %add3A_100 = arith.constant -1.14707454E-11 : f32
    %add3A_101 = vector.broadcast %add3A_100 : f32 to vector<1x6400xf32>
    %add3A_102 = arith.addf %add3A_101, %mul3A_99 : vector<1x6400xf32>
    %mul3A_103 = arith.mulf %mul3A_65, %add3A_102 : vector<1x6400xf32>
    %add3A_104 = arith.constant 2.08767559E-9 : f32
    %add3A_105 = vector.broadcast %add3A_104 : f32 to vector<1x6400xf32>
    %add3A_106 = arith.addf %add3A_105, %mul3A_103 : vector<1x6400xf32>
    %mul3A_107 = arith.mulf %mul3A_65, %add3A_106 : vector<1x6400xf32>
    %add3A_108 = arith.constant -2.755732E-7 : f32
    %add3A_109 = vector.broadcast %add3A_108 : f32 to vector<1x6400xf32>
    %add3A_110 = arith.addf %add3A_109, %mul3A_107 : vector<1x6400xf32>
    %mul3A_111 = arith.mulf %mul3A_65, %add3A_110 : vector<1x6400xf32>
    %add3A_112 = arith.constant 2.48015876E-5 : f32
    %add3A_113 = vector.broadcast %add3A_112 : f32 to vector<1x6400xf32>
    %add3A_114 = arith.addf %add3A_113, %mul3A_111 : vector<1x6400xf32>
    %mul3A_115 = arith.mulf %mul3A_65, %add3A_114 : vector<1x6400xf32>
    %add3A_116 = arith.constant -0.00138888892 : f32
    %add3A_117 = vector.broadcast %add3A_116 : f32 to vector<1x6400xf32>
    %add3A_118 = arith.addf %add3A_117, %mul3A_115 : vector<1x6400xf32>
    %mul3A_119 = arith.mulf %mul3A_65, %add3A_118 : vector<1x6400xf32>
    %add3A_120 = arith.constant 0.0416666679 : f32
    %add3A_121 = vector.broadcast %add3A_120 : f32 to vector<1x6400xf32>
    %add3A_122 = arith.addf %add3A_121, %mul3A_119 : vector<1x6400xf32>
    %mul3A_123 = arith.mulf %mul3A_65, %add3A_122 : vector<1x6400xf32>
    %add3A_124 = arith.constant -5.000000e-01 : f32
    %add3A_125 = vector.broadcast %add3A_124 : f32 to vector<1x6400xf32>
    %add3A_126 = arith.addf %add3A_125, %mul3A_123 : vector<1x6400xf32>
    %mul3A_127 = arith.mulf %mul3A_65, %add3A_126 : vector<1x6400xf32>
    %add3A_128 = arith.constant 1.000000e+00 : f32
    %add3A_129 = vector.broadcast %add3A_128 : f32 to vector<1x6400xf32>
    %add3A_130 = arith.addf %add3A_129, %mul3A_127 : vector<1x6400xf32>
    %mul3A_131 = arith.constant 2.000000e+00 : f32
    %mul3A_132 = vector.broadcast %mul3A_131 : f32 to vector<1x6400xf32>
    %mul3A_133 = arith.mulf %mul3A_132, %add3A_130 : vector<1x6400xf32>
    %mul3A_134 = arith.mulf %mul3A_133, %mul3A_96 : vector<1x6400xf32>
    %mul3A_135 = arith.mulf %mul3A_133, %mul3A_134 : vector<1x6400xf32>
    %sub3A_136 = arith.subf %mul3A_135, %mul3A_96 : vector<1x6400xf32>
    %mul3A_137 = arith.mulf %mul3A_133, %sub3A_136 : vector<1x6400xf32>
    %sub3A_138 = arith.subf %mul3A_137, %mul3A_134 : vector<1x6400xf32>
    %mul3A_139 = arith.mulf %mul3A_133, %sub3A_138 : vector<1x6400xf32>
    %sub3A_140 = arith.subf %mul3A_139, %sub3A_136 : vector<1x6400xf32>
    %mul3A_141 = arith.mulf %mul3A_133, %sub3A_140 : vector<1x6400xf32>
    %sub3A_142 = arith.subf %mul3A_141, %sub3A_138 : vector<1x6400xf32>
    %mul3A_143 = arith.mulf %mul3A_133, %sub3A_142 : vector<1x6400xf32>
    %sub3A_144 = arith.subf %mul3A_143, %sub3A_140 : vector<1x6400xf32>
    %mul3A_145 = arith.mulf %mul3A_133, %sub3A_144 : vector<1x6400xf32>
    %sub3A_146 = arith.subf %mul3A_145, %sub3A_142 : vector<1x6400xf32>
    %concatenate3A_147 = tpu.concatenate %mul3A_96, %mul3A_134, %sub3A_136, %sub3A_138, %sub3A_140, %sub3A_142, %sub3A_144, %sub3A_146 in 0 : vector<1x6400xf32>, vector<1x6400xf32>, vector<1x6400xf32>, vector<1x6400xf32>, vector<1x6400xf32>, vector<1x6400xf32>, vector<1x6400xf32>, vector<1x6400xf32> -> vector<8x6400xf32>
    %mul3A_148 = arith.constant 1.000000e+00 : f32
    %mul3A_149 = vector.broadcast %mul3A_148 : f32 to vector<1x6400xf32>
    %mul3A_150 = arith.mulf %mul3A_149, %div3A_28 : vector<1x6400xf32>
    %mul3A_151 = vector.broadcast %mul3A_150 : vector<1x6400xf32> to vector<8x6400xf32>
    %mul3A_152 = arith.mulf %concatenate3A_147, %mul3A_151 : vector<8x6400xf32>
    %slice3A_153 = vector.extract_strided_slice %concatenate3A {offsets = [3, 0], sizes = [2, 6400], strides = [1, 1]} : vector<16x6400xf32> to vector<2x6400xf32>
    %slice3A_154 = vector.extract_strided_slice %concatenate3A_21 {offsets = [3, 0], sizes = [2, 6400], strides = [1, 1]} : vector<16x6400xf32> to vector<2x6400xf32>
    %broadcast_in_dim3A_155 = arith.constant 0.000000e+00 : f32
    %broadcast_in_dim3A_156 = vector.broadcast %broadcast_in_dim3A_155 : f32 to vector<4x6400xf32>
    %concatenate3A_157 = tpu.concatenate %mul3A_152, %slice3A_153, %slice3A_154, %broadcast_in_dim3A_156 in 0 : vector<8x6400xf32>, vector<2x6400xf32>, vector<2x6400xf32>, vector<4x6400xf32> -> vector<16x6400xf32>
    %get3A_158 = arith.constant 0 : index
    %get3A_159 = arith.constant 0 : index
    %get3A_160 = vector.load %arg3[%get3A_158, %get3A_159] : memref<64x16xf32, #tpu.memory_space<vmem>>, vector<64x16xf32>
    %dot_general3A = arith.constant dense<0.000000e+00> : vector<64x6400xf32>
    %dot_general3A_161 = tpu.matmul %get3A_160, %concatenate3A_157, %dot_general3A {dimension_numbers = #tpu.dot_dimension_numbers<[1], [0], [0], [1], [0, 0, 1, 1], [], []>, precision = #tpu.contract_precision<fp32>, transpose_lhs_hint = false} : vector<64x16xf32>, vector<16x6400xf32>, vector<64x6400xf32> -> vector<64x6400xf32>
    %get3A_162 = arith.constant 0 : index
    %get3A_163 = arith.constant 0 : index
    %get3A_164 = vector.load %arg4[%get3A_162, %get3A_163] : memref<64x1xf32, #tpu.memory_space<vmem>>, vector<64x1xf32>
    %add3A_165 = vector.broadcast %get3A_164 : vector<64x1xf32> to vector<64x6400xf32>
    %add3A_166 = arith.addf %dot_general3A_161, %add3A_165 : vector<64x6400xf32>
    %logistic3A = arith.negf %add3A_166 : vector<64x6400xf32>
    %logistic3A_167 = math.exp %logistic3A : vector<64x6400xf32>
    %logistic3A_168 = arith.constant 1.000000e+00 : f32
    %logistic3A_169 = vector.broadcast %logistic3A_168 : f32 to vector<64x6400xf32>
    %logistic3A_170 = arith.addf %logistic3A_169, %logistic3A_167 : vector<64x6400xf32>
    %logistic3A_171 = arith.divf %logistic3A_169, %logistic3A_170 : vector<64x6400xf32>
    %mul3A_172 = arith.mulf %add3A_166, %logistic3A_171 : vector<64x6400xf32>
    %mul3A_173 = arith.constant 0.577350259 : f32
    %mul3A_174 = vector.broadcast %mul3A_173 : f32 to vector<1x6400xf32>
    %mul3A_175 = arith.mulf %select_n3A, %mul3A_174 : vector<1x6400xf32>
    %get3A_176 = arith.constant 0 : index
    %get3A_177 = arith.constant 0 : index
    %get3A_178 = vector.load %arg5[%get3A_176, %get3A_177] : memref<16x64xf32, #tpu.memory_space<vmem>>, vector<16x64xf32>
    %dot_general3A_179 = arith.constant dense<0.000000e+00> : vector<16x6400xf32>
    %dot_general3A_180 = tpu.matmul %get3A_178, %mul3A_172, %dot_general3A_179 {dimension_numbers = #tpu.dot_dimension_numbers<[1], [0], [0], [1], [0, 0, 1, 1], [], []>, precision = #tpu.contract_precision<fp32>, transpose_lhs_hint = false} : vector<16x64xf32>, vector<64x6400xf32>, vector<16x6400xf32> -> vector<16x6400xf32>
    %mul3A_181 = vector.broadcast %mul3A_175 : vector<1x6400xf32> to vector<16x6400xf32>
    %mul3A_182 = arith.mulf %dot_general3A_180, %mul3A_181 : vector<16x6400xf32>
    %slice3A_183 = vector.extract_strided_slice %mul3A_182 {offsets = [0, 0], sizes = [8, 6400], strides = [1, 1]} : vector<16x6400xf32> to vector<8x6400xf32>
    %slice3A_184 = vector.extract_strided_slice %mul3A_182 {offsets = [8, 0], sizes = [8, 6400], strides = [1, 1]} : vector<16x6400xf32> to vector<8x6400xf32>
    %broadcast_in_dim3A_185 = arith.constant 0.000000e+00 : f32
    %broadcast_in_dim3A_186 = vector.broadcast %broadcast_in_dim3A_185 : f32 to vector<8x6400xf32>
    %slice3A_187 = vector.extract_strided_slice %mul3A_30 {offsets = [0, 0], sizes = [1, 6400], strides = [1, 1]} : vector<3x6400xf32> to vector<1x6400xf32>
    %mul3A_188 = vector.broadcast %slice3A_187 : vector<1x6400xf32> to vector<8x6400xf32>
    %mul3A_189 = arith.mulf %slice3A_183, %mul3A_188 : vector<8x6400xf32>
    %slice3A_190 = vector.extract_strided_slice %mul3A_30 {offsets = [1, 0], sizes = [1, 6400], strides = [1, 1]} : vector<3x6400xf32> to vector<1x6400xf32>
    %mul3A_191 = vector.broadcast %slice3A_190 : vector<1x6400xf32> to vector<8x6400xf32>
    %mul3A_192 = arith.mulf %slice3A_183, %mul3A_191 : vector<8x6400xf32>
    %concatenate3A_193 = tpu.concatenate %mul3A_189, %mul3A_192 in 0 : vector<8x6400xf32>, vector<8x6400xf32> -> vector<16x6400xf32>
    %slice3A_194 = vector.extract_strided_slice %concatenate3A_193 {offsets = [0, 0], sizes = [16, 800], strides = [1, 1]} : vector<16x6400xf32> to vector<16x800xf32>
    %slice3A_195 = vector.extract_strided_slice %concatenate3A_193 {offsets = [0, 800], sizes = [16, 800], strides = [1, 1]} : vector<16x6400xf32> to vector<16x800xf32>
    %slice3A_196 = vector.extract_strided_slice %concatenate3A_193 {offsets = [0, 1600], sizes = [16, 800], strides = [1, 1]} : vector<16x6400xf32> to vector<16x800xf32>
    %slice3A_197 = vector.extract_strided_slice %concatenate3A_193 {offsets = [0, 2400], sizes = [16, 800], strides = [1, 1]} : vector<16x6400xf32> to vector<16x800xf32>
    %slice3A_198 = vector.extract_strided_slice %concatenate3A_193 {offsets = [0, 3200], sizes = [16, 800], strides = [1, 1]} : vector<16x6400xf32> to vector<16x800xf32>
    %slice3A_199 = vector.extract_strided_slice %concatenate3A_193 {offsets = [0, 4000], sizes = [16, 800], strides = [1, 1]} : vector<16x6400xf32> to vector<16x800xf32>
    %slice3A_200 = vector.extract_strided_slice %concatenate3A_193 {offsets = [0, 4800], sizes = [16, 800], strides = [1, 1]} : vector<16x6400xf32> to vector<16x800xf32>
    %slice3A_201 = vector.extract_strided_slice %concatenate3A_193 {offsets = [0, 5600], sizes = [16, 800], strides = [1, 1]} : vector<16x6400xf32> to vector<16x800xf32>
    %concatenate3A_202 = tpu.concatenate %slice3A_194, %slice3A_195, %slice3A_196, %slice3A_197, %slice3A_198, %slice3A_199, %slice3A_200, %slice3A_201 in 0 : vector<16x800xf32>, vector<16x800xf32>, vector<16x800xf32>, vector<16x800xf32>, vector<16x800xf32>, vector<16x800xf32>, vector<16x800xf32>, vector<16x800xf32> -> vector<128x800xf32>
    %transpose3A_203 = tpu.transpose %concatenate3A_202, [1, 0] : vector<128x800xf32> -> vector<800x128xf32>
    %swap3A = arith.constant 0 : index
    %swap3A_204 = arith.constant 0 : index
    %swap3A_205 = vector.load %arg6[%swap3A, %swap3A_204] : memref<800x128xf32, #tpu.memory_space<vmem>>, vector<800x128xf32>
    tpu.vector_store %arg6[%swap3A, %swap3A_204], %transpose3A_203 {strides = array<i32>} : memref<800x128xf32, #tpu.memory_space<vmem>>, vector<800x128xf32>,
    %slice3A_206 = vector.extract_strided_slice %mul3A_30 {offsets = [2, 0], sizes = [1, 6400], strides = [1, 1]} : vector<3x6400xf32> to vector<1x6400xf32>
    %mul3A_207 = vector.broadcast %slice3A_206 : vector<1x6400xf32> to vector<8x6400xf32>
    %mul3A_208 = arith.mulf %slice3A_183, %mul3A_207 : vector<8x6400xf32>
    %concatenate3A_209 = tpu.concatenate %mul3A_208, %broadcast_in_dim3A_186 in 0 : vector<8x6400xf32>, vector<8x6400xf32> -> vector<16x6400xf32>
    %slice3A_210 = vector.extract_strided_slice %concatenate3A_209 {offsets = [0, 0], sizes = [16, 800], strides = [1, 1]} : vector<16x6400xf32> to vector<16x800xf32>
    %slice3A_211 = vector.extract_strided_slice %concatenate3A_209 {offsets = [0, 800], sizes = [16, 800], strides = [1, 1]} : vector<16x6400xf32> to vector<16x800xf32>
    %slice3A_212 = vector.extract_strided_slice %concatenate3A_209 {offsets = [0, 1600], sizes = [16, 800], strides = [1, 1]} : vector<16x6400xf32> to vector<16x800xf32>
    %slice3A_213 = vector.extract_strided_slice %concatenate3A_209 {offsets = [0, 2400], sizes = [16, 800], strides = [1, 1]} : vector<16x6400xf32> to vector<16x800xf32>
    %slice3A_214 = vector.extract_strided_slice %concatenate3A_209 {offsets = [0, 3200], sizes = [16, 800], strides = [1, 1]} : vector<16x6400xf32> to vector<16x800xf32>
    %slice3A_215 = vector.extract_strided_slice %concatenate3A_209 {offsets = [0, 4000], sizes = [16, 800], strides = [1, 1]} : vector<16x6400xf32> to vector<16x800xf32>
    %slice3A_216 = vector.extract_strided_slice %concatenate3A_209 {offsets = [0, 4800], sizes = [16, 800], strides = [1, 1]} : vector<16x6400xf32> to vector<16x800xf32>
    %slice3A_217 = vector.extract_strided_slice %concatenate3A_209 {offsets = [0, 5600], sizes = [16, 800], strides = [1, 1]} : vector<16x6400xf32> to vector<16x800xf32>
    %concatenate3A_218 = tpu.concatenate %slice3A_210, %slice3A_211, %slice3A_212, %slice3A_213, %slice3A_214, %slice3A_215, %slice3A_216, %slice3A_217 in 0 : vector<16x800xf32>, vector<16x800xf32>, vector<16x800xf32>, vector<16x800xf32>, vector<16x800xf32>, vector<16x800xf32>, vector<16x800xf32>, vector<16x800xf32> -> vector<128x800xf32>
    %transpose3A_219 = tpu.transpose %concatenate3A_218, [1, 0] : vector<128x800xf32> -> vector<800x128xf32>
    %swap3A_220 = arith.constant 0 : index
    %swap3A_221 = arith.constant 0 : index
    %swap3A_222 = vector.load %arg7[%swap3A_220, %swap3A_221] : memref<800x128xf32, #tpu.memory_space<vmem>>, vector<800x128xf32>
    tpu.vector_store %arg7[%swap3A_220, %swap3A_221], %transpose3A_219 {strides = array<i32>} : memref<800x128xf32, #tpu.memory_space<vmem>>, vector<800x128xf32>,
    %slice3A_223 = vector.extract_strided_slice %mul3A_30 {offsets = [0, 0], sizes = [1, 6400], strides = [1, 1]} : vector<3x6400xf32> to vector<1x6400xf32>
    %mul3A_224 = vector.broadcast %slice3A_223 : vector<1x6400xf32> to vector<8x6400xf32>
    %mul3A_225 = arith.mulf %slice3A_184, %mul3A_224 : vector<8x6400xf32>
    %slice3A_226 = vector.extract_strided_slice %mul3A_30 {offsets = [1, 0], sizes = [1, 6400], strides = [1, 1]} : vector<3x6400xf32> to vector<1x6400xf32>
    %mul3A_227 = vector.broadcast %slice3A_226 : vector<1x6400xf32> to vector<8x6400xf32>
    %mul3A_228 = arith.mulf %slice3A_184, %mul3A_227 : vector<8x6400xf32>
    %concatenate3A_229 = tpu.concatenate %mul3A_225, %mul3A_228 in 0 : vector<8x6400xf32>, vector<8x6400xf32> -> vector<16x6400xf32>
    %slice3A_230 = vector.extract_strided_slice %concatenate3A_229 {offsets = [0, 0], sizes = [16, 800], strides = [1, 1]} : vector<16x6400xf32> to vector<16x800xf32>
    %slice3A_231 = vector.extract_strided_slice %concatenate3A_229 {offsets = [0, 800], sizes = [16, 800], strides = [1, 1]} : vector<16x6400xf32> to vector<16x800xf32>
    %slice3A_232 = vector.extract_strided_slice %concatenate3A_229 {offsets = [0, 1600], sizes = [16, 800], strides = [1, 1]} : vector<16x6400xf32> to vector<16x800xf32>
    %slice3A_233 = vector.extract_strided_slice %concatenate3A_229 {offsets = [0, 2400], sizes = [16, 800], strides = [1, 1]} : vector<16x6400xf32> to vector<16x800xf32>
    %slice3A_234 = vector.extract_strided_slice %concatenate3A_229 {offsets = [0, 3200], sizes = [16, 800], strides = [1, 1]} : vector<16x6400xf32> to vector<16x800xf32>
    %slice3A_235 = vector.extract_strided_slice %concatenate3A_229 {offsets = [0, 4000], sizes = [16, 800], strides = [1, 1]} : vector<16x6400xf32> to vector<16x800xf32>
    %slice3A_236 = vector.extract_strided_slice %concatenate3A_229 {offsets = [0, 4800], sizes = [16, 800], strides = [1, 1]} : vector<16x6400xf32> to vector<16x800xf32>
    %slice3A_237 = vector.extract_strided_slice %concatenate3A_229 {offsets = [0, 5600], sizes = [16, 800], strides = [1, 1]} : vector<16x6400xf32> to vector<16x800xf32>
    %concatenate3A_238 = tpu.concatenate %slice3A_230, %slice3A_231, %slice3A_232, %slice3A_233, %slice3A_234, %slice3A_235, %slice3A_236, %slice3A_237 in 0 : vector<16x800xf32>, vector<16x800xf32>, vector<16x800xf32>, vector<16x800xf32>, vector<16x800xf32>, vector<16x800xf32>, vector<16x800xf32>, vector<16x800xf32> -> vector<128x800xf32>
    %transpose3A_239 = tpu.transpose %concatenate3A_238, [1, 0] : vector<128x800xf32> -> vector<800x128xf32>
    %swap3A_240 = arith.constant 0 : index
    %swap3A_241 = arith.constant 0 : index
    %swap3A_242 = vector.load %arg8[%swap3A_240, %swap3A_241] : memref<800x128xf32, #tpu.memory_space<vmem>>, vector<800x128xf32>
    tpu.vector_store %arg8[%swap3A_240, %swap3A_241], %transpose3A_239 {strides = array<i32>} : memref<800x128xf32, #tpu.memory_space<vmem>>, vector<800x128xf32>,
    %slice3A_243 = vector.extract_strided_slice %mul3A_30 {offsets = [2, 0], sizes = [1, 6400], strides = [1, 1]} : vector<3x6400xf32> to vector<1x6400xf32>
    %mul3A_244 = vector.broadcast %slice3A_243 : vector<1x6400xf32> to vector<8x6400xf32>
    %mul3A_245 = arith.mulf %slice3A_184, %mul3A_244 : vector<8x6400xf32>
    %concatenate3A_246 = tpu.concatenate %mul3A_245, %broadcast_in_dim3A_186 in 0 : vector<8x6400xf32>, vector<8x6400xf32> -> vector<16x6400xf32>
    %slice3A_247 = vector.extract_strided_slice %concatenate3A_246 {offsets = [0, 0], sizes = [16, 800], strides = [1, 1]} : vector<16x6400xf32> to vector<16x800xf32>
    %slice3A_248 = vector.extract_strided_slice %concatenate3A_246 {offsets = [0, 800], sizes = [16, 800], strides = [1, 1]} : vector<16x6400xf32> to vector<16x800xf32>
    %slice3A_249 = vector.extract_strided_slice %concatenate3A_246 {offsets = [0, 1600], sizes = [16, 800], strides = [1, 1]} : vector<16x6400xf32> to vector<16x800xf32>
    %slice3A_250 = vector.extract_strided_slice %concatenate3A_246 {offsets = [0, 2400], sizes = [16, 800], strides = [1, 1]} : vector<16x6400xf32> to vector<16x800xf32>
    %slice3A_251 = vector.extract_strided_slice %concatenate3A_246 {offsets = [0, 3200], sizes = [16, 800], strides = [1, 1]} : vector<16x6400xf32> to vector<16x800xf32>
    %slice3A_252 = vector.extract_strided_slice %concatenate3A_246 {offsets = [0, 4000], sizes = [16, 800], strides = [1, 1]} : vector<16x6400xf32> to vector<16x800xf32>
    %slice3A_253 = vector.extract_strided_slice %concatenate3A_246 {offsets = [0, 4800], sizes = [16, 800], strides = [1, 1]} : vector<16x6400xf32> to vector<16x800xf32>
    %slice3A_254 = vector.extract_strided_slice %concatenate3A_246 {offsets = [0, 5600], sizes = [16, 800], strides = [1, 1]} : vector<16x6400xf32> to vector<16x800xf32>
    %concatenate3A_255 = tpu.concatenate %slice3A_247, %slice3A_248, %slice3A_249, %slice3A_250, %slice3A_251, %slice3A_252, %slice3A_253, %slice3A_254 in 0 : vector<16x800xf32>, vector<16x800xf32>, vector<16x800xf32>, vector<16x800xf32>, vector<16x800xf32>, vector<16x800xf32>, vector<16x800xf32>, vector<16x800xf32> -> vector<128x800xf32>
    %transpose3A_256 = tpu.transpose %concatenate3A_255, [1, 0] : vector<128x800xf32> -> vector<800x128xf32>
    %swap3A_257 = arith.constant 0 : index
    %swap3A_258 = arith.constant 0 : index
    %swap3A_259 = vector.load %arg9[%swap3A_257, %swap3A_258] : memref<800x128xf32, #tpu.memory_space<vmem>>, vector<800x128xf32>
    tpu.vector_store %arg9[%swap3A_257, %swap3A_258], %transpose3A_256 {strides = array<i32>} : memref<800x128xf32, #tpu.memory_space<vmem>>, vector<800x128xf32>,
    return
  }
  func.func @transform_0(%arg0: i32) -> (i32, i32) {
    %c0_i32 = arith.constant 0 : i32
    %c0_i32_0 = arith.constant 0 : i32
    return %arg0, %c0_i32 : i32, i32
  }
  func.func @transform_1(%arg0: i32) -> (i32, i32) {
    %c0_i32 = arith.constant 0 : i32
    %c0_i32_0 = arith.constant 0 : i32
    return %arg0, %c0_i32 : i32, i32
  }
  func.func @transform_2(%arg0: i32) -> (i32, i32) {
    %c0_i32 = arith.constant 0 : i32
    %c0_i32_0 = arith.constant 0 : i32
    %c0_i32_1 = arith.constant 0 : i32
    return %c0_i32, %c0_i32_0 : i32, i32
  }
  func.func @transform_3(%arg0: i32) -> (i32, i32) {
    %c0_i32 = arith.constant 0 : i32
    %c0_i32_0 = arith.constant 0 : i32
    %c0_i32_1 = arith.constant 0 : i32
    return %c0_i32, %c0_i32_0 : i32, i32
  }
  func.func @transform_4(%arg0: i32) -> (i32, i32) {
    %c0_i32 = arith.constant 0 : i32
    %c0_i32_0 = arith.constant 0 : i32
    %c0_i32_1 = arith.constant 0 : i32
    return %c0_i32, %c0_i32_0 : i32, i32
  }
  func.func @transform_5(%arg0: i32) -> (i32, i32) {
    %c0_i32 = arith.constant 0 : i32
    %c0_i32_0 = arith.constant 0 : i32
    return %arg0, %c0_i32 : i32, i32
  }
  func.func @transform_6(%arg0: i32) -> (i32, i32) {
    %c0_i32 = arith.constant 0 : i32
    %c0_i32_0 = arith.constant 0 : i32
    return %arg0, %c0_i32 : i32, i32
  }
  func.func @transform_7(%arg0: i32) -> (i32, i32) {
    %c0_i32 = arith.constant 0 : i32
    %c0_i32_0 = arith.constant 0 : i32
    return %arg0, %c0_i32 : i32, i32
  }
  func.func @transform_8(%arg0: i32) -> (i32, i32) {
    %c0_i32 = arith.constant 0 : i32
    %c0_i32_0 = arith.constant 0 : i32
    return %arg0, %c0_i32 : i32, i32
  }
}

module attributes {stable_mosaic.version = 14 : i64} {
  func.func @_p4_body(%arg0: i32, %arg1: memref<800x128xf32, #tpu.memory_space<vmem>>, %arg2: memref<800x128xf32, #tpu.memory_space<vmem>>, %arg3: memref<800x128xf32, #tpu.memory_space<vmem>>, %arg4: memref<800x128xf32, #tpu.memory_space<vmem>>, %arg5: memref<800x128xf32, #tpu.memory_space<vmem>>, %arg6: memref<800x128xf32, #tpu.memory_space<vmem>>, %arg7: memref<64x16xf32, #tpu.memory_space<vmem>>, %arg8: memref<64x1xf32, #tpu.memory_space<vmem>>, %arg9: memref<64x80xf32, #tpu.memory_space<vmem>>, %arg10: memref<64x1xf32, #tpu.memory_space<vmem>>, %arg11: memref<1x64xf32, #tpu.memory_space<vmem>>, %arg12: memref<800x8xf32, #tpu.memory_space<vmem>>) attributes {dimension_semantics = [#tpu.dimension_semantics<arbitrary>], iteration_bounds = array<i64: 125>, scalar_prefetch = 0 : i64, scratch_operands = 0 : i64, tpu.core_type = #tpu.core_type<tc>, window_params = [{transform_indices = @transform_0, window_bounds = array<i64: 800, 128>}, {transform_indices = @transform_1, window_bounds = array<i64: 800, 128>}, {transform_indices = @transform_2, window_bounds = array<i64: 800, 128>}, {transform_indices = @transform_3, window_bounds = array<i64: 800, 128>}, {transform_indices = @transform_4, window_bounds = array<i64: 800, 128>}, {transform_indices = @transform_5, window_bounds = array<i64: 800, 128>}, {pipeline_mode = #tpu.pipeline_mode<synchronous>, transform_indices = @transform_6, window_bounds = array<i64: 64, 16>}, {pipeline_mode = #tpu.pipeline_mode<synchronous>, transform_indices = @transform_7, window_bounds = array<i64: 64, 1>}, {pipeline_mode = #tpu.pipeline_mode<synchronous>, transform_indices = @transform_8, window_bounds = array<i64: 64, 80>}, {pipeline_mode = #tpu.pipeline_mode<synchronous>, transform_indices = @transform_9, window_bounds = array<i64: 64, 1>}, {pipeline_mode = #tpu.pipeline_mode<synchronous>, transform_indices = @transform_10, window_bounds = array<i64: 1, 64>}, {transform_indices = @transform_11, window_bounds = array<i64: 800, 8>}]} {
    %get3A = arith.constant 0 : index
    %get3A_0 = arith.constant 0 : index
    %get3A_1 = vector.load %arg1[%get3A, %get3A_0] : memref<800x128xf32, #tpu.memory_space<vmem>>, vector<800x128xf32>
    %transpose3A = tpu.transpose %get3A_1, [1, 0] : vector<800x128xf32> -> vector<128x800xf32>
    %slice3A = vector.extract_strided_slice %transpose3A {offsets = [0, 0], sizes = [16, 800], strides = [1, 1]} : vector<128x800xf32> to vector<16x800xf32>
    %slice3A_2 = vector.extract_strided_slice %transpose3A {offsets = [16, 0], sizes = [16, 800], strides = [1, 1]} : vector<128x800xf32> to vector<16x800xf32>
    %slice3A_3 = vector.extract_strided_slice %transpose3A {offsets = [32, 0], sizes = [16, 800], strides = [1, 1]} : vector<128x800xf32> to vector<16x800xf32>
    %slice3A_4 = vector.extract_strided_slice %transpose3A {offsets = [48, 0], sizes = [16, 800], strides = [1, 1]} : vector<128x800xf32> to vector<16x800xf32>
    %slice3A_5 = vector.extract_strided_slice %transpose3A {offsets = [64, 0], sizes = [16, 800], strides = [1, 1]} : vector<128x800xf32> to vector<16x800xf32>
    %slice3A_6 = vector.extract_strided_slice %transpose3A {offsets = [80, 0], sizes = [16, 800], strides = [1, 1]} : vector<128x800xf32> to vector<16x800xf32>
    %slice3A_7 = vector.extract_strided_slice %transpose3A {offsets = [96, 0], sizes = [16, 800], strides = [1, 1]} : vector<128x800xf32> to vector<16x800xf32>
    %slice3A_8 = vector.extract_strided_slice %transpose3A {offsets = [112, 0], sizes = [16, 800], strides = [1, 1]} : vector<128x800xf32> to vector<16x800xf32>
    %concatenate3A = tpu.concatenate %slice3A, %slice3A_2, %slice3A_3, %slice3A_4, %slice3A_5, %slice3A_6, %slice3A_7, %slice3A_8 in 1 : vector<16x800xf32>, vector<16x800xf32>, vector<16x800xf32>, vector<16x800xf32>, vector<16x800xf32>, vector<16x800xf32>, vector<16x800xf32>, vector<16x800xf32> -> vector<16x6400xf32>
    %get3A_9 = arith.constant 0 : index
    %get3A_10 = arith.constant 0 : index
    %get3A_11 = vector.load %arg2[%get3A_9, %get3A_10] : memref<800x128xf32, #tpu.memory_space<vmem>>, vector<800x128xf32>
    %transpose3A_12 = tpu.transpose %get3A_11, [1, 0] : vector<800x128xf32> -> vector<128x800xf32>
    %slice3A_13 = vector.extract_strided_slice %transpose3A_12 {offsets = [0, 0], sizes = [16, 800], strides = [1, 1]} : vector<128x800xf32> to vector<16x800xf32>
    %slice3A_14 = vector.extract_strided_slice %transpose3A_12 {offsets = [16, 0], sizes = [16, 800], strides = [1, 1]} : vector<128x800xf32> to vector<16x800xf32>
    %slice3A_15 = vector.extract_strided_slice %transpose3A_12 {offsets = [32, 0], sizes = [16, 800], strides = [1, 1]} : vector<128x800xf32> to vector<16x800xf32>
    %slice3A_16 = vector.extract_strided_slice %transpose3A_12 {offsets = [48, 0], sizes = [16, 800], strides = [1, 1]} : vector<128x800xf32> to vector<16x800xf32>
    %slice3A_17 = vector.extract_strided_slice %transpose3A_12 {offsets = [64, 0], sizes = [16, 800], strides = [1, 1]} : vector<128x800xf32> to vector<16x800xf32>
    %slice3A_18 = vector.extract_strided_slice %transpose3A_12 {offsets = [80, 0], sizes = [16, 800], strides = [1, 1]} : vector<128x800xf32> to vector<16x800xf32>
    %slice3A_19 = vector.extract_strided_slice %transpose3A_12 {offsets = [96, 0], sizes = [16, 800], strides = [1, 1]} : vector<128x800xf32> to vector<16x800xf32>
    %slice3A_20 = vector.extract_strided_slice %transpose3A_12 {offsets = [112, 0], sizes = [16, 800], strides = [1, 1]} : vector<128x800xf32> to vector<16x800xf32>
    %concatenate3A_21 = tpu.concatenate %slice3A_13, %slice3A_14, %slice3A_15, %slice3A_16, %slice3A_17, %slice3A_18, %slice3A_19, %slice3A_20 in 1 : vector<16x800xf32>, vector<16x800xf32>, vector<16x800xf32>, vector<16x800xf32>, vector<16x800xf32>, vector<16x800xf32>, vector<16x800xf32>, vector<16x800xf32> -> vector<16x6400xf32>
    %slice3A_22 = vector.extract_strided_slice %concatenate3A_21 {offsets = [0, 0], sizes = [3, 6400], strides = [1, 1]} : vector<16x6400xf32> to vector<3x6400xf32>
    %slice3A_23 = vector.extract_strided_slice %concatenate3A {offsets = [0, 0], sizes = [3, 6400], strides = [1, 1]} : vector<16x6400xf32> to vector<3x6400xf32>
    %sub3A = arith.subf %slice3A_22, %slice3A_23 : vector<3x6400xf32>
    %mul3A = arith.mulf %sub3A, %sub3A : vector<3x6400xf32>
    %reduce_sum3A = arith.constant dense<0.000000e+00> : vector<6400xf32>
    %reduce_sum3A_24 = vector.multi_reduction <add>, %mul3A, %reduce_sum3A [0] : vector<3x6400xf32> to vector<6400xf32>
    %broadcast_in_dim3A = vector.shape_cast %reduce_sum3A_24 : vector<6400xf32> to vector<1x6400xf32>
    %add3A = arith.constant 9.99999996E-13 : f32
    %add3A_25 = vector.broadcast %add3A : f32 to vector<1x6400xf32>
    %add3A_26 = arith.addf %broadcast_in_dim3A, %add3A_25 : vector<1x6400xf32>
    %sqrt3A = math.sqrt %add3A_26 : vector<1x6400xf32>
    %div3A = arith.constant 1.000000e+00 : f32
    %div3A_27 = vector.broadcast %div3A : f32 to vector<1x6400xf32>
    %div3A_28 = arith.divf %div3A_27, %sqrt3A : vector<1x6400xf32>
    %mul3A_29 = vector.broadcast %div3A_28 : vector<1x6400xf32> to vector<3x6400xf32>
    %mul3A_30 = arith.mulf %sub3A, %mul3A_29 : vector<3x6400xf32>
    %mul3A_31 = arith.constant 5.000000e-01 : f32
    %mul3A_32 = vector.broadcast %mul3A_31 : f32 to vector<1x6400xf32>
    %mul3A_33 = arith.mulf %sqrt3A, %mul3A_32 : vector<1x6400xf32>
    %integer_pow3A = arith.mulf %mul3A_33, %mul3A_33 : vector<1x6400xf32>
    %integer_pow3A_34 = arith.mulf %integer_pow3A, %integer_pow3A : vector<1x6400xf32>
    %integer_pow3A_35 = arith.mulf %integer_pow3A, %integer_pow3A_34 : vector<1x6400xf32>
    %mul3A_36 = arith.constant 2.800000e+01 : f32
    %mul3A_37 = vector.broadcast %mul3A_36 : f32 to vector<1x6400xf32>
    %mul3A_38 = arith.mulf %mul3A_37, %integer_pow3A_35 : vector<1x6400xf32>
    %sub3A_39 = arith.constant 1.000000e+00 : f32
    %sub3A_40 = vector.broadcast %sub3A_39 : f32 to vector<1x6400xf32>
    %sub3A_41 = arith.subf %sub3A_40, %mul3A_38 : vector<1x6400xf32>
    %integer_pow3A_42 = arith.mulf %mul3A_33, %mul3A_33 : vector<1x6400xf32>
    %integer_pow3A_43 = arith.mulf %mul3A_33, %integer_pow3A_42 : vector<1x6400xf32>
    %integer_pow3A_44 = arith.mulf %integer_pow3A_42, %integer_pow3A_42 : vector<1x6400xf32>
    %integer_pow3A_45 = arith.mulf %integer_pow3A_43, %integer_pow3A_44 : vector<1x6400xf32>
    %mul3A_46 = arith.constant 4.800000e+01 : f32
    %mul3A_47 = vector.broadcast %mul3A_46 : f32 to vector<1x6400xf32>
    %mul3A_48 = arith.mulf %mul3A_47, %integer_pow3A_45 : vector<1x6400xf32>
    %add3A_49 = arith.addf %sub3A_41, %mul3A_48 : vector<1x6400xf32>
    %integer_pow3A_50 = arith.mulf %mul3A_33, %mul3A_33 : vector<1x6400xf32>
    %integer_pow3A_51 = arith.mulf %integer_pow3A_50, %integer_pow3A_50 : vector<1x6400xf32>
    %integer_pow3A_52 = arith.mulf %integer_pow3A_51, %integer_pow3A_51 : vector<1x6400xf32>
    %mul3A_53 = arith.constant 2.100000e+01 : f32
    %mul3A_54 = vector.broadcast %mul3A_53 : f32 to vector<1x6400xf32>
    %mul3A_55 = arith.mulf %mul3A_54, %integer_pow3A_52 : vector<1x6400xf32>
    %sub3A_56 = arith.subf %add3A_49, %mul3A_55 : vector<1x6400xf32>
    %lt3A = arith.constant 1.000000e+00 : f32
    %lt3A_57 = vector.broadcast %lt3A : f32 to vector<1x6400xf32>
    %lt3A_58 = arith.cmpf olt, %mul3A_33, %lt3A_57 : vector<1x6400xf32>
    %jit3A = arith.constant 0.000000e+00 : f32
    %broadcast_in_dim3A_59 = vector.broadcast %jit3A : f32 to vector<1x6400xf32>
    %select_n3A = arith.select %lt3A_58, %sub3A_56, %broadcast_in_dim3A_59 : vector<1x6400xi1>, vector<1x6400xf32>
    %mul3A_60 = arith.constant 3.14159274 : f32
    %mul3A_61 = vector.broadcast %mul3A_60 : f32 to vector<1x6400xf32>
    %mul3A_62 = arith.mulf %mul3A_61, %mul3A_33 : vector<1x6400xf32>
    %min3A = arith.constant 3.14159274 : f32
    %min3A_63 = vector.broadcast %min3A : f32 to vector<1x6400xf32>
    %min3A_64 = arith.minimumf %mul3A_62, %min3A_63 : vector<1x6400xf32>
    %mul3A_65 = arith.mulf %min3A_64, %min3A_64 : vector<1x6400xf32>
    %mul3A_66 = arith.constant 7.6471636E-13 : f32
    %mul3A_67 = vector.broadcast %mul3A_66 : f32 to vector<1x6400xf32>
    %mul3A_68 = arith.mulf %mul3A_65, %mul3A_67 : vector<1x6400xf32>
    %sub3A_69 = arith.constant 1.60590444E-10 : f32
    %sub3A_70 = vector.broadcast %sub3A_69 : f32 to vector<1x6400xf32>
    %sub3A_71 = arith.subf %sub3A_70, %mul3A_68 : vector<1x6400xf32>
    %mul3A_72 = arith.mulf %mul3A_65, %sub3A_71 : vector<1x6400xf32>
    %add3A_73 = arith.constant -2.50521079E-8 : f32
    %add3A_74 = vector.broadcast %add3A_73 : f32 to vector<1x6400xf32>
    %add3A_75 = arith.addf %add3A_74, %mul3A_72 : vector<1x6400xf32>
    %mul3A_76 = arith.mulf %mul3A_65, %add3A_75 : vector<1x6400xf32>
    %add3A_77 = arith.constant 2.75573188E-6 : f32
    %add3A_78 = vector.broadcast %add3A_77 : f32 to vector<1x6400xf32>
    %add3A_79 = arith.addf %add3A_78, %mul3A_76 : vector<1x6400xf32>
    %mul3A_80 = arith.mulf %mul3A_65, %add3A_79 : vector<1x6400xf32>
    %add3A_81 = arith.constant -1.98412701E-4 : f32
    %add3A_82 = vector.broadcast %add3A_81 : f32 to vector<1x6400xf32>
    %add3A_83 = arith.addf %add3A_82, %mul3A_80 : vector<1x6400xf32>
    %mul3A_84 = arith.mulf %mul3A_65, %add3A_83 : vector<1x6400xf32>
    %add3A_85 = arith.constant 0.00833333377 : f32
    %add3A_86 = vector.broadcast %add3A_85 : f32 to vector<1x6400xf32>
    %add3A_87 = arith.addf %add3A_86, %mul3A_84 : vector<1x6400xf32>
    %mul3A_88 = arith.mulf %mul3A_65, %add3A_87 : vector<1x6400xf32>
    %add3A_89 = arith.constant -0.166666672 : f32
    %add3A_90 = vector.broadcast %add3A_89 : f32 to vector<1x6400xf32>
    %add3A_91 = arith.addf %add3A_90, %mul3A_88 : vector<1x6400xf32>
    %mul3A_92 = arith.mulf %mul3A_65, %add3A_91 : vector<1x6400xf32>
    %add3A_93 = arith.constant 1.000000e+00 : f32
    %add3A_94 = vector.broadcast %add3A_93 : f32 to vector<1x6400xf32>
    %add3A_95 = arith.addf %add3A_94, %mul3A_92 : vector<1x6400xf32>
    %mul3A_96 = arith.mulf %min3A_64, %add3A_95 : vector<1x6400xf32>
    %mul3A_97 = arith.constant 4.77947726E-14 : f32
    %mul3A_98 = vector.broadcast %mul3A_97 : f32 to vector<1x6400xf32>
    %mul3A_99 = arith.mulf %mul3A_65, %mul3A_98 : vector<1x6400xf32>
    %add3A_100 = arith.constant -1.14707454E-11 : f32
    %add3A_101 = vector.broadcast %add3A_100 : f32 to vector<1x6400xf32>
    %add3A_102 = arith.addf %add3A_101, %mul3A_99 : vector<1x6400xf32>
    %mul3A_103 = arith.mulf %mul3A_65, %add3A_102 : vector<1x6400xf32>
    %add3A_104 = arith.constant 2.08767559E-9 : f32
    %add3A_105 = vector.broadcast %add3A_104 : f32 to vector<1x6400xf32>
    %add3A_106 = arith.addf %add3A_105, %mul3A_103 : vector<1x6400xf32>
    %mul3A_107 = arith.mulf %mul3A_65, %add3A_106 : vector<1x6400xf32>
    %add3A_108 = arith.constant -2.755732E-7 : f32
    %add3A_109 = vector.broadcast %add3A_108 : f32 to vector<1x6400xf32>
    %add3A_110 = arith.addf %add3A_109, %mul3A_107 : vector<1x6400xf32>
    %mul3A_111 = arith.mulf %mul3A_65, %add3A_110 : vector<1x6400xf32>
    %add3A_112 = arith.constant 2.48015876E-5 : f32
    %add3A_113 = vector.broadcast %add3A_112 : f32 to vector<1x6400xf32>
    %add3A_114 = arith.addf %add3A_113, %mul3A_111 : vector<1x6400xf32>
    %mul3A_115 = arith.mulf %mul3A_65, %add3A_114 : vector<1x6400xf32>
    %add3A_116 = arith.constant -0.00138888892 : f32
    %add3A_117 = vector.broadcast %add3A_116 : f32 to vector<1x6400xf32>
    %add3A_118 = arith.addf %add3A_117, %mul3A_115 : vector<1x6400xf32>
    %mul3A_119 = arith.mulf %mul3A_65, %add3A_118 : vector<1x6400xf32>
    %add3A_120 = arith.constant 0.0416666679 : f32
    %add3A_121 = vector.broadcast %add3A_120 : f32 to vector<1x6400xf32>
    %add3A_122 = arith.addf %add3A_121, %mul3A_119 : vector<1x6400xf32>
    %mul3A_123 = arith.mulf %mul3A_65, %add3A_122 : vector<1x6400xf32>
    %add3A_124 = arith.constant -5.000000e-01 : f32
    %add3A_125 = vector.broadcast %add3A_124 : f32 to vector<1x6400xf32>
    %add3A_126 = arith.addf %add3A_125, %mul3A_123 : vector<1x6400xf32>
    %mul3A_127 = arith.mulf %mul3A_65, %add3A_126 : vector<1x6400xf32>
    %add3A_128 = arith.constant 1.000000e+00 : f32
    %add3A_129 = vector.broadcast %add3A_128 : f32 to vector<1x6400xf32>
    %add3A_130 = arith.addf %add3A_129, %mul3A_127 : vector<1x6400xf32>
    %mul3A_131 = arith.constant 2.000000e+00 : f32
    %mul3A_132 = vector.broadcast %mul3A_131 : f32 to vector<1x6400xf32>
    %mul3A_133 = arith.mulf %mul3A_132, %add3A_130 : vector<1x6400xf32>
    %mul3A_134 = arith.mulf %mul3A_133, %mul3A_96 : vector<1x6400xf32>
    %mul3A_135 = arith.mulf %mul3A_133, %mul3A_134 : vector<1x6400xf32>
    %sub3A_136 = arith.subf %mul3A_135, %mul3A_96 : vector<1x6400xf32>
    %mul3A_137 = arith.mulf %mul3A_133, %sub3A_136 : vector<1x6400xf32>
    %sub3A_138 = arith.subf %mul3A_137, %mul3A_134 : vector<1x6400xf32>
    %mul3A_139 = arith.mulf %mul3A_133, %sub3A_138 : vector<1x6400xf32>
    %sub3A_140 = arith.subf %mul3A_139, %sub3A_136 : vector<1x6400xf32>
    %mul3A_141 = arith.mulf %mul3A_133, %sub3A_140 : vector<1x6400xf32>
    %sub3A_142 = arith.subf %mul3A_141, %sub3A_138 : vector<1x6400xf32>
    %mul3A_143 = arith.mulf %mul3A_133, %sub3A_142 : vector<1x6400xf32>
    %sub3A_144 = arith.subf %mul3A_143, %sub3A_140 : vector<1x6400xf32>
    %mul3A_145 = arith.mulf %mul3A_133, %sub3A_144 : vector<1x6400xf32>
    %sub3A_146 = arith.subf %mul3A_145, %sub3A_142 : vector<1x6400xf32>
    %concatenate3A_147 = tpu.concatenate %mul3A_96, %mul3A_134, %sub3A_136, %sub3A_138, %sub3A_140, %sub3A_142, %sub3A_144, %sub3A_146 in 0 : vector<1x6400xf32>, vector<1x6400xf32>, vector<1x6400xf32>, vector<1x6400xf32>, vector<1x6400xf32>, vector<1x6400xf32>, vector<1x6400xf32>, vector<1x6400xf32> -> vector<8x6400xf32>
    %mul3A_148 = arith.constant 1.000000e+00 : f32
    %mul3A_149 = vector.broadcast %mul3A_148 : f32 to vector<1x6400xf32>
    %mul3A_150 = arith.mulf %mul3A_149, %div3A_28 : vector<1x6400xf32>
    %mul3A_151 = vector.broadcast %mul3A_150 : vector<1x6400xf32> to vector<8x6400xf32>
    %mul3A_152 = arith.mulf %concatenate3A_147, %mul3A_151 : vector<8x6400xf32>
    %slice3A_153 = vector.extract_strided_slice %concatenate3A {offsets = [3, 0], sizes = [2, 6400], strides = [1, 1]} : vector<16x6400xf32> to vector<2x6400xf32>
    %slice3A_154 = vector.extract_strided_slice %concatenate3A_21 {offsets = [3, 0], sizes = [2, 6400], strides = [1, 1]} : vector<16x6400xf32> to vector<2x6400xf32>
    %broadcast_in_dim3A_155 = arith.constant 0.000000e+00 : f32
    %broadcast_in_dim3A_156 = vector.broadcast %broadcast_in_dim3A_155 : f32 to vector<4x6400xf32>
    %concatenate3A_157 = tpu.concatenate %mul3A_152, %slice3A_153, %slice3A_154, %broadcast_in_dim3A_156 in 0 : vector<8x6400xf32>, vector<2x6400xf32>, vector<2x6400xf32>, vector<4x6400xf32> -> vector<16x6400xf32>
    %get3A_158 = arith.constant 0 : index
    %get3A_159 = arith.constant 0 : index
    %get3A_160 = vector.load %arg7[%get3A_158, %get3A_159] : memref<64x16xf32, #tpu.memory_space<vmem>>, vector<64x16xf32>
    %dot_general3A = arith.constant dense<0.000000e+00> : vector<64x6400xf32>
    %dot_general3A_161 = tpu.matmul %get3A_160, %concatenate3A_157, %dot_general3A {dimension_numbers = #tpu.dot_dimension_numbers<[1], [0], [0], [1], [0, 0, 1, 1], [], []>, precision = #tpu.contract_precision<fp32>, transpose_lhs_hint = false} : vector<64x16xf32>, vector<16x6400xf32>, vector<64x6400xf32> -> vector<64x6400xf32>
    %get3A_162 = arith.constant 0 : index
    %get3A_163 = arith.constant 0 : index
    %get3A_164 = vector.load %arg8[%get3A_162, %get3A_163] : memref<64x1xf32, #tpu.memory_space<vmem>>, vector<64x1xf32>
    %add3A_165 = vector.broadcast %get3A_164 : vector<64x1xf32> to vector<64x6400xf32>
    %add3A_166 = arith.addf %dot_general3A_161, %add3A_165 : vector<64x6400xf32>
    %logistic3A = arith.negf %add3A_166 : vector<64x6400xf32>
    %logistic3A_167 = math.exp %logistic3A : vector<64x6400xf32>
    %logistic3A_168 = arith.constant 1.000000e+00 : f32
    %logistic3A_169 = vector.broadcast %logistic3A_168 : f32 to vector<64x6400xf32>
    %logistic3A_170 = arith.addf %logistic3A_169, %logistic3A_167 : vector<64x6400xf32>
    %logistic3A_171 = arith.divf %logistic3A_169, %logistic3A_170 : vector<64x6400xf32>
    %mul3A_172 = arith.mulf %add3A_166, %logistic3A_171 : vector<64x6400xf32>
    %mul3A_173 = vector.broadcast %select_n3A : vector<1x6400xf32> to vector<64x6400xf32>
    %mul3A_174 = arith.mulf %mul3A_172, %mul3A_173 : vector<64x6400xf32>
    %get3A_175 = arith.constant 0 : index
    %get3A_176 = arith.constant 0 : index
    %get3A_177 = vector.load %arg3[%get3A_175, %get3A_176] : memref<800x128xf32, #tpu.memory_space<vmem>>, vector<800x128xf32>
    %transpose3A_178 = tpu.transpose %get3A_177, [1, 0] : vector<800x128xf32> -> vector<128x800xf32>
    %slice3A_179 = vector.extract_strided_slice %transpose3A_178 {offsets = [0, 0], sizes = [16, 800], strides = [1, 1]} : vector<128x800xf32> to vector<16x800xf32>
    %slice3A_180 = vector.extract_strided_slice %transpose3A_178 {offsets = [16, 0], sizes = [16, 800], strides = [1, 1]} : vector<128x800xf32> to vector<16x800xf32>
    %slice3A_181 = vector.extract_strided_slice %transpose3A_178 {offsets = [32, 0], sizes = [16, 800], strides = [1, 1]} : vector<128x800xf32> to vector<16x800xf32>
    %slice3A_182 = vector.extract_strided_slice %transpose3A_178 {offsets = [48, 0], sizes = [16, 800], strides = [1, 1]} : vector<128x800xf32> to vector<16x800xf32>
    %slice3A_183 = vector.extract_strided_slice %transpose3A_178 {offsets = [64, 0], sizes = [16, 800], strides = [1, 1]} : vector<128x800xf32> to vector<16x800xf32>
    %slice3A_184 = vector.extract_strided_slice %transpose3A_178 {offsets = [80, 0], sizes = [16, 800], strides = [1, 1]} : vector<128x800xf32> to vector<16x800xf32>
    %slice3A_185 = vector.extract_strided_slice %transpose3A_178 {offsets = [96, 0], sizes = [16, 800], strides = [1, 1]} : vector<128x800xf32> to vector<16x800xf32>
    %slice3A_186 = vector.extract_strided_slice %transpose3A_178 {offsets = [112, 0], sizes = [16, 800], strides = [1, 1]} : vector<128x800xf32> to vector<16x800xf32>
    %concatenate3A_187 = tpu.concatenate %slice3A_179, %slice3A_180, %slice3A_181, %slice3A_182, %slice3A_183, %slice3A_184, %slice3A_185, %slice3A_186 in 1 : vector<16x800xf32>, vector<16x800xf32>, vector<16x800xf32>, vector<16x800xf32>, vector<16x800xf32>, vector<16x800xf32>, vector<16x800xf32>, vector<16x800xf32> -> vector<16x6400xf32>
    %get3A_188 = arith.constant 0 : index
    %get3A_189 = arith.constant 0 : index
    %get3A_190 = vector.load %arg4[%get3A_188, %get3A_189] : memref<800x128xf32, #tpu.memory_space<vmem>>, vector<800x128xf32>
    %transpose3A_191 = tpu.transpose %get3A_190, [1, 0] : vector<800x128xf32> -> vector<128x800xf32>
    %slice3A_192 = vector.extract_strided_slice %transpose3A_191 {offsets = [0, 0], sizes = [16, 800], strides = [1, 1]} : vector<128x800xf32> to vector<16x800xf32>
    %slice3A_193 = vector.extract_strided_slice %transpose3A_191 {offsets = [16, 0], sizes = [16, 800], strides = [1, 1]} : vector<128x800xf32> to vector<16x800xf32>
    %slice3A_194 = vector.extract_strided_slice %transpose3A_191 {offsets = [32, 0], sizes = [16, 800], strides = [1, 1]} : vector<128x800xf32> to vector<16x800xf32>
    %slice3A_195 = vector.extract_strided_slice %transpose3A_191 {offsets = [48, 0], sizes = [16, 800], strides = [1, 1]} : vector<128x800xf32> to vector<16x800xf32>
    %slice3A_196 = vector.extract_strided_slice %transpose3A_191 {offsets = [64, 0], sizes = [16, 800], strides = [1, 1]} : vector<128x800xf32> to vector<16x800xf32>
    %slice3A_197 = vector.extract_strided_slice %transpose3A_191 {offsets = [80, 0], sizes = [16, 800], strides = [1, 1]} : vector<128x800xf32> to vector<16x800xf32>
    %slice3A_198 = vector.extract_strided_slice %transpose3A_191 {offsets = [96, 0], sizes = [16, 800], strides = [1, 1]} : vector<128x800xf32> to vector<16x800xf32>
    %slice3A_199 = vector.extract_strided_slice %transpose3A_191 {offsets = [112, 0], sizes = [16, 800], strides = [1, 1]} : vector<128x800xf32> to vector<16x800xf32>
    %concatenate3A_200 = tpu.concatenate %slice3A_192, %slice3A_193, %slice3A_194, %slice3A_195, %slice3A_196, %slice3A_197, %slice3A_198, %slice3A_199 in 1 : vector<16x800xf32>, vector<16x800xf32>, vector<16x800xf32>, vector<16x800xf32>, vector<16x800xf32>, vector<16x800xf32>, vector<16x800xf32>, vector<16x800xf32> -> vector<16x6400xf32>
    %get3A_201 = arith.constant 0 : index
    %get3A_202 = arith.constant 0 : index
    %get3A_203 = vector.load %arg5[%get3A_201, %get3A_202] : memref<800x128xf32, #tpu.memory_space<vmem>>, vector<800x128xf32>
    %transpose3A_204 = tpu.transpose %get3A_203, [1, 0] : vector<800x128xf32> -> vector<128x800xf32>
    %slice3A_205 = vector.extract_strided_slice %transpose3A_204 {offsets = [0, 0], sizes = [16, 800], strides = [1, 1]} : vector<128x800xf32> to vector<16x800xf32>
    %slice3A_206 = vector.extract_strided_slice %transpose3A_204 {offsets = [16, 0], sizes = [16, 800], strides = [1, 1]} : vector<128x800xf32> to vector<16x800xf32>
    %slice3A_207 = vector.extract_strided_slice %transpose3A_204 {offsets = [32, 0], sizes = [16, 800], strides = [1, 1]} : vector<128x800xf32> to vector<16x800xf32>
    %slice3A_208 = vector.extract_strided_slice %transpose3A_204 {offsets = [48, 0], sizes = [16, 800], strides = [1, 1]} : vector<128x800xf32> to vector<16x800xf32>
    %slice3A_209 = vector.extract_strided_slice %transpose3A_204 {offsets = [64, 0], sizes = [16, 800], strides = [1, 1]} : vector<128x800xf32> to vector<16x800xf32>
    %slice3A_210 = vector.extract_strided_slice %transpose3A_204 {offsets = [80, 0], sizes = [16, 800], strides = [1, 1]} : vector<128x800xf32> to vector<16x800xf32>
    %slice3A_211 = vector.extract_strided_slice %transpose3A_204 {offsets = [96, 0], sizes = [16, 800], strides = [1, 1]} : vector<128x800xf32> to vector<16x800xf32>
    %slice3A_212 = vector.extract_strided_slice %transpose3A_204 {offsets = [112, 0], sizes = [16, 800], strides = [1, 1]} : vector<128x800xf32> to vector<16x800xf32>
    %concatenate3A_213 = tpu.concatenate %slice3A_205, %slice3A_206, %slice3A_207, %slice3A_208, %slice3A_209, %slice3A_210, %slice3A_211, %slice3A_212 in 1 : vector<16x800xf32>, vector<16x800xf32>, vector<16x800xf32>, vector<16x800xf32>, vector<16x800xf32>, vector<16x800xf32>, vector<16x800xf32>, vector<16x800xf32> -> vector<16x6400xf32>
    %get3A_214 = arith.constant 0 : index
    %get3A_215 = arith.constant 0 : index
    %get3A_216 = vector.load %arg6[%get3A_214, %get3A_215] : memref<800x128xf32, #tpu.memory_space<vmem>>, vector<800x128xf32>
    %transpose3A_217 = tpu.transpose %get3A_216, [1, 0] : vector<800x128xf32> -> vector<128x800xf32>
    %slice3A_218 = vector.extract_strided_slice %transpose3A_217 {offsets = [0, 0], sizes = [16, 800], strides = [1, 1]} : vector<128x800xf32> to vector<16x800xf32>
    %slice3A_219 = vector.extract_strided_slice %transpose3A_217 {offsets = [16, 0], sizes = [16, 800], strides = [1, 1]} : vector<128x800xf32> to vector<16x800xf32>
    %slice3A_220 = vector.extract_strided_slice %transpose3A_217 {offsets = [32, 0], sizes = [16, 800], strides = [1, 1]} : vector<128x800xf32> to vector<16x800xf32>
    %slice3A_221 = vector.extract_strided_slice %transpose3A_217 {offsets = [48, 0], sizes = [16, 800], strides = [1, 1]} : vector<128x800xf32> to vector<16x800xf32>
    %slice3A_222 = vector.extract_strided_slice %transpose3A_217 {offsets = [64, 0], sizes = [16, 800], strides = [1, 1]} : vector<128x800xf32> to vector<16x800xf32>
    %slice3A_223 = vector.extract_strided_slice %transpose3A_217 {offsets = [80, 0], sizes = [16, 800], strides = [1, 1]} : vector<128x800xf32> to vector<16x800xf32>
    %slice3A_224 = vector.extract_strided_slice %transpose3A_217 {offsets = [96, 0], sizes = [16, 800], strides = [1, 1]} : vector<128x800xf32> to vector<16x800xf32>
    %slice3A_225 = vector.extract_strided_slice %transpose3A_217 {offsets = [112, 0], sizes = [16, 800], strides = [1, 1]} : vector<128x800xf32> to vector<16x800xf32>
    %concatenate3A_226 = tpu.concatenate %slice3A_218, %slice3A_219, %slice3A_220, %slice3A_221, %slice3A_222, %slice3A_223, %slice3A_224, %slice3A_225 in 1 : vector<16x800xf32>, vector<16x800xf32>, vector<16x800xf32>, vector<16x800xf32>, vector<16x800xf32>, vector<16x800xf32>, vector<16x800xf32>, vector<16x800xf32> -> vector<16x6400xf32>
    %slice3A_227 = vector.extract_strided_slice %concatenate3A_187 {offsets = [0, 0], sizes = [8, 6400], strides = [1, 1]} : vector<16x6400xf32> to vector<8x6400xf32>
    %slice3A_228 = vector.extract_strided_slice %mul3A_30 {offsets = [0, 0], sizes = [1, 6400], strides = [1, 1]} : vector<3x6400xf32> to vector<1x6400xf32>
    %mul3A_229 = vector.broadcast %slice3A_228 : vector<1x6400xf32> to vector<8x6400xf32>
    %mul3A_230 = arith.mulf %slice3A_227, %mul3A_229 : vector<8x6400xf32>
    %slice3A_231 = vector.extract_strided_slice %concatenate3A_187 {offsets = [8, 0], sizes = [8, 6400], strides = [1, 1]} : vector<16x6400xf32> to vector<8x6400xf32>
    %slice3A_232 = vector.extract_strided_slice %mul3A_30 {offsets = [1, 0], sizes = [1, 6400], strides = [1, 1]} : vector<3x6400xf32> to vector<1x6400xf32>
    %mul3A_233 = vector.broadcast %slice3A_232 : vector<1x6400xf32> to vector<8x6400xf32>
    %mul3A_234 = arith.mulf %slice3A_231, %mul3A_233 : vector<8x6400xf32>
    %add3A_235 = arith.addf %mul3A_230, %mul3A_234 : vector<8x6400xf32>
    %slice3A_236 = vector.extract_strided_slice %concatenate3A_200 {offsets = [0, 0], sizes = [8, 6400], strides = [1, 1]} : vector<16x6400xf32> to vector<8x6400xf32>
    %slice3A_237 = vector.extract_strided_slice %mul3A_30 {offsets = [2, 0], sizes = [1, 6400], strides = [1, 1]} : vector<3x6400xf32> to vector<1x6400xf32>
    %mul3A_238 = vector.broadcast %slice3A_237 : vector<1x6400xf32> to vector<8x6400xf32>
    %mul3A_239 = arith.mulf %slice3A_236, %mul3A_238 : vector<8x6400xf32>
    %add3A_240 = arith.addf %add3A_235, %mul3A_239 : vector<8x6400xf32>
    %slice3A_241 = vector.extract_strided_slice %concatenate3A_213 {offsets = [0, 0], sizes = [8, 6400], strides = [1, 1]} : vector<16x6400xf32> to vector<8x6400xf32>
    %slice3A_242 = vector.extract_strided_slice %mul3A_30 {offsets = [0, 0], sizes = [1, 6400], strides = [1, 1]} : vector<3x6400xf32> to vector<1x6400xf32>
    %mul3A_243 = vector.broadcast %slice3A_242 : vector<1x6400xf32> to vector<8x6400xf32>
    %mul3A_244 = arith.mulf %slice3A_241, %mul3A_243 : vector<8x6400xf32>
    %slice3A_245 = vector.extract_strided_slice %concatenate3A_213 {offsets = [8, 0], sizes = [8, 6400], strides = [1, 1]} : vector<16x6400xf32> to vector<8x6400xf32>
    %slice3A_246 = vector.extract_strided_slice %mul3A_30 {offsets = [1, 0], sizes = [1, 6400], strides = [1, 1]} : vector<3x6400xf32> to vector<1x6400xf32>
    %mul3A_247 = vector.broadcast %slice3A_246 : vector<1x6400xf32> to vector<8x6400xf32>
    %mul3A_248 = arith.mulf %slice3A_245, %mul3A_247 : vector<8x6400xf32>
    %add3A_249 = arith.addf %mul3A_244, %mul3A_248 : vector<8x6400xf32>
    %slice3A_250 = vector.extract_strided_slice %concatenate3A_226 {offsets = [0, 0], sizes = [8, 6400], strides = [1, 1]} : vector<16x6400xf32> to vector<8x6400xf32>
    %slice3A_251 = vector.extract_strided_slice %mul3A_30 {offsets = [2, 0], sizes = [1, 6400], strides = [1, 1]} : vector<3x6400xf32> to vector<1x6400xf32>
    %mul3A_252 = vector.broadcast %slice3A_251 : vector<1x6400xf32> to vector<8x6400xf32>
    %mul3A_253 = arith.mulf %slice3A_250, %mul3A_252 : vector<8x6400xf32>
    %add3A_254 = arith.addf %add3A_249, %mul3A_253 : vector<8x6400xf32>
    %concatenate3A_255 = tpu.concatenate %mul3A_174, %add3A_240, %add3A_254 in 0 : vector<64x6400xf32>, vector<8x6400xf32>, vector<8x6400xf32> -> vector<80x6400xf32>
    %get3A_256 = arith.constant 0 : index
    %get3A_257 = arith.constant 0 : index
    %get3A_258 = vector.load %arg9[%get3A_256, %get3A_257] : memref<64x80xf32, #tpu.memory_space<vmem>>, vector<64x80xf32>
    %dot_general3A_259 = arith.constant dense<0.000000e+00> : vector<64x6400xf32>
    %dot_general3A_260 = tpu.matmul %get3A_258, %concatenate3A_255, %dot_general3A_259 {dimension_numbers = #tpu.dot_dimension_numbers<[1], [0], [0], [1], [0, 0, 1, 1], [], []>, precision = #tpu.contract_precision<fp32>, transpose_lhs_hint = false} : vector<64x80xf32>, vector<80x6400xf32>, vector<64x6400xf32> -> vector<64x6400xf32>
    %get3A_261 = arith.constant 0 : index
    %get3A_262 = arith.constant 0 : index
    %get3A_263 = vector.load %arg10[%get3A_261, %get3A_262] : memref<64x1xf32, #tpu.memory_space<vmem>>, vector<64x1xf32>
    %add3A_264 = vector.broadcast %get3A_263 : vector<64x1xf32> to vector<64x6400xf32>
    %add3A_265 = arith.addf %dot_general3A_260, %add3A_264 : vector<64x6400xf32>
    %logistic3A_266 = arith.negf %add3A_265 : vector<64x6400xf32>
    %logistic3A_267 = math.exp %logistic3A_266 : vector<64x6400xf32>
    %logistic3A_268 = arith.constant 1.000000e+00 : f32
    %logistic3A_269 = vector.broadcast %logistic3A_268 : f32 to vector<64x6400xf32>
    %logistic3A_270 = arith.addf %logistic3A_269, %logistic3A_267 : vector<64x6400xf32>
    %logistic3A_271 = arith.divf %logistic3A_269, %logistic3A_270 : vector<64x6400xf32>
    %mul3A_272 = arith.mulf %add3A_265, %logistic3A_271 : vector<64x6400xf32>
    %mul3A_273 = vector.broadcast %select_n3A : vector<1x6400xf32> to vector<64x6400xf32>
    %mul3A_274 = arith.mulf %mul3A_272, %mul3A_273 : vector<64x6400xf32>
    %get3A_275 = arith.constant 0 : index
    %get3A_276 = arith.constant 0 : index
    %get3A_277 = vector.load %arg11[%get3A_275, %get3A_276] : memref<1x64xf32, #tpu.memory_space<vmem>>, vector<1x64xf32>
    %dot_general3A_278 = arith.constant dense<0.000000e+00> : vector<1x6400xf32>
    %dot_general3A_279 = tpu.matmul %get3A_277, %mul3A_274, %dot_general3A_278 {dimension_numbers = #tpu.dot_dimension_numbers<[1], [0], [0], [1], [0, 0, 1, 1], [], []>, precision = #tpu.contract_precision<fp32>, transpose_lhs_hint = false} : vector<1x64xf32>, vector<64x6400xf32>, vector<1x6400xf32> -> vector<1x6400xf32>
    %slice3A_280 = vector.extract_strided_slice %dot_general3A_279 {offsets = [0, 0], sizes = [1, 800], strides = [1, 1]} : vector<1x6400xf32> to vector<1x800xf32>
    %slice3A_281 = vector.extract_strided_slice %dot_general3A_279 {offsets = [0, 800], sizes = [1, 800], strides = [1, 1]} : vector<1x6400xf32> to vector<1x800xf32>
    %slice3A_282 = vector.extract_strided_slice %dot_general3A_279 {offsets = [0, 1600], sizes = [1, 800], strides = [1, 1]} : vector<1x6400xf32> to vector<1x800xf32>
    %slice3A_283 = vector.extract_strided_slice %dot_general3A_279 {offsets = [0, 2400], sizes = [1, 800], strides = [1, 1]} : vector<1x6400xf32> to vector<1x800xf32>
    %slice3A_284 = vector.extract_strided_slice %dot_general3A_279 {offsets = [0, 3200], sizes = [1, 800], strides = [1, 1]} : vector<1x6400xf32> to vector<1x800xf32>
    %slice3A_285 = vector.extract_strided_slice %dot_general3A_279 {offsets = [0, 4000], sizes = [1, 800], strides = [1, 1]} : vector<1x6400xf32> to vector<1x800xf32>
    %slice3A_286 = vector.extract_strided_slice %dot_general3A_279 {offsets = [0, 4800], sizes = [1, 800], strides = [1, 1]} : vector<1x6400xf32> to vector<1x800xf32>
    %slice3A_287 = vector.extract_strided_slice %dot_general3A_279 {offsets = [0, 5600], sizes = [1, 800], strides = [1, 1]} : vector<1x6400xf32> to vector<1x800xf32>
    %concatenate3A_288 = tpu.concatenate %slice3A_280, %slice3A_281, %slice3A_282, %slice3A_283, %slice3A_284, %slice3A_285, %slice3A_286, %slice3A_287 in 0 : vector<1x800xf32>, vector<1x800xf32>, vector<1x800xf32>, vector<1x800xf32>, vector<1x800xf32>, vector<1x800xf32>, vector<1x800xf32>, vector<1x800xf32> -> vector<8x800xf32>
    %transpose3A_289 = tpu.transpose %concatenate3A_288, [1, 0] : vector<8x800xf32> -> vector<800x8xf32>
    %swap3A = arith.constant 0 : index
    %swap3A_290 = arith.constant 0 : index
    %swap3A_291 = vector.load %arg12[%swap3A, %swap3A_290] : memref<800x8xf32, #tpu.memory_space<vmem>>, vector<800x8xf32>
    tpu.vector_store %arg12[%swap3A, %swap3A_290], %transpose3A_289 {strides = array<i32>} : memref<800x8xf32, #tpu.memory_space<vmem>>, vector<800x8xf32>,
    return
  }
  func.func @transform_0(%arg0: i32) -> (i32, i32) {
    %c0_i32 = arith.constant 0 : i32
    %c0_i32_0 = arith.constant 0 : i32
    return %arg0, %c0_i32 : i32, i32
  }
  func.func @transform_1(%arg0: i32) -> (i32, i32) {
    %c0_i32 = arith.constant 0 : i32
    %c0_i32_0 = arith.constant 0 : i32
    return %arg0, %c0_i32 : i32, i32
  }
  func.func @transform_2(%arg0: i32) -> (i32, i32) {
    %c0_i32 = arith.constant 0 : i32
    %c0_i32_0 = arith.constant 0 : i32
    return %arg0, %c0_i32 : i32, i32
  }
  func.func @transform_3(%arg0: i32) -> (i32, i32) {
    %c0_i32 = arith.constant 0 : i32
    %c0_i32_0 = arith.constant 0 : i32
    return %arg0, %c0_i32 : i32, i32
  }
  func.func @transform_4(%arg0: i32) -> (i32, i32) {
    %c0_i32 = arith.constant 0 : i32
    %c0_i32_0 = arith.constant 0 : i32
    return %arg0, %c0_i32 : i32, i32
  }
  func.func @transform_5(%arg0: i32) -> (i32, i32) {
    %c0_i32 = arith.constant 0 : i32
    %c0_i32_0 = arith.constant 0 : i32
    return %arg0, %c0_i32 : i32, i32
  }
  func.func @transform_6(%arg0: i32) -> (i32, i32) {
    %c0_i32 = arith.constant 0 : i32
    %c0_i32_0 = arith.constant 0 : i32
    %c0_i32_1 = arith.constant 0 : i32
    return %c0_i32, %c0_i32_0 : i32, i32
  }
  func.func @transform_7(%arg0: i32) -> (i32, i32) {
    %c0_i32 = arith.constant 0 : i32
    %c0_i32_0 = arith.constant 0 : i32
    %c0_i32_1 = arith.constant 0 : i32
    return %c0_i32, %c0_i32_0 : i32, i32
  }
  func.func @transform_8(%arg0: i32) -> (i32, i32) {
    %c0_i32 = arith.constant 0 : i32
    %c0_i32_0 = arith.constant 0 : i32
    %c0_i32_1 = arith.constant 0 : i32
    return %c0_i32, %c0_i32_0 : i32, i32
  }
  func.func @transform_9(%arg0: i32) -> (i32, i32) {
    %c0_i32 = arith.constant 0 : i32
    %c0_i32_0 = arith.constant 0 : i32
    %c0_i32_1 = arith.constant 0 : i32
    return %c0_i32, %c0_i32_0 : i32, i32
  }
  func.func @transform_10(%arg0: i32) -> (i32, i32) {
    %c0_i32 = arith.constant 0 : i32
    %c0_i32_0 = arith.constant 0 : i32
    %c0_i32_1 = arith.constant 0 : i32
    return %c0_i32, %c0_i32_0 : i32, i32
  }
  func.func @transform_11(%arg0: i32) -> (i32, i32) {
    %c0_i32 = arith.constant 0 : i32
    %c0_i32_0 = arith.constant 0 : i32
    return %arg0, %c0_i32 : i32, i32
  }
}

</mosaic_0001>

<sc_bundles>
// kernel: kernel.6.cloned.1.call-start
scs
__scs_entry_jumppad:
0x0: {  	(pc) =	sbr.rel $0x88, $3  }
0x1: {  	(tag) =	ssettag $0x0;
	lr =	simm.s32 $0x1  }
0x2: {  	[smem:$0x3F97] =	sst lr;
	_ =	strace $0xD0000000  }
0x3: {  	_ = 	snop  }
0x4: {  	_ = 	snop  }
0x5: {  	_ = 	snop  }
0x6: {  	_ = 	snop  }
0x7: {  	_ = 	snop  }
__scs_overlays_trampoline_lowered:
0x8: {  	[smem:$0x3FA6] =	sst s0  }
0x9: {  	[smem:$0x3FA7] =	sst s1  }
0xa: {  	[smem:$0x3FA8] =	sst s2  }
0xb: {  	[smem:$0x3FA9] =	sst s3  }
0xc: {  	[smem:$0x3FAA] =	sst s4  }
0xd: {  	[smem:$0x3FAB] =	sst s5  }
0xe: {  	[smem:$0x3FAC] =	sst s6  }
0xf: {  	[smem:$0x3FAD] =	sst s7  }
0x10: {  	[smem:$0x3FAE] =	sst s8  }
0x11: {  	[smem:$0x3FAF] =	sst s9;
	s0 =	simm.s32 @!p0 $0x0  }
0x12: {  	s1 =	sld [smem:$0x3F95];
	s0 =	simm.s32 @p0 $0x1  }
0x13: {  	[smem:$0x3FB0] =	sst s0;
	s0 =	simm.s32 @!p1 $0x0  }
0x14: {  	s2 =	sld [smem:$0x3F94];
	s0 =	simm.s32 @p1 $0x1  }
0x15: {  	[smem:$0x3FB1] =	sst s0;
	s0 =	simm.s32 @!p2 $0x0  }
0x16: {  	s3 =	sld [smem:$0x3FDB];
	s0 =	simm.s32 @p2 $0x1  }
0x17: {  	s4 =	simm.s32 $0x1BF5;
	[smem:$0x3FB3] =	sst s0  }
0x18: {  	s0 =	sld [smem:$0x3F96];
	_ =	swait.ge [sflag:s4], $0x0  }
0x19: {  	s7 =	sld [smem:$0x3F97]  }
0x1a: {  	s8 =	sadd.s32 $0xFFFFE003, lr  }
0x1b: {  	s9 =	sadd.s32 $0xFFFFFEF7, lr;
	s5 =	simm.s32 $0xFFFFFFFF;
	p2 =	slt.u32 s8, $0xFFFFF086  }
0x1c: {  	p1 =	slt.u32 s9, $0xF7A;
	s5 =	simm.s32 @!p2 $0x0  }
0x1d: {  	s5 =	simm.s32 @p1 $0x1;
	p0 =	seq.s32 s7, s2  }
0x1e: {  	s7 =	smul.u32 @!p0 $0xF7A, s2;
	p2 =	seq.s32 @!p0 s5, $0x0  }
0x1f: {  	s9 =	smul.u32 $0xF7A, s1;
	s8 =	simm.s32 @!p0 $0x1BF5;
	p2 =	por !p2, p0  }
0x20: {  	[sflag:s8] =	ssyncset.s32 @!p0 $0xFFFFF086;
	s6 =	sadd.s32 @!p0 s3, s7;
	s7 =	simm.s32 @!p0 $0x108  }
0x21: {  	s3 =	sadd.s32 s3, s9;
	s6 =	sadd.s32 @!p0 $0x88, s6;
	s7 =	simm.s32 @p2 $0x1082  }
0x22: {  	[simem:s7], [sflag:s8] =	dma.local @!p0 [hbm:s6], $0xF7A  }
0x23: {  	s9 =	sor.u32 $0xD0000000, s2;
	s6 =	simm.s32 $0x108;
	_ =	swait.ge @!p0 [sflag:s8], $0x0  }
0x24: {  	s3 =	sadd.s32 $0x88, s3;
	s6 =	simm.s32 @!p1 $0x1082;
	[sflag:s4] =	ssyncset.s32 $0xFFFFF086  }
0x25: {  	[simem:s6], [sflag:s4] =	dma.local [hbm:s3], $0xF7A  }
0x26: {  	[smem:$0x3F97] =	sst s1;
	(tag) =	ssettag s2;
	_ =	strace s9  }
0x27: {  	s1 =	sld [smem:$0x3FA7]  }
0x28: {  	s2 =	sld [smem:$0x3FA8]  }
0x29: {  	s4 =	sld [smem:$0x3FAA]  }
0x2a: {  	p0 =	seq.s32 s5, $0x0;
	s5 =	sld [smem:$0x3FAB]  }
0x2b: {  	s6 =	sld [smem:$0x3FAC]  }
0x2c: {  	s7 =	sld [smem:$0x3FAD]  }
0x2d: {  	s3 =	simm.s32 $0x108;
	s8 =	sld [smem:$0x3FAE]  }
0x2e: {  	s3 =	simm.s32 @!p0 $0x1082;
	s9 =	sld [smem:$0x3FAF]  }
0x2f: {  	lr =	sadd.s32 s0, s3;
	s0 =	sld [smem:$0x3FA6]  }
0x30: {  	s3 =	sld [smem:$0x3FA9]  }
0x31: {  	[smem:$0x3FB2] =	sst s10  }
0x32: {  	s10 =	sld [smem:$0x3FB0];
	_ =	sdelay $0x3  }
0x33: {  	p0 =	seq.s32 s10, $0x1;
	s10 =	sld [smem:$0x3FB2];
	_ =	sdelay $0x3  }
0x34: {  	[smem:$0x3FB2] =	sst s10  }
0x35: {  	s10 =	sld [smem:$0x3FB1];
	_ =	sdelay $0x3  }
0x36: {  	p1 =	seq.s32 s10, $0x1;
	s10 =	sld [smem:$0x3FB2];
	_ =	sdelay $0x3  }
0x37: {  	[smem:$0x3FB2] =	sst s10  }
0x38: {  	s10 =	sld [smem:$0x3FB3]  }
0x39: {  	_ = 	snop;
	(pc) =	sbr.ind lr, $3  }
0x3a: {  	_ = 	snop  }
0x3b: {  	_ = 	snop  }
0x3c: {  	p2 =	seq.s32 s10, $0x1;
	s10 =	sld [smem:$0x3FB2]  }
0x3d: {  	_ =	shalt  }
0x3e: {  	_ =	shalt  }
0x3f: {  	_ =	shalt  }
0x40: {  	_ =	shalt  }
0x41: {  	_ =	shalt  }
0x42: {  	_ =	shalt  }
0x43: {  	_ =	shalt  }
0x44: {  	_ =	shalt  }
0x45: {  	_ =	shalt  }
0x46: {  	_ =	shalt  }
0x47: {  	_ =	shalt  }
0x48: {  	_ =	shalt  }
0x49: {  	_ =	shalt  }
0x4a: {  	_ =	shalt  }
0x4b: {  	_ =	shalt  }
0x4c: {  	_ =	shalt  }
0x4d: {  	_ =	shalt  }
0x4e: {  	_ =	shalt  }
0x4f: {  	_ =	shalt  }
0x50: {  	_ =	shalt  }
0x51: {  	_ =	shalt  }
0x52: {  	_ =	shalt  }
0x53: {  	_ =	shalt  }
0x54: {  	_ =	shalt  }
0x55: {  	_ =	shalt  }
0x56: {  	_ =	shalt  }
0x57: {  	_ =	shalt  }
0x58: {  	_ =	shalt  }
0x59: {  	_ =	shalt  }
0x5a: {  	_ =	shalt  }
0x5b: {  	_ =	shalt  }
0x5c: {  	_ =	shalt  }
0x5d: {  	_ =	shalt  }
0x5e: {  	_ =	shalt  }
0x5f: {  	_ =	shalt  }
0x60: {  	_ =	shalt  }
0x61: {  	_ =	shalt  }
0x62: {  	_ =	shalt  }
0x63: {  	_ =	shalt  }
0x64: {  	_ =	shalt  }
0x65: {  	_ =	shalt  }
0x66: {  	_ =	shalt  }
0x67: {  	_ =	shalt  }
0x68: {  	_ =	shalt  }
0x69: {  	_ =	shalt  }
0x6a: {  	_ =	shalt  }
0x6b: {  	_ =	shalt  }
0x6c: {  	_ =	shalt  }
0x6d: {  	_ =	shalt  }
0x6e: {  	_ =	shalt  }
0x6f: {  	_ =	shalt  }
0x70: {  	_ =	shalt  }
0x71: {  	_ =	shalt  }
0x72: {  	_ =	shalt  }
0x73: {  	_ =	shalt  }
0x74: {  	_ =	shalt  }
0x75: {  	_ =	shalt  }
0x76: {  	_ =	shalt  }
0x77: {  	_ =	shalt  }
0x78: {  	_ =	shalt  }
0x79: {  	_ =	shalt  }
0x7a: {  	_ =	shalt  }
0x7b: {  	_ =	shalt  }
0x7c: {  	_ =	shalt  }
0x7d: {  	_ =	shalt  }
0x7e: {  	_ =	shalt  }
0x7f: {  	_ =	shalt  }
0x80: {  	_ =	shalt  }
0x81: {  	_ =	shalt  }
0x82: {  	_ =	shalt  }
0x83: {  	_ =	shalt  }
0x84: {  	_ =	shalt  }
0x85: {  	_ =	shalt  }
0x86: {  	_ =	shalt  }
0x87: {  	_ =	shalt  }
.Lfunc_end0:
.L_simem_size_0:
called_computation_lowered:
.L_overlay_start_0:
0x88: {  	s2 =	sld [smem:$0x3FD9]  }
0x89: {  	s3 =	sld [smem:$0x3FFE];
	_ =	sdelay $0x1  }
0x8a: {  	s1 =	srdreg.scid  }
0x8b: {  	s0 =	sand.u32 $0x1, s1  }
0x8c: {  	s17 =	sshll.u32 s0, $0xA;
	s2 =	sadd.s32 s3, s2  }
0x8d: {  	s2 =	sadd.s32 s2, s17  }
0x8e: {  	[smem:$0x3FBE] =	sst s2  }
0x8f: {  	_ = 	snop  }
0x90: {  	s2 =	sld [smem:$0x3FC7]  }
0x91: {  	s18 =	sld [smem:$0x3FC6];
	(tm) =	ssettm $0x1  }
0x92: {  	s4 =	sld [smem:$0x3FFB];
	_ =	sdelay $0x3  }
0x93: {  	_ =	strace s4  }
0x94: {  	s4 =	sld [smem:$0x3FFC];
	_ =	sdelay $0x3  }
0x95: {  	_ =	strace s4  }
0x96: {  	s4 =	sld [smem:$0x3FFD];
	_ =	sdelay $0x3  }
0x97: {  	_ =	strace s4  }
0x98: {  	_ =	strace $0x8FFFFFFF  }
0x99: {  	s19 =	sld [smem:$0x3FDB];
	_ =	sdelay $0x1  }
0x9a: {  	s5 =	simm.s32 $_scs_section_size  }
0x9b: {  	s6 =	simm.s32 $_size__tile_overlayer_lowered;
	s7 =	simm.s32 $_tile_overlayer_lowered  }
0x9c: {  	s22 =	simm.s32 $0x1BFF;
	s21 =	sshll.u32 s7, $0x1;
	s4 =	sadd.s32 s5, s19  }
0x9d: {  	s8 =	simm.s32 $0x0;
	s20 =	sshll.u32 s6, $0x1;
	s6 =	sadd.s32 s21, s4  }
0x9e: {  	[timem:s8], [sflag:s22] =	dma.local [hbm:s6], s20  }
0x9f: {  	_ =	swait.ge [sflag:s22], s20  }
0xa0: {  	s5 =	ssub.s32 $0x0, s20;
	[sflag:s22] =	ssyncset.done $0x0  }
0xa1: {  	[sflag:s22] =	ssyncadd.s32 s5;
	_ =	sdelay $0x1  }
0xa2: {  	s23 =	simm.s32 $0x1B8B  }
0xa3: {  	_ =	swait.ge [sflag:s23], $0x1  }
0xa4: {  	[sflag:s23] =	ssyncset.done $0x0  }
0xa5: {  	s25 =	simm.s32 $0x1B8E;
	s24 =	sld [smem:$0x3FFE];
	[sflag:s23] =	ssyncadd.s32 $0xFFFFFFFF  }
0xa6: {  	s26 =	simm.s32 $execute0_lowered;
	[smem:$0x3FD2] =	sst s25  }
0xa7: {  	s6 =	sshll.u32 s26, $0x1;
	_ =	strace $0x80000046;
	[dreg:$0x1] =	wrdreg $0xFFFFFFFF  }
0xa8: {  	s28 =	simm.s32 $_size_execute0_lowered;
	s4 =	sadd.s32 s4, s6;
	[dreg:$0x0] =	wrdreg $0x0  }
0xa9: {  	s6 =	sshll.u32 s28, $0x1;
	[dreg:$0x2] =	wrdreg s4  }
0xaa: {  	[dreg:$0x3] =	wrdreg s6  }
0xab: {  	[dreg:$0x4] =	wrdreg $0xC0  }
0xac: {  	_ =	task [dreg:s8], $0x5FFFF  }
0xad: {  	[dreg:$0x1] =	wrdreg $0xFFFFFFFF  }
0xae: {  	[dreg:$0x0] =	wrdreg $0x60  }
0xaf: {  	[dreg:$0x2] =	wrdreg s24  }
0xb0: {  	[dreg:$0x3] =	wrdreg s2  }
0xb1: {  	[dreg:$0x4] =	wrdreg s18  }
0xb2: {  	[dreg:$0x5] =	wrdreg $0x9  }
0xb3: {  	_ =	task.clear_ibuf [dreg:s8], $0x6FFFF;
	_ =	strace $0x90000046  }
0xb4: {  	s29 =	simm.s32 $0x9;
	_ =	strace $0x80000048  }
0xb5: {  	_ =	swait.ge [sflag:s29], $0x1  }
0xb6: {  	[sflag:s29] =	ssyncadd.s32 $0xFFFFFFFF  }
0xb7: {  	_ =	strace $0x90000048  }
0xb8: {  	_ =	sfence  }
0xb9: {  	s30 =	sld [smem:$0x0];
	_ =	sdelay $0x2  }
0xba: {  	s31 =	sshll.u32 s1, $0xD;
	s1 =	sshrl.u32 s1, $0x2  }
0xbb: {  	s3 =	sand.u32 $0x4000, s31;
	s1 =	sadd.s32 s1, s30  }
0xbc: {  	s0 =	sor.u32 s3, s0;
	s1 =	sshll.u32 s1, $0x11  }
0xbd: {  	s0 =	sor.u32 s1, s0  }
0xbe: {  	s0 =	sadd.s32 $0x8F2B, s0  }
0xbf: {  	[sflag:s0] =	ssyncadd.remote.s32 $0x1  }
0xc0: {  	_ =	sfence.sel $0xFFFF  }
0xc1: {  	[dreg:$0x0] =	wrdreg $0xFFFFFFFF;
	(pc) =	sbr.abs _section_cstart, $3  }
0xc2: {  	[dreg:$0x1] =	wrdreg $0xFFFFFFFF  }
0xc3: {  	_ =	task.clear_ibuf [dreg:s8], $0x2FFFF;
	_ =	strace $0x9FFFFFFF  }
0xc4: {  	(tm) =	ssettm $0x7FFFFFFF  }
0xc5: {  	_ =	shalt  }
tec
execute0_lowered:
.L_overlay_start_1:
0x0: {  	(tag) =	ssettag $0x1  }
0x1: {  	s7 =	rddreg [dreg:$0x0]  }
0x2: {  	s1 =	rddreg [dreg:$0x1]  }
0x3: {  	s2 =	rddreg [dreg:$0x2]  }
0x4: {  	s0 =	rddreg [dreg:$0x3]  }
0x5: {  	s4 =	simm.s32 $0x0;
	s5 =	srdreg.scid;
	s3 =	stileid.u32  }
0x6: {  	s12 =	simm.s32 $0x1;
	s13 =	simm.s32 $0x4268;
	s14 =	simm.s32 $0x0  }
0x7: {  	[smem:$0x7FF] =	sst s4;
	s8 =	sand.u32 $0x1, s5;
	s5 =	sadd.s32 $0x2600, s7  }
0x8: {  	s10 =	sshll.u32 s3, $0x1;
	s6 =	sadd.s32 $0x1AE00, s7;
	s9 =	ssub.s32 $0x2, s8  }
0x9: {  	s7 =	sadd.s32 $0x1A1800, s7;
	_ =	strace $0x80000047;
	s11 =	sshrl.u32 s9, $0x1  }
0xa: {  	s8 =	sor.u32 s8, s10;
	s10 =	simm.s32 $0x2;
	s9 =	ssub.s32 s9, s11  }
0xb: {  	s8 =	smul.u32 $0x61A8, s8;
	s11 =	simm.s32 $0x3E8;
	s9 =	smax.u32 s9, $0x1  }
.LBB2_1:
0xc: {  	s16 =	simm.s32 $0x0  }
.LBB2_2:
0xd: {  	s15 =	smul.u32 $0x3E8, s16;
	_ =	sdelay $0x1  }
0xe: {  	s15 =	sadd.s32 s8, s15  }
0xf: {  	s17 =	sshrl.u32 s15, $0x3  }
0x10: {  	s18 =	simm.s32 $0x0;
	s17 =	sadd.s32 s1, s17  }
0x11: {  	[tilespmem:s18], [sflag:$0x2] =	stream.linear.gather [hbm4b:s17+s18], $0x3E8, $0x38;
	[tilespmem:$0x80E8] =	vst v63  }
0x12: {  	_ =	swait.ge [sflag:s10], $0x3E8  }
0x13: {  	[sflag:s10] =	ssyncset.done $0x0  }
0x14: {  	[sflag:s10] =	ssyncadd.s32 $0xFFFFFC18  }
0x15: {  	[tilespmem:s11], [sflag:$0x1] =	stream.indirect.gather [hbm4b:s5+s11], $0x10, s18, s11, $0xb8;
	[tilespmem:$0x80E8] =	vst v63  }
0x16: {  	_ =	swait.ge [sflag:s12], $0x3E80  }
0x17: {  	[sflag:s12] =	ssyncset.done $0x0  }
0x18: {  	s17 =	simm.s32 $0x0;
	[sflag:s12] =	ssyncadd.s32 $0xFFFFC180  }
0x19: {  	v3 =	vld [tilespmem:s17+$0x458]  }
0x1a: {  	v4 =	vld [tilespmem:s17+$0x3E8]  }
0x1b: {  	v5 =	vld [tilespmem:s17+$0x3F8]  }
0x1c: {  	v2 =	vld [tilespmem:s17+$0x408]  }
0x1d: {  	v0 =	vld [tilespmem:s17+$0x418]  }
0x1e: {  	v1 =	vld [tilespmem:s17+$0x428];
	[tilespmem:s17+$0x42D8] =	vst v3  }
0x1f: {  	[tilespmem:s17+$0x4268] =	vst v4;
	v3 =	vld [tilespmem:s17+$0x438]  }
0x20: {  	s19 =	simm.s32 $0x400;
	s18 =	simm.s32 $0x80;
	[tilespmem:s17+$0x4278] =	vst v5;
	v4 =	vld [tilespmem:s17+$0x448]  }
.LBB2_3:
0x21: {  	p0 =	sne.s32 s19, $0xF800;
	v5 =	vld [tilespmem:s18+$0x458];
	[tilespmem:s17+$0x4288] =	vst v2  }
0x22: {  	v6 =	vld [tilespmem:s18+$0x3E8];
	[tilespmem:s17+$0x4298] =	vst v0  }
0x23: {  	v7 =	vld [tilespmem:s18+$0x3F8];
	[tilespmem:s17+$0x42A8] =	vst v1  }
.Ltmp0:
0x24: {  	v2 =	vld [tilespmem:s18+$0x408];
	[tilespmem:s17+$0x42B8] =	vst v3;
	(pc) =	sbr.rel @p0 .LBB2_3-.Ltmp0, $4  }
0x25: {  	v0 =	vld [tilespmem:s18+$0x418];
	[tilespmem:s17+$0x42C8] =	vst v4;
	s17 =	smov.u32 s18  }
0x26: {  	v1 =	vld [tilespmem:s17+$0x428];
	[tilespmem:s17+$0x42D8] =	vst v5  }
0x27: {  	[tilespmem:s17+$0x4268] =	vst v6;
	v3 =	vld [tilespmem:s17+$0x438]  }
0x28: {  	s18 =	sshra.s32 s19, $0x2;
	s19 =	sadd.s32 $0x200, s19;
	[tilespmem:s17+$0x4278] =	vst v7;
	v4 =	vld [tilespmem:s17+$0x448]  }
0x29: {  	v5 =	vld [tilespmem:s18+$0x458];
	[tilespmem:s17+$0x4288] =	vst v2  }
0x2a: {  	v2 =	vld [tilespmem:s18+$0x3E8];
	[tilespmem:s17+$0x4298] =	vst v0  }
0x2b: {  	v0 =	vld [tilespmem:s18+$0x3F8];
	[tilespmem:s17+$0x42A8] =	vst v1  }
0x2c: {  	v1 =	vld [tilespmem:s18+$0x408];
	[tilespmem:s17+$0x42B8] =	vst v3  }
0x2d: {  	v3 =	vld [tilespmem:s18+$0x418];
	[tilespmem:s17+$0x42C8] =	vst v4  }
0x2e: {  	v4 =	vld [tilespmem:s18+$0x428];
	[tilespmem:s18+$0x42D8] =	vst v5  }
0x2f: {  	v62 =	vld [tilespmem:s18+$0x438];
	[tilespmem:s18+$0x4268] =	vst v2  }
0x30: {  	v63 =	vld [tilespmem:s18+$0x448];
	[tilespmem:s18+$0x4278] =	vst v0  }
0x31: {  	[tilespmem:s18+$0x4288] =	vst v1  }
0x32: {  	[tilespmem:s18+$0x4298] =	vst v3  }
0x33: {  	s16 =	sadd.s32 $0x1, s16;
	[tilespmem:s18+$0x42A8] =	vst v4  }
0x34: {  	s15 =	sshll.u32 s15, $0x1;
	p0 =	sne.s32 s16, $0x19;
	[tilespmem:s18+$0x42B8] =	vst v62  }
.Ltmp1:
0x35: {  	s31 =	sadd.s32 s6, s15;
	s15 =	simm.s32 $0x0;
	[tilespmem:s18+$0x42C8] =	vst v63;
	(pc) =	sbr.rel @p0 .LBB2_2-.Ltmp1, $4  }
0x36: {  	[hbm4b:s31+s15] =	stream.linear.scatter [tilespmem:s13], [sflag:$0x2], $0x3E80, $0x38;
	[tilespmem:$0x80E8] =	vst v63  }
0x37: {  	_ =	swait.ge [sflag:s10], $0x3E80  }
0x38: {  	[sflag:s10] =	ssyncset.done $0x0  }
0x39: {  	[sflag:s10] =	ssyncadd.s32 $0xFFFFC180  }
0x3a: {  	s16 =	simm.s32 $0x0  }
.LBB2_6:
0x3b: {  	s17 =	smul.u32 $0x3E8, s16;
	_ =	sdelay $0x1  }
0x3c: {  	s17 =	sadd.s32 s8, s17  }
0x3d: {  	s18 =	sshrl.u32 s17, $0x3  }
0x3e: {  	s18 =	sadd.s32 s2, s18  }
0x3f: {  	[tilespmem:s15], [sflag:$0x2] =	stream.linear.gather [hbm4b:s18+s15], $0x3E8, $0x38;
	[tilespmem:$0x80E8] =	vst v63  }
0x40: {  	_ =	swait.ge [sflag:s10], $0x3E8  }
0x41: {  	[sflag:s10] =	ssyncset.done $0x0  }
0x42: {  	[sflag:s10] =	ssyncadd.s32 $0xFFFFFC18  }
0x43: {  	[tilespmem:s11], [sflag:$0x1] =	stream.indirect.gather [hbm4b:s5+s11], $0x10, s15, s11, $0xb8;
	[tilespmem:$0x80E8] =	vst v63  }
0x44: {  	_ =	swait.ge [sflag:s12], $0x3E80  }
0x45: {  	[sflag:s12] =	ssyncset.done $0x0  }
0x46: {  	s18 =	simm.s32 $0x0;
	[sflag:s12] =	ssyncadd.s32 $0xFFFFC180  }
0x47: {  	v3 =	vld [tilespmem:s18+$0x458]  }
0x48: {  	v4 =	vld [tilespmem:s18+$0x3E8]  }
0x49: {  	v5 =	vld [tilespmem:s18+$0x3F8]  }
0x4a: {  	v2 =	vld [tilespmem:s18+$0x408]  }
0x4b: {  	v0 =	vld [tilespmem:s18+$0x418]  }
0x4c: {  	v1 =	vld [tilespmem:s18+$0x428];
	[tilespmem:s18+$0x42D8] =	vst v3  }
0x4d: {  	[tilespmem:s18+$0x4268] =	vst v4;
	v3 =	vld [tilespmem:s18+$0x438]  }
0x4e: {  	s19 =	simm.s32 $0x80;
	s20 =	simm.s32 $0x400;
	[tilespmem:s18+$0x4278] =	vst v5;
	v4 =	vld [tilespmem:s18+$0x448]  }
.LBB2_7:
0x4f: {  	p0 =	sne.s32 s20, $0xF800;
	v5 =	vld [tilespmem:s19+$0x458];
	[tilespmem:s18+$0x4288] =	vst v2  }
0x50: {  	v6 =	vld [tilespmem:s19+$0x3E8];
	[tilespmem:s18+$0x4298] =	vst v0  }
0x51: {  	v7 =	vld [tilespmem:s19+$0x3F8];
	[tilespmem:s18+$0x42A8] =	vst v1  }
.Ltmp2:
0x52: {  	v2 =	vld [tilespmem:s19+$0x408];
	[tilespmem:s18+$0x42B8] =	vst v3;
	(pc) =	sbr.rel @p0 .LBB2_7-.Ltmp2, $4  }
0x53: {  	v0 =	vld [tilespmem:s19+$0x418];
	[tilespmem:s18+$0x42C8] =	vst v4;
	s18 =	smov.u32 s19  }
0x54: {  	v1 =	vld [tilespmem:s18+$0x428];
	[tilespmem:s18+$0x42D8] =	vst v5  }
0x55: {  	[tilespmem:s18+$0x4268] =	vst v6;
	v3 =	vld [tilespmem:s18+$0x438]  }
0x56: {  	s19 =	sshra.s32 s20, $0x2;
	s20 =	sadd.s32 $0x200, s20;
	[tilespmem:s18+$0x4278] =	vst v7;
	v4 =	vld [tilespmem:s18+$0x448]  }
0x57: {  	v5 =	vld [tilespmem:s19+$0x458];
	[tilespmem:s18+$0x4288] =	vst v2  }
0x58: {  	v2 =	vld [tilespmem:s19+$0x3E8];
	[tilespmem:s18+$0x4298] =	vst v0  }
0x59: {  	v0 =	vld [tilespmem:s19+$0x3F8];
	[tilespmem:s18+$0x42A8] =	vst v1  }
0x5a: {  	v1 =	vld [tilespmem:s19+$0x408];
	[tilespmem:s18+$0x42B8] =	vst v3  }
0x5b: {  	v3 =	vld [tilespmem:s19+$0x418];
	[tilespmem:s18+$0x42C8] =	vst v4  }
0x5c: {  	v4 =	vld [tilespmem:s19+$0x428];
	[tilespmem:s19+$0x42D8] =	vst v5  }
0x5d: {  	v62 =	vld [tilespmem:s19+$0x438];
	[tilespmem:s19+$0x4268] =	vst v2  }
0x5e: {  	v63 =	vld [tilespmem:s19+$0x448];
	[tilespmem:s19+$0x4278] =	vst v0  }
0x5f: {  	[tilespmem:s19+$0x4288] =	vst v1  }
0x60: {  	[tilespmem:s19+$0x4298] =	vst v3  }
0x61: {  	s16 =	sadd.s32 $0x1, s16;
	[tilespmem:s19+$0x42A8] =	vst v4  }
0x62: {  	s17 =	sshll.u32 s17, $0x1;
	p0 =	sne.s32 s16, $0x19;
	[tilespmem:s19+$0x42B8] =	vst v62  }
.Ltmp3:
0x63: {  	s17 =	sadd.s32 s7, s17;
	[tilespmem:s19+$0x42C8] =	vst v63;
	(pc) =	sbr.rel @p0 .LBB2_6-.Ltmp3, $4  }
0x64: {  	[hbm4b:s17+s4] =	stream.linear.scatter [tilespmem:s13], [sflag:$0x2], $0x3E80, $0x38;
	[tilespmem:$0x80E8] =	vst v63  }
0x65: {  	_ =	swait.ge [sflag:s10], $0x3E80  }
0x66: {  	[sflag:s10] =	ssyncset.done $0x0  }
0x67: {  	[sflag:s10] =	ssyncadd.s32 $0xFFFFC180  }
0x68: {  	s14 =	sadd.s32 $0x1, s14  }
0x69: {  	p0 =	sne.s32 s14, s9  }
.Ltmp4:
0x6a: {  	_ = 	snop;
	(pc) =	sbr.rel @p0 .LBB2_1-.Ltmp4, $1  }
0x6b: {  	_ =	sdelay $0x3  }
0x6c: {  	_ =	sfence.sel $0x180000  }
0x6d: {  	[bflag:$0x0] =	sbarrier.arrive $0xFFFF  }
0x6e: {  	p0 =	sne.s32 s3, $0x0;
	_ =	strace $0x90000047  }
0x6f: {  	s0 =	sadd.s32 @!p0 $0x100000, s0;
	[bflag:$0x2] =	sbarrier.arrive $0xFFFF  }
0x70: {  	[sflag:s0] =	ssyncadd.tile.s32 @!p0 $0x1;
	_ =	shalt  }
.Lfunc_end2:
_tile_overlayer_lowered:
.L_overlay_start_2:
0x71: {  	(tag) =	ssettag $0x2  }
0x72: {  	s0 =	rddreg [dreg:$0x0];
	s2 =	stileid.u32  }
0x73: {  	s1 =	rddreg [dreg:$0x1];
	p0 =	sne.s32 s2, $0x0  }
0x74: {  	s3 =	rddreg [dreg:$0x2];
	[bflag:$0x3] =	sbarrier.arrive $0xFFFF;
	s2 =	simm.s32 @!p0 $0x1C02  }
0x75: {  	[timem:s3], [sflag:s2] =	dma.local @!p0 [hbm:s0], s1  }
0x76: {  	s0 =	simm.s32 @!p0 $0x2  }
0x77: {  	_ =	swait.ge @!p0 [sflag:s0], s1  }
0x78: {  	s1 =	ssub.s32 @!p0 $0x0, s1;
	[sflag:s0] =	ssyncset.done @!p0 $0x0  }
0x79: {  	[sflag:s0] =	ssyncadd.s32 @!p0 s1  }
0x7a: {  	[bflag:$0x3] =	sbarrier.arrive $0xFFFF  }
0x7b: {  	_ =	shalt  }

// kernel: kernel.9.cloned.1.call-start
scs
__scs_entry_jumppad:
0x0: {  	(pc) =	sbr.rel $0x88, $3  }
0x1: {  	(tag) =	ssettag $0x0;
	lr =	simm.s32 $0x1  }
0x2: {  	[smem:$0x3F97] =	sst lr;
	_ =	strace $0xD0000000  }
0x3: {  	_ = 	snop  }
0x4: {  	_ = 	snop  }
0x5: {  	_ = 	snop  }
0x6: {  	_ = 	snop  }
0x7: {  	_ = 	snop  }
__scs_overlays_trampoline_lowered:
0x8: {  	[smem:$0x3FA6] =	sst s0  }
0x9: {  	[smem:$0x3FA7] =	sst s1  }
0xa: {  	[smem:$0x3FA8] =	sst s2  }
0xb: {  	[smem:$0x3FA9] =	sst s3  }
0xc: {  	[smem:$0x3FAA] =	sst s4  }
0xd: {  	[smem:$0x3FAB] =	sst s5  }
0xe: {  	[smem:$0x3FAC] =	sst s6  }
0xf: {  	[smem:$0x3FAD] =	sst s7  }
0x10: {  	[smem:$0x3FAE] =	sst s8  }
0x11: {  	[smem:$0x3FAF] =	sst s9;
	s0 =	simm.s32 @!p0 $0x0  }
0x12: {  	s1 =	sld [smem:$0x3F95];
	s0 =	simm.s32 @p0 $0x1  }
0x13: {  	[smem:$0x3FB0] =	sst s0;
	s0 =	simm.s32 @!p1 $0x0  }
0x14: {  	s2 =	sld [smem:$0x3F94];
	s0 =	simm.s32 @p1 $0x1  }
0x15: {  	[smem:$0x3FB1] =	sst s0;
	s0 =	simm.s32 @!p2 $0x0  }
0x16: {  	s3 =	sld [smem:$0x3FDB];
	s0 =	simm.s32 @p2 $0x1  }
0x17: {  	s4 =	simm.s32 $0x1BF5;
	[smem:$0x3FB3] =	sst s0  }
0x18: {  	s0 =	sld [smem:$0x3F96];
	_ =	swait.ge [sflag:s4], $0x0  }
0x19: {  	s7 =	sld [smem:$0x3F97]  }
0x1a: {  	s8 =	sadd.s32 $0xFFFFE003, lr  }
0x1b: {  	s9 =	sadd.s32 $0xFFFFFEF7, lr;
	s5 =	simm.s32 $0xFFFFFFFF;
	p2 =	slt.u32 s8, $0xFFFFF086  }
0x1c: {  	p1 =	slt.u32 s9, $0xF7A;
	s5 =	simm.s32 @!p2 $0x0  }
0x1d: {  	s5 =	simm.s32 @p1 $0x1;
	p0 =	seq.s32 s7, s2  }
0x1e: {  	s7 =	smul.u32 @!p0 $0xF7A, s2;
	p2 =	seq.s32 @!p0 s5, $0x0  }
0x1f: {  	s9 =	smul.u32 $0xF7A, s1;
	s8 =	simm.s32 @!p0 $0x1BF5;
	p2 =	por !p2, p0  }
0x20: {  	[sflag:s8] =	ssyncset.s32 @!p0 $0xFFFFF086;
	s6 =	sadd.s32 @!p0 s3, s7;
	s7 =	simm.s32 @!p0 $0x108  }
0x21: {  	s3 =	sadd.s32 s3, s9;
	s6 =	sadd.s32 @!p0 $0x88, s6;
	s7 =	simm.s32 @p2 $0x1082  }
0x22: {  	[simem:s7], [sflag:s8] =	dma.local @!p0 [hbm:s6], $0xF7A  }
0x23: {  	s9 =	sor.u32 $0xD0000000, s2;
	s6 =	simm.s32 $0x108;
	_ =	swait.ge @!p0 [sflag:s8], $0x0  }
0x24: {  	s3 =	sadd.s32 $0x88, s3;
	s6 =	simm.s32 @!p1 $0x1082;
	[sflag:s4] =	ssyncset.s32 $0xFFFFF086  }
0x25: {  	[simem:s6], [sflag:s4] =	dma.local [hbm:s3], $0xF7A  }
0x26: {  	[smem:$0x3F97] =	sst s1;
	(tag) =	ssettag s2;
	_ =	strace s9  }
0x27: {  	s1 =	sld [smem:$0x3FA7]  }
0x28: {  	s2 =	sld [smem:$0x3FA8]  }
0x29: {  	s4 =	sld [smem:$0x3FAA]  }
0x2a: {  	p0 =	seq.s32 s5, $0x0;
	s5 =	sld [smem:$0x3FAB]  }
0x2b: {  	s6 =	sld [smem:$0x3FAC]  }
0x2c: {  	s7 =	sld [smem:$0x3FAD]  }
0x2d: {  	s3 =	simm.s32 $0x108;
	s8 =	sld [smem:$0x3FAE]  }
0x2e: {  	s3 =	simm.s32 @!p0 $0x1082;
	s9 =	sld [smem:$0x3FAF]  }
0x2f: {  	lr =	sadd.s32 s0, s3;
	s0 =	sld [smem:$0x3FA6]  }
0x30: {  	s3 =	sld [smem:$0x3FA9]  }
0x31: {  	[smem:$0x3FB2] =	sst s10  }
0x32: {  	s10 =	sld [smem:$0x3FB0];
	_ =	sdelay $0x3  }
0x33: {  	p0 =	seq.s32 s10, $0x1;
	s10 =	sld [smem:$0x3FB2];
	_ =	sdelay $0x3  }
0x34: {  	[smem:$0x3FB2] =	sst s10  }
0x35: {  	s10 =	sld [smem:$0x3FB1];
	_ =	sdelay $0x3  }
0x36: {  	p1 =	seq.s32 s10, $0x1;
	s10 =	sld [smem:$0x3FB2];
	_ =	sdelay $0x3  }
0x37: {  	[smem:$0x3FB2] =	sst s10  }
0x38: {  	s10 =	sld [smem:$0x3FB3]  }
0x39: {  	_ = 	snop;
	(pc) =	sbr.ind lr, $3  }
0x3a: {  	_ = 	snop  }
0x3b: {  	_ = 	snop  }
0x3c: {  	p2 =	seq.s32 s10, $0x1;
	s10 =	sld [smem:$0x3FB2]  }
0x3d: {  	_ =	shalt  }
0x3e: {  	_ =	shalt  }
0x3f: {  	_ =	shalt  }
0x40: {  	_ =	shalt  }
0x41: {  	_ =	shalt  }
0x42: {  	_ =	shalt  }
0x43: {  	_ =	shalt  }
0x44: {  	_ =	shalt  }
0x45: {  	_ =	shalt  }
0x46: {  	_ =	shalt  }
0x47: {  	_ =	shalt  }
0x48: {  	_ =	shalt  }
0x49: {  	_ =	shalt  }
0x4a: {  	_ =	shalt  }
0x4b: {  	_ =	shalt  }
0x4c: {  	_ =	shalt  }
0x4d: {  	_ =	shalt  }
0x4e: {  	_ =	shalt  }
0x4f: {  	_ =	shalt  }
0x50: {  	_ =	shalt  }
0x51: {  	_ =	shalt  }
0x52: {  	_ =	shalt  }
0x53: {  	_ =	shalt  }
0x54: {  	_ =	shalt  }
0x55: {  	_ =	shalt  }
0x56: {  	_ =	shalt  }
0x57: {  	_ =	shalt  }
0x58: {  	_ =	shalt  }
0x59: {  	_ =	shalt  }
0x5a: {  	_ =	shalt  }
0x5b: {  	_ =	shalt  }
0x5c: {  	_ =	shalt  }
0x5d: {  	_ =	shalt  }
0x5e: {  	_ =	shalt  }
0x5f: {  	_ =	shalt  }
0x60: {  	_ =	shalt  }
0x61: {  	_ =	shalt  }
0x62: {  	_ =	shalt  }
0x63: {  	_ =	shalt  }
0x64: {  	_ =	shalt  }
0x65: {  	_ =	shalt  }
0x66: {  	_ =	shalt  }
0x67: {  	_ =	shalt  }
0x68: {  	_ =	shalt  }
0x69: {  	_ =	shalt  }
0x6a: {  	_ =	shalt  }
0x6b: {  	_ =	shalt  }
0x6c: {  	_ =	shalt  }
0x6d: {  	_ =	shalt  }
0x6e: {  	_ =	shalt  }
0x6f: {  	_ =	shalt  }
0x70: {  	_ =	shalt  }
0x71: {  	_ =	shalt  }
0x72: {  	_ =	shalt  }
0x73: {  	_ =	shalt  }
0x74: {  	_ =	shalt  }
0x75: {  	_ =	shalt  }
0x76: {  	_ =	shalt  }
0x77: {  	_ =	shalt  }
0x78: {  	_ =	shalt  }
0x79: {  	_ =	shalt  }
0x7a: {  	_ =	shalt  }
0x7b: {  	_ =	shalt  }
0x7c: {  	_ =	shalt  }
0x7d: {  	_ =	shalt  }
0x7e: {  	_ =	shalt  }
0x7f: {  	_ =	shalt  }
0x80: {  	_ =	shalt  }
0x81: {  	_ =	shalt  }
0x82: {  	_ =	shalt  }
0x83: {  	_ =	shalt  }
0x84: {  	_ =	shalt  }
0x85: {  	_ =	shalt  }
0x86: {  	_ =	shalt  }
0x87: {  	_ =	shalt  }
.Lfunc_end0:
.L_simem_size_0:
called_computation.1_lowered:
.L_overlay_start_0:
0x88: {  	s2 =	sld [smem:$0x3FD9]  }
0x89: {  	s3 =	sld [smem:$0x3FFE];
	_ =	sdelay $0x1  }
0x8a: {  	s1 =	srdreg.scid  }
0x8b: {  	s0 =	sand.u32 $0x1, s1  }
0x8c: {  	s17 =	sshll.u32 s0, $0xA;
	s2 =	sadd.s32 s3, s2  }
0x8d: {  	s2 =	sadd.s32 s2, s17  }
0x8e: {  	[smem:$0x3FBE] =	sst s2  }
0x8f: {  	_ = 	snop  }
0x90: {  	s2 =	sld [smem:$0x3FC7];
	(tm) =	ssettm $0x1  }
0x91: {  	s18 =	sld [smem:$0x3FFB];
	_ =	sdelay $0x3  }
0x92: {  	_ =	strace s18  }
0x93: {  	s3 =	sld [smem:$0x3FFC];
	_ =	sdelay $0x3  }
0x94: {  	_ =	strace s3  }
0x95: {  	s3 =	sld [smem:$0x3FFD];
	_ =	sdelay $0x3  }
0x96: {  	_ =	strace s3  }
0x97: {  	_ =	strace $0x8FFFFFFF  }
0x98: {  	s19 =	sld [smem:$0x3FDB];
	_ =	sdelay $0x1  }
0x99: {  	s4 =	simm.s32 $_scs_section_size  }
0x9a: {  	s5 =	simm.s32 $_size__tile_overlayer_lowered;
	s6 =	simm.s32 $_tile_overlayer_lowered  }
0x9b: {  	s22 =	simm.s32 $0x1BFF;
	s21 =	sshll.u32 s6, $0x1;
	s3 =	sadd.s32 s4, s19  }
0x9c: {  	s7 =	simm.s32 $0x0;
	s20 =	sshll.u32 s5, $0x1;
	s5 =	sadd.s32 s21, s3  }
0x9d: {  	[timem:s7], [sflag:s22] =	dma.local [hbm:s5], s20  }
0x9e: {  	_ =	swait.ge [sflag:s22], s20  }
0x9f: {  	s4 =	ssub.s32 $0x0, s20;
	[sflag:s22] =	ssyncset.done $0x0  }
0xa0: {  	[sflag:s22] =	ssyncadd.s32 s4;
	_ =	sdelay $0x1  }
0xa1: {  	s23 =	simm.s32 $0x1B8B  }
0xa2: {  	_ =	swait.ge [sflag:s23], $0x1  }
0xa3: {  	[sflag:s23] =	ssyncset.done $0x0  }
0xa4: {  	s25 =	simm.s32 $0x1B8E;
	s24 =	sld [smem:$0x3FFE];
	[sflag:s23] =	ssyncadd.s32 $0xFFFFFFFF  }
0xa5: {  	s26 =	simm.s32 $execute0_lowered;
	[smem:$0x3FD2] =	sst s25  }
0xa6: {  	s5 =	sshll.u32 s26, $0x1;
	_ =	strace $0x80000049;
	[dreg:$0x1] =	wrdreg $0xFFFFFFFF  }
0xa7: {  	s28 =	simm.s32 $_size_execute0_lowered;
	s3 =	sadd.s32 s3, s5;
	[dreg:$0x0] =	wrdreg $0x0  }
0xa8: {  	s5 =	sshll.u32 s28, $0x1;
	[dreg:$0x2] =	wrdreg s3  }
0xa9: {  	[dreg:$0x3] =	wrdreg s5  }
0xaa: {  	[dreg:$0x4] =	wrdreg $0xC0  }
0xab: {  	_ =	task [dreg:s7], $0x5FFFF  }
0xac: {  	[dreg:$0x1] =	wrdreg $0xFFFFFFFF  }
0xad: {  	[dreg:$0x0] =	wrdreg $0x60  }
0xae: {  	[dreg:$0x2] =	wrdreg s2  }
0xaf: {  	[dreg:$0x3] =	wrdreg s24  }
0xb0: {  	[dreg:$0x4] =	wrdreg $0x101D00  }
0xb1: {  	[dreg:$0x5] =	wrdreg $0x9  }
0xb2: {  	_ =	task.clear_ibuf [dreg:s7], $0x6FFFF;
	_ =	strace $0x90000049  }
0xb3: {  	s29 =	simm.s32 $0x9;
	_ =	strace $0x8000004B  }
0xb4: {  	_ =	swait.ge [sflag:s29], $0x1  }
0xb5: {  	[sflag:s29] =	ssyncadd.s32 $0xFFFFFFFF  }
0xb6: {  	_ =	strace $0x9000004B  }
0xb7: {  	_ =	sfence  }
0xb8: {  	s30 =	sld [smem:$0x0];
	_ =	sdelay $0x2  }
0xb9: {  	s31 =	sshll.u32 s1, $0xD;
	s1 =	sshrl.u32 s1, $0x2  }
0xba: {  	s3 =	sand.u32 $0x4000, s31;
	s1 =	sadd.s32 s1, s30  }
0xbb: {  	s0 =	sor.u32 s3, s0;
	s1 =	sshll.u32 s1, $0x11  }
0xbc: {  	s0 =	sor.u32 s1, s0  }
0xbd: {  	s0 =	sadd.s32 $0x8F2B, s0  }
0xbe: {  	[sflag:s0] =	ssyncadd.remote.s32 $0x1  }
0xbf: {  	_ =	sfence.sel $0xFFFF  }
0xc0: {  	[dreg:$0x0] =	wrdreg $0xFFFFFFFF;
	(pc) =	sbr.abs _section_cstart, $3  }
0xc1: {  	[dreg:$0x1] =	wrdreg $0xFFFFFFFF  }
0xc2: {  	_ =	task.clear_ibuf [dreg:s7], $0x2FFFF;
	_ =	strace $0x9FFFFFFF  }
0xc3: {  	(tm) =	ssettm $0x7FFFFFFF  }
tec
execute0_lowered:
.L_overlay_start_1:
0x0: {  	(tag) =	ssettag $0x1  }
0x1: {  	s1 =	rddreg [dreg:$0x0]  }
0x2: {  	s0 =	rddreg [dreg:$0x1]  }
0x3: {  	s2 =	rddreg [dreg:$0x2];
	s3 =	simm.s32 $0x0  }
0x4: {  	s9 =	srdreg.scid;
	s29 =	simm.s32 $0x7D0;
	[smem:$0x7FF] =	sst s3  }
0x5: {  	s19 =	stileid.u32;
	s6 =	sadd.s32 $0x328600, s0;
	s4 =	sadd.s32 $0x635A00, s0  }
0x6: {  	s13 =	sadd.s32 $0x4AF000, s0;
	s5 =	sadd.s32 $0x7BC400, s0;
	s7 =	sadd.s32 $0x2600, s0  }
0x7: {  	s28 =	simm.s32 $0x3;
	s14 =	sadd.s32 $0x942E00, s0;
	s17 =	sadd.s32 $0x95B600, s0  }
0x8: {  	s30 =	simm.s32 $0x5;
	s8 =	sadd.s32 $0x98C600, s0;
	s18 =	sadd.s32 $0x9A4E00, s0  }
0x9: {  	s15 =	sand.u32 $0x1, s9;
	s20 =	sadd.s32 $0xB2B800, s0;
	s9 =	smul.u32 $0xC350, s19  }
0xa: {  	s31 =	simm.s32 $0x2;
	s10 =	sadd.s32 $0xCB2200, s0;
	s11 =	sadd.s32 $0xE38C00, s0  }
0xb: {  	p1 =	sne.s32 s19, $0x0;
	_ =	strace $0x8000004A;
	[dreg:$0x4] =	wrdreg s7  }
0xc: {  	s7 =	sadd.s32 $0x973E00, s0;
	s12 =	ssub.s32 $0x2, s15;
	p0 =	seq.s32 s15, $0x0  }
0xd: {  	s21 =	sshrl.u32 s12, $0x1;
	s16 =	sshrl.u32 s9, $0x3;
	s4 =	smov.u32 @p0 s6  }
0xe: {  	s5 =	smov.u32 @p0 s13;
	s7 =	smov.u32 @p0 s14;
	s8 =	smov.u32 @p0 s17  }
0xf: {  	s10 =	smov.u32 @p0 s18;
	s11 =	smov.u32 @p0 s20;
	s17 =	simm.s32 $0x4650  }
0x10: {  	s18 =	simm.s32 $0x6;
	s13 =	simm.s32 $0x0;
	s0 =	ssub.s32 s12, s21  }
0x11: {  	s12 =	sadd.s32 $0x3E8, s9;
	s16 =	sadd.s32 s1, s16;
	s21 =	smul.u32 $0x186A0, s19  }
0x12: {  	[dreg:$0x5] =	wrdreg s16;
	s22 =	sshrl.u32 s12, $0x3;
	s0 =	smax.u32 s0, $0x1  }
0x13: {  	s16 =	sadd.s32 $0xBB8, s9;
	s15 =	sadd.s32 s1, s22;
	[dreg:$0x7] =	wrdreg s0  }
0x14: {  	s22 =	sshll.u32 s12, $0x1;
	s23 =	sadd.s32 s4, s21;
	[dreg:$0x6] =	wrdreg s15  }
0x15: {  	s25 =	sadd.s32 s5, s21;
	s0 =	sshrl.u32 @!p1 s2, $0x3;
	[dreg:$0x8] =	wrdreg s23  }
0x16: {  	s15 =	sadd.s32 $0x7D0, s9;
	s24 =	sadd.s32 s4, s22;
	[dreg:$0xa] =	wrdreg s25  }
0x17: {  	s26 =	sadd.s32 s5, s22;
	[dreg:$0xc] =	wrdreg s0;
	s23 =	simm.s32 $0x84D0  }
0x18: {  	s25 =	simm.s32 $0xC350;
	s0 =	simm.s32 $0x4;
	[dreg:$0x9] =	wrdreg s24  }
0x19: {  	[dreg:$0xb] =	wrdreg s26;
	s24 =	simm.s32 $0x3E8;
	s26 =	simm.s32 $0x1  }
.LBB2_1:
0x1a: {  	[dreg:$0xd] =	wrdreg s13  }
0x1b: {  	s13 =	rddreg [dreg:$0x4]  }
0x1c: {  	s6 =	simm.s32 @!p1 $0x1C05;
	s14 =	rddreg [dreg:$0xc]  }
0x1d: {  	[spmem:s14], [sflag:s6] =	dma.local @!p1 [hbm:s13], $0x186A0  }
0x1e: {  	s6 =	simm.s32 @!p1 $0x5  }
0x1f: {  	_ =	swait.ge @!p1 [sflag:s6], $0x186A0  }
0x20: {  	[sflag:s6] =	ssyncset.done @!p1 $0x0  }
0x21: {  	[sflag:s6] =	ssyncadd.s32 @!p1 $0xFFFE7960  }
0x22: {  	[bflag:$0x0] =	sbarrier.arrive $0xFFFF  }
0x23: {  	s21 =	rddreg [dreg:$0x5]  }
0x24: {  	[tilespmem:s3], [sflag:$0x1] =	stream.linear.gather [hbm4b:s21+s3], $0x3E8, $0x38;
	[tilespmem:$0x1C520] =	vst v63  }
0x25: {  	s19 =	rddreg [dreg:$0x8]  }
0x26: {  	[tilespmem:s23], [sflag:$0x3] =	stream.linear.gather [hbm4b:s19+s3], $0x3E80, $0x38;
	[tilespmem:$0x1C520] =	vst v63  }
0x27: {  	s22 =	rddreg [dreg:$0x6]  }
0x28: {  	[tilespmem:s24], [sflag:$0x2] =	stream.linear.gather [hbm4b:s22+s3], $0x3E8, $0x38;
	[tilespmem:$0x1C520] =	vst v63  }
0x29: {  	s6 =	simm.s32 $0x0;
	s20 =	rddreg [dreg:$0x9]  }
0x2a: {  	[tilespmem:s25], [sflag:$0x4] =	stream.linear.gather [hbm4b:s20+s3], $0x3E80, $0x38;
	[tilespmem:$0x1C520] =	vst v63  }
.LBB2_2:
0x2b: {  	_ =	swait.ge [sflag:s26], $0x3E8  }
0x2c: {  	[sflag:s26] =	ssyncset.done $0x0  }
0x2d: {  	[sflag:s26] =	ssyncadd.s32 $0xFFFFFC18  }
0x2e: {  	_ =	swait.ge [sflag:s28], $0x3E80  }
0x2f: {  	[sflag:s28] =	ssyncset.done $0x0  }
0x30: {  	s13 =	simm.s32 $0x0;
	[sflag:s28] =	ssyncadd.s32 $0xFFFFC180  }
0x31: {  	v3 =	vld [tilespmem:s13+$0x8540]  }
0x32: {  	v4 =	vld [tilespmem:s13+$0x84D0]  }
0x33: {  	v5 =	vld [tilespmem:s13+$0x84E0]  }
0x34: {  	v2 =	vld [tilespmem:s13+$0x84F0]  }
0x35: {  	v0 =	vld [tilespmem:s13+$0x8500]  }
0x36: {  	v1 =	vld [tilespmem:s13+$0x8510];
	[tilespmem:s13+$0x840] =	vst v3  }
0x37: {  	[tilespmem:s13+$0x7D0] =	vst v4;
	v3 =	vld [tilespmem:s13+$0x8520]  }
0x38: {  	s14 =	simm.s32 $0x80;
	s20 =	simm.s32 $0x400;
	[tilespmem:s13+$0x7E0] =	vst v5;
	v4 =	vld [tilespmem:s13+$0x8530]  }
.LBB2_3:
0x39: {  	p2 =	sne.s32 s20, $0xF800;
	v5 =	vld [tilespmem:s14+$0x8540];
	[tilespmem:s13+$0x7F0] =	vst v2  }
0x3a: {  	v6 =	vld [tilespmem:s14+$0x84D0];
	[tilespmem:s13+$0x800] =	vst v0  }
0x3b: {  	v7 =	vld [tilespmem:s14+$0x84E0];
	[tilespmem:s13+$0x810] =	vst v1  }
.Ltmp0:
0x3c: {  	v2 =	vld [tilespmem:s14+$0x84F0];
	[tilespmem:s13+$0x820] =	vst v3;
	(pc) =	sbr.rel @p2 .LBB2_3-.Ltmp0, $4  }
0x3d: {  	v0 =	vld [tilespmem:s14+$0x8500];
	[tilespmem:s13+$0x830] =	vst v4;
	s13 =	smov.u32 s14  }
0x3e: {  	v1 =	vld [tilespmem:s13+$0x8510];
	[tilespmem:s13+$0x840] =	vst v5  }
0x3f: {  	[tilespmem:s13+$0x7D0] =	vst v6;
	v3 =	vld [tilespmem:s13+$0x8520]  }
0x40: {  	s14 =	sshra.s32 s20, $0x2;
	s20 =	sadd.s32 $0x200, s20;
	[tilespmem:s13+$0x7E0] =	vst v7;
	v4 =	vld [tilespmem:s13+$0x8530]  }
0x41: {  	v5 =	vld [tilespmem:s14+$0x8540];
	[tilespmem:s13+$0x7F0] =	vst v2  }
0x42: {  	v2 =	vld [tilespmem:s14+$0x84D0];
	[tilespmem:s13+$0x800] =	vst v0  }
0x43: {  	v0 =	vld [tilespmem:s14+$0x84E0];
	[tilespmem:s13+$0x810] =	vst v1  }
0x44: {  	v1 =	vld [tilespmem:s14+$0x84F0];
	[tilespmem:s13+$0x820] =	vst v3  }
0x45: {  	v3 =	vld [tilespmem:s14+$0x8500];
	[tilespmem:s13+$0x830] =	vst v4  }
0x46: {  	v4 =	vld [tilespmem:s14+$0x8510];
	[tilespmem:s14+$0x840] =	vst v5  }
0x47: {  	[tilespmem:s14+$0x7D0] =	vst v2;
	v2 =	vld [tilespmem:s14+$0x8520]  }
0x48: {  	[tilespmem:s14+$0x7E0] =	vst v0;
	v0 =	vld [tilespmem:s14+$0x8530]  }
0x49: {  	[tilespmem:s14+$0x7F0] =	vst v1  }
0x4a: {  	[tilespmem:s14+$0x800] =	vst v3  }
0x4b: {  	[tilespmem:s14+$0x810] =	vst v4  }
0x4c: {  	p2 =	seq.s32 s6, $0x18;
	[tilespmem:s14+$0x820] =	vst v2  }
0x4d: {  	s13 =	smul.u32 @!p2 $0x7D0, s6;
	[tilespmem:s14+$0x830] =	vst v0  }
0x4e: {  	[spmem:s2] =	stream.indirect.scatter.add.f32 [tilespmem:s29], [sflag:$0x5], $0x10, s3, s24, $0xb8;
	[tilespmem:$0x1C520] =	vst v63  }
0x4f: {  	s13 =	sadd.s32 @!p2 s13, s15;
	_ =	swait.ge [sflag:s30], $0x3E80  }
0x50: {  	s19 =	simm.s32 @!p2 $0x0;
	s14 =	sshrl.u32 @!p2 s13, $0x3;
	[sflag:s30] =	ssyncset.done $0x0  }
0x51: {  	s13 =	sshll.u32 @!p2 s13, $0x1;
	s14 =	sadd.s32 @!p2 s1, s14;
	[sflag:s30] =	ssyncadd.s32 $0xFFFFC180  }
0x52: {  	[tilespmem:s19], [sflag:$0x1] =	stream.linear.gather @!p2 [hbm4b:s14+s19], $0x3E8, $0x38;
	[tilespmem:$0x1C520] =	vst v63  }
0x53: {  	s13 =	sadd.s32 @!p2 s4, s13;
	s14 =	simm.s32 @!p2 $0x84D0  }
0x54: {  	[tilespmem:s14], [sflag:$0x3] =	stream.linear.gather @!p2 [hbm4b:s13+s19], $0x3E80, $0x38;
	[tilespmem:$0x1C520] =	vst v63  }
0x55: {  	_ =	swait.ge [sflag:s31], $0x3E8  }
0x56: {  	[sflag:s31] =	ssyncset.done $0x0  }
0x57: {  	[sflag:s31] =	ssyncadd.s32 $0xFFFFFC18  }
0x58: {  	_ =	swait.ge [sflag:s0], $0x3E80  }
0x59: {  	[sflag:s0] =	ssyncset.done $0x0  }
0x5a: {  	s13 =	simm.s32 $0x0;
	[sflag:s0] =	ssyncadd.s32 $0xFFFFC180  }
0x5b: {  	v3 =	vld [tilespmem:s13+$0xC3C0]  }
0x5c: {  	v4 =	vld [tilespmem:s13+$0xC350]  }
0x5d: {  	v5 =	vld [tilespmem:s13+$0xC360]  }
0x5e: {  	v2 =	vld [tilespmem:s13+$0xC370]  }
0x5f: {  	v0 =	vld [tilespmem:s13+$0xC380]  }
0x60: {  	v1 =	vld [tilespmem:s13+$0xC390];
	[tilespmem:s13+$0x46C0] =	vst v3  }
0x61: {  	[tilespmem:s13+$0x4650] =	vst v4;
	v3 =	vld [tilespmem:s13+$0xC3A0]  }
0x62: {  	s20 =	simm.s32 $0x400;
	s14 =	simm.s32 $0x80;
	[tilespmem:s13+$0x4660] =	vst v5;
	v4 =	vld [tilespmem:s13+$0xC3B0]  }
.LBB2_5:
0x63: {  	p3 =	sne.s32 s20, $0xF800;
	v5 =	vld [tilespmem:s14+$0xC3C0];
	[tilespmem:s13+$0x4670] =	vst v2  }
0x64: {  	v6 =	vld [tilespmem:s14+$0xC350];
	[tilespmem:s13+$0x4680] =	vst v0  }
0x65: {  	v7 =	vld [tilespmem:s14+$0xC360];
	[tilespmem:s13+$0x4690] =	vst v1  }
.Ltmp1:
0x66: {  	v2 =	vld [tilespmem:s14+$0xC370];
	[tilespmem:s13+$0x46A0] =	vst v3;
	(pc) =	sbr.rel @p3 .LBB2_5-.Ltmp1, $4  }
0x67: {  	v0 =	vld [tilespmem:s14+$0xC380];
	[tilespmem:s13+$0x46B0] =	vst v4;
	s13 =	smov.u32 s14  }
0x68: {  	v1 =	vld [tilespmem:s13+$0xC390];
	[tilespmem:s13+$0x46C0] =	vst v5  }
0x69: {  	[tilespmem:s13+$0x4650] =	vst v6;
	v3 =	vld [tilespmem:s13+$0xC3A0]  }
0x6a: {  	s14 =	sshra.s32 s20, $0x2;
	s20 =	sadd.s32 $0x200, s20;
	[tilespmem:s13+$0x4660] =	vst v7;
	v4 =	vld [tilespmem:s13+$0xC3B0]  }
0x6b: {  	v5 =	vld [tilespmem:s14+$0xC3C0];
	[tilespmem:s13+$0x4670] =	vst v2  }
0x6c: {  	v2 =	vld [tilespmem:s14+$0xC350];
	[tilespmem:s13+$0x4680] =	vst v0  }
0x6d: {  	v0 =	vld [tilespmem:s14+$0xC360];
	[tilespmem:s13+$0x4690] =	vst v1  }
0x6e: {  	v1 =	vld [tilespmem:s14+$0xC370];
	[tilespmem:s13+$0x46A0] =	vst v3  }
0x6f: {  	v3 =	vld [tilespmem:s14+$0xC380];
	[tilespmem:s13+$0x46B0] =	vst v4  }
0x70: {  	v4 =	vld [tilespmem:s14+$0xC390];
	[tilespmem:s14+$0x46C0] =	vst v5  }
0x71: {  	v62 =	vld [tilespmem:s14+$0xC3A0];
	[tilespmem:s14+$0x4650] =	vst v2  }
0x72: {  	v63 =	vld [tilespmem:s14+$0xC3B0];
	[tilespmem:s14+$0x4660] =	vst v0  }
0x73: {  	[tilespmem:s14+$0x4670] =	vst v1  }
0x74: {  	[tilespmem:s14+$0x4680] =	vst v3  }
0x75: {  	[tilespmem:s14+$0x4690] =	vst v4  }
0x76: {  	[tilespmem:s14+$0x46A0] =	vst v62  }
.Ltmp2:
0x77: {  	[tilespmem:s14+$0x46B0] =	vst v63;
	(pc) =	sbr.rel @p2 .LBB2_8-.Ltmp2, $4  }
0x78: {  	[spmem:s2] =	stream.indirect.scatter.add.f32 [tilespmem:s17], [sflag:$0x5], $0x10, s24, s24, $0xb8;
	[tilespmem:$0x1C520] =	vst v63  }
0x79: {  	_ =	swait.ge [sflag:s30], $0x3E80  }
0x7a: {  	[sflag:s30] =	ssyncset.done $0x0  }
0x7b: {  	[sflag:s30] =	ssyncadd.s32 $0xFFFFC180  }
0x7c: {  	s13 =	smul.u32 $0x7D0, s6;
	_ =	sdelay $0x1  }
0x7d: {  	s13 =	sadd.s32 s13, s16  }
.Ltmp3:
0x7e: {  	s14 =	sshrl.u32 s13, $0x3;
	(pc) =	sbr.rel .LBB2_2-.Ltmp3, $4  }
0x7f: {  	s13 =	sshll.u32 s13, $0x1;
	s14 =	sadd.s32 s1, s14  }
0x80: {  	[tilespmem:s24], [sflag:$0x2] =	stream.linear.gather [hbm4b:s14+s3], $0x3E8, $0x38;
	[tilespmem:$0x1C520] =	vst v63  }
0x81: {  	s6 =	sadd.s32 $0x1, s6;
	s13 =	sadd.s32 s4, s13  }
0x82: {  	[tilespmem:s25], [sflag:$0x4] =	stream.linear.gather [hbm4b:s13+s3], $0x3E80, $0x38;
	[tilespmem:$0x1C520] =	vst v63  }
.LBB2_8:
0x83: {  	[bflag:$0x0] =	sbarrier.arrive $0xFFFF  }
0x84: {  	[bflag:$0x0] =	sbarrier.arrive @p1 $0xFFFF  }
0x85: {  	s6 =	simm.s32 @!p1 $0x1C05;
	s13 =	simm.s32 @!p1 $0x5;
	s19 =	rddreg [dreg:$0xc]  }
0x86: {  	[hbm:s7], [sflag:s6] =	dma.local @!p1 [spmem:s19], $0x186A0  }
0x87: {  	_ =	swait.ge @!p1 [sflag:s13], $0x186A0  }
0x88: {  	[sflag:s13] =	ssyncset.done @!p1 $0x0  }
0x89: {  	[sflag:s13] =	ssyncadd.s32 @!p1 $0xFFFE7960  }
0x8a: {  	[bflag:$0x0] =	sbarrier.arrive @!p1 $0xFFFF  }
0x8b: {  	s14 =	rddreg [dreg:$0x4]  }
0x8c: {  	[spmem:s19], [sflag:s6] =	dma.local @!p1 [hbm:s14], $0x186A0  }
0x8d: {  	_ =	swait.ge @!p1 [sflag:s13], $0x186A0  }
0x8e: {  	[sflag:s13] =	ssyncset.done @!p1 $0x0  }
0x8f: {  	[sflag:s13] =	ssyncadd.s32 @!p1 $0xFFFE7960  }
0x90: {  	s6 =	simm.s32 $0x0;
	[bflag:$0x0] =	sbarrier.arrive $0xFFFF  }
0x91: {  	[tilespmem:s6], [sflag:$0x1] =	stream.linear.gather [hbm4b:s21+s6], $0x3E8, $0x38;
	[tilespmem:$0x1C520] =	vst v63  }
0x92: {  	s19 =	rddreg [dreg:$0xa]  }
0x93: {  	[tilespmem:s23], [sflag:$0x3] =	stream.linear.gather [hbm4b:s19+s6], $0x3E80, $0x38;
	[tilespmem:$0x1C520] =	vst v63  }
0x94: {  	_ = 	snop  }
0x95: {  	[tilespmem:s24], [sflag:$0x2] =	stream.linear.gather [hbm4b:s22+s6], $0x3E8, $0x38;
	[tilespmem:$0x1C520] =	vst v63  }
0x96: {  	s20 =	rddreg [dreg:$0xb]  }
0x97: {  	[tilespmem:s25], [sflag:$0x4] =	stream.linear.gather [hbm4b:s20+s6], $0x3E80, $0x38;
	[tilespmem:$0x1C520] =	vst v63  }
.LBB2_9:
0x98: {  	_ =	swait.ge [sflag:s26], $0x3E8  }
0x99: {  	[sflag:s26] =	ssyncset.done $0x0  }
0x9a: {  	[sflag:s26] =	ssyncadd.s32 $0xFFFFFC18  }
0x9b: {  	_ =	swait.ge [sflag:s28], $0x3E80  }
0x9c: {  	[sflag:s28] =	ssyncset.done $0x0  }
0x9d: {  	s13 =	simm.s32 $0x0;
	[sflag:s28] =	ssyncadd.s32 $0xFFFFC180  }
0x9e: {  	v3 =	vld [tilespmem:s13+$0x8540]  }
0x9f: {  	v4 =	vld [tilespmem:s13+$0x84D0]  }
0xa0: {  	v5 =	vld [tilespmem:s13+$0x84E0]  }
0xa1: {  	v2 =	vld [tilespmem:s13+$0x84F0]  }
0xa2: {  	v0 =	vld [tilespmem:s13+$0x8500]  }
0xa3: {  	v1 =	vld [tilespmem:s13+$0x8510];
	[tilespmem:s13+$0x840] =	vst v3  }
0xa4: {  	[tilespmem:s13+$0x7D0] =	vst v4;
	v3 =	vld [tilespmem:s13+$0x8520]  }
0xa5: {  	s14 =	simm.s32 $0x80;
	s20 =	simm.s32 $0x400;
	[tilespmem:s13+$0x7E0] =	vst v5;
	v4 =	vld [tilespmem:s13+$0x8530]  }
.LBB2_10:
0xa6: {  	p2 =	sne.s32 s20, $0xF800;
	v5 =	vld [tilespmem:s14+$0x8540];
	[tilespmem:s13+$0x7F0] =	vst v2  }
0xa7: {  	v6 =	vld [tilespmem:s14+$0x84D0];
	[tilespmem:s13+$0x800] =	vst v0  }
0xa8: {  	v7 =	vld [tilespmem:s14+$0x84E0];
	[tilespmem:s13+$0x810] =	vst v1  }
.Ltmp4:
0xa9: {  	v2 =	vld [tilespmem:s14+$0x84F0];
	[tilespmem:s13+$0x820] =	vst v3;
	(pc) =	sbr.rel @p2 .LBB2_10-.Ltmp4, $4  }
0xaa: {  	v0 =	vld [tilespmem:s14+$0x8500];
	[tilespmem:s13+$0x830] =	vst v4;
	s13 =	smov.u32 s14  }
0xab: {  	v1 =	vld [tilespmem:s13+$0x8510];
	[tilespmem:s13+$0x840] =	vst v5  }
0xac: {  	[tilespmem:s13+$0x7D0] =	vst v6;
	v3 =	vld [tilespmem:s13+$0x8520]  }
0xad: {  	s14 =	sshra.s32 s20, $0x2;
	s20 =	sadd.s32 $0x200, s20;
	[tilespmem:s13+$0x7E0] =	vst v7;
	v4 =	vld [tilespmem:s13+$0x8530]  }
0xae: {  	v5 =	vld [tilespmem:s14+$0x8540];
	[tilespmem:s13+$0x7F0] =	vst v2  }
0xaf: {  	v2 =	vld [tilespmem:s14+$0x84D0];
	[tilespmem:s13+$0x800] =	vst v0  }
0xb0: {  	v0 =	vld [tilespmem:s14+$0x84E0];
	[tilespmem:s13+$0x810] =	vst v1  }
0xb1: {  	v1 =	vld [tilespmem:s14+$0x84F0];
	[tilespmem:s13+$0x820] =	vst v3  }
0xb2: {  	v3 =	vld [tilespmem:s14+$0x8500];
	[tilespmem:s13+$0x830] =	vst v4  }
0xb3: {  	v4 =	vld [tilespmem:s14+$0x8510];
	[tilespmem:s14+$0x840] =	vst v5  }
0xb4: {  	[tilespmem:s14+$0x7D0] =	vst v2;
	v2 =	vld [tilespmem:s14+$0x8520]  }
0xb5: {  	[tilespmem:s14+$0x7E0] =	vst v0;
	v0 =	vld [tilespmem:s14+$0x8530]  }
0xb6: {  	[tilespmem:s14+$0x7F0] =	vst v1  }
0xb7: {  	[tilespmem:s14+$0x800] =	vst v3  }
0xb8: {  	[tilespmem:s14+$0x810] =	vst v4  }
0xb9: {  	p2 =	seq.s32 s6, $0x18;
	[tilespmem:s14+$0x820] =	vst v2  }
0xba: {  	s13 =	smul.u32 @!p2 $0x7D0, s6;
	[tilespmem:s14+$0x830] =	vst v0  }
0xbb: {  	[spmem:s2] =	stream.indirect.scatter.add.f32 [tilespmem:s29], [sflag:$0x5], $0x10, s3, s24, $0xb8;
	[tilespmem:$0x1C520] =	vst v63  }
0xbc: {  	s13 =	sadd.s32 @!p2 s13, s15;
	_ =	swait.ge [sflag:s30], $0x3E80  }
0xbd: {  	s19 =	simm.s32 @!p2 $0x0;
	s14 =	sshrl.u32 @!p2 s13, $0x3;
	[sflag:s30] =	ssyncset.done $0x0  }
0xbe: {  	s13 =	sshll.u32 @!p2 s13, $0x1;
	s14 =	sadd.s32 @!p2 s1, s14;
	[sflag:s30] =	ssyncadd.s32 $0xFFFFC180  }
0xbf: {  	[tilespmem:s19], [sflag:$0x1] =	stream.linear.gather @!p2 [hbm4b:s14+s19], $0x3E8, $0x38;
	[tilespmem:$0x1C520] =	vst v63  }
0xc0: {  	s13 =	sadd.s32 @!p2 s5, s13;
	s14 =	simm.s32 @!p2 $0x84D0  }
0xc1: {  	[tilespmem:s14], [sflag:$0x3] =	stream.linear.gather @!p2 [hbm4b:s13+s19], $0x3E80, $0x38;
	[tilespmem:$0x1C520] =	vst v63  }
0xc2: {  	_ =	swait.ge [sflag:s31], $0x3E8  }
0xc3: {  	[sflag:s31] =	ssyncset.done $0x0  }
0xc4: {  	[sflag:s31] =	ssyncadd.s32 $0xFFFFFC18  }
0xc5: {  	_ =	swait.ge [sflag:s0], $0x3E80  }
0xc6: {  	[sflag:s0] =	ssyncset.done $0x0  }
0xc7: {  	s13 =	simm.s32 $0x0;
	[sflag:s0] =	ssyncadd.s32 $0xFFFFC180  }
0xc8: {  	v3 =	vld [tilespmem:s13+$0xC3C0]  }
0xc9: {  	v4 =	vld [tilespmem:s13+$0xC350]  }
0xca: {  	v5 =	vld [tilespmem:s13+$0xC360]  }
0xcb: {  	v2 =	vld [tilespmem:s13+$0xC370]  }
0xcc: {  	v0 =	vld [tilespmem:s13+$0xC380]  }
0xcd: {  	v1 =	vld [tilespmem:s13+$0xC390];
	[tilespmem:s13+$0x46C0] =	vst v3  }
0xce: {  	[tilespmem:s13+$0x4650] =	vst v4;
	v3 =	vld [tilespmem:s13+$0xC3A0]  }
0xcf: {  	s20 =	simm.s32 $0x400;
	s14 =	simm.s32 $0x80;
	[tilespmem:s13+$0x4660] =	vst v5;
	v4 =	vld [tilespmem:s13+$0xC3B0]  }
.LBB2_12:
0xd0: {  	p3 =	sne.s32 s20, $0xF800;
	v5 =	vld [tilespmem:s14+$0xC3C0];
	[tilespmem:s13+$0x4670] =	vst v2  }
0xd1: {  	v6 =	vld [tilespmem:s14+$0xC350];
	[tilespmem:s13+$0x4680] =	vst v0  }
0xd2: {  	v7 =	vld [tilespmem:s14+$0xC360];
	[tilespmem:s13+$0x4690] =	vst v1  }
.Ltmp5:
0xd3: {  	v2 =	vld [tilespmem:s14+$0xC370];
	[tilespmem:s13+$0x46A0] =	vst v3;
	(pc) =	sbr.rel @p3 .LBB2_12-.Ltmp5, $4  }
0xd4: {  	v0 =	vld [tilespmem:s14+$0xC380];
	[tilespmem:s13+$0x46B0] =	vst v4;
	s13 =	smov.u32 s14  }
0xd5: {  	v1 =	vld [tilespmem:s13+$0xC390];
	[tilespmem:s13+$0x46C0] =	vst v5  }
0xd6: {  	[tilespmem:s13+$0x4650] =	vst v6;
	v3 =	vld [tilespmem:s13+$0xC3A0]  }
0xd7: {  	s14 =	sshra.s32 s20, $0x2;
	s20 =	sadd.s32 $0x200, s20;
	[tilespmem:s13+$0x4660] =	vst v7;
	v4 =	vld [tilespmem:s13+$0xC3B0]  }
0xd8: {  	v5 =	vld [tilespmem:s14+$0xC3C0];
	[tilespmem:s13+$0x4670] =	vst v2  }
0xd9: {  	v2 =	vld [tilespmem:s14+$0xC350];
	[tilespmem:s13+$0x4680] =	vst v0  }
0xda: {  	v0 =	vld [tilespmem:s14+$0xC360];
	[tilespmem:s13+$0x4690] =	vst v1  }
0xdb: {  	v1 =	vld [tilespmem:s14+$0xC370];
	[tilespmem:s13+$0x46A0] =	vst v3  }
0xdc: {  	v3 =	vld [tilespmem:s14+$0xC380];
	[tilespmem:s13+$0x46B0] =	vst v4  }
0xdd: {  	v4 =	vld [tilespmem:s14+$0xC390];
	[tilespmem:s14+$0x46C0] =	vst v5  }
0xde: {  	v62 =	vld [tilespmem:s14+$0xC3A0];
	[tilespmem:s14+$0x4650] =	vst v2  }
0xdf: {  	v63 =	vld [tilespmem:s14+$0xC3B0];
	[tilespmem:s14+$0x4660] =	vst v0  }
0xe0: {  	[tilespmem:s14+$0x4670] =	vst v1  }
0xe1: {  	[tilespmem:s14+$0x4680] =	vst v3  }
0xe2: {  	[tilespmem:s14+$0x4690] =	vst v4  }
0xe3: {  	[tilespmem:s14+$0x46A0] =	vst v62  }
.Ltmp6:
0xe4: {  	[tilespmem:s14+$0x46B0] =	vst v63;
	(pc) =	sbr.rel @p2 .LBB2_15-.Ltmp6, $4  }
0xe5: {  	[spmem:s2] =	stream.indirect.scatter.add.f32 [tilespmem:s17], [sflag:$0x5], $0x10, s24, s24, $0xb8;
	[tilespmem:$0x1C520] =	vst v63  }
0xe6: {  	_ =	swait.ge [sflag:s30], $0x3E80  }
0xe7: {  	[sflag:s30] =	ssyncset.done $0x0  }
0xe8: {  	[sflag:s30] =	ssyncadd.s32 $0xFFFFC180  }
0xe9: {  	s13 =	smul.u32 $0x7D0, s6;
	_ =	sdelay $0x1  }
0xea: {  	s13 =	sadd.s32 s13, s16  }
.Ltmp7:
0xeb: {  	s14 =	sshrl.u32 s13, $0x3;
	(pc) =	sbr.rel .LBB2_9-.Ltmp7, $4  }
0xec: {  	s13 =	sshll.u32 s13, $0x1;
	s14 =	sadd.s32 s1, s14  }
0xed: {  	[tilespmem:s24], [sflag:$0x2] =	stream.linear.gather [hbm4b:s14+s3], $0x3E8, $0x38;
	[tilespmem:$0x1C520] =	vst v63  }
0xee: {  	s6 =	sadd.s32 $0x1, s6;
	s13 =	sadd.s32 s5, s13  }
0xef: {  	[tilespmem:s25], [sflag:$0x4] =	stream.linear.gather [hbm4b:s13+s3], $0x3E80, $0x38;
	[tilespmem:$0x1C520] =	vst v63  }
.LBB2_15:
0xf0: {  	[bflag:$0x0] =	sbarrier.arrive $0xFFFF  }
0xf1: {  	s6 =	simm.s32 @!p1 $0x1C05;
	s13 =	rddreg [dreg:$0xc]  }
0xf2: {  	[hbm:s8], [sflag:s6] =	dma.local @!p1 [spmem:s13], $0x186A0  }
0xf3: {  	s6 =	simm.s32 @!p1 $0x5  }
0xf4: {  	_ =	swait.ge @!p1 [sflag:s6], $0x186A0  }
0xf5: {  	[sflag:s6] =	ssyncset.done @!p1 $0x0  }
0xf6: {  	[sflag:s6] =	ssyncadd.s32 @!p1 $0xFFFE7960  }
0xf7: {  	s20 =	simm.s32 $0x0;
	[bflag:$0x0] =	sbarrier.arrive $0xFFFF  }
0xf8: {  	[tilespmem:s20], [sflag:$0x1] =	stream.linear.gather [hbm4b:s21+s20], $0x3E8, $0x38;
	[tilespmem:$0x1C520] =	vst v63  }
0xf9: {  	s21 =	simm.s32 $0x0  }
0xfa: {  	[tilespmem:s24], [sflag:$0x2] =	stream.linear.gather [hbm4b:s22+s20], $0x3E8, $0x38;
	[tilespmem:$0x1C520] =	vst v63  }
.LBB2_16:
0xfb: {  	_ =	swait.ge [sflag:s26], $0x3E8  }
0xfc: {  	[sflag:s26] =	ssyncset.done $0x0  }
0xfd: {  	[sflag:s26] =	ssyncadd.s32 $0xFFFFFC18  }
0xfe: {  	[tilespmem:s29], [sflag:$0x3] =	stream.indirect.gather [hbm4b:s7+s24], $0x10, s20, s24, $0xb8;
	[tilespmem:$0x1C520] =	vst v63  }
0xff: {  	_ = 	snop  }
0x100: {  	[tilespmem:s17], [sflag:$0x4] =	stream.indirect.gather [hbm4b:s8+s24], $0x10, s20, s24, $0xb8;
	[tilespmem:$0x1C520] =	vst v63  }
0x101: {  	_ =	swait.ge [sflag:s28], $0x3E80  }
0x102: {  	[sflag:s28] =	ssyncset.done $0x0  }
0x103: {  	s13 =	simm.s32 $0x0;
	[sflag:s28] =	ssyncadd.s32 $0xFFFFC180  }
0x104: {  	v3 =	vld [tilespmem:s13+$0x840]  }
0x105: {  	v4 =	vld [tilespmem:s13+$0x7D0]  }
0x106: {  	v5 =	vld [tilespmem:s13+$0x7E0]  }
0x107: {  	v2 =	vld [tilespmem:s13+$0x7F0]  }
0x108: {  	v0 =	vld [tilespmem:s13+$0x800]  }
0x109: {  	s6 =	smul.u32 $0x7D0, s21;
	v1 =	vld [tilespmem:s13+$0x810];
	[tilespmem:s13+$0x8540] =	vst v3  }
0x10a: {  	[tilespmem:s13+$0x84D0] =	vst v4;
	v3 =	vld [tilespmem:s13+$0x820]  }
0x10b: {  	s22 =	simm.s32 $0x80;
	s19 =	simm.s32 $0x400;
	s14 =	sadd.s32 s9, s6;
	[tilespmem:s13+$0x84E0] =	vst v5;
	v4 =	vld [tilespmem:s13+$0x830]  }
.LBB2_17:
0x10c: {  	p2 =	sne.s32 s19, $0xF800;
	v5 =	vld [tilespmem:s22+$0x840];
	[tilespmem:s13+$0x84F0] =	vst v2  }
0x10d: {  	v6 =	vld [tilespmem:s22+$0x7D0];
	[tilespmem:s13+$0x8500] =	vst v0  }
0x10e: {  	v7 =	vld [tilespmem:s22+$0x7E0];
	[tilespmem:s13+$0x8510] =	vst v1  }
.Ltmp8:
0x10f: {  	v2 =	vld [tilespmem:s22+$0x7F0];
	[tilespmem:s13+$0x8520] =	vst v3;
	(pc) =	sbr.rel @p2 .LBB2_17-.Ltmp8, $4  }
0x110: {  	v0 =	vld [tilespmem:s22+$0x800];
	[tilespmem:s13+$0x8530] =	vst v4;
	s13 =	smov.u32 s22  }
0x111: {  	v1 =	vld [tilespmem:s13+$0x810];
	[tilespmem:s13+$0x8540] =	vst v5  }
0x112: {  	[tilespmem:s13+$0x84D0] =	vst v6;
	v3 =	vld [tilespmem:s13+$0x820]  }
0x113: {  	s22 =	sshra.s32 s19, $0x2;
	s19 =	sadd.s32 $0x200, s19;
	[tilespmem:s13+$0x84E0] =	vst v7;
	v4 =	vld [tilespmem:s13+$0x830]  }
0x114: {  	v5 =	vld [tilespmem:s22+$0x840];
	[tilespmem:s13+$0x84F0] =	vst v2  }
0x115: {  	v2 =	vld [tilespmem:s22+$0x7D0];
	[tilespmem:s13+$0x8500] =	vst v0  }
0x116: {  	v0 =	vld [tilespmem:s22+$0x7E0];
	[tilespmem:s13+$0x8510] =	vst v1  }
0x117: {  	v1 =	vld [tilespmem:s22+$0x7F0];
	[tilespmem:s13+$0x8520] =	vst v3  }
0x118: {  	v3 =	vld [tilespmem:s22+$0x800];
	[tilespmem:s13+$0x8530] =	vst v4  }
0x119: {  	v4 =	vld [tilespmem:s22+$0x810];
	[tilespmem:s22+$0x8540] =	vst v5  }
0x11a: {  	[tilespmem:s22+$0x84D0] =	vst v2;
	v2 =	vld [tilespmem:s22+$0x820]  }
0x11b: {  	[tilespmem:s22+$0x84E0] =	vst v0;
	v0 =	vld [tilespmem:s22+$0x830]  }
0x11c: {  	[tilespmem:s22+$0x84F0] =	vst v1  }
0x11d: {  	[tilespmem:s22+$0x8500] =	vst v3  }
0x11e: {  	[tilespmem:s22+$0x8510] =	vst v4  }
0x11f: {  	s13 =	sshll.u32 s14, $0x1;
	[tilespmem:s22+$0x8520] =	vst v2  }
0x120: {  	s14 =	sadd.s32 s10, s13;
	[tilespmem:s22+$0x8530] =	vst v0  }
0x121: {  	[hbm4b:s14+s3] =	stream.linear.scatter [tilespmem:s23], [sflag:$0x6], $0x3E80, $0x38;
	[tilespmem:$0x1C520] =	vst v63  }
0x122: {  	_ =	swait.ge [sflag:s18], $0x3E80  }
0x123: {  	[sflag:s18] =	ssyncset.done $0x0  }
0x124: {  	p2 =	seq.s32 s21, $0x18;
	[sflag:s18] =	ssyncadd.s32 $0xFFFFC180  }
0x125: {  	s14 =	sadd.s32 @!p2 s6, s15;
	_ =	swait.ge [sflag:s0], $0x3E80  }
0x126: {  	s14 =	sshrl.u32 @!p2 s14, $0x3;
	[sflag:s0] =	ssyncset.done $0x0  }
0x127: {  	s19 =	simm.s32 @!p2 $0x0;
	s14 =	sadd.s32 @!p2 s1, s14;
	[sflag:s0] =	ssyncadd.s32 $0xFFFFC180  }
0x128: {  	[tilespmem:s19], [sflag:$0x1] =	stream.linear.gather @!p2 [hbm4b:s14+s19], $0x3E8, $0x38;
	[tilespmem:$0x1C520] =	vst v63  }
0x129: {  	s14 =	simm.s32 $0x0  }
0x12a: {  	v3 =	vld [tilespmem:s14+$0x46C0]  }
0x12b: {  	v4 =	vld [tilespmem:s14+$0x4650]  }
0x12c: {  	v5 =	vld [tilespmem:s14+$0x4660]  }
0x12d: {  	v2 =	vld [tilespmem:s14+$0x4670]  }
0x12e: {  	v0 =	vld [tilespmem:s14+$0x4680]  }
0x12f: {  	v1 =	vld [tilespmem:s14+$0x4690];
	[tilespmem:s14+$0xC3C0] =	vst v3  }
0x130: {  	[tilespmem:s14+$0xC350] =	vst v4;
	v3 =	vld [tilespmem:s14+$0x46A0]  }
0x131: {  	s22 =	simm.s32 $0x80;
	s19 =	simm.s32 $0x400;
	[tilespmem:s14+$0xC360] =	vst v5;
	v4 =	vld [tilespmem:s14+$0x46B0]  }
.LBB2_19:
0x132: {  	p3 =	sne.s32 s19, $0xF800;
	v5 =	vld [tilespmem:s22+$0x46C0];
	[tilespmem:s14+$0xC370] =	vst v2  }
0x133: {  	v6 =	vld [tilespmem:s22+$0x4650];
	[tilespmem:s14+$0xC380] =	vst v0  }
0x134: {  	v7 =	vld [tilespmem:s22+$0x4660];
	[tilespmem:s14+$0xC390] =	vst v1  }
.Ltmp9:
0x135: {  	v2 =	vld [tilespmem:s22+$0x4670];
	[tilespmem:s14+$0xC3A0] =	vst v3;
	(pc) =	sbr.rel @p3 .LBB2_19-.Ltmp9, $4  }
0x136: {  	v0 =	vld [tilespmem:s22+$0x4680];
	[tilespmem:s14+$0xC3B0] =	vst v4;
	s14 =	smov.u32 s22  }
0x137: {  	v1 =	vld [tilespmem:s14+$0x4690];
	[tilespmem:s14+$0xC3C0] =	vst v5  }
0x138: {  	[tilespmem:s14+$0xC350] =	vst v6;
	v3 =	vld [tilespmem:s14+$0x46A0]  }
0x139: {  	s22 =	sshra.s32 s19, $0x2;
	s19 =	sadd.s32 $0x200, s19;
	[tilespmem:s14+$0xC360] =	vst v7;
	v4 =	vld [tilespmem:s14+$0x46B0]  }
0x13a: {  	v5 =	vld [tilespmem:s22+$0x46C0];
	[tilespmem:s14+$0xC370] =	vst v2  }
0x13b: {  	v2 =	vld [tilespmem:s22+$0x4650];
	[tilespmem:s14+$0xC380] =	vst v0  }
0x13c: {  	v0 =	vld [tilespmem:s22+$0x4660];
	[tilespmem:s14+$0xC390] =	vst v1  }
0x13d: {  	v1 =	vld [tilespmem:s22+$0x4670];
	[tilespmem:s14+$0xC3A0] =	vst v3  }
0x13e: {  	v3 =	vld [tilespmem:s22+$0x4680];
	[tilespmem:s14+$0xC3B0] =	vst v4  }
0x13f: {  	v4 =	vld [tilespmem:s22+$0x4690];
	[tilespmem:s22+$0xC3C0] =	vst v5  }
0x140: {  	[tilespmem:s22+$0xC350] =	vst v2;
	v2 =	vld [tilespmem:s22+$0x46A0]  }
0x141: {  	[tilespmem:s22+$0xC360] =	vst v0;
	v0 =	vld [tilespmem:s22+$0x46B0]  }
0x142: {  	[tilespmem:s22+$0xC370] =	vst v1  }
0x143: {  	[tilespmem:s22+$0xC380] =	vst v3  }
0x144: {  	[tilespmem:s22+$0xC390] =	vst v4  }
0x145: {  	[tilespmem:s22+$0xC3A0] =	vst v2  }
0x146: {  	s13 =	sadd.s32 s11, s13;
	[tilespmem:s22+$0xC3B0] =	vst v0;
	s22 =	simm.s32 $0x0  }
0x147: {  	[hbm4b:s13+s22] =	stream.linear.scatter [tilespmem:s25], [sflag:$0x6], $0x3E80, $0x38;
	[tilespmem:$0x1C520] =	vst v63  }
0x148: {  	_ =	swait.ge [sflag:s18], $0x3E80  }
0x149: {  	[sflag:s18] =	ssyncset.done $0x0  }
0x14a: {  	[sflag:s18] =	ssyncadd.s32 $0xFFFFC180  }
0x14b: {  	_ =	swait.ge [sflag:s31], $0x3E8  }
0x14c: {  	[sflag:s31] =	ssyncset.done $0x0  }
0x14d: {  	[sflag:s31] =	ssyncadd.s32 $0xFFFFFC18  }
0x14e: {  	[tilespmem:s29], [sflag:$0x3] =	stream.indirect.gather [hbm4b:s7+s24], $0x10, s24, s24, $0xb8;
	[tilespmem:$0x1C520] =	vst v63  }
0x14f: {  	_ = 	snop  }
0x150: {  	[tilespmem:s17], [sflag:$0x4] =	stream.indirect.gather [hbm4b:s8+s24], $0x10, s24, s24, $0xb8;
	[tilespmem:$0x1C520] =	vst v63  }
0x151: {  	_ =	swait.ge [sflag:s28], $0x3E80  }
0x152: {  	[sflag:s28] =	ssyncset.done $0x0  }
0x153: {  	s14 =	simm.s32 $0x0;
	[sflag:s28] =	ssyncadd.s32 $0xFFFFC180  }
0x154: {  	v3 =	vld [tilespmem:s14+$0x840]  }
0x155: {  	v4 =	vld [tilespmem:s14+$0x7D0]  }
0x156: {  	v5 =	vld [tilespmem:s14+$0x7E0]  }
0x157: {  	v2 =	vld [tilespmem:s14+$0x7F0]  }
0x158: {  	v0 =	vld [tilespmem:s14+$0x800]  }
0x159: {  	v1 =	vld [tilespmem:s14+$0x810];
	[tilespmem:s14+$0x8540] =	vst v3  }
0x15a: {  	[tilespmem:s14+$0x84D0] =	vst v4;
	v3 =	vld [tilespmem:s14+$0x820]  }
0x15b: {  	s19 =	simm.s32 $0x400;
	s13 =	sadd.s32 s6, s12;
	s22 =	simm.s32 $0x80;
	[tilespmem:s14+$0x84E0] =	vst v5;
	v4 =	vld [tilespmem:s14+$0x830]  }
.LBB2_21:
0x15c: {  	p3 =	sne.s32 s19, $0xF800;
	v5 =	vld [tilespmem:s22+$0x840];
	[tilespmem:s14+$0x84F0] =	vst v2  }
0x15d: {  	v6 =	vld [tilespmem:s22+$0x7D0];
	[tilespmem:s14+$0x8500] =	vst v0  }
0x15e: {  	v7 =	vld [tilespmem:s22+$0x7E0];
	[tilespmem:s14+$0x8510] =	vst v1  }
.Ltmp10:
0x15f: {  	v2 =	vld [tilespmem:s22+$0x7F0];
	[tilespmem:s14+$0x8520] =	vst v3;
	(pc) =	sbr.rel @p3 .LBB2_21-.Ltmp10, $4  }
0x160: {  	v0 =	vld [tilespmem:s22+$0x800];
	[tilespmem:s14+$0x8530] =	vst v4;
	s14 =	smov.u32 s22  }
0x161: {  	v1 =	vld [tilespmem:s14+$0x810];
	[tilespmem:s14+$0x8540] =	vst v5  }
0x162: {  	[tilespmem:s14+$0x84D0] =	vst v6;
	v3 =	vld [tilespmem:s14+$0x820]  }
0x163: {  	s22 =	sshra.s32 s19, $0x2;
	s19 =	sadd.s32 $0x200, s19;
	[tilespmem:s14+$0x84E0] =	vst v7;
	v4 =	vld [tilespmem:s14+$0x830]  }
0x164: {  	v5 =	vld [tilespmem:s22+$0x840];
	[tilespmem:s14+$0x84F0] =	vst v2  }
0x165: {  	v2 =	vld [tilespmem:s22+$0x7D0];
	[tilespmem:s14+$0x8500] =	vst v0  }
0x166: {  	v0 =	vld [tilespmem:s22+$0x7E0];
	[tilespmem:s14+$0x8510] =	vst v1  }
0x167: {  	v1 =	vld [tilespmem:s22+$0x7F0];
	[tilespmem:s14+$0x8520] =	vst v3  }
0x168: {  	v3 =	vld [tilespmem:s22+$0x800];
	[tilespmem:s14+$0x8530] =	vst v4  }
0x169: {  	v4 =	vld [tilespmem:s22+$0x810];
	[tilespmem:s22+$0x8540] =	vst v5  }
0x16a: {  	[tilespmem:s22+$0x84D0] =	vst v2;
	v2 =	vld [tilespmem:s22+$0x820]  }
0x16b: {  	[tilespmem:s22+$0x84E0] =	vst v0;
	v0 =	vld [tilespmem:s22+$0x830]  }
0x16c: {  	[tilespmem:s22+$0x84F0] =	vst v1  }
0x16d: {  	[tilespmem:s22+$0x8500] =	vst v3  }
0x16e: {  	[tilespmem:s22+$0x8510] =	vst v4  }
0x16f: {  	s13 =	sshll.u32 s13, $0x1;
	[tilespmem:s22+$0x8520] =	vst v2  }
0x170: {  	[tilespmem:s22+$0x8530] =	vst v0;
	s22 =	sadd.s32 s10, s13  }
0x171: {  	[hbm4b:s22+s3] =	stream.linear.scatter [tilespmem:s23], [sflag:$0x6], $0x3E80, $0x38;
	[tilespmem:$0x1C520] =	vst v63  }
0x172: {  	_ =	swait.ge [sflag:s18], $0x3E80  }
0x173: {  	[sflag:s18] =	ssyncset.done $0x0  }
0x174: {  	[sflag:s18] =	ssyncadd.s32 $0xFFFFC180  }
0x175: {  	s6 =	sadd.s32 @!p2 s6, s16;
	_ =	swait.ge [sflag:s0], $0x3E80  }
0x176: {  	s19 =	simm.s32 @!p2 $0x3E8;
	s6 =	sshrl.u32 @!p2 s6, $0x3;
	[sflag:s0] =	ssyncset.done $0x0  }
0x177: {  	s6 =	sadd.s32 @!p2 s1, s6;
	s14 =	simm.s32 @!p2 $0x0;
	[sflag:s0] =	ssyncadd.s32 $0xFFFFC180  }
0x178: {  	[tilespmem:s19], [sflag:$0x2] =	stream.linear.gather @!p2 [hbm4b:s6+s14], $0x3E8, $0x38;
	[tilespmem:$0x1C520] =	vst v63  }
0x179: {  	s6 =	simm.s32 $0x0  }
0x17a: {  	v3 =	vld [tilespmem:s6+$0x46C0]  }
0x17b: {  	v4 =	vld [tilespmem:s6+$0x4650]  }
0x17c: {  	v5 =	vld [tilespmem:s6+$0x4660]  }
0x17d: {  	v2 =	vld [tilespmem:s6+$0x4670]  }
0x17e: {  	v0 =	vld [tilespmem:s6+$0x4680]  }
0x17f: {  	v1 =	vld [tilespmem:s6+$0x4690];
	[tilespmem:s6+$0xC3C0] =	vst v3  }
0x180: {  	[tilespmem:s6+$0xC350] =	vst v4;
	v3 =	vld [tilespmem:s6+$0x46A0]  }
0x181: {  	s14 =	simm.s32 $0x80;
	s19 =	simm.s32 $0x400;
	[tilespmem:s6+$0xC360] =	vst v5;
	v4 =	vld [tilespmem:s6+$0x46B0]  }
.LBB2_23:
0x182: {  	p2 =	sne.s32 s19, $0xF800;
	v5 =	vld [tilespmem:s14+$0x46C0];
	[tilespmem:s6+$0xC370] =	vst v2  }
0x183: {  	v6 =	vld [tilespmem:s14+$0x4650];
	[tilespmem:s6+$0xC380] =	vst v0  }
0x184: {  	v7 =	vld [tilespmem:s14+$0x4660];
	[tilespmem:s6+$0xC390] =	vst v1  }
.Ltmp11:
0x185: {  	v2 =	vld [tilespmem:s14+$0x4670];
	[tilespmem:s6+$0xC3A0] =	vst v3;
	(pc) =	sbr.rel @p2 .LBB2_23-.Ltmp11, $4  }
0x186: {  	v0 =	vld [tilespmem:s14+$0x4680];
	[tilespmem:s6+$0xC3B0] =	vst v4;
	s6 =	smov.u32 s14  }
0x187: {  	v1 =	vld [tilespmem:s6+$0x4690];
	[tilespmem:s6+$0xC3C0] =	vst v5  }
0x188: {  	[tilespmem:s6+$0xC350] =	vst v6;
	v3 =	vld [tilespmem:s6+$0x46A0]  }
0x189: {  	s14 =	sshra.s32 s19, $0x2;
	s19 =	sadd.s32 $0x200, s19;
	[tilespmem:s6+$0xC360] =	vst v7;
	v4 =	vld [tilespmem:s6+$0x46B0]  }
0x18a: {  	v5 =	vld [tilespmem:s14+$0x46C0];
	[tilespmem:s6+$0xC370] =	vst v2  }
0x18b: {  	v2 =	vld [tilespmem:s14+$0x4650];
	[tilespmem:s6+$0xC380] =	vst v0  }
0x18c: {  	v0 =	vld [tilespmem:s14+$0x4660];
	[tilespmem:s6+$0xC390] =	vst v1  }
0x18d: {  	v1 =	vld [tilespmem:s14+$0x4670];
	[tilespmem:s6+$0xC3A0] =	vst v3  }
0x18e: {  	v3 =	vld [tilespmem:s14+$0x4680];
	[tilespmem:s6+$0xC3B0] =	vst v4  }
0x18f: {  	v4 =	vld [tilespmem:s14+$0x4690];
	[tilespmem:s14+$0xC3C0] =	vst v5  }
0x190: {  	v62 =	vld [tilespmem:s14+$0x46A0];
	[tilespmem:s14+$0xC350] =	vst v2  }
0x191: {  	v63 =	vld [tilespmem:s14+$0x46B0];
	[tilespmem:s14+$0xC360] =	vst v0  }
0x192: {  	[tilespmem:s14+$0xC370] =	vst v1  }
0x193: {  	[tilespmem:s14+$0xC380] =	vst v3  }
0x194: {  	s21 =	sadd.s32 $0x1, s21;
	[tilespmem:s14+$0xC390] =	vst v4  }
0x195: {  	p2 =	sne.s32 s21, $0x19;
	s6 =	simm.s32 $0x6;
	[tilespmem:s14+$0xC3A0] =	vst v62  }
.Ltmp12:
0x196: {  	s13 =	sadd.s32 s11, s13;
	s6 =	simm.s32 @!p0 $0x5;
	[tilespmem:s14+$0xC3B0] =	vst v63;
	(pc) =	sbr.rel @p2 .LBB2_16-.Ltmp12, $4  }
0x197: {  	[hbm4b:s13+s3] =	stream.linear.scatter [tilespmem:s25], [sflag:s6], $0x3E80, $0x38;
	[tilespmem:$0x1C520] =	vst v63  }
0x198: {  	_ =	swait.ge [sflag:s6], $0x3E80  }
0x199: {  	[sflag:s6] =	ssyncset.done $0x0  }
0x19a: {  	[sflag:s6] =	ssyncadd.s32 $0xFFFFC180  }
0x19b: {  	s13 =	rddreg [dreg:$0xd]  }
0x19c: {  	s6 =	rddreg [dreg:$0x7];
	s13 =	sadd.s32 $0x1, s13  }
0x19d: {  	p2 =	sne.s32 s13, s6  }
.Ltmp13:
0x19e: {  	_ = 	snop;
	(pc) =	sbr.rel @p2 .LBB2_1-.Ltmp13, $1  }
0x19f: {  	_ =	sdelay $0x3  }
0x1a0: {  	_ =	sfence.sel $0x180000  }
0x1a1: {  	[bflag:$0x0] =	sbarrier.arrive $0xFFFF  }
0x1a2: {  	_ =	strace $0x9000004A  }
0x1a3: {  	[bflag:$0x2] =	sbarrier.arrive $0xFFFF  }
0x1a4: {  	s0 =	rddreg [dreg:$0x3]  }
0x1a5: {  	s0 =	sadd.s32 @!p1 $0x100000, s0  }
0x1a6: {  	[sflag:s0] =	ssyncadd.tile.s32 @!p1 $0x1;
	_ =	shalt  }
.Lfunc_end2:
_tile_overlayer_lowered:
.L_overlay_start_2:
0x1a7: {  	(tag) =	ssettag $0x2  }
0x1a8: {  	s0 =	rddreg [dreg:$0x0];
	s2 =	stileid.u32  }
0x1a9: {  	s1 =	rddreg [dreg:$0x1];
	p0 =	sne.s32 s2, $0x0  }
0x1aa: {  	s3 =	rddreg [dreg:$0x2];
	[bflag:$0x3] =	sbarrier.arrive $0xFFFF;
	s2 =	simm.s32 @!p0 $0x1C05  }
0x1ab: {  	[timem:s3], [sflag:s2] =	dma.local @!p0 [hbm:s0], s1  }
0x1ac: {  	s0 =	simm.s32 @!p0 $0x5  }
0x1ad: {  	_ =	swait.ge @!p0 [sflag:s0], s1  }
0x1ae: {  	s1 =	ssub.s32 @!p0 $0x0, s1;
	[sflag:s0] =	ssyncset.done @!p0 $0x0  }
0x1af: {  	[sflag:s0] =	ssyncadd.s32 @!p0 s1  }
0x1b0: {  	[bflag:$0x3] =	sbarrier.arrive $0xFFFF  }
0x1b1: {  	_ =	shalt  }

</sc_bundles>
